<compile_context>
chip_gen: v7x
topology: tpu7x:2x2x1
jax: 0.10.2.dev20260603
libtpu: 0.0.44.dev20260713+nightly
codegen_flags: <defaults>
</compile_context>

<pallas_src>
import functools

import numpy as np
import jax
import jax.numpy as jnp
from jax import lax
from jax.experimental import pallas as pl
from jax.experimental.pallas import tpu as pltpu
from jax.experimental.pallas import tpu_sc as plsc

_BS, _N, _NN, _AK, _C = 2, 4096, 20, 16, 128
_K21 = _NN + 1
_R = 256
_CH = 128
_NW = 32
_VD = 128

_T = 6
_NG = _N // 128


def _topk_body(vb_ref, va_ref, out_ref, d_scr):
    vb = vb_ref[...]
    va = va_ref[...]
    inner = lax.dot_general(vb, va, (((1,), (1,)), ((), ())),
                            preferred_element_type=jnp.float32)
    qb = jnp.sum(vb * vb, axis=1)
    qa = jnp.sum(va * va, axis=1)
    d_scr[...] = -2.0 * inner + qb[:, None] + qa[None, :]
    inf = jnp.float32(jnp.inf)
    bigi = jnp.int32(2**31 - 1)
    lane = lax.broadcasted_iota(jnp.int32, (_R, 128), 1)
    k_iota = lax.broadcasted_iota(jnp.int32, (_R, _K21), 1)

    ms = [jnp.full((_R, 128), inf, jnp.float32) for _ in range(_T)]
    cs = [jnp.full((_R, 128), bigi, jnp.int32) for _ in range(_T)]
    for g in range(_NG):
        d = d_scr[:, g * 128:(g + 1) * 128]
        c = lane + jnp.int32(g * 128)
        for t in range(_T):
            lt = d < ms[t]
            d2 = jnp.where(lt, ms[t], d)
            c2 = jnp.where(lt, cs[t], c)
            ms[t] = jnp.where(lt, d, ms[t])
            cs[t] = jnp.where(lt, c, cs[t])
            d, c = d2, c2

    cmat = jnp.concatenate(ms, axis=1)
    cidx = jnp.concatenate(cs, axis=1)

    def body(i, carry):
        cm, ci, idxacc, cnt = carry
        m = jnp.min(cm, axis=1, keepdims=True)
        sel = jnp.where(cm == m, ci, bigi)
        j = jnp.min(sel, axis=1, keepdims=True)
        cm = jnp.where((cm == m) & (ci == j), inf, cm)
        idxacc = jnp.where(k_iota == i, j, idxacc)
        cnt = cnt + jnp.where(lane == (j - (j // 128) * 128), 1, 0)
        return cm, ci, idxacc, cnt

    _, _, idxacc, cnt = lax.fori_loop(
        0, _K21, body,
        (cmat, cidx, jnp.zeros((_R, _K21), jnp.int32),
         jnp.zeros((_R, 128), jnp.int32)))

    need_exact = jnp.max(cnt) >= _T
    out_ref[...] = idxacc

    @pl.when(need_exact)
    def _fallback():
        cols = lax.broadcasted_iota(jnp.int32, (_R, _N), 1)

        def fbody(i, idxacc2):
            dmat = d_scr[...]
            m = jnp.min(dmat, axis=1, keepdims=True)
            sel = jnp.where(dmat == m, cols, bigi)
            j = jnp.min(sel, axis=1, keepdims=True)
            d_scr[...] = jnp.where(cols == j, inf, dmat)
            return jnp.where(k_iota == i, j, idxacc2)

        idxacc2 = lax.fori_loop(0, _K21, fbody,
                                jnp.zeros((_R, _K21), jnp.int32))
        out_ref[...] = idxacc2


def _topk(vpad8):
    return pl.pallas_call(
        _topk_body,
        grid=(_N // _R,),
        in_specs=[pl.BlockSpec((_R, 8), lambda r: (r, 0)),
                  pl.BlockSpec((_N, 8), lambda r: (0, 0))],
        out_specs=pl.BlockSpec((_R, _K21), lambda r: (r, 0)),
        out_shape=jax.ShapeDtypeStruct((_N, _K21), jnp.int32),
        scratch_shapes=[pltpu.VMEM((_R, _N), jnp.float32)],
    )(vpad8, vpad8)


def _sc_gather(table, idx):
    m_total = idx.shape[0]
    d = table.shape[1]
    nchunk = m_total // (_NW * _CH)
    idx2 = idx.reshape(_NW, nchunk * _CH)
    mesh = plsc.VectorSubcoreMesh(core_axis_name="c", subcore_axis_name="s")

    @functools.partial(
        pl.kernel,
        out_type=jax.ShapeDtypeStruct((m_total, d), jnp.float32),
        mesh=mesh,
        scratch_types=[
            pltpu.VMEM((nchunk * _CH,), jnp.int32),
            pltpu.VMEM((_CH, d), jnp.float32),
            pltpu.VMEM((_CH, d), jnp.float32),
            pltpu.SemaphoreType.DMA,
            pltpu.SemaphoreType.DMA,
        ],
    )
    def k(table_hbm, idx_hbm, out_hbm, idx_v, buf0, buf1, sem0, sem1):
        wid = lax.axis_index("s") * 2 + lax.axis_index("c")
        pltpu.sync_copy(idx_hbm.at[wid], idx_v)
        base = wid * (nchunk * _CH)
        bufs = (buf0, buf1)
        sems = (sem0, sem1)

        def start(j, bb):
            rows = idx_v.at[pl.ds(j * _CH, _CH)]
            pltpu.async_copy(table_hbm.at[rows], bufs[bb], sems[bb])

        def drain(bb):
            pltpu.make_async_copy(table_hbm.at[pl.ds(0, _CH)],
                                  bufs[bb], sems[bb]).wait()

        def emit(j, bb):
            drain(bb)
            pltpu.sync_copy(bufs[bb], out_hbm.at[pl.ds(base + j * _CH, _CH)])

        start(0, 0)
        if nchunk > 1:
            start(1, 1)

        def body(jj, carry):
            for bb in range(2):
                j = jj * 2 + bb
                emit(j, bb)

                @pl.when(j + 2 < nchunk)
                def _():
                    start(j + 2, bb)
            return carry

        lax.fori_loop(0, nchunk // 2, body, 0)
        if nchunk % 2:
            emit(nchunk - 1, (nchunk - 1) % 2)

    return k(table, idx2)


def _dirn_from(vnbr_ref, vb_ref):
    vn = vnbr_ref[...][1:]
    vb = vb_ref[...]
    diff = (vn - vb[None, :, :]).reshape(_NN * _R, _VD)
    ss = _mm(diff * diff, jnp.ones((_VD, _VD), jnp.float32))
    return diff / jnp.maximum(jnp.sqrt(ss), 1e-12)


def _coldir(w_ref):
    w = w_ref[...]
    nrm = jnp.sqrt(jnp.sum(w * w, axis=0, keepdims=True))
    return w / jnp.maximum(nrm, 1e-12)


def _mm(a, b):
    return lax.dot_general(a, b, (((1,), (0,)), ((), ())),
                           preferred_element_type=jnp.float32)


def _s2_body(vnbr_ref, vb_ref, sd_ref, cw_ref, cb_ref, cen_ref, sup_ref):
    dirn = _dirn_from(vnbr_ref, vb_ref)
    theta = jnp.maximum(_mm(dirn, _coldir(sd_ref)), 0.0)
    fea = jnp.maximum(jnp.max(theta.reshape(_NN, _R, _C), axis=0), 0.0)
    fout = _mm(fea, cw_ref[...]) + cb_ref[...]
    cen_ref[...] = fout[:, :_C]
    sup_ref[...] = fout[:, _C:]


def _s2(vnbr, vp, sdp, conv_w, conv_b):
    return pl.pallas_call(
        _s2_body,
        grid=(_N // _R,),
        in_specs=[
            pl.BlockSpec((_K21, _R, _VD), lambda r: (0, r, 0)),
            pl.BlockSpec((_R, _VD), lambda r: (r, 0)),
            pl.BlockSpec((_VD, _C), lambda r: (0, 0)),
            pl.BlockSpec((_C, 2 * _C), lambda r: (0, 0)),
            pl.BlockSpec((1, 2 * _C), lambda r: (0, 0)),
        ],
        out_specs=[pl.BlockSpec((_R, _C), lambda r: (r, 0)),
                   pl.BlockSpec((_R, _C), lambda r: (r, 0))],
        out_shape=[jax.ShapeDtypeStruct((_N, _C), jnp.float32),
                   jax.ShapeDtypeStruct((_N, _C), jnp.float32)],
    )(vnbr, vp, sdp, conv_w, conv_b)


def _s3_body(vnbr_ref, vb_ref, cd_ref, cen_ref, supg_ref,
             f1w_ref, f1b_ref, wq_ref, wk_ref, wv_ref,
             pre_ref, q_ref, kv_ref):
    dirn = _dirn_from(vnbr_ref, vb_ref)
    theta2 = jnp.maximum(_mm(dirn, _coldir(cd_ref)), 0.0)
    act = theta2.reshape(_NN, _R, _C) * supg_ref[...]
    pre = cen_ref[...] + jnp.max(act, axis=0)
    x = _mm(pre, f1w_ref[...]) + f1b_ref[...]
    pre_ref[...] = pre
    q_ref[...] = _mm(x, wq_ref[...])
    kv_ref[...] = jnp.concatenate([_mm(x, wk_ref[...]), _mm(x, wv_ref[...])],
                                  axis=1)


def _s3(vnbr, vp, cdp, center, supg, fc1_w, fc1_b, wq, wk, wv):
    return pl.pallas_call(
        _s3_body,
        grid=(_N // _R,),
        in_specs=[
            pl.BlockSpec((_K21, _R, _VD), lambda r: (0, r, 0)),
            pl.BlockSpec((_R, _VD), lambda r: (r, 0)),
            pl.BlockSpec((_VD, _C), lambda r: (0, 0)),
            pl.BlockSpec((_R, _C), lambda r: (r, 0)),
            pl.BlockSpec((_NN, _R, _C), lambda r: (0, r, 0)),
            pl.BlockSpec((_C, _C), lambda r: (0, 0)),
            pl.BlockSpec((1, _C), lambda r: (0, 0)),
            pl.BlockSpec((_C, _C), lambda r: (0, 0)),
            pl.BlockSpec((_C, _C), lambda r: (0, 0)),
            pl.BlockSpec((_C, _C), lambda r: (0, 0)),
        ],
        out_specs=[pl.BlockSpec((_R, _C), lambda r: (r, 0)),
                   pl.BlockSpec((_R, _C), lambda r: (r, 0)),
                   pl.BlockSpec((_R, 2 * _C), lambda r: (r, 0))],
        out_shape=[jax.ShapeDtypeStruct((_N, _C), jnp.float32),
                   jax.ShapeDtypeStruct((_N, _C), jnp.float32),
                   jax.ShapeDtypeStruct((_N, 2 * _C), jnp.float32)],
    )(vnbr, vp, cdp, center, supg, fc1_w, fc1_b, wq, wk, wv)


def _s4_body(vnbr_ref, vb_ref, q_ref, kvg_ref, pre_ref,
             d1w_ref, d1b_ref, d2w_ref, d2b_ref,
             g1w_ref, g1b_ref, g2w_ref, g2b_ref,
             f2w_ref, f2b_ref, out_ref):
    vknn = vnbr_ref[...][:_AK]
    vb = vb_ref[...]
    delta = (vb[None, :, :] - vknn).reshape(_AK * _R, _VD)
    pos = _mm(jnp.maximum(_mm(delta, d1w_ref[...]) + d1b_ref[...], 0.0),
              d2w_ref[...]) + d2b_ref[...]
    kvg = kvg_ref[...]
    kk = kvg[:, :, :_C].reshape(_AK * _R, _C)
    vv = kvg[:, :, _C:].reshape(_AK * _R, _C)
    qb = jnp.broadcast_to(q_ref[...][None, :, :], (_AK, _R, _C))
    t = qb.reshape(_AK * _R, _C) - kk + pos
    attn = _mm(jnp.maximum(_mm(t, g1w_ref[...]) + g1b_ref[...], 0.0),
               g2w_ref[...]) + g2b_ref[...]
    attn = (attn * np.float32(1.0 / np.sqrt(_C))).reshape(_AK, _R, _C)
    attn = attn - jnp.max(attn, axis=0, keepdims=True)
    e = jnp.exp(attn)
    w = e / jnp.sum(e, axis=0, keepdims=True)
    res = jnp.sum(w * (vv + pos).reshape(_AK, _R, _C), axis=0)
    out_ref[...] = _mm(res, f2w_ref[...]) + f2b_ref[...] + pre_ref[...]


def _s4(vnbr, vp, q, kvg, pre, d1p, d1_b, d2_w, d2_b,
        g1_w, g1_b, g2_w, g2_b, fc2_w, fc2_b):
    wspec = lambda shape: pl.BlockSpec(shape, lambda r: tuple(0 for _ in shape))
    return pl.pallas_call(
        _s4_body,
        grid=(_N // _R,),
        in_specs=[
            pl.BlockSpec((_K21, _R, _VD), lambda r: (0, r, 0)),
            pl.BlockSpec((_R, _VD), lambda r: (r, 0)),
            pl.BlockSpec((_R, _C), lambda r: (r, 0)),
            pl.BlockSpec((_AK, _R, 2 * _C), lambda r: (0, r, 0)),
            pl.BlockSpec((_R, _C), lambda r: (r, 0)),
            wspec((_VD, _C)), wspec((1, _C)), wspec((_C, _C)), wspec((1, _C)),
            wspec((_C, _C)), wspec((1, _C)), wspec((_C, _C)), wspec((1, _C)),
            wspec((_C, _C)), wspec((1, _C)),
        ],
        out_specs=pl.BlockSpec((_R, _C), lambda r: (r, 0)),
        out_shape=jax.ShapeDtypeStruct((_N, _C), jnp.float32),
    )(vnbr, vp, q, kvg, pre, d1p, d1_b, d2_w, d2_b,
      g1_w, g1_b, g2_w, g2_b, fc2_w, fc2_b)


def kernel(xyz, surf_dirs, conv_w, conv_b, conv_dirs, fc1_w, fc1_b, fc2_w,
           fc2_b, d1_w, d1_b, d2_w, d2_b, g1_w, g1_b, g2_w, g2_b, wq, wk, wv):
    v = jnp.transpose(xyz, (0, 2, 1))
    vpad = jnp.pad(v, ((0, 0), (0, 0), (0, _VD - 3)))
    vpad8 = jnp.pad(v, ((0, 0), (0, 0), (0, 5)))
    sdp = jnp.pad(surf_dirs, ((0, _VD - 3), (0, 0)))
    cdp = jnp.pad(conv_dirs, ((0, _VD - 3), (0, 0)))
    d1p = jnp.pad(d1_w, ((0, _VD - 3), (0, 0)))
    cb2 = conv_b.reshape(1, 2 * _C)
    f1b2 = fc1_b.reshape(1, _C)
    d1b2 = d1_b.reshape(1, _C)
    d2b2 = d2_b.reshape(1, _C)
    g1b2 = g1_b.reshape(1, _C)
    g2b2 = g2_b.reshape(1, _C)
    f2b2 = fc2_b.reshape(1, _C)

    outs = []
    for b in range(_BS):
        vp = vpad[b]
        gidx = _topk(vpad8[b])
        gidx_t = jnp.transpose(gidx, (1, 0))

        vnbr = _sc_gather(vp, gidx_t.reshape(-1)).reshape(_K21, _N, _VD)
        center, support = _s2(vnbr, vp, sdp, conv_w, cb2)
        supg = _sc_gather(support,
                          gidx_t[1:].reshape(-1)).reshape(_NN, _N, _C)
        pre, q, kv = _s3(vnbr, vp, cdp, center, supg, fc1_w, f1b2, wq, wk, wv)
        kvg = _sc_gather(kv,
                         gidx_t[:_AK].reshape(-1)).reshape(_AK, _N, 2 * _C)
        outs.append(_s4(vnbr, vp, q, kvg, pre, d1p, d1b2, d2_w, d2b2,
                        g1_w, g1b2, g2_w, g2b2, fc2_w, f2b2))

    return jnp.transpose(jnp.stack(outs), (0, 2, 1))

# --- scband reference (transcript-rebuilt; emitter-appended) ---
"""Pipeline reference for scband-attn-gcn3-d-29334626632164 (READ-ONLY COPY).

The authoritative reference and input builder live on the scoring server;
editing this copy changes nothing except your own understanding.
"""

import jax, jax.numpy as jnp
import numpy as np

BS, N = 2, 4096
N_NEIGHBOR = 20
ATTN_K = 16
C_OUT = 128
N_SUPPORT = 1


def _normalize(x, axis):
    n = jnp.linalg.norm(x, axis=axis, keepdims=True)
    return x / jnp.maximum(n, 1e-12)


def _gather(t, idx):
    # t: (bs, v, d), idx: (bs, v, k) -> (bs, v, k, d)
    return jax.vmap(lambda a, i: a[i])(t, idx)


def setup_inputs(seed: int = 0):
    key = jax.random.key(seed)
    ks = jax.random.split(key, 24)
    stdv_s = 1.0 / np.sqrt(N_SUPPORT * C_OUT)
    stdv_c = 1.0 / np.sqrt(C_OUT * (N_SUPPORT + 1))

    def u(k, shape, s):
        return jax.random.uniform(k, shape, minval=-s, maxval=s, dtype=jnp.float32)

    def lin(k, fan_in, shape):
        b = 1.0 / np.sqrt(fan_in)
        return jax.random.uniform(k, shape, minval=-b, maxval=b, dtype=jnp.float32)

    return {
        "xyz": jax.random.normal(ks[0], (BS, 3, N), dtype=jnp.float32),
        "surf_dirs": u(ks[1], (3, N_SUPPORT * C_OUT), stdv_s),
        "conv_w": u(ks[2], (C_OUT, (N_SUPPORT + 1) * C_OUT), stdv_c),
        "conv_b": u(ks[3], ((N_SUPPORT + 1) * C_OUT,), stdv_c),
        "conv_dirs": u(ks[4], (3, N_SUPPORT * C_OUT), stdv_c),
        "fc1_w": lin(ks[5], C_OUT, (C_OUT, C_OUT)),
        "fc1_b": lin(ks[6], C_OUT, (C_OUT,)),
        "fc2_w": lin(ks[7], C_OUT, (C_OUT, C_OUT)),
        "fc2_b": lin(ks[8], C_OUT, (C_OUT,)),
        "d1_w": lin(ks[9], 3, (3, C_OUT)),
        "d1_b": lin(ks[10], 3, (C_OUT,)),
        "d2_w": lin(ks[11], C_OUT, (C_OUT, C_OUT)),
        "d2_b": lin(ks[12], C_OUT, (C_OUT,)),
        "g1_w": lin(ks[13], C_OUT, (C_OUT, C_OUT)),
        "g1_b": lin(ks[14], C_OUT, (C_OUT,)),
        "g2_w": lin(ks[15], C_OUT, (C_OUT, C_OUT)),
        "g2_b": lin(ks[16], C_OUT, (C_OUT,)),
        "wq": lin(ks[17], C_OUT, (C_OUT, C_OUT)),
        "wk": lin(ks[18], C_OUT, (C_OUT, C_OUT)),
        "wv": lin(ks[19], C_OUT, (C_OUT, C_OUT)),
    }


def reference(xyz, surf_dirs, conv_w, conv_b, conv_dirs, fc1_w, fc1_b, fc2_w, fc2_b,
              d1_w, d1_b, d2_w, d2_b, g1_w, g1_b, g2_w, g2_b, wq, wk, wv):
    bs = xyz.shape[0]
    n_pts = xyz.shape[2]
    v = jnp.transpose(xyz, (0, 2, 1))  # (bs, N, 3)

    # pairwise squared distances (square_distance / get_neighbor_index)
    inner = jnp.einsum('bnc,bmc->bnm', v, v)
    quad = jnp.sum(v * v, axis=2)
    dist = -2.0 * inner + quad[:, :, None] + quad[:, None, :]
    order = jnp.argsort(dist, axis=-1)
    nbr = order[:, :, 1:N_NEIGHBOR + 1]  # exclude self, (bs, N, n_neighbor)

    # get_neighbor_direction_norm
    neighbors = _gather(v, nbr)
    dirn = _normalize(neighbors - v[:, :, None, :], -1)  # (bs, N, n, 3)

    # ConvSurface: structure feature from surface
    sdn = _normalize(surf_dirs, 0)
    theta = jax.nn.relu(jnp.einsum('bvnc,ck->bvnk', dirn, sdn))
    theta = theta.reshape(bs, n_pts, N_NEIGHBOR, N_SUPPORT, C_OUT)
    fea = jnp.sum(jnp.max(theta, axis=2), axis=2)  # (bs, N, C_OUT)
    fea = jax.nn.relu(fea)

    # ConvLayer
    cdn = _normalize(conv_dirs, 0)
    theta2 = jax.nn.relu(jnp.einsum('bvnc,ck->bvnk', dirn, cdn))  # (bs,N,n,ns*out)
    fout = fea @ conv_w + conv_b
    center = fout[:, :, :C_OUT]
    support = fout[:, :, C_OUT:]
    sup_g = _gather(support, nbr)
    act = (theta2 * sup_g).reshape(bs, n_pts, N_NEIGHBOR, N_SUPPORT, C_OUT)
    fea = center + jnp.sum(jnp.max(act, axis=2), axis=2)

    # TransformerBlock (point transformer, k nearest incl. self)
    knn_idx = order[:, :, :ATTN_K]
    knn_xyz = _gather(v, knn_idx)
    pre = fea
    x = fea @ fc1_w + fc1_b
    q = x @ wq
    kk = _gather(x @ wk, knn_idx)
    vv = _gather(x @ wv, knn_idx)
    delta = v[:, :, None, :] - knn_xyz
    pos = jax.nn.relu(delta @ d1_w + d1_b) @ d2_w + d2_b
    attn = jax.nn.relu((q[:, :, None, :] - kk + pos) @ g1_w + g1_b) @ g2_w + g2_b
    attn = jax.nn.softmax(attn / np.sqrt(C_OUT), axis=-2)
    res = jnp.einsum('bmnf,bmnf->bmf', attn, vv + pos)
    res = res @ fc2_w + fc2_b + pre
    return jnp.transpose(res, (0, 2, 1))  # (bs, channel_out, N)

if __name__ == "__main__":
    import jax
    _d = setup_inputs()
    print(jax.jit(kernel)(*tuple(_d.values())))

</pallas_src>

<mosaic_0001>
#map = affine_map<(d0, d1) -> (0, 0)>
module attributes {stable_mosaic.version = 14 : i64} {
  func.func @k(%arg0: i32, %arg1: i32, %arg2: memref<4096x128xf32, #tpu.memory_space<hbm>>, %arg3: memref<32x2688xi32, #tpu.memory_space<hbm>>, %arg4: memref<86016x128xf32, #tpu.memory_space<hbm>>, %arg5: memref<2688xi32, #tpu.memory_space<vmem>>, %arg6: memref<128x128xf32, #tpu.memory_space<vmem>>, %arg7: memref<128x128xf32, #tpu.memory_space<vmem>>, %arg8: memref<!tpu.dma_semaphore, #tpu.memory_space<semaphore_mem>>, %arg9: memref<!tpu.dma_semaphore, #tpu.memory_space<semaphore_mem>>) attributes {dimension_semantics = [#tpu.dimension_semantics<core_parallel>, #tpu.dimension_semantics<subcore_parallel>], iteration_bounds = array<i64: 2, 16>, scalar_prefetch = 0 : i64, scratch_operands = 5 : i64, tpu.core_type = #tpu.core_type<sc_vector_subcore>, window_params = [{transform_indices = #map}, {transform_indices = #map}, {transform_indices = #map}]} {
    %mul3A = arith.constant 2 : i32
    %mul3A_0 = arith.muli %arg1, %mul3A : i32
    %add3A = arith.addi %mul3A_0, %arg0 : i32
    "tpu.region"() ({
      %run_scoped3A = tpu.sem_alloc : memref<!tpu.dma_semaphore, #tpu.memory_space<semaphore_mem>>
      %dma_start3A_24 = arith.constant 0 : i32
      %dma_start3A_25 = tpu.memref_slice %arg3[%add3A, %dma_start3A_24] : memref<32x2688xi32, #tpu.memory_space<hbm>> -> memref<1x2688xi32, #tpu.memory_space<hbm>>
      %dma_start3A_26 = tpu.memref_squeeze %dma_start3A_25 : memref<1x2688xi32, #tpu.memory_space<hbm>> -> memref<2688xi32, #tpu.memory_space<hbm>>
      %dma_start3A_27 = arith.constant 0 : i32
      %dma_start3A_28 = tpu.memref_slice %arg3[%add3A, %dma_start3A_27] : memref<32x2688xi32, #tpu.memory_space<hbm>> -> memref<1x2688xi32, #tpu.memory_space<hbm>>
      %dma_start3A_29 = tpu.memref_squeeze %dma_start3A_28 : memref<1x2688xi32, #tpu.memory_space<hbm>> -> memref<2688xi32, #tpu.memory_space<hbm>>
      tpu.enqueue_dma source(%dma_start3A_29 : memref<2688xi32, #tpu.memory_space<hbm>>) target(%arg5 : memref<2688xi32, #tpu.memory_space<vmem>>) target_semaphore(%run_scoped3A : memref<!tpu.dma_semaphore, #tpu.memory_space<semaphore_mem>>)
      %dma_wait3A_30 = arith.constant 0 : i32
      %dma_wait3A_31 = tpu.memref_slice %arg3[%add3A, %dma_wait3A_30] : memref<32x2688xi32, #tpu.memory_space<hbm>> -> memref<1x2688xi32, #tpu.memory_space<hbm>>
      %dma_wait3A_32 = tpu.memref_squeeze %dma_wait3A_31 : memref<1x2688xi32, #tpu.memory_space<hbm>> -> memref<2688xi32, #tpu.memory_space<hbm>>
      %dma_wait3A_33 = arith.constant 0 : i32
      %dma_wait3A_34 = tpu.memref_slice %arg3[%add3A, %dma_wait3A_33] : memref<32x2688xi32, #tpu.memory_space<hbm>> -> memref<1x2688xi32, #tpu.memory_space<hbm>>
      %dma_wait3A_35 = tpu.memref_squeeze %dma_wait3A_34 : memref<1x2688xi32, #tpu.memory_space<hbm>> -> memref<2688xi32, #tpu.memory_space<hbm>>
      tpu.wait_dma2 semaphore(%run_scoped3A : memref<!tpu.dma_semaphore, #tpu.memory_space<semaphore_mem>>) src(%dma_wait3A_35 : memref<2688xi32, #tpu.memory_space<hbm>>) dst(%arg5 : memref<2688xi32, #tpu.memory_space<vmem>>)
      tpu.yield
    }) : () -> ()
    %mul3A_1 = arith.constant 2688 : i32
    %mul3A_2 = arith.muli %add3A, %mul3A_1 : i32
    %dma_start3A = arith.constant 0 : i32
    %dma_start3A_3 = tpu.memref_slice %arg5[%dma_start3A] : memref<2688xi32, #tpu.memory_space<vmem>> -> memref<128xi32, #tpu.memory_space<vmem>>
    %dma_start3A_4 = arith.constant 0 : i32
    %dma_start3A_5 = arith.constant 0 : i32
    %dma_start3A_6 = tpu.memref_slice %arg2[%dma_start3A_4, %dma_start3A_5] : memref<4096x128xf32, #tpu.memory_space<hbm>> -> memref<4096x128xf32, #tpu.memory_space<hbm>>
    tpu.enqueue_indirect_dma source(%dma_start3A_6 : memref<4096x128xf32, #tpu.memory_space<hbm>>) target(%arg6 : memref<128x128xf32, #tpu.memory_space<vmem>>) offsets(%dma_start3A_3 : memref<128xi32, #tpu.memory_space<vmem>>) semaphore(%arg8 : memref<!tpu.dma_semaphore, #tpu.memory_space<semaphore_mem>>)
    %dma_start3A_7 = arith.constant 128 : i32
    %dma_start3A_8 = tpu.memref_slice %arg5[%dma_start3A_7] : memref<2688xi32, #tpu.memory_space<vmem>> -> memref<128xi32, #tpu.memory_space<vmem>>
    %dma_start3A_9 = arith.constant 0 : i32
    %dma_start3A_10 = arith.constant 0 : i32
    %dma_start3A_11 = tpu.memref_slice %arg2[%dma_start3A_9, %dma_start3A_10] : memref<4096x128xf32, #tpu.memory_space<hbm>> -> memref<4096x128xf32, #tpu.memory_space<hbm>>
    tpu.enqueue_indirect_dma source(%dma_start3A_11 : memref<4096x128xf32, #tpu.memory_space<hbm>>) target(%arg7 : memref<128x128xf32, #tpu.memory_space<vmem>>) offsets(%dma_start3A_8 : memref<128xi32, #tpu.memory_space<vmem>>) semaphore(%arg9 : memref<!tpu.dma_semaphore, #tpu.memory_space<semaphore_mem>>)
    %scan3A = arith.constant 0 : i32
    %scan3A_12 = arith.constant 0 : i32
    %scan3A_13 = arith.constant 10 : i32
    %scan3A_14 = arith.addi %scan3A_12, %scan3A_13 : i32
    %scan3A_15 = arith.constant 1 : i32
    scf.for %scan3A_24 = %scan3A_12 to %scan3A_14 step %scan3A_15  : i32 {
      %mul3A_25 = arith.constant 2 : i32
      %mul3A_26 = arith.muli %scan3A_24, %mul3A_25 : i32
      %add3A_27 = arith.constant 0 : i32
      %add3A_28 = arith.addi %mul3A_26, %add3A_27 : i32
      %dma_wait3A_29 = arith.constant 0 : i32
      %dma_wait3A_30 = arith.constant 0 : i32
      %dma_wait3A_31 = tpu.memref_slice %arg2[%dma_wait3A_29, %dma_wait3A_30] : memref<4096x128xf32, #tpu.memory_space<hbm>> -> memref<128x128xf32, #tpu.memory_space<hbm>>
      %dma_wait3A_32 = arith.constant 0 : i32
      %dma_wait3A_33 = arith.constant 0 : i32
      %dma_wait3A_34 = tpu.memref_slice %arg2[%dma_wait3A_32, %dma_wait3A_33] : memref<4096x128xf32, #tpu.memory_space<hbm>> -> memref<128x128xf32, #tpu.memory_space<hbm>>
      tpu.wait_dma2 semaphore(%arg8 : memref<!tpu.dma_semaphore, #tpu.memory_space<semaphore_mem>>) src(%dma_wait3A_34 : memref<128x128xf32, #tpu.memory_space<hbm>>) dst(%arg6 : memref<128x128xf32, #tpu.memory_space<vmem>>)
      %mul3A_35 = arith.constant 128 : i32
      %mul3A_36 = arith.muli %add3A_28, %mul3A_35 : i32
      %add3A_37 = arith.addi %mul3A_2, %mul3A_36 : i32
      "tpu.region"() ({
        %run_scoped3A = tpu.sem_alloc : memref<!tpu.dma_semaphore, #tpu.memory_space<semaphore_mem>>
        %dma_start3A_62 = arith.constant 0 : i32
        %dma_start3A_63 = tpu.memref_slice %arg4[%add3A_37, %dma_start3A_62] : memref<86016x128xf32, #tpu.memory_space<hbm>> -> memref<128x128xf32, #tpu.memory_space<hbm>>
        %dma_start3A_64 = arith.constant 0 : i32
        %dma_start3A_65 = tpu.memref_slice %arg4[%add3A_37, %dma_start3A_64] : memref<86016x128xf32, #tpu.memory_space<hbm>> -> memref<128x128xf32, #tpu.memory_space<hbm>>
        tpu.enqueue_dma source(%arg6 : memref<128x128xf32, #tpu.memory_space<vmem>>) target(%dma_start3A_65 : memref<128x128xf32, #tpu.memory_space<hbm>>) target_semaphore(%run_scoped3A : memref<!tpu.dma_semaphore, #tpu.memory_space<semaphore_mem>>)
        %dma_wait3A_66 = arith.constant 0 : i32
        %dma_wait3A_67 = tpu.memref_slice %arg4[%add3A_37, %dma_wait3A_66] : memref<86016x128xf32, #tpu.memory_space<hbm>> -> memref<128x128xf32, #tpu.memory_space<hbm>>
        %dma_wait3A_68 = arith.constant 0 : i32
        %dma_wait3A_69 = tpu.memref_slice %arg4[%add3A_37, %dma_wait3A_68] : memref<86016x128xf32, #tpu.memory_space<hbm>> -> memref<128x128xf32, #tpu.memory_space<hbm>>
        tpu.wait_dma2 semaphore(%run_scoped3A : memref<!tpu.dma_semaphore, #tpu.memory_space<semaphore_mem>>) src(%arg6 : memref<128x128xf32, #tpu.memory_space<vmem>>) dst(%dma_wait3A_69 : memref<128x128xf32, #tpu.memory_space<hbm>>)
        tpu.yield
      }) : () -> ()
      %add3A_38 = arith.constant 2 : i32
      %add3A_39 = arith.addi %add3A_28, %add3A_38 : i32
      %lt3A = arith.constant 21 : i32
      %lt3A_40 = arith.cmpi slt, %add3A_39, %lt3A : i32
      %convert_element_type3A = arith.extui %lt3A_40 : i1 to i32
      %cond3A = arith.constant 0 : i32
      %cond3A_41 = arith.cmpi ne, %convert_element_type3A, %cond3A : i32
      scf.if %cond3A_41 {
        %add3A_62 = arith.constant 2 : i32
        %add3A_63 = arith.addi %add3A_28, %add3A_62 : i32
        %mul3A_64 = arith.constant 128 : i32
        %mul3A_65 = arith.muli %add3A_63, %mul3A_64 : i32
        %dma_start3A_66 = tpu.memref_slice %arg5[%mul3A_65] : memref<2688xi32, #tpu.memory_space<vmem>> -> memref<128xi32, #tpu.memory_space<vmem>>
        %dma_start3A_67 = arith.constant 0 : i32
        %dma_start3A_68 = arith.constant 0 : i32
        %dma_start3A_69 = tpu.memref_slice %arg2[%dma_start3A_67, %dma_start3A_68] : memref<4096x128xf32, #tpu.memory_space<hbm>> -> memref<4096x128xf32, #tpu.memory_space<hbm>>
        tpu.enqueue_indirect_dma source(%dma_start3A_69 : memref<4096x128xf32, #tpu.memory_space<hbm>>) target(%arg6 : memref<128x128xf32, #tpu.memory_space<vmem>>) offsets(%dma_start3A_66 : memref<128xi32, #tpu.memory_space<vmem>>) semaphore(%arg8 : memref<!tpu.dma_semaphore, #tpu.memory_space<semaphore_mem>>)
      } else {
      }
      %mul3A_42 = arith.constant 2 : i32
      %mul3A_43 = arith.muli %scan3A_24, %mul3A_42 : i32
      %add3A_44 = arith.constant 1 : i32
      %add3A_45 = arith.addi %mul3A_43, %add3A_44 : i32
      %dma_wait3A_46 = arith.constant 0 : i32
      %dma_wait3A_47 = arith.constant 0 : i32
      %dma_wait3A_48 = tpu.memref_slice %arg2[%dma_wait3A_46, %dma_wait3A_47] : memref<4096x128xf32, #tpu.memory_space<hbm>> -> memref<128x128xf32, #tpu.memory_space<hbm>>
      %dma_wait3A_49 = arith.constant 0 : i32
      %dma_wait3A_50 = arith.constant 0 : i32
      %dma_wait3A_51 = tpu.memref_slice %arg2[%dma_wait3A_49, %dma_wait3A_50] : memref<4096x128xf32, #tpu.memory_space<hbm>> -> memref<128x128xf32, #tpu.memory_space<hbm>>
      tpu.wait_dma2 semaphore(%arg9 : memref<!tpu.dma_semaphore, #tpu.memory_space<semaphore_mem>>) src(%dma_wait3A_51 : memref<128x128xf32, #tpu.memory_space<hbm>>) dst(%arg7 : memref<128x128xf32, #tpu.memory_space<vmem>>)
      %mul3A_52 = arith.constant 128 : i32
      %mul3A_53 = arith.muli %add3A_45, %mul3A_52 : i32
      %add3A_54 = arith.addi %mul3A_2, %mul3A_53 : i32
      "tpu.region"() ({
        %run_scoped3A = tpu.sem_alloc : memref<!tpu.dma_semaphore, #tpu.memory_space<semaphore_mem>>
        %dma_start3A_62 = arith.constant 0 : i32
        %dma_start3A_63 = tpu.memref_slice %arg4[%add3A_54, %dma_start3A_62] : memref<86016x128xf32, #tpu.memory_space<hbm>> -> memref<128x128xf32, #tpu.memory_space<hbm>>
        %dma_start3A_64 = arith.constant 0 : i32
        %dma_start3A_65 = tpu.memref_slice %arg4[%add3A_54, %dma_start3A_64] : memref<86016x128xf32, #tpu.memory_space<hbm>> -> memref<128x128xf32, #tpu.memory_space<hbm>>
        tpu.enqueue_dma source(%arg7 : memref<128x128xf32, #tpu.memory_space<vmem>>) target(%dma_start3A_65 : memref<128x128xf32, #tpu.memory_space<hbm>>) target_semaphore(%run_scoped3A : memref<!tpu.dma_semaphore, #tpu.memory_space<semaphore_mem>>)
        %dma_wait3A_66 = arith.constant 0 : i32
        %dma_wait3A_67 = tpu.memref_slice %arg4[%add3A_54, %dma_wait3A_66] : memref<86016x128xf32, #tpu.memory_space<hbm>> -> memref<128x128xf32, #tpu.memory_space<hbm>>
        %dma_wait3A_68 = arith.constant 0 : i32
        %dma_wait3A_69 = tpu.memref_slice %arg4[%add3A_54, %dma_wait3A_68] : memref<86016x128xf32, #tpu.memory_space<hbm>> -> memref<128x128xf32, #tpu.memory_space<hbm>>
        tpu.wait_dma2 semaphore(%run_scoped3A : memref<!tpu.dma_semaphore, #tpu.memory_space<semaphore_mem>>) src(%arg7 : memref<128x128xf32, #tpu.memory_space<vmem>>) dst(%dma_wait3A_69 : memref<128x128xf32, #tpu.memory_space<hbm>>)
        tpu.yield
      }) : () -> ()
      %add3A_55 = arith.constant 2 : i32
      %add3A_56 = arith.addi %add3A_45, %add3A_55 : i32
      %lt3A_57 = arith.constant 21 : i32
      %lt3A_58 = arith.cmpi slt, %add3A_56, %lt3A_57 : i32
      %convert_element_type3A_59 = arith.extui %lt3A_58 : i1 to i32
      %cond3A_60 = arith.constant 0 : i32
      %cond3A_61 = arith.cmpi ne, %convert_element_type3A_59, %cond3A_60 : i32
      scf.if %cond3A_61 {
        %add3A_62 = arith.constant 2 : i32
        %add3A_63 = arith.addi %add3A_45, %add3A_62 : i32
        %mul3A_64 = arith.constant 128 : i32
        %mul3A_65 = arith.muli %add3A_63, %mul3A_64 : i32
        %dma_start3A_66 = tpu.memref_slice %arg5[%mul3A_65] : memref<2688xi32, #tpu.memory_space<vmem>> -> memref<128xi32, #tpu.memory_space<vmem>>
        %dma_start3A_67 = arith.constant 0 : i32
        %dma_start3A_68 = arith.constant 0 : i32
        %dma_start3A_69 = tpu.memref_slice %arg2[%dma_start3A_67, %dma_start3A_68] : memref<4096x128xf32, #tpu.memory_space<hbm>> -> memref<4096x128xf32, #tpu.memory_space<hbm>>
        tpu.enqueue_indirect_dma source(%dma_start3A_69 : memref<4096x128xf32, #tpu.memory_space<hbm>>) target(%arg7 : memref<128x128xf32, #tpu.memory_space<vmem>>) offsets(%dma_start3A_66 : memref<128xi32, #tpu.memory_space<vmem>>) semaphore(%arg9 : memref<!tpu.dma_semaphore, #tpu.memory_space<semaphore_mem>>)
      } else {
      }
    }
    %scan3A_16 = arith.constant 10 : i32
    %dma_wait3A = arith.constant 0 : i32
    %dma_wait3A_17 = arith.constant 0 : i32
    %dma_wait3A_18 = tpu.memref_slice %arg2[%dma_wait3A, %dma_wait3A_17] : memref<4096x128xf32, #tpu.memory_space<hbm>> -> memref<128x128xf32, #tpu.memory_space<hbm>>
    %dma_wait3A_19 = arith.constant 0 : i32
    %dma_wait3A_20 = arith.constant 0 : i32
    %dma_wait3A_21 = tpu.memref_slice %arg2[%dma_wait3A_19, %dma_wait3A_20] : memref<4096x128xf32, #tpu.memory_space<hbm>> -> memref<128x128xf32, #tpu.memory_space<hbm>>
    tpu.wait_dma2 semaphore(%arg8 : memref<!tpu.dma_semaphore, #tpu.memory_space<semaphore_mem>>) src(%dma_wait3A_21 : memref<128x128xf32, #tpu.memory_space<hbm>>) dst(%arg6 : memref<128x128xf32, #tpu.memory_space<vmem>>)
    %add3A_22 = arith.constant 2560 : i32
    %add3A_23 = arith.addi %mul3A_2, %add3A_22 : i32
    "tpu.region"() ({
      %run_scoped3A = tpu.sem_alloc : memref<!tpu.dma_semaphore, #tpu.memory_space<semaphore_mem>>
      %dma_start3A_24 = arith.constant 0 : i32
      %dma_start3A_25 = tpu.memref_slice %arg4[%add3A_23, %dma_start3A_24] : memref<86016x128xf32, #tpu.memory_space<hbm>> -> memref<128x128xf32, #tpu.memory_space<hbm>>
      %dma_start3A_26 = arith.constant 0 : i32
      %dma_start3A_27 = tpu.memref_slice %arg4[%add3A_23, %dma_start3A_26] : memref<86016x128xf32, #tpu.memory_space<hbm>> -> memref<128x128xf32, #tpu.memory_space<hbm>>
      tpu.enqueue_dma source(%arg6 : memref<128x128xf32, #tpu.memory_space<vmem>>) target(%dma_start3A_27 : memref<128x128xf32, #tpu.memory_space<hbm>>) target_semaphore(%run_scoped3A : memref<!tpu.dma_semaphore, #tpu.memory_space<semaphore_mem>>)
      %dma_wait3A_28 = arith.constant 0 : i32
      %dma_wait3A_29 = tpu.memref_slice %arg4[%add3A_23, %dma_wait3A_28] : memref<86016x128xf32, #tpu.memory_space<hbm>> -> memref<128x128xf32, #tpu.memory_space<hbm>>
      %dma_wait3A_30 = arith.constant 0 : i32
      %dma_wait3A_31 = tpu.memref_slice %arg4[%add3A_23, %dma_wait3A_30] : memref<86016x128xf32, #tpu.memory_space<hbm>> -> memref<128x128xf32, #tpu.memory_space<hbm>>
      tpu.wait_dma2 semaphore(%run_scoped3A : memref<!tpu.dma_semaphore, #tpu.memory_space<semaphore_mem>>) src(%arg6 : memref<128x128xf32, #tpu.memory_space<vmem>>) dst(%dma_wait3A_31 : memref<128x128xf32, #tpu.memory_space<hbm>>)
      tpu.yield
    }) : () -> ()
    return
  }
}

#map = affine_map<(d0, d1) -> (0, 0)>
module attributes {stable_mosaic.version = 14 : i64} {
  func.func @k(%arg0: i32, %arg1: i32, %arg2: memref<4096x128xf32, #tpu.memory_space<hbm>>, %arg3: memref<32x2560xi32, #tpu.memory_space<hbm>>, %arg4: memref<81920x128xf32, #tpu.memory_space<hbm>>, %arg5: memref<2560xi32, #tpu.memory_space<vmem>>, %arg6: memref<128x128xf32, #tpu.memory_space<vmem>>, %arg7: memref<128x128xf32, #tpu.memory_space<vmem>>, %arg8: memref<!tpu.dma_semaphore, #tpu.memory_space<semaphore_mem>>, %arg9: memref<!tpu.dma_semaphore, #tpu.memory_space<semaphore_mem>>) attributes {dimension_semantics = [#tpu.dimension_semantics<core_parallel>, #tpu.dimension_semantics<subcore_parallel>], iteration_bounds = array<i64: 2, 16>, scalar_prefetch = 0 : i64, scratch_operands = 5 : i64, tpu.core_type = #tpu.core_type<sc_vector_subcore>, window_params = [{transform_indices = #map}, {transform_indices = #map}, {transform_indices = #map}]} {
    %mul3A = arith.constant 2 : i32
    %mul3A_0 = arith.muli %arg1, %mul3A : i32
    %add3A = arith.addi %mul3A_0, %arg0 : i32
    "tpu.region"() ({
      %run_scoped3A = tpu.sem_alloc : memref<!tpu.dma_semaphore, #tpu.memory_space<semaphore_mem>>
      %dma_start3A_17 = arith.constant 0 : i32
      %dma_start3A_18 = tpu.memref_slice %arg3[%add3A, %dma_start3A_17] : memref<32x2560xi32, #tpu.memory_space<hbm>> -> memref<1x2560xi32, #tpu.memory_space<hbm>>
      %dma_start3A_19 = tpu.memref_squeeze %dma_start3A_18 : memref<1x2560xi32, #tpu.memory_space<hbm>> -> memref<2560xi32, #tpu.memory_space<hbm>>
      %dma_start3A_20 = arith.constant 0 : i32
      %dma_start3A_21 = tpu.memref_slice %arg3[%add3A, %dma_start3A_20] : memref<32x2560xi32, #tpu.memory_space<hbm>> -> memref<1x2560xi32, #tpu.memory_space<hbm>>
      %dma_start3A_22 = tpu.memref_squeeze %dma_start3A_21 : memref<1x2560xi32, #tpu.memory_space<hbm>> -> memref<2560xi32, #tpu.memory_space<hbm>>
      tpu.enqueue_dma source(%dma_start3A_22 : memref<2560xi32, #tpu.memory_space<hbm>>) target(%arg5 : memref<2560xi32, #tpu.memory_space<vmem>>) target_semaphore(%run_scoped3A : memref<!tpu.dma_semaphore, #tpu.memory_space<semaphore_mem>>)
      %dma_wait3A = arith.constant 0 : i32
      %dma_wait3A_23 = tpu.memref_slice %arg3[%add3A, %dma_wait3A] : memref<32x2560xi32, #tpu.memory_space<hbm>> -> memref<1x2560xi32, #tpu.memory_space<hbm>>
      %dma_wait3A_24 = tpu.memref_squeeze %dma_wait3A_23 : memref<1x2560xi32, #tpu.memory_space<hbm>> -> memref<2560xi32, #tpu.memory_space<hbm>>
      %dma_wait3A_25 = arith.constant 0 : i32
      %dma_wait3A_26 = tpu.memref_slice %arg3[%add3A, %dma_wait3A_25] : memref<32x2560xi32, #tpu.memory_space<hbm>> -> memref<1x2560xi32, #tpu.memory_space<hbm>>
      %dma_wait3A_27 = tpu.memref_squeeze %dma_wait3A_26 : memref<1x2560xi32, #tpu.memory_space<hbm>> -> memref<2560xi32, #tpu.memory_space<hbm>>
      tpu.wait_dma2 semaphore(%run_scoped3A : memref<!tpu.dma_semaphore, #tpu.memory_space<semaphore_mem>>) src(%dma_wait3A_27 : memref<2560xi32, #tpu.memory_space<hbm>>) dst(%arg5 : memref<2560xi32, #tpu.memory_space<vmem>>)
      tpu.yield
    }) : () -> ()
    %mul3A_1 = arith.constant 2560 : i32
    %mul3A_2 = arith.muli %add3A, %mul3A_1 : i32
    %dma_start3A = arith.constant 0 : i32
    %dma_start3A_3 = tpu.memref_slice %arg5[%dma_start3A] : memref<2560xi32, #tpu.memory_space<vmem>> -> memref<128xi32, #tpu.memory_space<vmem>>
    %dma_start3A_4 = arith.constant 0 : i32
    %dma_start3A_5 = arith.constant 0 : i32
    %dma_start3A_6 = tpu.memref_slice %arg2[%dma_start3A_4, %dma_start3A_5] : memref<4096x128xf32, #tpu.memory_space<hbm>> -> memref<4096x128xf32, #tpu.memory_space<hbm>>
    tpu.enqueue_indirect_dma source(%dma_start3A_6 : memref<4096x128xf32, #tpu.memory_space<hbm>>) target(%arg6 : memref<128x128xf32, #tpu.memory_space<vmem>>) offsets(%dma_start3A_3 : memref<128xi32, #tpu.memory_space<vmem>>) semaphore(%arg8 : memref<!tpu.dma_semaphore, #tpu.memory_space<semaphore_mem>>)
    %dma_start3A_7 = arith.constant 128 : i32
    %dma_start3A_8 = tpu.memref_slice %arg5[%dma_start3A_7] : memref<2560xi32, #tpu.memory_space<vmem>> -> memref<128xi32, #tpu.memory_space<vmem>>
    %dma_start3A_9 = arith.constant 0 : i32
    %dma_start3A_10 = arith.constant 0 : i32
    %dma_start3A_11 = tpu.memref_slice %arg2[%dma_start3A_9, %dma_start3A_10] : memref<4096x128xf32, #tpu.memory_space<hbm>> -> memref<4096x128xf32, #tpu.memory_space<hbm>>
    tpu.enqueue_indirect_dma source(%dma_start3A_11 : memref<4096x128xf32, #tpu.memory_space<hbm>>) target(%arg7 : memref<128x128xf32, #tpu.memory_space<vmem>>) offsets(%dma_start3A_8 : memref<128xi32, #tpu.memory_space<vmem>>) semaphore(%arg9 : memref<!tpu.dma_semaphore, #tpu.memory_space<semaphore_mem>>)
    %scan3A = arith.constant 0 : i32
    %scan3A_12 = arith.constant 0 : i32
    %scan3A_13 = arith.constant 10 : i32
    %scan3A_14 = arith.addi %scan3A_12, %scan3A_13 : i32
    %scan3A_15 = arith.constant 1 : i32
    scf.for %scan3A_17 = %scan3A_12 to %scan3A_14 step %scan3A_15  : i32 {
      %mul3A_18 = arith.constant 2 : i32
      %mul3A_19 = arith.muli %scan3A_17, %mul3A_18 : i32
      %add3A_20 = arith.constant 0 : i32
      %add3A_21 = arith.addi %mul3A_19, %add3A_20 : i32
      %dma_wait3A = arith.constant 0 : i32
      %dma_wait3A_22 = arith.constant 0 : i32
      %dma_wait3A_23 = tpu.memref_slice %arg2[%dma_wait3A, %dma_wait3A_22] : memref<4096x128xf32, #tpu.memory_space<hbm>> -> memref<128x128xf32, #tpu.memory_space<hbm>>
      %dma_wait3A_24 = arith.constant 0 : i32
      %dma_wait3A_25 = arith.constant 0 : i32
      %dma_wait3A_26 = tpu.memref_slice %arg2[%dma_wait3A_24, %dma_wait3A_25] : memref<4096x128xf32, #tpu.memory_space<hbm>> -> memref<128x128xf32, #tpu.memory_space<hbm>>
      tpu.wait_dma2 semaphore(%arg8 : memref<!tpu.dma_semaphore, #tpu.memory_space<semaphore_mem>>) src(%dma_wait3A_26 : memref<128x128xf32, #tpu.memory_space<hbm>>) dst(%arg6 : memref<128x128xf32, #tpu.memory_space<vmem>>)
      %mul3A_27 = arith.constant 128 : i32
      %mul3A_28 = arith.muli %add3A_21, %mul3A_27 : i32
      %add3A_29 = arith.addi %mul3A_2, %mul3A_28 : i32
      "tpu.region"() ({
        %run_scoped3A = tpu.sem_alloc : memref<!tpu.dma_semaphore, #tpu.memory_space<semaphore_mem>>
        %dma_start3A_54 = arith.constant 0 : i32
        %dma_start3A_55 = tpu.memref_slice %arg4[%add3A_29, %dma_start3A_54] : memref<81920x128xf32, #tpu.memory_space<hbm>> -> memref<128x128xf32, #tpu.memory_space<hbm>>
        %dma_start3A_56 = arith.constant 0 : i32
        %dma_start3A_57 = tpu.memref_slice %arg4[%add3A_29, %dma_start3A_56] : memref<81920x128xf32, #tpu.memory_space<hbm>> -> memref<128x128xf32, #tpu.memory_space<hbm>>
        tpu.enqueue_dma source(%arg6 : memref<128x128xf32, #tpu.memory_space<vmem>>) target(%dma_start3A_57 : memref<128x128xf32, #tpu.memory_space<hbm>>) target_semaphore(%run_scoped3A : memref<!tpu.dma_semaphore, #tpu.memory_space<semaphore_mem>>)
        %dma_wait3A_58 = arith.constant 0 : i32
        %dma_wait3A_59 = tpu.memref_slice %arg4[%add3A_29, %dma_wait3A_58] : memref<81920x128xf32, #tpu.memory_space<hbm>> -> memref<128x128xf32, #tpu.memory_space<hbm>>
        %dma_wait3A_60 = arith.constant 0 : i32
        %dma_wait3A_61 = tpu.memref_slice %arg4[%add3A_29, %dma_wait3A_60] : memref<81920x128xf32, #tpu.memory_space<hbm>> -> memref<128x128xf32, #tpu.memory_space<hbm>>
        tpu.wait_dma2 semaphore(%run_scoped3A : memref<!tpu.dma_semaphore, #tpu.memory_space<semaphore_mem>>) src(%arg6 : memref<128x128xf32, #tpu.memory_space<vmem>>) dst(%dma_wait3A_61 : memref<128x128xf32, #tpu.memory_space<hbm>>)
        tpu.yield
      }) : () -> ()
      %add3A_30 = arith.constant 2 : i32
      %add3A_31 = arith.addi %add3A_21, %add3A_30 : i32
      %lt3A = arith.constant 20 : i32
      %lt3A_32 = arith.cmpi slt, %add3A_31, %lt3A : i32
      %convert_element_type3A = arith.extui %lt3A_32 : i1 to i32
      %cond3A = arith.constant 0 : i32
      %cond3A_33 = arith.cmpi ne, %convert_element_type3A, %cond3A : i32
      scf.if %cond3A_33 {
        %add3A_54 = arith.constant 2 : i32
        %add3A_55 = arith.addi %add3A_21, %add3A_54 : i32
        %mul3A_56 = arith.constant 128 : i32
        %mul3A_57 = arith.muli %add3A_55, %mul3A_56 : i32
        %dma_start3A_58 = tpu.memref_slice %arg5[%mul3A_57] : memref<2560xi32, #tpu.memory_space<vmem>> -> memref<128xi32, #tpu.memory_space<vmem>>
        %dma_start3A_59 = arith.constant 0 : i32
        %dma_start3A_60 = arith.constant 0 : i32
        %dma_start3A_61 = tpu.memref_slice %arg2[%dma_start3A_59, %dma_start3A_60] : memref<4096x128xf32, #tpu.memory_space<hbm>> -> memref<4096x128xf32, #tpu.memory_space<hbm>>
        tpu.enqueue_indirect_dma source(%dma_start3A_61 : memref<4096x128xf32, #tpu.memory_space<hbm>>) target(%arg6 : memref<128x128xf32, #tpu.memory_space<vmem>>) offsets(%dma_start3A_58 : memref<128xi32, #tpu.memory_space<vmem>>) semaphore(%arg8 : memref<!tpu.dma_semaphore, #tpu.memory_space<semaphore_mem>>)
      } else {
      }
      %mul3A_34 = arith.constant 2 : i32
      %mul3A_35 = arith.muli %scan3A_17, %mul3A_34 : i32
      %add3A_36 = arith.constant 1 : i32
      %add3A_37 = arith.addi %mul3A_35, %add3A_36 : i32
      %dma_wait3A_38 = arith.constant 0 : i32
      %dma_wait3A_39 = arith.constant 0 : i32
      %dma_wait3A_40 = tpu.memref_slice %arg2[%dma_wait3A_38, %dma_wait3A_39] : memref<4096x128xf32, #tpu.memory_space<hbm>> -> memref<128x128xf32, #tpu.memory_space<hbm>>
      %dma_wait3A_41 = arith.constant 0 : i32
      %dma_wait3A_42 = arith.constant 0 : i32
      %dma_wait3A_43 = tpu.memref_slice %arg2[%dma_wait3A_41, %dma_wait3A_42] : memref<4096x128xf32, #tpu.memory_space<hbm>> -> memref<128x128xf32, #tpu.memory_space<hbm>>
      tpu.wait_dma2 semaphore(%arg9 : memref<!tpu.dma_semaphore, #tpu.memory_space<semaphore_mem>>) src(%dma_wait3A_43 : memref<128x128xf32, #tpu.memory_space<hbm>>) dst(%arg7 : memref<128x128xf32, #tpu.memory_space<vmem>>)
      %mul3A_44 = arith.constant 128 : i32
      %mul3A_45 = arith.muli %add3A_37, %mul3A_44 : i32
      %add3A_46 = arith.addi %mul3A_2, %mul3A_45 : i32
      "tpu.region"() ({
        %run_scoped3A = tpu.sem_alloc : memref<!tpu.dma_semaphore, #tpu.memory_space<semaphore_mem>>
        %dma_start3A_54 = arith.constant 0 : i32
        %dma_start3A_55 = tpu.memref_slice %arg4[%add3A_46, %dma_start3A_54] : memref<81920x128xf32, #tpu.memory_space<hbm>> -> memref<128x128xf32, #tpu.memory_space<hbm>>
        %dma_start3A_56 = arith.constant 0 : i32
        %dma_start3A_57 = tpu.memref_slice %arg4[%add3A_46, %dma_start3A_56] : memref<81920x128xf32, #tpu.memory_space<hbm>> -> memref<128x128xf32, #tpu.memory_space<hbm>>
        tpu.enqueue_dma source(%arg7 : memref<128x128xf32, #tpu.memory_space<vmem>>) target(%dma_start3A_57 : memref<128x128xf32, #tpu.memory_space<hbm>>) target_semaphore(%run_scoped3A : memref<!tpu.dma_semaphore, #tpu.memory_space<semaphore_mem>>)
        %dma_wait3A_58 = arith.constant 0 : i32
        %dma_wait3A_59 = tpu.memref_slice %arg4[%add3A_46, %dma_wait3A_58] : memref<81920x128xf32, #tpu.memory_space<hbm>> -> memref<128x128xf32, #tpu.memory_space<hbm>>
        %dma_wait3A_60 = arith.constant 0 : i32
        %dma_wait3A_61 = tpu.memref_slice %arg4[%add3A_46, %dma_wait3A_60] : memref<81920x128xf32, #tpu.memory_space<hbm>> -> memref<128x128xf32, #tpu.memory_space<hbm>>
        tpu.wait_dma2 semaphore(%run_scoped3A : memref<!tpu.dma_semaphore, #tpu.memory_space<semaphore_mem>>) src(%arg7 : memref<128x128xf32, #tpu.memory_space<vmem>>) dst(%dma_wait3A_61 : memref<128x128xf32, #tpu.memory_space<hbm>>)
        tpu.yield
      }) : () -> ()
      %add3A_47 = arith.constant 2 : i32
      %add3A_48 = arith.addi %add3A_37, %add3A_47 : i32
      %lt3A_49 = arith.constant 20 : i32
      %lt3A_50 = arith.cmpi slt, %add3A_48, %lt3A_49 : i32
      %convert_element_type3A_51 = arith.extui %lt3A_50 : i1 to i32
      %cond3A_52 = arith.constant 0 : i32
      %cond3A_53 = arith.cmpi ne, %convert_element_type3A_51, %cond3A_52 : i32
      scf.if %cond3A_53 {
        %add3A_54 = arith.constant 2 : i32
        %add3A_55 = arith.addi %add3A_37, %add3A_54 : i32
        %mul3A_56 = arith.constant 128 : i32
        %mul3A_57 = arith.muli %add3A_55, %mul3A_56 : i32
        %dma_start3A_58 = tpu.memref_slice %arg5[%mul3A_57] : memref<2560xi32, #tpu.memory_space<vmem>> -> memref<128xi32, #tpu.memory_space<vmem>>
        %dma_start3A_59 = arith.constant 0 : i32
        %dma_start3A_60 = arith.constant 0 : i32
        %dma_start3A_61 = tpu.memref_slice %arg2[%dma_start3A_59, %dma_start3A_60] : memref<4096x128xf32, #tpu.memory_space<hbm>> -> memref<4096x128xf32, #tpu.memory_space<hbm>>
        tpu.enqueue_indirect_dma source(%dma_start3A_61 : memref<4096x128xf32, #tpu.memory_space<hbm>>) target(%arg7 : memref<128x128xf32, #tpu.memory_space<vmem>>) offsets(%dma_start3A_58 : memref<128xi32, #tpu.memory_space<vmem>>) semaphore(%arg9 : memref<!tpu.dma_semaphore, #tpu.memory_space<semaphore_mem>>)
      } else {
      }
    }
    %scan3A_16 = arith.constant 10 : i32
    return
  }
}

#map = affine_map<(d0, d1) -> (0, 0)>
module attributes {stable_mosaic.version = 14 : i64} {
  func.func @k(%arg0: i32, %arg1: i32, %arg2: memref<4096x128xf32, #tpu.memory_space<hbm>>, %arg3: memref<32x2688xi32, #tpu.memory_space<hbm>>, %arg4: memref<86016x128xf32, #tpu.memory_space<hbm>>, %arg5: memref<2688xi32, #tpu.memory_space<vmem>>, %arg6: memref<128x128xf32, #tpu.memory_space<vmem>>, %arg7: memref<128x128xf32, #tpu.memory_space<vmem>>, %arg8: memref<!tpu.dma_semaphore, #tpu.memory_space<semaphore_mem>>, %arg9: memref<!tpu.dma_semaphore, #tpu.memory_space<semaphore_mem>>) attributes {dimension_semantics = [#tpu.dimension_semantics<core_parallel>, #tpu.dimension_semantics<subcore_parallel>], iteration_bounds = array<i64: 2, 16>, scalar_prefetch = 0 : i64, scratch_operands = 5 : i64, tpu.core_type = #tpu.core_type<sc_vector_subcore>, window_params = [{transform_indices = #map}, {transform_indices = #map}, {transform_indices = #map}]} {
    %mul3A = arith.constant 2 : i32
    %mul3A_0 = arith.muli %arg1, %mul3A : i32
    %add3A = arith.addi %mul3A_0, %arg0 : i32
    "tpu.region"() ({
      %run_scoped3A = tpu.sem_alloc : memref<!tpu.dma_semaphore, #tpu.memory_space<semaphore_mem>>
      %dma_start3A_24 = arith.constant 0 : i32
      %dma_start3A_25 = tpu.memref_slice %arg3[%add3A, %dma_start3A_24] : memref<32x2688xi32, #tpu.memory_space<hbm>> -> memref<1x2688xi32, #tpu.memory_space<hbm>>
      %dma_start3A_26 = tpu.memref_squeeze %dma_start3A_25 : memref<1x2688xi32, #tpu.memory_space<hbm>> -> memref<2688xi32, #tpu.memory_space<hbm>>
      %dma_start3A_27 = arith.constant 0 : i32
      %dma_start3A_28 = tpu.memref_slice %arg3[%add3A, %dma_start3A_27] : memref<32x2688xi32, #tpu.memory_space<hbm>> -> memref<1x2688xi32, #tpu.memory_space<hbm>>
      %dma_start3A_29 = tpu.memref_squeeze %dma_start3A_28 : memref<1x2688xi32, #tpu.memory_space<hbm>> -> memref<2688xi32, #tpu.memory_space<hbm>>
      tpu.enqueue_dma source(%dma_start3A_29 : memref<2688xi32, #tpu.memory_space<hbm>>) target(%arg5 : memref<2688xi32, #tpu.memory_space<vmem>>) target_semaphore(%run_scoped3A : memref<!tpu.dma_semaphore, #tpu.memory_space<semaphore_mem>>)
      %dma_wait3A_30 = arith.constant 0 : i32
      %dma_wait3A_31 = tpu.memref_slice %arg3[%add3A, %dma_wait3A_30] : memref<32x2688xi32, #tpu.memory_space<hbm>> -> memref<1x2688xi32, #tpu.memory_space<hbm>>
      %dma_wait3A_32 = tpu.memref_squeeze %dma_wait3A_31 : memref<1x2688xi32, #tpu.memory_space<hbm>> -> memref<2688xi32, #tpu.memory_space<hbm>>
      %dma_wait3A_33 = arith.constant 0 : i32
      %dma_wait3A_34 = tpu.memref_slice %arg3[%add3A, %dma_wait3A_33] : memref<32x2688xi32, #tpu.memory_space<hbm>> -> memref<1x2688xi32, #tpu.memory_space<hbm>>
      %dma_wait3A_35 = tpu.memref_squeeze %dma_wait3A_34 : memref<1x2688xi32, #tpu.memory_space<hbm>> -> memref<2688xi32, #tpu.memory_space<hbm>>
      tpu.wait_dma2 semaphore(%run_scoped3A : memref<!tpu.dma_semaphore, #tpu.memory_space<semaphore_mem>>) src(%dma_wait3A_35 : memref<2688xi32, #tpu.memory_space<hbm>>) dst(%arg5 : memref<2688xi32, #tpu.memory_space<vmem>>)
      tpu.yield
    }) : () -> ()
    %mul3A_1 = arith.constant 2688 : i32
    %mul3A_2 = arith.muli %add3A, %mul3A_1 : i32
    %dma_start3A = arith.constant 0 : i32
    %dma_start3A_3 = tpu.memref_slice %arg5[%dma_start3A] : memref<2688xi32, #tpu.memory_space<vmem>> -> memref<128xi32, #tpu.memory_space<vmem>>
    %dma_start3A_4 = arith.constant 0 : i32
    %dma_start3A_5 = arith.constant 0 : i32
    %dma_start3A_6 = tpu.memref_slice %arg2[%dma_start3A_4, %dma_start3A_5] : memref<4096x128xf32, #tpu.memory_space<hbm>> -> memref<4096x128xf32, #tpu.memory_space<hbm>>
    tpu.enqueue_indirect_dma source(%dma_start3A_6 : memref<4096x128xf32, #tpu.memory_space<hbm>>) target(%arg6 : memref<128x128xf32, #tpu.memory_space<vmem>>) offsets(%dma_start3A_3 : memref<128xi32, #tpu.memory_space<vmem>>) semaphore(%arg8 : memref<!tpu.dma_semaphore, #tpu.memory_space<semaphore_mem>>)
    %dma_start3A_7 = arith.constant 128 : i32
    %dma_start3A_8 = tpu.memref_slice %arg5[%dma_start3A_7] : memref<2688xi32, #tpu.memory_space<vmem>> -> memref<128xi32, #tpu.memory_space<vmem>>
    %dma_start3A_9 = arith.constant 0 : i32
    %dma_start3A_10 = arith.constant 0 : i32
    %dma_start3A_11 = tpu.memref_slice %arg2[%dma_start3A_9, %dma_start3A_10] : memref<4096x128xf32, #tpu.memory_space<hbm>> -> memref<4096x128xf32, #tpu.memory_space<hbm>>
    tpu.enqueue_indirect_dma source(%dma_start3A_11 : memref<4096x128xf32, #tpu.memory_space<hbm>>) target(%arg7 : memref<128x128xf32, #tpu.memory_space<vmem>>) offsets(%dma_start3A_8 : memref<128xi32, #tpu.memory_space<vmem>>) semaphore(%arg9 : memref<!tpu.dma_semaphore, #tpu.memory_space<semaphore_mem>>)
    %scan3A = arith.constant 0 : i32
    %scan3A_12 = arith.constant 0 : i32
    %scan3A_13 = arith.constant 10 : i32
    %scan3A_14 = arith.addi %scan3A_12, %scan3A_13 : i32
    %scan3A_15 = arith.constant 1 : i32
    scf.for %scan3A_24 = %scan3A_12 to %scan3A_14 step %scan3A_15  : i32 {
      %mul3A_25 = arith.constant 2 : i32
      %mul3A_26 = arith.muli %scan3A_24, %mul3A_25 : i32
      %add3A_27 = arith.constant 0 : i32
      %add3A_28 = arith.addi %mul3A_26, %add3A_27 : i32
      %dma_wait3A_29 = arith.constant 0 : i32
      %dma_wait3A_30 = arith.constant 0 : i32
      %dma_wait3A_31 = tpu.memref_slice %arg2[%dma_wait3A_29, %dma_wait3A_30] : memref<4096x128xf32, #tpu.memory_space<hbm>> -> memref<128x128xf32, #tpu.memory_space<hbm>>
      %dma_wait3A_32 = arith.constant 0 : i32
      %dma_wait3A_33 = arith.constant 0 : i32
      %dma_wait3A_34 = tpu.memref_slice %arg2[%dma_wait3A_32, %dma_wait3A_33] : memref<4096x128xf32, #tpu.memory_space<hbm>> -> memref<128x128xf32, #tpu.memory_space<hbm>>
      tpu.wait_dma2 semaphore(%arg8 : memref<!tpu.dma_semaphore, #tpu.memory_space<semaphore_mem>>) src(%dma_wait3A_34 : memref<128x128xf32, #tpu.memory_space<hbm>>) dst(%arg6 : memref<128x128xf32, #tpu.memory_space<vmem>>)
      %mul3A_35 = arith.constant 128 : i32
      %mul3A_36 = arith.muli %add3A_28, %mul3A_35 : i32
      %add3A_37 = arith.addi %mul3A_2, %mul3A_36 : i32
      "tpu.region"() ({
        %run_scoped3A = tpu.sem_alloc : memref<!tpu.dma_semaphore, #tpu.memory_space<semaphore_mem>>
        %dma_start3A_62 = arith.constant 0 : i32
        %dma_start3A_63 = tpu.memref_slice %arg4[%add3A_37, %dma_start3A_62] : memref<86016x128xf32, #tpu.memory_space<hbm>> -> memref<128x128xf32, #tpu.memory_space<hbm>>
        %dma_start3A_64 = arith.constant 0 : i32
        %dma_start3A_65 = tpu.memref_slice %arg4[%add3A_37, %dma_start3A_64] : memref<86016x128xf32, #tpu.memory_space<hbm>> -> memref<128x128xf32, #tpu.memory_space<hbm>>
        tpu.enqueue_dma source(%arg6 : memref<128x128xf32, #tpu.memory_space<vmem>>) target(%dma_start3A_65 : memref<128x128xf32, #tpu.memory_space<hbm>>) target_semaphore(%run_scoped3A : memref<!tpu.dma_semaphore, #tpu.memory_space<semaphore_mem>>)
        %dma_wait3A_66 = arith.constant 0 : i32
        %dma_wait3A_67 = tpu.memref_slice %arg4[%add3A_37, %dma_wait3A_66] : memref<86016x128xf32, #tpu.memory_space<hbm>> -> memref<128x128xf32, #tpu.memory_space<hbm>>
        %dma_wait3A_68 = arith.constant 0 : i32
        %dma_wait3A_69 = tpu.memref_slice %arg4[%add3A_37, %dma_wait3A_68] : memref<86016x128xf32, #tpu.memory_space<hbm>> -> memref<128x128xf32, #tpu.memory_space<hbm>>
        tpu.wait_dma2 semaphore(%run_scoped3A : memref<!tpu.dma_semaphore, #tpu.memory_space<semaphore_mem>>) src(%arg6 : memref<128x128xf32, #tpu.memory_space<vmem>>) dst(%dma_wait3A_69 : memref<128x128xf32, #tpu.memory_space<hbm>>)
        tpu.yield
      }) : () -> ()
      %add3A_38 = arith.constant 2 : i32
      %add3A_39 = arith.addi %add3A_28, %add3A_38 : i32
      %lt3A = arith.constant 21 : i32
      %lt3A_40 = arith.cmpi slt, %add3A_39, %lt3A : i32
      %convert_element_type3A = arith.extui %lt3A_40 : i1 to i32
      %cond3A = arith.constant 0 : i32
      %cond3A_41 = arith.cmpi ne, %convert_element_type3A, %cond3A : i32
      scf.if %cond3A_41 {
        %add3A_62 = arith.constant 2 : i32
        %add3A_63 = arith.addi %add3A_28, %add3A_62 : i32
        %mul3A_64 = arith.constant 128 : i32
        %mul3A_65 = arith.muli %add3A_63, %mul3A_64 : i32
        %dma_start3A_66 = tpu.memref_slice %arg5[%mul3A_65] : memref<2688xi32, #tpu.memory_space<vmem>> -> memref<128xi32, #tpu.memory_space<vmem>>
        %dma_start3A_67 = arith.constant 0 : i32
        %dma_start3A_68 = arith.constant 0 : i32
        %dma_start3A_69 = tpu.memref_slice %arg2[%dma_start3A_67, %dma_start3A_68] : memref<4096x128xf32, #tpu.memory_space<hbm>> -> memref<4096x128xf32, #tpu.memory_space<hbm>>
        tpu.enqueue_indirect_dma source(%dma_start3A_69 : memref<4096x128xf32, #tpu.memory_space<hbm>>) target(%arg6 : memref<128x128xf32, #tpu.memory_space<vmem>>) offsets(%dma_start3A_66 : memref<128xi32, #tpu.memory_space<vmem>>) semaphore(%arg8 : memref<!tpu.dma_semaphore, #tpu.memory_space<semaphore_mem>>)
      } else {
      }
      %mul3A_42 = arith.constant 2 : i32
      %mul3A_43 = arith.muli %scan3A_24, %mul3A_42 : i32
      %add3A_44 = arith.constant 1 : i32
      %add3A_45 = arith.addi %mul3A_43, %add3A_44 : i32
      %dma_wait3A_46 = arith.constant 0 : i32
      %dma_wait3A_47 = arith.constant 0 : i32
      %dma_wait3A_48 = tpu.memref_slice %arg2[%dma_wait3A_46, %dma_wait3A_47] : memref<4096x128xf32, #tpu.memory_space<hbm>> -> memref<128x128xf32, #tpu.memory_space<hbm>>
      %dma_wait3A_49 = arith.constant 0 : i32
      %dma_wait3A_50 = arith.constant 0 : i32
      %dma_wait3A_51 = tpu.memref_slice %arg2[%dma_wait3A_49, %dma_wait3A_50] : memref<4096x128xf32, #tpu.memory_space<hbm>> -> memref<128x128xf32, #tpu.memory_space<hbm>>
      tpu.wait_dma2 semaphore(%arg9 : memref<!tpu.dma_semaphore, #tpu.memory_space<semaphore_mem>>) src(%dma_wait3A_51 : memref<128x128xf32, #tpu.memory_space<hbm>>) dst(%arg7 : memref<128x128xf32, #tpu.memory_space<vmem>>)
      %mul3A_52 = arith.constant 128 : i32
      %mul3A_53 = arith.muli %add3A_45, %mul3A_52 : i32
      %add3A_54 = arith.addi %mul3A_2, %mul3A_53 : i32
      "tpu.region"() ({
        %run_scoped3A = tpu.sem_alloc : memref<!tpu.dma_semaphore, #tpu.memory_space<semaphore_mem>>
        %dma_start3A_62 = arith.constant 0 : i32
        %dma_start3A_63 = tpu.memref_slice %arg4[%add3A_54, %dma_start3A_62] : memref<86016x128xf32, #tpu.memory_space<hbm>> -> memref<128x128xf32, #tpu.memory_space<hbm>>
        %dma_start3A_64 = arith.constant 0 : i32
        %dma_start3A_65 = tpu.memref_slice %arg4[%add3A_54, %dma_start3A_64] : memref<86016x128xf32, #tpu.memory_space<hbm>> -> memref<128x128xf32, #tpu.memory_space<hbm>>
        tpu.enqueue_dma source(%arg7 : memref<128x128xf32, #tpu.memory_space<vmem>>) target(%dma_start3A_65 : memref<128x128xf32, #tpu.memory_space<hbm>>) target_semaphore(%run_scoped3A : memref<!tpu.dma_semaphore, #tpu.memory_space<semaphore_mem>>)
        %dma_wait3A_66 = arith.constant 0 : i32
        %dma_wait3A_67 = tpu.memref_slice %arg4[%add3A_54, %dma_wait3A_66] : memref<86016x128xf32, #tpu.memory_space<hbm>> -> memref<128x128xf32, #tpu.memory_space<hbm>>
        %dma_wait3A_68 = arith.constant 0 : i32
        %dma_wait3A_69 = tpu.memref_slice %arg4[%add3A_54, %dma_wait3A_68] : memref<86016x128xf32, #tpu.memory_space<hbm>> -> memref<128x128xf32, #tpu.memory_space<hbm>>
        tpu.wait_dma2 semaphore(%run_scoped3A : memref<!tpu.dma_semaphore, #tpu.memory_space<semaphore_mem>>) src(%arg7 : memref<128x128xf32, #tpu.memory_space<vmem>>) dst(%dma_wait3A_69 : memref<128x128xf32, #tpu.memory_space<hbm>>)
        tpu.yield
      }) : () -> ()
      %add3A_55 = arith.constant 2 : i32
      %add3A_56 = arith.addi %add3A_45, %add3A_55 : i32
      %lt3A_57 = arith.constant 21 : i32
      %lt3A_58 = arith.cmpi slt, %add3A_56, %lt3A_57 : i32
      %convert_element_type3A_59 = arith.extui %lt3A_58 : i1 to i32
      %cond3A_60 = arith.constant 0 : i32
      %cond3A_61 = arith.cmpi ne, %convert_element_type3A_59, %cond3A_60 : i32
      scf.if %cond3A_61 {
        %add3A_62 = arith.constant 2 : i32
        %add3A_63 = arith.addi %add3A_45, %add3A_62 : i32
        %mul3A_64 = arith.constant 128 : i32
        %mul3A_65 = arith.muli %add3A_63, %mul3A_64 : i32
        %dma_start3A_66 = tpu.memref_slice %arg5[%mul3A_65] : memref<2688xi32, #tpu.memory_space<vmem>> -> memref<128xi32, #tpu.memory_space<vmem>>
        %dma_start3A_67 = arith.constant 0 : i32
        %dma_start3A_68 = arith.constant 0 : i32
        %dma_start3A_69 = tpu.memref_slice %arg2[%dma_start3A_67, %dma_start3A_68] : memref<4096x128xf32, #tpu.memory_space<hbm>> -> memref<4096x128xf32, #tpu.memory_space<hbm>>
        tpu.enqueue_indirect_dma source(%dma_start3A_69 : memref<4096x128xf32, #tpu.memory_space<hbm>>) target(%arg7 : memref<128x128xf32, #tpu.memory_space<vmem>>) offsets(%dma_start3A_66 : memref<128xi32, #tpu.memory_space<vmem>>) semaphore(%arg9 : memref<!tpu.dma_semaphore, #tpu.memory_space<semaphore_mem>>)
      } else {
      }
    }
    %scan3A_16 = arith.constant 10 : i32
    %dma_wait3A = arith.constant 0 : i32
    %dma_wait3A_17 = arith.constant 0 : i32
    %dma_wait3A_18 = tpu.memref_slice %arg2[%dma_wait3A, %dma_wait3A_17] : memref<4096x128xf32, #tpu.memory_space<hbm>> -> memref<128x128xf32, #tpu.memory_space<hbm>>
    %dma_wait3A_19 = arith.constant 0 : i32
    %dma_wait3A_20 = arith.constant 0 : i32
    %dma_wait3A_21 = tpu.memref_slice %arg2[%dma_wait3A_19, %dma_wait3A_20] : memref<4096x128xf32, #tpu.memory_space<hbm>> -> memref<128x128xf32, #tpu.memory_space<hbm>>
    tpu.wait_dma2 semaphore(%arg8 : memref<!tpu.dma_semaphore, #tpu.memory_space<semaphore_mem>>) src(%dma_wait3A_21 : memref<128x128xf32, #tpu.memory_space<hbm>>) dst(%arg6 : memref<128x128xf32, #tpu.memory_space<vmem>>)
    %add3A_22 = arith.constant 2560 : i32
    %add3A_23 = arith.addi %mul3A_2, %add3A_22 : i32
    "tpu.region"() ({
      %run_scoped3A = tpu.sem_alloc : memref<!tpu.dma_semaphore, #tpu.memory_space<semaphore_mem>>
      %dma_start3A_24 = arith.constant 0 : i32
      %dma_start3A_25 = tpu.memref_slice %arg4[%add3A_23, %dma_start3A_24] : memref<86016x128xf32, #tpu.memory_space<hbm>> -> memref<128x128xf32, #tpu.memory_space<hbm>>
      %dma_start3A_26 = arith.constant 0 : i32
      %dma_start3A_27 = tpu.memref_slice %arg4[%add3A_23, %dma_start3A_26] : memref<86016x128xf32, #tpu.memory_space<hbm>> -> memref<128x128xf32, #tpu.memory_space<hbm>>
      tpu.enqueue_dma source(%arg6 : memref<128x128xf32, #tpu.memory_space<vmem>>) target(%dma_start3A_27 : memref<128x128xf32, #tpu.memory_space<hbm>>) target_semaphore(%run_scoped3A : memref<!tpu.dma_semaphore, #tpu.memory_space<semaphore_mem>>)
      %dma_wait3A_28 = arith.constant 0 : i32
      %dma_wait3A_29 = tpu.memref_slice %arg4[%add3A_23, %dma_wait3A_28] : memref<86016x128xf32, #tpu.memory_space<hbm>> -> memref<128x128xf32, #tpu.memory_space<hbm>>
      %dma_wait3A_30 = arith.constant 0 : i32
      %dma_wait3A_31 = tpu.memref_slice %arg4[%add3A_23, %dma_wait3A_30] : memref<86016x128xf32, #tpu.memory_space<hbm>> -> memref<128x128xf32, #tpu.memory_space<hbm>>
      tpu.wait_dma2 semaphore(%run_scoped3A : memref<!tpu.dma_semaphore, #tpu.memory_space<semaphore_mem>>) src(%arg6 : memref<128x128xf32, #tpu.memory_space<vmem>>) dst(%dma_wait3A_31 : memref<128x128xf32, #tpu.memory_space<hbm>>)
      tpu.yield
    }) : () -> ()
    return
  }
}

#map = affine_map<(d0, d1) -> (0, 0)>
module attributes {stable_mosaic.version = 14 : i64} {
  func.func @k(%arg0: i32, %arg1: i32, %arg2: memref<4096x128xf32, #tpu.memory_space<hbm>>, %arg3: memref<32x2560xi32, #tpu.memory_space<hbm>>, %arg4: memref<81920x128xf32, #tpu.memory_space<hbm>>, %arg5: memref<2560xi32, #tpu.memory_space<vmem>>, %arg6: memref<128x128xf32, #tpu.memory_space<vmem>>, %arg7: memref<128x128xf32, #tpu.memory_space<vmem>>, %arg8: memref<!tpu.dma_semaphore, #tpu.memory_space<semaphore_mem>>, %arg9: memref<!tpu.dma_semaphore, #tpu.memory_space<semaphore_mem>>) attributes {dimension_semantics = [#tpu.dimension_semantics<core_parallel>, #tpu.dimension_semantics<subcore_parallel>], iteration_bounds = array<i64: 2, 16>, scalar_prefetch = 0 : i64, scratch_operands = 5 : i64, tpu.core_type = #tpu.core_type<sc_vector_subcore>, window_params = [{transform_indices = #map}, {transform_indices = #map}, {transform_indices = #map}]} {
    %mul3A = arith.constant 2 : i32
    %mul3A_0 = arith.muli %arg1, %mul3A : i32
    %add3A = arith.addi %mul3A_0, %arg0 : i32
    "tpu.region"() ({
      %run_scoped3A = tpu.sem_alloc : memref<!tpu.dma_semaphore, #tpu.memory_space<semaphore_mem>>
      %dma_start3A_17 = arith.constant 0 : i32
      %dma_start3A_18 = tpu.memref_slice %arg3[%add3A, %dma_start3A_17] : memref<32x2560xi32, #tpu.memory_space<hbm>> -> memref<1x2560xi32, #tpu.memory_space<hbm>>
      %dma_start3A_19 = tpu.memref_squeeze %dma_start3A_18 : memref<1x2560xi32, #tpu.memory_space<hbm>> -> memref<2560xi32, #tpu.memory_space<hbm>>
      %dma_start3A_20 = arith.constant 0 : i32
      %dma_start3A_21 = tpu.memref_slice %arg3[%add3A, %dma_start3A_20] : memref<32x2560xi32, #tpu.memory_space<hbm>> -> memref<1x2560xi32, #tpu.memory_space<hbm>>
      %dma_start3A_22 = tpu.memref_squeeze %dma_start3A_21 : memref<1x2560xi32, #tpu.memory_space<hbm>> -> memref<2560xi32, #tpu.memory_space<hbm>>
      tpu.enqueue_dma source(%dma_start3A_22 : memref<2560xi32, #tpu.memory_space<hbm>>) target(%arg5 : memref<2560xi32, #tpu.memory_space<vmem>>) target_semaphore(%run_scoped3A : memref<!tpu.dma_semaphore, #tpu.memory_space<semaphore_mem>>)
      %dma_wait3A = arith.constant 0 : i32
      %dma_wait3A_23 = tpu.memref_slice %arg3[%add3A, %dma_wait3A] : memref<32x2560xi32, #tpu.memory_space<hbm>> -> memref<1x2560xi32, #tpu.memory_space<hbm>>
      %dma_wait3A_24 = tpu.memref_squeeze %dma_wait3A_23 : memref<1x2560xi32, #tpu.memory_space<hbm>> -> memref<2560xi32, #tpu.memory_space<hbm>>
      %dma_wait3A_25 = arith.constant 0 : i32
      %dma_wait3A_26 = tpu.memref_slice %arg3[%add3A, %dma_wait3A_25] : memref<32x2560xi32, #tpu.memory_space<hbm>> -> memref<1x2560xi32, #tpu.memory_space<hbm>>
      %dma_wait3A_27 = tpu.memref_squeeze %dma_wait3A_26 : memref<1x2560xi32, #tpu.memory_space<hbm>> -> memref<2560xi32, #tpu.memory_space<hbm>>
      tpu.wait_dma2 semaphore(%run_scoped3A : memref<!tpu.dma_semaphore, #tpu.memory_space<semaphore_mem>>) src(%dma_wait3A_27 : memref<2560xi32, #tpu.memory_space<hbm>>) dst(%arg5 : memref<2560xi32, #tpu.memory_space<vmem>>)
      tpu.yield
    }) : () -> ()
    %mul3A_1 = arith.constant 2560 : i32
    %mul3A_2 = arith.muli %add3A, %mul3A_1 : i32
    %dma_start3A = arith.constant 0 : i32
    %dma_start3A_3 = tpu.memref_slice %arg5[%dma_start3A] : memref<2560xi32, #tpu.memory_space<vmem>> -> memref<128xi32, #tpu.memory_space<vmem>>
    %dma_start3A_4 = arith.constant 0 : i32
    %dma_start3A_5 = arith.constant 0 : i32
    %dma_start3A_6 = tpu.memref_slice %arg2[%dma_start3A_4, %dma_start3A_5] : memref<4096x128xf32, #tpu.memory_space<hbm>> -> memref<4096x128xf32, #tpu.memory_space<hbm>>
    tpu.enqueue_indirect_dma source(%dma_start3A_6 : memref<4096x128xf32, #tpu.memory_space<hbm>>) target(%arg6 : memref<128x128xf32, #tpu.memory_space<vmem>>) offsets(%dma_start3A_3 : memref<128xi32, #tpu.memory_space<vmem>>) semaphore(%arg8 : memref<!tpu.dma_semaphore, #tpu.memory_space<semaphore_mem>>)
    %dma_start3A_7 = arith.constant 128 : i32
    %dma_start3A_8 = tpu.memref_slice %arg5[%dma_start3A_7] : memref<2560xi32, #tpu.memory_space<vmem>> -> memref<128xi32, #tpu.memory_space<vmem>>
    %dma_start3A_9 = arith.constant 0 : i32
    %dma_start3A_10 = arith.constant 0 : i32
    %dma_start3A_11 = tpu.memref_slice %arg2[%dma_start3A_9, %dma_start3A_10] : memref<4096x128xf32, #tpu.memory_space<hbm>> -> memref<4096x128xf32, #tpu.memory_space<hbm>>
    tpu.enqueue_indirect_dma source(%dma_start3A_11 : memref<4096x128xf32, #tpu.memory_space<hbm>>) target(%arg7 : memref<128x128xf32, #tpu.memory_space<vmem>>) offsets(%dma_start3A_8 : memref<128xi32, #tpu.memory_space<vmem>>) semaphore(%arg9 : memref<!tpu.dma_semaphore, #tpu.memory_space<semaphore_mem>>)
    %scan3A = arith.constant 0 : i32
    %scan3A_12 = arith.constant 0 : i32
    %scan3A_13 = arith.constant 10 : i32
    %scan3A_14 = arith.addi %scan3A_12, %scan3A_13 : i32
    %scan3A_15 = arith.constant 1 : i32
    scf.for %scan3A_17 = %scan3A_12 to %scan3A_14 step %scan3A_15  : i32 {
      %mul3A_18 = arith.constant 2 : i32
      %mul3A_19 = arith.muli %scan3A_17, %mul3A_18 : i32
      %add3A_20 = arith.constant 0 : i32
      %add3A_21 = arith.addi %mul3A_19, %add3A_20 : i32
      %dma_wait3A = arith.constant 0 : i32
      %dma_wait3A_22 = arith.constant 0 : i32
      %dma_wait3A_23 = tpu.memref_slice %arg2[%dma_wait3A, %dma_wait3A_22] : memref<4096x128xf32, #tpu.memory_space<hbm>> -> memref<128x128xf32, #tpu.memory_space<hbm>>
      %dma_wait3A_24 = arith.constant 0 : i32
      %dma_wait3A_25 = arith.constant 0 : i32
      %dma_wait3A_26 = tpu.memref_slice %arg2[%dma_wait3A_24, %dma_wait3A_25] : memref<4096x128xf32, #tpu.memory_space<hbm>> -> memref<128x128xf32, #tpu.memory_space<hbm>>
      tpu.wait_dma2 semaphore(%arg8 : memref<!tpu.dma_semaphore, #tpu.memory_space<semaphore_mem>>) src(%dma_wait3A_26 : memref<128x128xf32, #tpu.memory_space<hbm>>) dst(%arg6 : memref<128x128xf32, #tpu.memory_space<vmem>>)
      %mul3A_27 = arith.constant 128 : i32
      %mul3A_28 = arith.muli %add3A_21, %mul3A_27 : i32
      %add3A_29 = arith.addi %mul3A_2, %mul3A_28 : i32
      "tpu.region"() ({
        %run_scoped3A = tpu.sem_alloc : memref<!tpu.dma_semaphore, #tpu.memory_space<semaphore_mem>>
        %dma_start3A_54 = arith.constant 0 : i32
        %dma_start3A_55 = tpu.memref_slice %arg4[%add3A_29, %dma_start3A_54] : memref<81920x128xf32, #tpu.memory_space<hbm>> -> memref<128x128xf32, #tpu.memory_space<hbm>>
        %dma_start3A_56 = arith.constant 0 : i32
        %dma_start3A_57 = tpu.memref_slice %arg4[%add3A_29, %dma_start3A_56] : memref<81920x128xf32, #tpu.memory_space<hbm>> -> memref<128x128xf32, #tpu.memory_space<hbm>>
        tpu.enqueue_dma source(%arg6 : memref<128x128xf32, #tpu.memory_space<vmem>>) target(%dma_start3A_57 : memref<128x128xf32, #tpu.memory_space<hbm>>) target_semaphore(%run_scoped3A : memref<!tpu.dma_semaphore, #tpu.memory_space<semaphore_mem>>)
        %dma_wait3A_58 = arith.constant 0 : i32
        %dma_wait3A_59 = tpu.memref_slice %arg4[%add3A_29, %dma_wait3A_58] : memref<81920x128xf32, #tpu.memory_space<hbm>> -> memref<128x128xf32, #tpu.memory_space<hbm>>
        %dma_wait3A_60 = arith.constant 0 : i32
        %dma_wait3A_61 = tpu.memref_slice %arg4[%add3A_29, %dma_wait3A_60] : memref<81920x128xf32, #tpu.memory_space<hbm>> -> memref<128x128xf32, #tpu.memory_space<hbm>>
        tpu.wait_dma2 semaphore(%run_scoped3A : memref<!tpu.dma_semaphore, #tpu.memory_space<semaphore_mem>>) src(%arg6 : memref<128x128xf32, #tpu.memory_space<vmem>>) dst(%dma_wait3A_61 : memref<128x128xf32, #tpu.memory_space<hbm>>)
        tpu.yield
      }) : () -> ()
      %add3A_30 = arith.constant 2 : i32
      %add3A_31 = arith.addi %add3A_21, %add3A_30 : i32
      %lt3A = arith.constant 20 : i32
      %lt3A_32 = arith.cmpi slt, %add3A_31, %lt3A : i32
      %convert_element_type3A = arith.extui %lt3A_32 : i1 to i32
      %cond3A = arith.constant 0 : i32
      %cond3A_33 = arith.cmpi ne, %convert_element_type3A, %cond3A : i32
      scf.if %cond3A_33 {
        %add3A_54 = arith.constant 2 : i32
        %add3A_55 = arith.addi %add3A_21, %add3A_54 : i32
        %mul3A_56 = arith.constant 128 : i32
        %mul3A_57 = arith.muli %add3A_55, %mul3A_56 : i32
        %dma_start3A_58 = tpu.memref_slice %arg5[%mul3A_57] : memref<2560xi32, #tpu.memory_space<vmem>> -> memref<128xi32, #tpu.memory_space<vmem>>
        %dma_start3A_59 = arith.constant 0 : i32
        %dma_start3A_60 = arith.constant 0 : i32
        %dma_start3A_61 = tpu.memref_slice %arg2[%dma_start3A_59, %dma_start3A_60] : memref<4096x128xf32, #tpu.memory_space<hbm>> -> memref<4096x128xf32, #tpu.memory_space<hbm>>
        tpu.enqueue_indirect_dma source(%dma_start3A_61 : memref<4096x128xf32, #tpu.memory_space<hbm>>) target(%arg6 : memref<128x128xf32, #tpu.memory_space<vmem>>) offsets(%dma_start3A_58 : memref<128xi32, #tpu.memory_space<vmem>>) semaphore(%arg8 : memref<!tpu.dma_semaphore, #tpu.memory_space<semaphore_mem>>)
      } else {
      }
      %mul3A_34 = arith.constant 2 : i32
      %mul3A_35 = arith.muli %scan3A_17, %mul3A_34 : i32
      %add3A_36 = arith.constant 1 : i32
      %add3A_37 = arith.addi %mul3A_35, %add3A_36 : i32
      %dma_wait3A_38 = arith.constant 0 : i32
      %dma_wait3A_39 = arith.constant 0 : i32
      %dma_wait3A_40 = tpu.memref_slice %arg2[%dma_wait3A_38, %dma_wait3A_39] : memref<4096x128xf32, #tpu.memory_space<hbm>> -> memref<128x128xf32, #tpu.memory_space<hbm>>
      %dma_wait3A_41 = arith.constant 0 : i32
      %dma_wait3A_42 = arith.constant 0 : i32
      %dma_wait3A_43 = tpu.memref_slice %arg2[%dma_wait3A_41, %dma_wait3A_42] : memref<4096x128xf32, #tpu.memory_space<hbm>> -> memref<128x128xf32, #tpu.memory_space<hbm>>
      tpu.wait_dma2 semaphore(%arg9 : memref<!tpu.dma_semaphore, #tpu.memory_space<semaphore_mem>>) src(%dma_wait3A_43 : memref<128x128xf32, #tpu.memory_space<hbm>>) dst(%arg7 : memref<128x128xf32, #tpu.memory_space<vmem>>)
      %mul3A_44 = arith.constant 128 : i32
      %mul3A_45 = arith.muli %add3A_37, %mul3A_44 : i32
      %add3A_46 = arith.addi %mul3A_2, %mul3A_45 : i32
      "tpu.region"() ({
        %run_scoped3A = tpu.sem_alloc : memref<!tpu.dma_semaphore, #tpu.memory_space<semaphore_mem>>
        %dma_start3A_54 = arith.constant 0 : i32
        %dma_start3A_55 = tpu.memref_slice %arg4[%add3A_46, %dma_start3A_54] : memref<81920x128xf32, #tpu.memory_space<hbm>> -> memref<128x128xf32, #tpu.memory_space<hbm>>
        %dma_start3A_56 = arith.constant 0 : i32
        %dma_start3A_57 = tpu.memref_slice %arg4[%add3A_46, %dma_start3A_56] : memref<81920x128xf32, #tpu.memory_space<hbm>> -> memref<128x128xf32, #tpu.memory_space<hbm>>
        tpu.enqueue_dma source(%arg7 : memref<128x128xf32, #tpu.memory_space<vmem>>) target(%dma_start3A_57 : memref<128x128xf32, #tpu.memory_space<hbm>>) target_semaphore(%run_scoped3A : memref<!tpu.dma_semaphore, #tpu.memory_space<semaphore_mem>>)
        %dma_wait3A_58 = arith.constant 0 : i32
        %dma_wait3A_59 = tpu.memref_slice %arg4[%add3A_46, %dma_wait3A_58] : memref<81920x128xf32, #tpu.memory_space<hbm>> -> memref<128x128xf32, #tpu.memory_space<hbm>>
        %dma_wait3A_60 = arith.constant 0 : i32
        %dma_wait3A_61 = tpu.memref_slice %arg4[%add3A_46, %dma_wait3A_60] : memref<81920x128xf32, #tpu.memory_space<hbm>> -> memref<128x128xf32, #tpu.memory_space<hbm>>
        tpu.wait_dma2 semaphore(%run_scoped3A : memref<!tpu.dma_semaphore, #tpu.memory_space<semaphore_mem>>) src(%arg7 : memref<128x128xf32, #tpu.memory_space<vmem>>) dst(%dma_wait3A_61 : memref<128x128xf32, #tpu.memory_space<hbm>>)
        tpu.yield
      }) : () -> ()
      %add3A_47 = arith.constant 2 : i32
      %add3A_48 = arith.addi %add3A_37, %add3A_47 : i32
      %lt3A_49 = arith.constant 20 : i32
      %lt3A_50 = arith.cmpi slt, %add3A_48, %lt3A_49 : i32
      %convert_element_type3A_51 = arith.extui %lt3A_50 : i1 to i32
      %cond3A_52 = arith.constant 0 : i32
      %cond3A_53 = arith.cmpi ne, %convert_element_type3A_51, %cond3A_52 : i32
      scf.if %cond3A_53 {
        %add3A_54 = arith.constant 2 : i32
        %add3A_55 = arith.addi %add3A_37, %add3A_54 : i32
        %mul3A_56 = arith.constant 128 : i32
        %mul3A_57 = arith.muli %add3A_55, %mul3A_56 : i32
        %dma_start3A_58 = tpu.memref_slice %arg5[%mul3A_57] : memref<2560xi32, #tpu.memory_space<vmem>> -> memref<128xi32, #tpu.memory_space<vmem>>
        %dma_start3A_59 = arith.constant 0 : i32
        %dma_start3A_60 = arith.constant 0 : i32
        %dma_start3A_61 = tpu.memref_slice %arg2[%dma_start3A_59, %dma_start3A_60] : memref<4096x128xf32, #tpu.memory_space<hbm>> -> memref<4096x128xf32, #tpu.memory_space<hbm>>
        tpu.enqueue_indirect_dma source(%dma_start3A_61 : memref<4096x128xf32, #tpu.memory_space<hbm>>) target(%arg7 : memref<128x128xf32, #tpu.memory_space<vmem>>) offsets(%dma_start3A_58 : memref<128xi32, #tpu.memory_space<vmem>>) semaphore(%arg9 : memref<!tpu.dma_semaphore, #tpu.memory_space<semaphore_mem>>)
      } else {
      }
    }
    %scan3A_16 = arith.constant 10 : i32
    return
  }
}

#map = affine_map<(d0, d1) -> (0, 0)>
module attributes {stable_mosaic.version = 14 : i64} {
  func.func @k(%arg0: i32, %arg1: i32, %arg2: memref<4096x256xf32, #tpu.memory_space<hbm>>, %arg3: memref<32x2048xi32, #tpu.memory_space<hbm>>, %arg4: memref<65536x256xf32, #tpu.memory_space<hbm>>, %arg5: memref<2048xi32, #tpu.memory_space<vmem>>, %arg6: memref<128x256xf32, #tpu.memory_space<vmem>>, %arg7: memref<128x256xf32, #tpu.memory_space<vmem>>, %arg8: memref<!tpu.dma_semaphore, #tpu.memory_space<semaphore_mem>>, %arg9: memref<!tpu.dma_semaphore, #tpu.memory_space<semaphore_mem>>) attributes {dimension_semantics = [#tpu.dimension_semantics<core_parallel>, #tpu.dimension_semantics<subcore_parallel>], iteration_bounds = array<i64: 2, 16>, scalar_prefetch = 0 : i64, scratch_operands = 5 : i64, tpu.core_type = #tpu.core_type<sc_vector_subcore>, window_params = [{transform_indices = #map}, {transform_indices = #map}, {transform_indices = #map}]} {
    %mul3A = arith.constant 2 : i32
    %mul3A_0 = arith.muli %arg1, %mul3A : i32
    %add3A = arith.addi %mul3A_0, %arg0 : i32
    "tpu.region"() ({
      %run_scoped3A = tpu.sem_alloc : memref<!tpu.dma_semaphore, #tpu.memory_space<semaphore_mem>>
      %dma_start3A_17 = arith.constant 0 : i32
      %dma_start3A_18 = tpu.memref_slice %arg3[%add3A, %dma_start3A_17] : memref<32x2048xi32, #tpu.memory_space<hbm>> -> memref<1x2048xi32, #tpu.memory_space<hbm>>
      %dma_start3A_19 = tpu.memref_squeeze %dma_start3A_18 : memref<1x2048xi32, #tpu.memory_space<hbm>> -> memref<2048xi32, #tpu.memory_space<hbm>>
      %dma_start3A_20 = arith.constant 0 : i32
      %dma_start3A_21 = tpu.memref_slice %arg3[%add3A, %dma_start3A_20] : memref<32x2048xi32, #tpu.memory_space<hbm>> -> memref<1x2048xi32, #tpu.memory_space<hbm>>
      %dma_start3A_22 = tpu.memref_squeeze %dma_start3A_21 : memref<1x2048xi32, #tpu.memory_space<hbm>> -> memref<2048xi32, #tpu.memory_space<hbm>>
      tpu.enqueue_dma source(%dma_start3A_22 : memref<2048xi32, #tpu.memory_space<hbm>>) target(%arg5 : memref<2048xi32, #tpu.memory_space<vmem>>) target_semaphore(%run_scoped3A : memref<!tpu.dma_semaphore, #tpu.memory_space<semaphore_mem>>)
      %dma_wait3A = arith.constant 0 : i32
      %dma_wait3A_23 = tpu.memref_slice %arg3[%add3A, %dma_wait3A] : memref<32x2048xi32, #tpu.memory_space<hbm>> -> memref<1x2048xi32, #tpu.memory_space<hbm>>
      %dma_wait3A_24 = tpu.memref_squeeze %dma_wait3A_23 : memref<1x2048xi32, #tpu.memory_space<hbm>> -> memref<2048xi32, #tpu.memory_space<hbm>>
      %dma_wait3A_25 = arith.constant 0 : i32
      %dma_wait3A_26 = tpu.memref_slice %arg3[%add3A, %dma_wait3A_25] : memref<32x2048xi32, #tpu.memory_space<hbm>> -> memref<1x2048xi32, #tpu.memory_space<hbm>>
      %dma_wait3A_27 = tpu.memref_squeeze %dma_wait3A_26 : memref<1x2048xi32, #tpu.memory_space<hbm>> -> memref<2048xi32, #tpu.memory_space<hbm>>
      tpu.wait_dma2 semaphore(%run_scoped3A : memref<!tpu.dma_semaphore, #tpu.memory_space<semaphore_mem>>) src(%dma_wait3A_27 : memref<2048xi32, #tpu.memory_space<hbm>>) dst(%arg5 : memref<2048xi32, #tpu.memory_space<vmem>>)
      tpu.yield
    }) : () -> ()
    %mul3A_1 = arith.constant 2048 : i32
    %mul3A_2 = arith.muli %add3A, %mul3A_1 : i32
    %dma_start3A = arith.constant 0 : i32
    %dma_start3A_3 = tpu.memref_slice %arg5[%dma_start3A] : memref<2048xi32, #tpu.memory_space<vmem>> -> memref<128xi32, #tpu.memory_space<vmem>>
    %dma_start3A_4 = arith.constant 0 : i32
    %dma_start3A_5 = arith.constant 0 : i32
    %dma_start3A_6 = tpu.memref_slice %arg2[%dma_start3A_4, %dma_start3A_5] : memref<4096x256xf32, #tpu.memory_space<hbm>> -> memref<4096x256xf32, #tpu.memory_space<hbm>>
    tpu.enqueue_indirect_dma source(%dma_start3A_6 : memref<4096x256xf32, #tpu.memory_space<hbm>>) target(%arg6 : memref<128x256xf32, #tpu.memory_space<vmem>>) offsets(%dma_start3A_3 : memref<128xi32, #tpu.memory_space<vmem>>) semaphore(%arg8 : memref<!tpu.dma_semaphore, #tpu.memory_space<semaphore_mem>>)
    %dma_start3A_7 = arith.constant 128 : i32
    %dma_start3A_8 = tpu.memref_slice %arg5[%dma_start3A_7] : memref<2048xi32, #tpu.memory_space<vmem>> -> memref<128xi32, #tpu.memory_space<vmem>>
    %dma_start3A_9 = arith.constant 0 : i32
    %dma_start3A_10 = arith.constant 0 : i32
    %dma_start3A_11 = tpu.memref_slice %arg2[%dma_start3A_9, %dma_start3A_10] : memref<4096x256xf32, #tpu.memory_space<hbm>> -> memref<4096x256xf32, #tpu.memory_space<hbm>>
    tpu.enqueue_indirect_dma source(%dma_start3A_11 : memref<4096x256xf32, #tpu.memory_space<hbm>>) target(%arg7 : memref<128x256xf32, #tpu.memory_space<vmem>>) offsets(%dma_start3A_8 : memref<128xi32, #tpu.memory_space<vmem>>) semaphore(%arg9 : memref<!tpu.dma_semaphore, #tpu.memory_space<semaphore_mem>>)
    %scan3A = arith.constant 0 : i32
    %scan3A_12 = arith.constant 0 : i32
    %scan3A_13 = arith.constant 8 : i32
    %scan3A_14 = arith.addi %scan3A_12, %scan3A_13 : i32
    %scan3A_15 = arith.constant 1 : i32
    scf.for %scan3A_17 = %scan3A_12 to %scan3A_14 step %scan3A_15  : i32 {
      %mul3A_18 = arith.constant 2 : i32
      %mul3A_19 = arith.muli %scan3A_17, %mul3A_18 : i32
      %add3A_20 = arith.constant 0 : i32
      %add3A_21 = arith.addi %mul3A_19, %add3A_20 : i32
      %dma_wait3A = arith.constant 0 : i32
      %dma_wait3A_22 = arith.constant 0 : i32
      %dma_wait3A_23 = tpu.memref_slice %arg2[%dma_wait3A, %dma_wait3A_22] : memref<4096x256xf32, #tpu.memory_space<hbm>> -> memref<128x256xf32, #tpu.memory_space<hbm>>
      %dma_wait3A_24 = arith.constant 0 : i32
      %dma_wait3A_25 = arith.constant 0 : i32
      %dma_wait3A_26 = tpu.memref_slice %arg2[%dma_wait3A_24, %dma_wait3A_25] : memref<4096x256xf32, #tpu.memory_space<hbm>> -> memref<128x256xf32, #tpu.memory_space<hbm>>
      tpu.wait_dma2 semaphore(%arg8 : memref<!tpu.dma_semaphore, #tpu.memory_space<semaphore_mem>>) src(%dma_wait3A_26 : memref<128x256xf32, #tpu.memory_space<hbm>>) dst(%arg6 : memref<128x256xf32, #tpu.memory_space<vmem>>)
      %mul3A_27 = arith.constant 128 : i32
      %mul3A_28 = arith.muli %add3A_21, %mul3A_27 : i32
      %add3A_29 = arith.addi %mul3A_2, %mul3A_28 : i32
      "tpu.region"() ({
        %run_scoped3A = tpu.sem_alloc : memref<!tpu.dma_semaphore, #tpu.memory_space<semaphore_mem>>
        %dma_start3A_54 = arith.constant 0 : i32
        %dma_start3A_55 = tpu.memref_slice %arg4[%add3A_29, %dma_start3A_54] : memref<65536x256xf32, #tpu.memory_space<hbm>> -> memref<128x256xf32, #tpu.memory_space<hbm>>
        %dma_start3A_56 = arith.constant 0 : i32
        %dma_start3A_57 = tpu.memref_slice %arg4[%add3A_29, %dma_start3A_56] : memref<65536x256xf32, #tpu.memory_space<hbm>> -> memref<128x256xf32, #tpu.memory_space<hbm>>
        tpu.enqueue_dma source(%arg6 : memref<128x256xf32, #tpu.memory_space<vmem>>) target(%dma_start3A_57 : memref<128x256xf32, #tpu.memory_space<hbm>>) target_semaphore(%run_scoped3A : memref<!tpu.dma_semaphore, #tpu.memory_space<semaphore_mem>>)
        %dma_wait3A_58 = arith.constant 0 : i32
        %dma_wait3A_59 = tpu.memref_slice %arg4[%add3A_29, %dma_wait3A_58] : memref<65536x256xf32, #tpu.memory_space<hbm>> -> memref<128x256xf32, #tpu.memory_space<hbm>>
        %dma_wait3A_60 = arith.constant 0 : i32
        %dma_wait3A_61 = tpu.memref_slice %arg4[%add3A_29, %dma_wait3A_60] : memref<65536x256xf32, #tpu.memory_space<hbm>> -> memref<128x256xf32, #tpu.memory_space<hbm>>
        tpu.wait_dma2 semaphore(%run_scoped3A : memref<!tpu.dma_semaphore, #tpu.memory_space<semaphore_mem>>) src(%arg6 : memref<128x256xf32, #tpu.memory_space<vmem>>) dst(%dma_wait3A_61 : memref<128x256xf32, #tpu.memory_space<hbm>>)
        tpu.yield
      }) : () -> ()
      %add3A_30 = arith.constant 2 : i32
      %add3A_31 = arith.addi %add3A_21, %add3A_30 : i32
      %lt3A = arith.constant 16 : i32
      %lt3A_32 = arith.cmpi slt, %add3A_31, %lt3A : i32
      %convert_element_type3A = arith.extui %lt3A_32 : i1 to i32
      %cond3A = arith.constant 0 : i32
      %cond3A_33 = arith.cmpi ne, %convert_element_type3A, %cond3A : i32
      scf.if %cond3A_33 {
        %add3A_54 = arith.constant 2 : i32
        %add3A_55 = arith.addi %add3A_21, %add3A_54 : i32
        %mul3A_56 = arith.constant 128 : i32
        %mul3A_57 = arith.muli %add3A_55, %mul3A_56 : i32
        %dma_start3A_58 = tpu.memref_slice %arg5[%mul3A_57] : memref<2048xi32, #tpu.memory_space<vmem>> -> memref<128xi32, #tpu.memory_space<vmem>>
        %dma_start3A_59 = arith.constant 0 : i32
        %dma_start3A_60 = arith.constant 0 : i32
        %dma_start3A_61 = tpu.memref_slice %arg2[%dma_start3A_59, %dma_start3A_60] : memref<4096x256xf32, #tpu.memory_space<hbm>> -> memref<4096x256xf32, #tpu.memory_space<hbm>>
        tpu.enqueue_indirect_dma source(%dma_start3A_61 : memref<4096x256xf32, #tpu.memory_space<hbm>>) target(%arg6 : memref<128x256xf32, #tpu.memory_space<vmem>>) offsets(%dma_start3A_58 : memref<128xi32, #tpu.memory_space<vmem>>) semaphore(%arg8 : memref<!tpu.dma_semaphore, #tpu.memory_space<semaphore_mem>>)
      } else {
      }
      %mul3A_34 = arith.constant 2 : i32
      %mul3A_35 = arith.muli %scan3A_17, %mul3A_34 : i32
      %add3A_36 = arith.constant 1 : i32
      %add3A_37 = arith.addi %mul3A_35, %add3A_36 : i32
      %dma_wait3A_38 = arith.constant 0 : i32
      %dma_wait3A_39 = arith.constant 0 : i32
      %dma_wait3A_40 = tpu.memref_slice %arg2[%dma_wait3A_38, %dma_wait3A_39] : memref<4096x256xf32, #tpu.memory_space<hbm>> -> memref<128x256xf32, #tpu.memory_space<hbm>>
      %dma_wait3A_41 = arith.constant 0 : i32
      %dma_wait3A_42 = arith.constant 0 : i32
      %dma_wait3A_43 = tpu.memref_slice %arg2[%dma_wait3A_41, %dma_wait3A_42] : memref<4096x256xf32, #tpu.memory_space<hbm>> -> memref<128x256xf32, #tpu.memory_space<hbm>>
      tpu.wait_dma2 semaphore(%arg9 : memref<!tpu.dma_semaphore, #tpu.memory_space<semaphore_mem>>) src(%dma_wait3A_43 : memref<128x256xf32, #tpu.memory_space<hbm>>) dst(%arg7 : memref<128x256xf32, #tpu.memory_space<vmem>>)
      %mul3A_44 = arith.constant 128 : i32
      %mul3A_45 = arith.muli %add3A_37, %mul3A_44 : i32
      %add3A_46 = arith.addi %mul3A_2, %mul3A_45 : i32
      "tpu.region"() ({
        %run_scoped3A = tpu.sem_alloc : memref<!tpu.dma_semaphore, #tpu.memory_space<semaphore_mem>>
        %dma_start3A_54 = arith.constant 0 : i32
        %dma_start3A_55 = tpu.memref_slice %arg4[%add3A_46, %dma_start3A_54] : memref<65536x256xf32, #tpu.memory_space<hbm>> -> memref<128x256xf32, #tpu.memory_space<hbm>>
        %dma_start3A_56 = arith.constant 0 : i32
        %dma_start3A_57 = tpu.memref_slice %arg4[%add3A_46, %dma_start3A_56] : memref<65536x256xf32, #tpu.memory_space<hbm>> -> memref<128x256xf32, #tpu.memory_space<hbm>>
        tpu.enqueue_dma source(%arg7 : memref<128x256xf32, #tpu.memory_space<vmem>>) target(%dma_start3A_57 : memref<128x256xf32, #tpu.memory_space<hbm>>) target_semaphore(%run_scoped3A : memref<!tpu.dma_semaphore, #tpu.memory_space<semaphore_mem>>)
        %dma_wait3A_58 = arith.constant 0 : i32
        %dma_wait3A_59 = tpu.memref_slice %arg4[%add3A_46, %dma_wait3A_58] : memref<65536x256xf32, #tpu.memory_space<hbm>> -> memref<128x256xf32, #tpu.memory_space<hbm>>
        %dma_wait3A_60 = arith.constant 0 : i32
        %dma_wait3A_61 = tpu.memref_slice %arg4[%add3A_46, %dma_wait3A_60] : memref<65536x256xf32, #tpu.memory_space<hbm>> -> memref<128x256xf32, #tpu.memory_space<hbm>>
        tpu.wait_dma2 semaphore(%run_scoped3A : memref<!tpu.dma_semaphore, #tpu.memory_space<semaphore_mem>>) src(%arg7 : memref<128x256xf32, #tpu.memory_space<vmem>>) dst(%dma_wait3A_61 : memref<128x256xf32, #tpu.memory_space<hbm>>)
        tpu.yield
      }) : () -> ()
      %add3A_47 = arith.constant 2 : i32
      %add3A_48 = arith.addi %add3A_37, %add3A_47 : i32
      %lt3A_49 = arith.constant 16 : i32
      %lt3A_50 = arith.cmpi slt, %add3A_48, %lt3A_49 : i32
      %convert_element_type3A_51 = arith.extui %lt3A_50 : i1 to i32
      %cond3A_52 = arith.constant 0 : i32
      %cond3A_53 = arith.cmpi ne, %convert_element_type3A_51, %cond3A_52 : i32
      scf.if %cond3A_53 {
        %add3A_54 = arith.constant 2 : i32
        %add3A_55 = arith.addi %add3A_37, %add3A_54 : i32
        %mul3A_56 = arith.constant 128 : i32
        %mul3A_57 = arith.muli %add3A_55, %mul3A_56 : i32
        %dma_start3A_58 = tpu.memref_slice %arg5[%mul3A_57] : memref<2048xi32, #tpu.memory_space<vmem>> -> memref<128xi32, #tpu.memory_space<vmem>>
        %dma_start3A_59 = arith.constant 0 : i32
        %dma_start3A_60 = arith.constant 0 : i32
        %dma_start3A_61 = tpu.memref_slice %arg2[%dma_start3A_59, %dma_start3A_60] : memref<4096x256xf32, #tpu.memory_space<hbm>> -> memref<4096x256xf32, #tpu.memory_space<hbm>>
        tpu.enqueue_indirect_dma source(%dma_start3A_61 : memref<4096x256xf32, #tpu.memory_space<hbm>>) target(%arg7 : memref<128x256xf32, #tpu.memory_space<vmem>>) offsets(%dma_start3A_58 : memref<128xi32, #tpu.memory_space<vmem>>) semaphore(%arg9 : memref<!tpu.dma_semaphore, #tpu.memory_space<semaphore_mem>>)
      } else {
      }
    }
    %scan3A_16 = arith.constant 8 : i32
    return
  }
}

#map = affine_map<(d0, d1) -> (0, 0)>
module attributes {stable_mosaic.version = 14 : i64} {
  func.func @k(%arg0: i32, %arg1: i32, %arg2: memref<4096x256xf32, #tpu.memory_space<hbm>>, %arg3: memref<32x2048xi32, #tpu.memory_space<hbm>>, %arg4: memref<65536x256xf32, #tpu.memory_space<hbm>>, %arg5: memref<2048xi32, #tpu.memory_space<vmem>>, %arg6: memref<128x256xf32, #tpu.memory_space<vmem>>, %arg7: memref<128x256xf32, #tpu.memory_space<vmem>>, %arg8: memref<!tpu.dma_semaphore, #tpu.memory_space<semaphore_mem>>, %arg9: memref<!tpu.dma_semaphore, #tpu.memory_space<semaphore_mem>>) attributes {dimension_semantics = [#tpu.dimension_semantics<core_parallel>, #tpu.dimension_semantics<subcore_parallel>], iteration_bounds = array<i64: 2, 16>, scalar_prefetch = 0 : i64, scratch_operands = 5 : i64, tpu.core_type = #tpu.core_type<sc_vector_subcore>, window_params = [{transform_indices = #map}, {transform_indices = #map}, {transform_indices = #map}]} {
    %mul3A = arith.constant 2 : i32
    %mul3A_0 = arith.muli %arg1, %mul3A : i32
    %add3A = arith.addi %mul3A_0, %arg0 : i32
    "tpu.region"() ({
      %run_scoped3A = tpu.sem_alloc : memref<!tpu.dma_semaphore, #tpu.memory_space<semaphore_mem>>
      %dma_start3A_17 = arith.constant 0 : i32
      %dma_start3A_18 = tpu.memref_slice %arg3[%add3A, %dma_start3A_17] : memref<32x2048xi32, #tpu.memory_space<hbm>> -> memref<1x2048xi32, #tpu.memory_space<hbm>>
      %dma_start3A_19 = tpu.memref_squeeze %dma_start3A_18 : memref<1x2048xi32, #tpu.memory_space<hbm>> -> memref<2048xi32, #tpu.memory_space<hbm>>
      %dma_start3A_20 = arith.constant 0 : i32
      %dma_start3A_21 = tpu.memref_slice %arg3[%add3A, %dma_start3A_20] : memref<32x2048xi32, #tpu.memory_space<hbm>> -> memref<1x2048xi32, #tpu.memory_space<hbm>>
      %dma_start3A_22 = tpu.memref_squeeze %dma_start3A_21 : memref<1x2048xi32, #tpu.memory_space<hbm>> -> memref<2048xi32, #tpu.memory_space<hbm>>
      tpu.enqueue_dma source(%dma_start3A_22 : memref<2048xi32, #tpu.memory_space<hbm>>) target(%arg5 : memref<2048xi32, #tpu.memory_space<vmem>>) target_semaphore(%run_scoped3A : memref<!tpu.dma_semaphore, #tpu.memory_space<semaphore_mem>>)
      %dma_wait3A = arith.constant 0 : i32
      %dma_wait3A_23 = tpu.memref_slice %arg3[%add3A, %dma_wait3A] : memref<32x2048xi32, #tpu.memory_space<hbm>> -> memref<1x2048xi32, #tpu.memory_space<hbm>>
      %dma_wait3A_24 = tpu.memref_squeeze %dma_wait3A_23 : memref<1x2048xi32, #tpu.memory_space<hbm>> -> memref<2048xi32, #tpu.memory_space<hbm>>
      %dma_wait3A_25 = arith.constant 0 : i32
      %dma_wait3A_26 = tpu.memref_slice %arg3[%add3A, %dma_wait3A_25] : memref<32x2048xi32, #tpu.memory_space<hbm>> -> memref<1x2048xi32, #tpu.memory_space<hbm>>
      %dma_wait3A_27 = tpu.memref_squeeze %dma_wait3A_26 : memref<1x2048xi32, #tpu.memory_space<hbm>> -> memref<2048xi32, #tpu.memory_space<hbm>>
      tpu.wait_dma2 semaphore(%run_scoped3A : memref<!tpu.dma_semaphore, #tpu.memory_space<semaphore_mem>>) src(%dma_wait3A_27 : memref<2048xi32, #tpu.memory_space<hbm>>) dst(%arg5 : memref<2048xi32, #tpu.memory_space<vmem>>)
      tpu.yield
    }) : () -> ()
    %mul3A_1 = arith.constant 2048 : i32
    %mul3A_2 = arith.muli %add3A, %mul3A_1 : i32
    %dma_start3A = arith.constant 0 : i32
    %dma_start3A_3 = tpu.memref_slice %arg5[%dma_start3A] : memref<2048xi32, #tpu.memory_space<vmem>> -> memref<128xi32, #tpu.memory_space<vmem>>
    %dma_start3A_4 = arith.constant 0 : i32
    %dma_start3A_5 = arith.constant 0 : i32
    %dma_start3A_6 = tpu.memref_slice %arg2[%dma_start3A_4, %dma_start3A_5] : memref<4096x256xf32, #tpu.memory_space<hbm>> -> memref<4096x256xf32, #tpu.memory_space<hbm>>
    tpu.enqueue_indirect_dma source(%dma_start3A_6 : memref<4096x256xf32, #tpu.memory_space<hbm>>) target(%arg6 : memref<128x256xf32, #tpu.memory_space<vmem>>) offsets(%dma_start3A_3 : memref<128xi32, #tpu.memory_space<vmem>>) semaphore(%arg8 : memref<!tpu.dma_semaphore, #tpu.memory_space<semaphore_mem>>)
    %dma_start3A_7 = arith.constant 128 : i32
    %dma_start3A_8 = tpu.memref_slice %arg5[%dma_start3A_7] : memref<2048xi32, #tpu.memory_space<vmem>> -> memref<128xi32, #tpu.memory_space<vmem>>
    %dma_start3A_9 = arith.constant 0 : i32
    %dma_start3A_10 = arith.constant 0 : i32
    %dma_start3A_11 = tpu.memref_slice %arg2[%dma_start3A_9, %dma_start3A_10] : memref<4096x256xf32, #tpu.memory_space<hbm>> -> memref<4096x256xf32, #tpu.memory_space<hbm>>
    tpu.enqueue_indirect_dma source(%dma_start3A_11 : memref<4096x256xf32, #tpu.memory_space<hbm>>) target(%arg7 : memref<128x256xf32, #tpu.memory_space<vmem>>) offsets(%dma_start3A_8 : memref<128xi32, #tpu.memory_space<vmem>>) semaphore(%arg9 : memref<!tpu.dma_semaphore, #tpu.memory_space<semaphore_mem>>)
    %scan3A = arith.constant 0 : i32
    %scan3A_12 = arith.constant 0 : i32
    %scan3A_13 = arith.constant 8 : i32
    %scan3A_14 = arith.addi %scan3A_12, %scan3A_13 : i32
    %scan3A_15 = arith.constant 1 : i32
    scf.for %scan3A_17 = %scan3A_12 to %scan3A_14 step %scan3A_15  : i32 {
      %mul3A_18 = arith.constant 2 : i32
      %mul3A_19 = arith.muli %scan3A_17, %mul3A_18 : i32
      %add3A_20 = arith.constant 0 : i32
      %add3A_21 = arith.addi %mul3A_19, %add3A_20 : i32
      %dma_wait3A = arith.constant 0 : i32
      %dma_wait3A_22 = arith.constant 0 : i32
      %dma_wait3A_23 = tpu.memref_slice %arg2[%dma_wait3A, %dma_wait3A_22] : memref<4096x256xf32, #tpu.memory_space<hbm>> -> memref<128x256xf32, #tpu.memory_space<hbm>>
      %dma_wait3A_24 = arith.constant 0 : i32
      %dma_wait3A_25 = arith.constant 0 : i32
      %dma_wait3A_26 = tpu.memref_slice %arg2[%dma_wait3A_24, %dma_wait3A_25] : memref<4096x256xf32, #tpu.memory_space<hbm>> -> memref<128x256xf32, #tpu.memory_space<hbm>>
      tpu.wait_dma2 semaphore(%arg8 : memref<!tpu.dma_semaphore, #tpu.memory_space<semaphore_mem>>) src(%dma_wait3A_26 : memref<128x256xf32, #tpu.memory_space<hbm>>) dst(%arg6 : memref<128x256xf32, #tpu.memory_space<vmem>>)
      %mul3A_27 = arith.constant 128 : i32
      %mul3A_28 = arith.muli %add3A_21, %mul3A_27 : i32
      %add3A_29 = arith.addi %mul3A_2, %mul3A_28 : i32
      "tpu.region"() ({
        %run_scoped3A = tpu.sem_alloc : memref<!tpu.dma_semaphore, #tpu.memory_space<semaphore_mem>>
        %dma_start3A_54 = arith.constant 0 : i32
        %dma_start3A_55 = tpu.memref_slice %arg4[%add3A_29, %dma_start3A_54] : memref<65536x256xf32, #tpu.memory_space<hbm>> -> memref<128x256xf32, #tpu.memory_space<hbm>>
        %dma_start3A_56 = arith.constant 0 : i32
        %dma_start3A_57 = tpu.memref_slice %arg4[%add3A_29, %dma_start3A_56] : memref<65536x256xf32, #tpu.memory_space<hbm>> -> memref<128x256xf32, #tpu.memory_space<hbm>>
        tpu.enqueue_dma source(%arg6 : memref<128x256xf32, #tpu.memory_space<vmem>>) target(%dma_start3A_57 : memref<128x256xf32, #tpu.memory_space<hbm>>) target_semaphore(%run_scoped3A : memref<!tpu.dma_semaphore, #tpu.memory_space<semaphore_mem>>)
        %dma_wait3A_58 = arith.constant 0 : i32
        %dma_wait3A_59 = tpu.memref_slice %arg4[%add3A_29, %dma_wait3A_58] : memref<65536x256xf32, #tpu.memory_space<hbm>> -> memref<128x256xf32, #tpu.memory_space<hbm>>
        %dma_wait3A_60 = arith.constant 0 : i32
        %dma_wait3A_61 = tpu.memref_slice %arg4[%add3A_29, %dma_wait3A_60] : memref<65536x256xf32, #tpu.memory_space<hbm>> -> memref<128x256xf32, #tpu.memory_space<hbm>>
        tpu.wait_dma2 semaphore(%run_scoped3A : memref<!tpu.dma_semaphore, #tpu.memory_space<semaphore_mem>>) src(%arg6 : memref<128x256xf32, #tpu.memory_space<vmem>>) dst(%dma_wait3A_61 : memref<128x256xf32, #tpu.memory_space<hbm>>)
        tpu.yield
      }) : () -> ()
      %add3A_30 = arith.constant 2 : i32
      %add3A_31 = arith.addi %add3A_21, %add3A_30 : i32
      %lt3A = arith.constant 16 : i32
      %lt3A_32 = arith.cmpi slt, %add3A_31, %lt3A : i32
      %convert_element_type3A = arith.extui %lt3A_32 : i1 to i32
      %cond3A = arith.constant 0 : i32
      %cond3A_33 = arith.cmpi ne, %convert_element_type3A, %cond3A : i32
      scf.if %cond3A_33 {
        %add3A_54 = arith.constant 2 : i32
        %add3A_55 = arith.addi %add3A_21, %add3A_54 : i32
        %mul3A_56 = arith.constant 128 : i32
        %mul3A_57 = arith.muli %add3A_55, %mul3A_56 : i32
        %dma_start3A_58 = tpu.memref_slice %arg5[%mul3A_57] : memref<2048xi32, #tpu.memory_space<vmem>> -> memref<128xi32, #tpu.memory_space<vmem>>
        %dma_start3A_59 = arith.constant 0 : i32
        %dma_start3A_60 = arith.constant 0 : i32
        %dma_start3A_61 = tpu.memref_slice %arg2[%dma_start3A_59, %dma_start3A_60] : memref<4096x256xf32, #tpu.memory_space<hbm>> -> memref<4096x256xf32, #tpu.memory_space<hbm>>
        tpu.enqueue_indirect_dma source(%dma_start3A_61 : memref<4096x256xf32, #tpu.memory_space<hbm>>) target(%arg6 : memref<128x256xf32, #tpu.memory_space<vmem>>) offsets(%dma_start3A_58 : memref<128xi32, #tpu.memory_space<vmem>>) semaphore(%arg8 : memref<!tpu.dma_semaphore, #tpu.memory_space<semaphore_mem>>)
      } else {
      }
      %mul3A_34 = arith.constant 2 : i32
      %mul3A_35 = arith.muli %scan3A_17, %mul3A_34 : i32
      %add3A_36 = arith.constant 1 : i32
      %add3A_37 = arith.addi %mul3A_35, %add3A_36 : i32
      %dma_wait3A_38 = arith.constant 0 : i32
      %dma_wait3A_39 = arith.constant 0 : i32
      %dma_wait3A_40 = tpu.memref_slice %arg2[%dma_wait3A_38, %dma_wait3A_39] : memref<4096x256xf32, #tpu.memory_space<hbm>> -> memref<128x256xf32, #tpu.memory_space<hbm>>
      %dma_wait3A_41 = arith.constant 0 : i32
      %dma_wait3A_42 = arith.constant 0 : i32
      %dma_wait3A_43 = tpu.memref_slice %arg2[%dma_wait3A_41, %dma_wait3A_42] : memref<4096x256xf32, #tpu.memory_space<hbm>> -> memref<128x256xf32, #tpu.memory_space<hbm>>
      tpu.wait_dma2 semaphore(%arg9 : memref<!tpu.dma_semaphore, #tpu.memory_space<semaphore_mem>>) src(%dma_wait3A_43 : memref<128x256xf32, #tpu.memory_space<hbm>>) dst(%arg7 : memref<128x256xf32, #tpu.memory_space<vmem>>)
      %mul3A_44 = arith.constant 128 : i32
      %mul3A_45 = arith.muli %add3A_37, %mul3A_44 : i32
      %add3A_46 = arith.addi %mul3A_2, %mul3A_45 : i32
      "tpu.region"() ({
        %run_scoped3A = tpu.sem_alloc : memref<!tpu.dma_semaphore, #tpu.memory_space<semaphore_mem>>
        %dma_start3A_54 = arith.constant 0 : i32
        %dma_start3A_55 = tpu.memref_slice %arg4[%add3A_46, %dma_start3A_54] : memref<65536x256xf32, #tpu.memory_space<hbm>> -> memref<128x256xf32, #tpu.memory_space<hbm>>
        %dma_start3A_56 = arith.constant 0 : i32
        %dma_start3A_57 = tpu.memref_slice %arg4[%add3A_46, %dma_start3A_56] : memref<65536x256xf32, #tpu.memory_space<hbm>> -> memref<128x256xf32, #tpu.memory_space<hbm>>
        tpu.enqueue_dma source(%arg7 : memref<128x256xf32, #tpu.memory_space<vmem>>) target(%dma_start3A_57 : memref<128x256xf32, #tpu.memory_space<hbm>>) target_semaphore(%run_scoped3A : memref<!tpu.dma_semaphore, #tpu.memory_space<semaphore_mem>>)
        %dma_wait3A_58 = arith.constant 0 : i32
        %dma_wait3A_59 = tpu.memref_slice %arg4[%add3A_46, %dma_wait3A_58] : memref<65536x256xf32, #tpu.memory_space<hbm>> -> memref<128x256xf32, #tpu.memory_space<hbm>>
        %dma_wait3A_60 = arith.constant 0 : i32
        %dma_wait3A_61 = tpu.memref_slice %arg4[%add3A_46, %dma_wait3A_60] : memref<65536x256xf32, #tpu.memory_space<hbm>> -> memref<128x256xf32, #tpu.memory_space<hbm>>
        tpu.wait_dma2 semaphore(%run_scoped3A : memref<!tpu.dma_semaphore, #tpu.memory_space<semaphore_mem>>) src(%arg7 : memref<128x256xf32, #tpu.memory_space<vmem>>) dst(%dma_wait3A_61 : memref<128x256xf32, #tpu.memory_space<hbm>>)
        tpu.yield
      }) : () -> ()
      %add3A_47 = arith.constant 2 : i32
      %add3A_48 = arith.addi %add3A_37, %add3A_47 : i32
      %lt3A_49 = arith.constant 16 : i32
      %lt3A_50 = arith.cmpi slt, %add3A_48, %lt3A_49 : i32
      %convert_element_type3A_51 = arith.extui %lt3A_50 : i1 to i32
      %cond3A_52 = arith.constant 0 : i32
      %cond3A_53 = arith.cmpi ne, %convert_element_type3A_51, %cond3A_52 : i32
      scf.if %cond3A_53 {
        %add3A_54 = arith.constant 2 : i32
        %add3A_55 = arith.addi %add3A_37, %add3A_54 : i32
        %mul3A_56 = arith.constant 128 : i32
        %mul3A_57 = arith.muli %add3A_55, %mul3A_56 : i32
        %dma_start3A_58 = tpu.memref_slice %arg5[%mul3A_57] : memref<2048xi32, #tpu.memory_space<vmem>> -> memref<128xi32, #tpu.memory_space<vmem>>
        %dma_start3A_59 = arith.constant 0 : i32
        %dma_start3A_60 = arith.constant 0 : i32
        %dma_start3A_61 = tpu.memref_slice %arg2[%dma_start3A_59, %dma_start3A_60] : memref<4096x256xf32, #tpu.memory_space<hbm>> -> memref<4096x256xf32, #tpu.memory_space<hbm>>
        tpu.enqueue_indirect_dma source(%dma_start3A_61 : memref<4096x256xf32, #tpu.memory_space<hbm>>) target(%arg7 : memref<128x256xf32, #tpu.memory_space<vmem>>) offsets(%dma_start3A_58 : memref<128xi32, #tpu.memory_space<vmem>>) semaphore(%arg9 : memref<!tpu.dma_semaphore, #tpu.memory_space<semaphore_mem>>)
      } else {
      }
    }
    %scan3A_16 = arith.constant 8 : i32
    return
  }
}

module attributes {stable_mosaic.version = 14 : i64} {
  func.func @_topk_body(%arg0: i32, %arg1: memref<256x8xf32, #tpu.memory_space<vmem>>, %arg2: memref<4096x8xf32, #tpu.memory_space<vmem>>, %arg3: memref<256x21xi32, #tpu.memory_space<vmem>>, %arg4: memref<256x4096xf32, #tpu.memory_space<vmem>>) attributes {dimension_semantics = [#tpu.dimension_semantics<arbitrary>], iteration_bounds = array<i64: 16>, scalar_prefetch = 0 : i64, scratch_operands = 1 : i64, tpu.core_type = #tpu.core_type<tc>, window_params = [{transform_indices = @transform_0, window_bounds = array<i64: 256, 8>}, {pipeline_mode = #tpu.pipeline_mode<synchronous>, transform_indices = @transform_1, window_bounds = array<i64: 4096, 8>}, {transform_indices = @transform_2, window_bounds = array<i64: 256, 21>}]} {
    %get3A = arith.constant 0 : index
    %get3A_0 = arith.constant 0 : index
    %get3A_1 = vector.load %arg1[%get3A, %get3A_0] : memref<256x8xf32, #tpu.memory_space<vmem>>, vector<256x8xf32>
    %get3A_2 = arith.constant 0 : index
    %get3A_3 = arith.constant 0 : index
    %get3A_4 = vector.load %arg2[%get3A_2, %get3A_3] : memref<4096x8xf32, #tpu.memory_space<vmem>>, vector<4096x8xf32>
    %dot_general3A = arith.constant dense<0.000000e+00> : vector<256x4096xf32>
    %dot_general3A_5 = tpu.matmul %get3A_1, %get3A_4, %dot_general3A {dimension_numbers = #tpu.dot_dimension_numbers<[1], [1], [0], [0], [0, 0, 1, 0], [], []>, transpose_lhs_hint = false} : vector<256x8xf32>, vector<4096x8xf32>, vector<256x4096xf32> -> vector<256x4096xf32>
    %mul3A = arith.mulf %get3A_1, %get3A_1 : vector<256x8xf32>
    %reduce_sum3A = arith.constant dense<0.000000e+00> : vector<256xf32>
    %reduce_sum3A_6 = vector.multi_reduction <add>, %mul3A, %reduce_sum3A [1] : vector<256x8xf32> to vector<256xf32>
    %mul3A_7 = arith.mulf %get3A_4, %get3A_4 : vector<4096x8xf32>
    %reduce_sum3A_8 = arith.constant dense<0.000000e+00> : vector<4096xf32>
    %reduce_sum3A_9 = vector.multi_reduction <add>, %mul3A_7, %reduce_sum3A_8 [1] : vector<4096x8xf32> to vector<4096xf32>
    %mul3A_10 = arith.constant -2.000000e+00 : f32
    %mul3A_11 = vector.broadcast %mul3A_10 : f32 to vector<256x4096xf32>
    %mul3A_12 = arith.mulf %mul3A_11, %dot_general3A_5 : vector<256x4096xf32>
    %broadcast_in_dim3A = vector.shape_cast %reduce_sum3A_6 : vector<256xf32> to vector<256x1xf32>
    %add3A = vector.broadcast %broadcast_in_dim3A : vector<256x1xf32> to vector<256x4096xf32>
    %add3A_13 = arith.addf %mul3A_12, %add3A : vector<256x4096xf32>
    %broadcast_in_dim3A_14 = vector.shape_cast %reduce_sum3A_9 : vector<4096xf32> to vector<1x4096xf32>
    %add3A_15 = vector.broadcast %broadcast_in_dim3A_14 : vector<1x4096xf32> to vector<256x4096xf32>
    %add3A_16 = arith.addf %add3A_13, %add3A_15 : vector<256x4096xf32>
    %swap3A = arith.constant 0 : index
    %swap3A_17 = arith.constant 0 : index
    %swap3A_18 = vector.load %arg4[%swap3A, %swap3A_17] : memref<256x4096xf32, #tpu.memory_space<vmem>>, vector<256x4096xf32>
    tpu.vector_store %arg4[%swap3A, %swap3A_17], %add3A_16 {strides = array<i32>} : memref<256x4096xf32, #tpu.memory_space<vmem>>, vector<256x4096xf32>,
    %iota3A = tpu.iota {dimensions = array<i32: 1>} : vector<256x128xi32>
    %iota3A_19 = tpu.iota {dimensions = array<i32: 1>} : vector<256x21xi32>
    %broadcast_in_dim3A_20 = arith.constant 0x7F800000 : f32
    %broadcast_in_dim3A_21 = vector.broadcast %broadcast_in_dim3A_20 : f32 to vector<256x128xf32>
    %broadcast_in_dim3A_22 = arith.constant 0x7F800000 : f32
    %broadcast_in_dim3A_23 = vector.broadcast %broadcast_in_dim3A_22 : f32 to vector<256x128xf32>
    %broadcast_in_dim3A_24 = arith.constant 0x7F800000 : f32
    %broadcast_in_dim3A_25 = vector.broadcast %broadcast_in_dim3A_24 : f32 to vector<256x128xf32>
    %broadcast_in_dim3A_26 = arith.constant 0x7F800000 : f32
    %broadcast_in_dim3A_27 = vector.broadcast %broadcast_in_dim3A_26 : f32 to vector<256x128xf32>
    %broadcast_in_dim3A_28 = arith.constant 0x7F800000 : f32
    %broadcast_in_dim3A_29 = vector.broadcast %broadcast_in_dim3A_28 : f32 to vector<256x128xf32>
    %broadcast_in_dim3A_30 = arith.constant 0x7F800000 : f32
    %broadcast_in_dim3A_31 = vector.broadcast %broadcast_in_dim3A_30 : f32 to vector<256x128xf32>
    %broadcast_in_dim3A_32 = arith.constant 2147483647 : i32
    %broadcast_in_dim3A_33 = vector.broadcast %broadcast_in_dim3A_32 : i32 to vector<256x128xi32>
    %broadcast_in_dim3A_34 = arith.constant 2147483647 : i32
    %broadcast_in_dim3A_35 = vector.broadcast %broadcast_in_dim3A_34 : i32 to vector<256x128xi32>
    %broadcast_in_dim3A_36 = arith.constant 2147483647 : i32
    %broadcast_in_dim3A_37 = vector.broadcast %broadcast_in_dim3A_36 : i32 to vector<256x128xi32>
    %broadcast_in_dim3A_38 = arith.constant 2147483647 : i32
    %broadcast_in_dim3A_39 = vector.broadcast %broadcast_in_dim3A_38 : i32 to vector<256x128xi32>
    %broadcast_in_dim3A_40 = arith.constant 2147483647 : i32
    %broadcast_in_dim3A_41 = vector.broadcast %broadcast_in_dim3A_40 : i32 to vector<256x128xi32>
    %broadcast_in_dim3A_42 = arith.constant 2147483647 : i32
    %broadcast_in_dim3A_43 = vector.broadcast %broadcast_in_dim3A_42 : i32 to vector<256x128xi32>
    %get3A_44 = arith.constant 0 : index
    %get3A_45 = arith.constant 0 : index
    %get3A_46 = vector.load %arg4[%get3A_44, %get3A_45] : memref<256x4096xf32, #tpu.memory_space<vmem>>, vector<256x128xf32>
    %add3A_47 = arith.constant 0 : i32
    %add3A_48 = vector.broadcast %add3A_47 : i32 to vector<256x128xi32>
    %add3A_49 = arith.addi %iota3A, %add3A_48 : vector<256x128xi32>
    %lt3A = arith.cmpf olt, %get3A_46, %broadcast_in_dim3A_21 : vector<256x128xf32>
    %select_n3A = arith.select %lt3A, %broadcast_in_dim3A_21, %get3A_46 : vector<256x128xi1>, vector<256x128xf32>
    %select_n3A_50 = arith.select %lt3A, %broadcast_in_dim3A_33, %add3A_49 : vector<256x128xi1>, vector<256x128xi32>
    %select_n3A_51 = arith.select %lt3A, %get3A_46, %broadcast_in_dim3A_21 : vector<256x128xi1>, vector<256x128xf32>
    %select_n3A_52 = arith.select %lt3A, %add3A_49, %broadcast_in_dim3A_33 : vector<256x128xi1>, vector<256x128xi32>
    %lt3A_53 = arith.cmpf olt, %select_n3A, %broadcast_in_dim3A_23 : vector<256x128xf32>
    %select_n3A_54 = arith.select %lt3A_53, %broadcast_in_dim3A_23, %select_n3A : vector<256x128xi1>, vector<256x128xf32>
    %select_n3A_55 = arith.select %lt3A_53, %broadcast_in_dim3A_35, %select_n3A_50 : vector<256x128xi1>, vector<256x128xi32>
    %select_n3A_56 = arith.select %lt3A_53, %select_n3A, %broadcast_in_dim3A_23 : vector<256x128xi1>, vector<256x128xf32>
    %select_n3A_57 = arith.select %lt3A_53, %select_n3A_50, %broadcast_in_dim3A_35 : vector<256x128xi1>, vector<256x128xi32>
    %lt3A_58 = arith.cmpf olt, %select_n3A_54, %broadcast_in_dim3A_25 : vector<256x128xf32>
    %select_n3A_59 = arith.select %lt3A_58, %broadcast_in_dim3A_25, %select_n3A_54 : vector<256x128xi1>, vector<256x128xf32>
    %select_n3A_60 = arith.select %lt3A_58, %broadcast_in_dim3A_37, %select_n3A_55 : vector<256x128xi1>, vector<256x128xi32>
    %select_n3A_61 = arith.select %lt3A_58, %select_n3A_54, %broadcast_in_dim3A_25 : vector<256x128xi1>, vector<256x128xf32>
    %select_n3A_62 = arith.select %lt3A_58, %select_n3A_55, %broadcast_in_dim3A_37 : vector<256x128xi1>, vector<256x128xi32>
    %lt3A_63 = arith.cmpf olt, %select_n3A_59, %broadcast_in_dim3A_27 : vector<256x128xf32>
    %select_n3A_64 = arith.select %lt3A_63, %broadcast_in_dim3A_27, %select_n3A_59 : vector<256x128xi1>, vector<256x128xf32>
    %select_n3A_65 = arith.select %lt3A_63, %broadcast_in_dim3A_39, %select_n3A_60 : vector<256x128xi1>, vector<256x128xi32>
    %select_n3A_66 = arith.select %lt3A_63, %select_n3A_59, %broadcast_in_dim3A_27 : vector<256x128xi1>, vector<256x128xf32>
    %select_n3A_67 = arith.select %lt3A_63, %select_n3A_60, %broadcast_in_dim3A_39 : vector<256x128xi1>, vector<256x128xi32>
    %lt3A_68 = arith.cmpf olt, %select_n3A_64, %broadcast_in_dim3A_29 : vector<256x128xf32>
    %select_n3A_69 = arith.select %lt3A_68, %broadcast_in_dim3A_29, %select_n3A_64 : vector<256x128xi1>, vector<256x128xf32>
    %select_n3A_70 = arith.select %lt3A_68, %broadcast_in_dim3A_41, %select_n3A_65 : vector<256x128xi1>, vector<256x128xi32>
    %select_n3A_71 = arith.select %lt3A_68, %select_n3A_64, %broadcast_in_dim3A_29 : vector<256x128xi1>, vector<256x128xf32>
    %select_n3A_72 = arith.select %lt3A_68, %select_n3A_65, %broadcast_in_dim3A_41 : vector<256x128xi1>, vector<256x128xi32>
    %lt3A_73 = arith.cmpf olt, %select_n3A_69, %broadcast_in_dim3A_31 : vector<256x128xf32>
    %select_n3A_74 = arith.select %lt3A_73, %select_n3A_69, %broadcast_in_dim3A_31 : vector<256x128xi1>, vector<256x128xf32>
    %select_n3A_75 = arith.select %lt3A_73, %select_n3A_70, %broadcast_in_dim3A_43 : vector<256x128xi1>, vector<256x128xi32>
    %get3A_76 = arith.constant 0 : index
    %get3A_77 = arith.constant 128 : index
    %get3A_78 = vector.load %arg4[%get3A_76, %get3A_77] : memref<256x4096xf32, #tpu.memory_space<vmem>>, vector<256x128xf32>
    %add3A_79 = arith.constant 128 : i32
    %add3A_80 = vector.broadcast %add3A_79 : i32 to vector<256x128xi32>
    %add3A_81 = arith.addi %iota3A, %add3A_80 : vector<256x128xi32>
    %lt3A_82 = arith.cmpf olt, %get3A_78, %select_n3A_51 : vector<256x128xf32>
    %select_n3A_83 = arith.select %lt3A_82, %select_n3A_51, %get3A_78 : vector<256x128xi1>, vector<256x128xf32>
    %select_n3A_84 = arith.select %lt3A_82, %select_n3A_52, %add3A_81 : vector<256x128xi1>, vector<256x128xi32>
    %select_n3A_85 = arith.select %lt3A_82, %get3A_78, %select_n3A_51 : vector<256x128xi1>, vector<256x128xf32>
    %select_n3A_86 = arith.select %lt3A_82, %add3A_81, %select_n3A_52 : vector<256x128xi1>, vector<256x128xi32>
    %lt3A_87 = arith.cmpf olt, %select_n3A_83, %select_n3A_56 : vector<256x128xf32>
    %select_n3A_88 = arith.select %lt3A_87, %select_n3A_56, %select_n3A_83 : vector<256x128xi1>, vector<256x128xf32>
    %select_n3A_89 = arith.select %lt3A_87, %select_n3A_57, %select_n3A_84 : vector<256x128xi1>, vector<256x128xi32>
    %select_n3A_90 = arith.select %lt3A_87, %select_n3A_83, %select_n3A_56 : vector<256x128xi1>, vector<256x128xf32>
    %select_n3A_91 = arith.select %lt3A_87, %select_n3A_84, %select_n3A_57 : vector<256x128xi1>, vector<256x128xi32>
    %lt3A_92 = arith.cmpf olt, %select_n3A_88, %select_n3A_61 : vector<256x128xf32>
    %select_n3A_93 = arith.select %lt3A_92, %select_n3A_61, %select_n3A_88 : vector<256x128xi1>, vector<256x128xf32>
    %select_n3A_94 = arith.select %lt3A_92, %select_n3A_62, %select_n3A_89 : vector<256x128xi1>, vector<256x128xi32>
    %select_n3A_95 = arith.select %lt3A_92, %select_n3A_88, %select_n3A_61 : vector<256x128xi1>, vector<256x128xf32>
    %select_n3A_96 = arith.select %lt3A_92, %select_n3A_89, %select_n3A_62 : vector<256x128xi1>, vector<256x128xi32>
    %lt3A_97 = arith.cmpf olt, %select_n3A_93, %select_n3A_66 : vector<256x128xf32>
    %select_n3A_98 = arith.select %lt3A_97, %select_n3A_66, %select_n3A_93 : vector<256x128xi1>, vector<256x128xf32>
    %select_n3A_99 = arith.select %lt3A_97, %select_n3A_67, %select_n3A_94 : vector<256x128xi1>, vector<256x128xi32>
    %select_n3A_100 = arith.select %lt3A_97, %select_n3A_93, %select_n3A_66 : vector<256x128xi1>, vector<256x128xf32>
    %select_n3A_101 = arith.select %lt3A_97, %select_n3A_94, %select_n3A_67 : vector<256x128xi1>, vector<256x128xi32>
    %lt3A_102 = arith.cmpf olt, %select_n3A_98, %select_n3A_71 : vector<256x128xf32>
    %select_n3A_103 = arith.select %lt3A_102, %select_n3A_71, %select_n3A_98 : vector<256x128xi1>, vector<256x128xf32>
    %select_n3A_104 = arith.select %lt3A_102, %select_n3A_72, %select_n3A_99 : vector<256x128xi1>, vector<256x128xi32>
    %select_n3A_105 = arith.select %lt3A_102, %select_n3A_98, %select_n3A_71 : vector<256x128xi1>, vector<256x128xf32>
    %select_n3A_106 = arith.select %lt3A_102, %select_n3A_99, %select_n3A_72 : vector<256x128xi1>, vector<256x128xi32>
    %lt3A_107 = arith.cmpf olt, %select_n3A_103, %select_n3A_74 : vector<256x128xf32>
    %select_n3A_108 = arith.select %lt3A_107, %select_n3A_103, %select_n3A_74 : vector<256x128xi1>, vector<256x128xf32>
    %select_n3A_109 = arith.select %lt3A_107, %select_n3A_104, %select_n3A_75 : vector<256x128xi1>, vector<256x128xi32>
    %get3A_110 = arith.constant 0 : index
    %get3A_111 = arith.constant 256 : index
    %get3A_112 = vector.load %arg4[%get3A_110, %get3A_111] : memref<256x4096xf32, #tpu.memory_space<vmem>>, vector<256x128xf32>
    %add3A_113 = arith.constant 256 : i32
    %add3A_114 = vector.broadcast %add3A_113 : i32 to vector<256x128xi32>
    %add3A_115 = arith.addi %iota3A, %add3A_114 : vector<256x128xi32>
    %lt3A_116 = arith.cmpf olt, %get3A_112, %select_n3A_85 : vector<256x128xf32>
    %select_n3A_117 = arith.select %lt3A_116, %select_n3A_85, %get3A_112 : vector<256x128xi1>, vector<256x128xf32>
    %select_n3A_118 = arith.select %lt3A_116, %select_n3A_86, %add3A_115 : vector<256x128xi1>, vector<256x128xi32>
    %select_n3A_119 = arith.select %lt3A_116, %get3A_112, %select_n3A_85 : vector<256x128xi1>, vector<256x128xf32>
    %select_n3A_120 = arith.select %lt3A_116, %add3A_115, %select_n3A_86 : vector<256x128xi1>, vector<256x128xi32>
    %lt3A_121 = arith.cmpf olt, %select_n3A_117, %select_n3A_90 : vector<256x128xf32>
    %select_n3A_122 = arith.select %lt3A_121, %select_n3A_90, %select_n3A_117 : vector<256x128xi1>, vector<256x128xf32>
    %select_n3A_123 = arith.select %lt3A_121, %select_n3A_91, %select_n3A_118 : vector<256x128xi1>, vector<256x128xi32>
    %select_n3A_124 = arith.select %lt3A_121, %select_n3A_117, %select_n3A_90 : vector<256x128xi1>, vector<256x128xf32>
    %select_n3A_125 = arith.select %lt3A_121, %select_n3A_118, %select_n3A_91 : vector<256x128xi1>, vector<256x128xi32>
    %lt3A_126 = arith.cmpf olt, %select_n3A_122, %select_n3A_95 : vector<256x128xf32>
    %select_n3A_127 = arith.select %lt3A_126, %select_n3A_95, %select_n3A_122 : vector<256x128xi1>, vector<256x128xf32>
    %select_n3A_128 = arith.select %lt3A_126, %select_n3A_96, %select_n3A_123 : vector<256x128xi1>, vector<256x128xi32>
    %select_n3A_129 = arith.select %lt3A_126, %select_n3A_122, %select_n3A_95 : vector<256x128xi1>, vector<256x128xf32>
    %select_n3A_130 = arith.select %lt3A_126, %select_n3A_123, %select_n3A_96 : vector<256x128xi1>, vector<256x128xi32>
    %lt3A_131 = arith.cmpf olt, %select_n3A_127, %select_n3A_100 : vector<256x128xf32>
    %select_n3A_132 = arith.select %lt3A_131, %select_n3A_100, %select_n3A_127 : vector<256x128xi1>, vector<256x128xf32>
    %select_n3A_133 = arith.select %lt3A_131, %select_n3A_101, %select_n3A_128 : vector<256x128xi1>, vector<256x128xi32>
    %select_n3A_134 = arith.select %lt3A_131, %select_n3A_127, %select_n3A_100 : vector<256x128xi1>, vector<256x128xf32>
    %select_n3A_135 = arith.select %lt3A_131, %select_n3A_128, %select_n3A_101 : vector<256x128xi1>, vector<256x128xi32>
    %lt3A_136 = arith.cmpf olt, %select_n3A_132, %select_n3A_105 : vector<256x128xf32>
    %select_n3A_137 = arith.select %lt3A_136, %select_n3A_105, %select_n3A_132 : vector<256x128xi1>, vector<256x128xf32>
    %select_n3A_138 = arith.select %lt3A_136, %select_n3A_106, %select_n3A_133 : vector<256x128xi1>, vector<256x128xi32>
    %select_n3A_139 = arith.select %lt3A_136, %select_n3A_132, %select_n3A_105 : vector<256x128xi1>, vector<256x128xf32>
    %select_n3A_140 = arith.select %lt3A_136, %select_n3A_133, %select_n3A_106 : vector<256x128xi1>, vector<256x128xi32>
    %lt3A_141 = arith.cmpf olt, %select_n3A_137, %select_n3A_108 : vector<256x128xf32>
    %select_n3A_142 = arith.select %lt3A_141, %select_n3A_137, %select_n3A_108 : vector<256x128xi1>, vector<256x128xf32>
    %select_n3A_143 = arith.select %lt3A_141, %select_n3A_138, %select_n3A_109 : vector<256x128xi1>, vector<256x128xi32>
    %get3A_144 = arith.constant 0 : index
    %get3A_145 = arith.constant 384 : index
    %get3A_146 = vector.load %arg4[%get3A_144, %get3A_145] : memref<256x4096xf32, #tpu.memory_space<vmem>>, vector<256x128xf32>
    %add3A_147 = arith.constant 384 : i32
    %add3A_148 = vector.broadcast %add3A_147 : i32 to vector<256x128xi32>
    %add3A_149 = arith.addi %iota3A, %add3A_148 : vector<256x128xi32>
    %lt3A_150 = arith.cmpf olt, %get3A_146, %select_n3A_119 : vector<256x128xf32>
    %select_n3A_151 = arith.select %lt3A_150, %select_n3A_119, %get3A_146 : vector<256x128xi1>, vector<256x128xf32>
    %select_n3A_152 = arith.select %lt3A_150, %select_n3A_120, %add3A_149 : vector<256x128xi1>, vector<256x128xi32>
    %select_n3A_153 = arith.select %lt3A_150, %get3A_146, %select_n3A_119 : vector<256x128xi1>, vector<256x128xf32>
    %select_n3A_154 = arith.select %lt3A_150, %add3A_149, %select_n3A_120 : vector<256x128xi1>, vector<256x128xi32>
    %lt3A_155 = arith.cmpf olt, %select_n3A_151, %select_n3A_124 : vector<256x128xf32>
    %select_n3A_156 = arith.select %lt3A_155, %select_n3A_124, %select_n3A_151 : vector<256x128xi1>, vector<256x128xf32>
    %select_n3A_157 = arith.select %lt3A_155, %select_n3A_125, %select_n3A_152 : vector<256x128xi1>, vector<256x128xi32>
    %select_n3A_158 = arith.select %lt3A_155, %select_n3A_151, %select_n3A_124 : vector<256x128xi1>, vector<256x128xf32>
    %select_n3A_159 = arith.select %lt3A_155, %select_n3A_152, %select_n3A_125 : vector<256x128xi1>, vector<256x128xi32>
    %lt3A_160 = arith.cmpf olt, %select_n3A_156, %select_n3A_129 : vector<256x128xf32>
    %select_n3A_161 = arith.select %lt3A_160, %select_n3A_129, %select_n3A_156 : vector<256x128xi1>, vector<256x128xf32>
    %select_n3A_162 = arith.select %lt3A_160, %select_n3A_130, %select_n3A_157 : vector<256x128xi1>, vector<256x128xi32>
    %select_n3A_163 = arith.select %lt3A_160, %select_n3A_156, %select_n3A_129 : vector<256x128xi1>, vector<256x128xf32>
    %select_n3A_164 = arith.select %lt3A_160, %select_n3A_157, %select_n3A_130 : vector<256x128xi1>, vector<256x128xi32>
    %lt3A_165 = arith.cmpf olt, %select_n3A_161, %select_n3A_134 : vector<256x128xf32>
    %select_n3A_166 = arith.select %lt3A_165, %select_n3A_134, %select_n3A_161 : vector<256x128xi1>, vector<256x128xf32>
    %select_n3A_167 = arith.select %lt3A_165, %select_n3A_135, %select_n3A_162 : vector<256x128xi1>, vector<256x128xi32>
    %select_n3A_168 = arith.select %lt3A_165, %select_n3A_161, %select_n3A_134 : vector<256x128xi1>, vector<256x128xf32>
    %select_n3A_169 = arith.select %lt3A_165, %select_n3A_162, %select_n3A_135 : vector<256x128xi1>, vector<256x128xi32>
    %lt3A_170 = arith.cmpf olt, %select_n3A_166, %select_n3A_139 : vector<256x128xf32>
    %select_n3A_171 = arith.select %lt3A_170, %select_n3A_139, %select_n3A_166 : vector<256x128xi1>, vector<256x128xf32>
    %select_n3A_172 = arith.select %lt3A_170, %select_n3A_140, %select_n3A_167 : vector<256x128xi1>, vector<256x128xi32>
    %select_n3A_173 = arith.select %lt3A_170, %select_n3A_166, %select_n3A_139 : vector<256x128xi1>, vector<256x128xf32>
    %select_n3A_174 = arith.select %lt3A_170, %select_n3A_167, %select_n3A_140 : vector<256x128xi1>, vector<256x128xi32>
    %lt3A_175 = arith.cmpf olt, %select_n3A_171, %select_n3A_142 : vector<256x128xf32>
    %select_n3A_176 = arith.select %lt3A_175, %select_n3A_171, %select_n3A_142 : vector<256x128xi1>, vector<256x128xf32>
    %select_n3A_177 = arith.select %lt3A_175, %select_n3A_172, %select_n3A_143 : vector<256x128xi1>, vector<256x128xi32>
    %get3A_178 = arith.constant 0 : index
    %get3A_179 = arith.constant 512 : index
    %get3A_180 = vector.load %arg4[%get3A_178, %get3A_179] : memref<256x4096xf32, #tpu.memory_space<vmem>>, vector<256x128xf32>
    %add3A_181 = arith.constant 512 : i32
    %add3A_182 = vector.broadcast %add3A_181 : i32 to vector<256x128xi32>
    %add3A_183 = arith.addi %iota3A, %add3A_182 : vector<256x128xi32>
    %lt3A_184 = arith.cmpf olt, %get3A_180, %select_n3A_153 : vector<256x128xf32>
    %select_n3A_185 = arith.select %lt3A_184, %select_n3A_153, %get3A_180 : vector<256x128xi1>, vector<256x128xf32>
    %select_n3A_186 = arith.select %lt3A_184, %select_n3A_154, %add3A_183 : vector<256x128xi1>, vector<256x128xi32>
    %select_n3A_187 = arith.select %lt3A_184, %get3A_180, %select_n3A_153 : vector<256x128xi1>, vector<256x128xf32>
    %select_n3A_188 = arith.select %lt3A_184, %add3A_183, %select_n3A_154 : vector<256x128xi1>, vector<256x128xi32>
    %lt3A_189 = arith.cmpf olt, %select_n3A_185, %select_n3A_158 : vector<256x128xf32>
    %select_n3A_190 = arith.select %lt3A_189, %select_n3A_158, %select_n3A_185 : vector<256x128xi1>, vector<256x128xf32>
    %select_n3A_191 = arith.select %lt3A_189, %select_n3A_159, %select_n3A_186 : vector<256x128xi1>, vector<256x128xi32>
    %select_n3A_192 = arith.select %lt3A_189, %select_n3A_185, %select_n3A_158 : vector<256x128xi1>, vector<256x128xf32>
    %select_n3A_193 = arith.select %lt3A_189, %select_n3A_186, %select_n3A_159 : vector<256x128xi1>, vector<256x128xi32>
    %lt3A_194 = arith.cmpf olt, %select_n3A_190, %select_n3A_163 : vector<256x128xf32>
    %select_n3A_195 = arith.select %lt3A_194, %select_n3A_163, %select_n3A_190 : vector<256x128xi1>, vector<256x128xf32>
    %select_n3A_196 = arith.select %lt3A_194, %select_n3A_164, %select_n3A_191 : vector<256x128xi1>, vector<256x128xi32>
    %select_n3A_197 = arith.select %lt3A_194, %select_n3A_190, %select_n3A_163 : vector<256x128xi1>, vector<256x128xf32>
    %select_n3A_198 = arith.select %lt3A_194, %select_n3A_191, %select_n3A_164 : vector<256x128xi1>, vector<256x128xi32>
    %lt3A_199 = arith.cmpf olt, %select_n3A_195, %select_n3A_168 : vector<256x128xf32>
    %select_n3A_200 = arith.select %lt3A_199, %select_n3A_168, %select_n3A_195 : vector<256x128xi1>, vector<256x128xf32>
    %select_n3A_201 = arith.select %lt3A_199, %select_n3A_169, %select_n3A_196 : vector<256x128xi1>, vector<256x128xi32>
    %select_n3A_202 = arith.select %lt3A_199, %select_n3A_195, %select_n3A_168 : vector<256x128xi1>, vector<256x128xf32>
    %select_n3A_203 = arith.select %lt3A_199, %select_n3A_196, %select_n3A_169 : vector<256x128xi1>, vector<256x128xi32>
    %lt3A_204 = arith.cmpf olt, %select_n3A_200, %select_n3A_173 : vector<256x128xf32>
    %select_n3A_205 = arith.select %lt3A_204, %select_n3A_173, %select_n3A_200 : vector<256x128xi1>, vector<256x128xf32>
    %select_n3A_206 = arith.select %lt3A_204, %select_n3A_174, %select_n3A_201 : vector<256x128xi1>, vector<256x128xi32>
    %select_n3A_207 = arith.select %lt3A_204, %select_n3A_200, %select_n3A_173 : vector<256x128xi1>, vector<256x128xf32>
    %select_n3A_208 = arith.select %lt3A_204, %select_n3A_201, %select_n3A_174 : vector<256x128xi1>, vector<256x128xi32>
    %lt3A_209 = arith.cmpf olt, %select_n3A_205, %select_n3A_176 : vector<256x128xf32>
    %select_n3A_210 = arith.select %lt3A_209, %select_n3A_205, %select_n3A_176 : vector<256x128xi1>, vector<256x128xf32>
    %select_n3A_211 = arith.select %lt3A_209, %select_n3A_206, %select_n3A_177 : vector<256x128xi1>, vector<256x128xi32>
    %get3A_212 = arith.constant 0 : index
    %get3A_213 = arith.constant 640 : index
    %get3A_214 = vector.load %arg4[%get3A_212, %get3A_213] : memref<256x4096xf32, #tpu.memory_space<vmem>>, vector<256x128xf32>
    %add3A_215 = arith.constant 640 : i32
    %add3A_216 = vector.broadcast %add3A_215 : i32 to vector<256x128xi32>
    %add3A_217 = arith.addi %iota3A, %add3A_216 : vector<256x128xi32>
    %lt3A_218 = arith.cmpf olt, %get3A_214, %select_n3A_187 : vector<256x128xf32>
    %select_n3A_219 = arith.select %lt3A_218, %select_n3A_187, %get3A_214 : vector<256x128xi1>, vector<256x128xf32>
    %select_n3A_220 = arith.select %lt3A_218, %select_n3A_188, %add3A_217 : vector<256x128xi1>, vector<256x128xi32>
    %select_n3A_221 = arith.select %lt3A_218, %get3A_214, %select_n3A_187 : vector<256x128xi1>, vector<256x128xf32>
    %select_n3A_222 = arith.select %lt3A_218, %add3A_217, %select_n3A_188 : vector<256x128xi1>, vector<256x128xi32>
    %lt3A_223 = arith.cmpf olt, %select_n3A_219, %select_n3A_192 : vector<256x128xf32>
    %select_n3A_224 = arith.select %lt3A_223, %select_n3A_192, %select_n3A_219 : vector<256x128xi1>, vector<256x128xf32>
    %select_n3A_225 = arith.select %lt3A_223, %select_n3A_193, %select_n3A_220 : vector<256x128xi1>, vector<256x128xi32>
    %select_n3A_226 = arith.select %lt3A_223, %select_n3A_219, %select_n3A_192 : vector<256x128xi1>, vector<256x128xf32>
    %select_n3A_227 = arith.select %lt3A_223, %select_n3A_220, %select_n3A_193 : vector<256x128xi1>, vector<256x128xi32>
    %lt3A_228 = arith.cmpf olt, %select_n3A_224, %select_n3A_197 : vector<256x128xf32>
    %select_n3A_229 = arith.select %lt3A_228, %select_n3A_197, %select_n3A_224 : vector<256x128xi1>, vector<256x128xf32>
    %select_n3A_230 = arith.select %lt3A_228, %select_n3A_198, %select_n3A_225 : vector<256x128xi1>, vector<256x128xi32>
    %select_n3A_231 = arith.select %lt3A_228, %select_n3A_224, %select_n3A_197 : vector<256x128xi1>, vector<256x128xf32>
    %select_n3A_232 = arith.select %lt3A_228, %select_n3A_225, %select_n3A_198 : vector<256x128xi1>, vector<256x128xi32>
    %lt3A_233 = arith.cmpf olt, %select_n3A_229, %select_n3A_202 : vector<256x128xf32>
    %select_n3A_234 = arith.select %lt3A_233, %select_n3A_202, %select_n3A_229 : vector<256x128xi1>, vector<256x128xf32>
    %select_n3A_235 = arith.select %lt3A_233, %select_n3A_203, %select_n3A_230 : vector<256x128xi1>, vector<256x128xi32>
    %select_n3A_236 = arith.select %lt3A_233, %select_n3A_229, %select_n3A_202 : vector<256x128xi1>, vector<256x128xf32>
    %select_n3A_237 = arith.select %lt3A_233, %select_n3A_230, %select_n3A_203 : vector<256x128xi1>, vector<256x128xi32>
    %lt3A_238 = arith.cmpf olt, %select_n3A_234, %select_n3A_207 : vector<256x128xf32>
    %select_n3A_239 = arith.select %lt3A_238, %select_n3A_207, %select_n3A_234 : vector<256x128xi1>, vector<256x128xf32>
    %select_n3A_240 = arith.select %lt3A_238, %select_n3A_208, %select_n3A_235 : vector<256x128xi1>, vector<256x128xi32>
    %select_n3A_241 = arith.select %lt3A_238, %select_n3A_234, %select_n3A_207 : vector<256x128xi1>, vector<256x128xf32>
    %select_n3A_242 = arith.select %lt3A_238, %select_n3A_235, %select_n3A_208 : vector<256x128xi1>, vector<256x128xi32>
    %lt3A_243 = arith.cmpf olt, %select_n3A_239, %select_n3A_210 : vector<256x128xf32>
    %select_n3A_244 = arith.select %lt3A_243, %select_n3A_239, %select_n3A_210 : vector<256x128xi1>, vector<256x128xf32>
    %select_n3A_245 = arith.select %lt3A_243, %select_n3A_240, %select_n3A_211 : vector<256x128xi1>, vector<256x128xi32>
    %get3A_246 = arith.constant 0 : index
    %get3A_247 = arith.constant 768 : index
    %get3A_248 = vector.load %arg4[%get3A_246, %get3A_247] : memref<256x4096xf32, #tpu.memory_space<vmem>>, vector<256x128xf32>
    %add3A_249 = arith.constant 768 : i32
    %add3A_250 = vector.broadcast %add3A_249 : i32 to vector<256x128xi32>
    %add3A_251 = arith.addi %iota3A, %add3A_250 : vector<256x128xi32>
    %lt3A_252 = arith.cmpf olt, %get3A_248, %select_n3A_221 : vector<256x128xf32>
    %select_n3A_253 = arith.select %lt3A_252, %select_n3A_221, %get3A_248 : vector<256x128xi1>, vector<256x128xf32>
    %select_n3A_254 = arith.select %lt3A_252, %select_n3A_222, %add3A_251 : vector<256x128xi1>, vector<256x128xi32>
    %select_n3A_255 = arith.select %lt3A_252, %get3A_248, %select_n3A_221 : vector<256x128xi1>, vector<256x128xf32>
    %select_n3A_256 = arith.select %lt3A_252, %add3A_251, %select_n3A_222 : vector<256x128xi1>, vector<256x128xi32>
    %lt3A_257 = arith.cmpf olt, %select_n3A_253, %select_n3A_226 : vector<256x128xf32>
    %select_n3A_258 = arith.select %lt3A_257, %select_n3A_226, %select_n3A_253 : vector<256x128xi1>, vector<256x128xf32>
    %select_n3A_259 = arith.select %lt3A_257, %select_n3A_227, %select_n3A_254 : vector<256x128xi1>, vector<256x128xi32>
    %select_n3A_260 = arith.select %lt3A_257, %select_n3A_253, %select_n3A_226 : vector<256x128xi1>, vector<256x128xf32>
    %select_n3A_261 = arith.select %lt3A_257, %select_n3A_254, %select_n3A_227 : vector<256x128xi1>, vector<256x128xi32>
    %lt3A_262 = arith.cmpf olt, %select_n3A_258, %select_n3A_231 : vector<256x128xf32>
    %select_n3A_263 = arith.select %lt3A_262, %select_n3A_231, %select_n3A_258 : vector<256x128xi1>, vector<256x128xf32>
    %select_n3A_264 = arith.select %lt3A_262, %select_n3A_232, %select_n3A_259 : vector<256x128xi1>, vector<256x128xi32>
    %select_n3A_265 = arith.select %lt3A_262, %select_n3A_258, %select_n3A_231 : vector<256x128xi1>, vector<256x128xf32>
    %select_n3A_266 = arith.select %lt3A_262, %select_n3A_259, %select_n3A_232 : vector<256x128xi1>, vector<256x128xi32>
    %lt3A_267 = arith.cmpf olt, %select_n3A_263, %select_n3A_236 : vector<256x128xf32>
    %select_n3A_268 = arith.select %lt3A_267, %select_n3A_236, %select_n3A_263 : vector<256x128xi1>, vector<256x128xf32>
    %select_n3A_269 = arith.select %lt3A_267, %select_n3A_237, %select_n3A_264 : vector<256x128xi1>, vector<256x128xi32>
    %select_n3A_270 = arith.select %lt3A_267, %select_n3A_263, %select_n3A_236 : vector<256x128xi1>, vector<256x128xf32>
    %select_n3A_271 = arith.select %lt3A_267, %select_n3A_264, %select_n3A_237 : vector<256x128xi1>, vector<256x128xi32>
    %lt3A_272 = arith.cmpf olt, %select_n3A_268, %select_n3A_241 : vector<256x128xf32>
    %select_n3A_273 = arith.select %lt3A_272, %select_n3A_241, %select_n3A_268 : vector<256x128xi1>, vector<256x128xf32>
    %select_n3A_274 = arith.select %lt3A_272, %select_n3A_242, %select_n3A_269 : vector<256x128xi1>, vector<256x128xi32>
    %select_n3A_275 = arith.select %lt3A_272, %select_n3A_268, %select_n3A_241 : vector<256x128xi1>, vector<256x128xf32>
    %select_n3A_276 = arith.select %lt3A_272, %select_n3A_269, %select_n3A_242 : vector<256x128xi1>, vector<256x128xi32>
    %lt3A_277 = arith.cmpf olt, %select_n3A_273, %select_n3A_244 : vector<256x128xf32>
    %select_n3A_278 = arith.select %lt3A_277, %select_n3A_273, %select_n3A_244 : vector<256x128xi1>, vector<256x128xf32>
    %select_n3A_279 = arith.select %lt3A_277, %select_n3A_274, %select_n3A_245 : vector<256x128xi1>, vector<256x128xi32>
    %get3A_280 = arith.constant 0 : index
    %get3A_281 = arith.constant 896 : index
    %get3A_282 = vector.load %arg4[%get3A_280, %get3A_281] : memref<256x4096xf32, #tpu.memory_space<vmem>>, vector<256x128xf32>
    %add3A_283 = arith.constant 896 : i32
    %add3A_284 = vector.broadcast %add3A_283 : i32 to vector<256x128xi32>
    %add3A_285 = arith.addi %iota3A, %add3A_284 : vector<256x128xi32>
    %lt3A_286 = arith.cmpf olt, %get3A_282, %select_n3A_255 : vector<256x128xf32>
    %select_n3A_287 = arith.select %lt3A_286, %select_n3A_255, %get3A_282 : vector<256x128xi1>, vector<256x128xf32>
    %select_n3A_288 = arith.select %lt3A_286, %select_n3A_256, %add3A_285 : vector<256x128xi1>, vector<256x128xi32>
    %select_n3A_289 = arith.select %lt3A_286, %get3A_282, %select_n3A_255 : vector<256x128xi1>, vector<256x128xf32>
    %select_n3A_290 = arith.select %lt3A_286, %add3A_285, %select_n3A_256 : vector<256x128xi1>, vector<256x128xi32>
    %lt3A_291 = arith.cmpf olt, %select_n3A_287, %select_n3A_260 : vector<256x128xf32>
    %select_n3A_292 = arith.select %lt3A_291, %select_n3A_260, %select_n3A_287 : vector<256x128xi1>, vector<256x128xf32>
    %select_n3A_293 = arith.select %lt3A_291, %select_n3A_261, %select_n3A_288 : vector<256x128xi1>, vector<256x128xi32>
    %select_n3A_294 = arith.select %lt3A_291, %select_n3A_287, %select_n3A_260 : vector<256x128xi1>, vector<256x128xf32>
    %select_n3A_295 = arith.select %lt3A_291, %select_n3A_288, %select_n3A_261 : vector<256x128xi1>, vector<256x128xi32>
    %lt3A_296 = arith.cmpf olt, %select_n3A_292, %select_n3A_265 : vector<256x128xf32>
    %select_n3A_297 = arith.select %lt3A_296, %select_n3A_265, %select_n3A_292 : vector<256x128xi1>, vector<256x128xf32>
    %select_n3A_298 = arith.select %lt3A_296, %select_n3A_266, %select_n3A_293 : vector<256x128xi1>, vector<256x128xi32>
    %select_n3A_299 = arith.select %lt3A_296, %select_n3A_292, %select_n3A_265 : vector<256x128xi1>, vector<256x128xf32>
    %select_n3A_300 = arith.select %lt3A_296, %select_n3A_293, %select_n3A_266 : vector<256x128xi1>, vector<256x128xi32>
    %lt3A_301 = arith.cmpf olt, %select_n3A_297, %select_n3A_270 : vector<256x128xf32>
    %select_n3A_302 = arith.select %lt3A_301, %select_n3A_270, %select_n3A_297 : vector<256x128xi1>, vector<256x128xf32>
    %select_n3A_303 = arith.select %lt3A_301, %select_n3A_271, %select_n3A_298 : vector<256x128xi1>, vector<256x128xi32>
    %select_n3A_304 = arith.select %lt3A_301, %select_n3A_297, %select_n3A_270 : vector<256x128xi1>, vector<256x128xf32>
    %select_n3A_305 = arith.select %lt3A_301, %select_n3A_298, %select_n3A_271 : vector<256x128xi1>, vector<256x128xi32>
    %lt3A_306 = arith.cmpf olt, %select_n3A_302, %select_n3A_275 : vector<256x128xf32>
    %select_n3A_307 = arith.select %lt3A_306, %select_n3A_275, %select_n3A_302 : vector<256x128xi1>, vector<256x128xf32>
    %select_n3A_308 = arith.select %lt3A_306, %select_n3A_276, %select_n3A_303 : vector<256x128xi1>, vector<256x128xi32>
    %select_n3A_309 = arith.select %lt3A_306, %select_n3A_302, %select_n3A_275 : vector<256x128xi1>, vector<256x128xf32>
    %select_n3A_310 = arith.select %lt3A_306, %select_n3A_303, %select_n3A_276 : vector<256x128xi1>, vector<256x128xi32>
    %lt3A_311 = arith.cmpf olt, %select_n3A_307, %select_n3A_278 : vector<256x128xf32>
    %select_n3A_312 = arith.select %lt3A_311, %select_n3A_307, %select_n3A_278 : vector<256x128xi1>, vector<256x128xf32>
    %select_n3A_313 = arith.select %lt3A_311, %select_n3A_308, %select_n3A_279 : vector<256x128xi1>, vector<256x128xi32>
    %get3A_314 = arith.constant 0 : index
    %get3A_315 = arith.constant 1024 : index
    %get3A_316 = vector.load %arg4[%get3A_314, %get3A_315] : memref<256x4096xf32, #tpu.memory_space<vmem>>, vector<256x128xf32>
    %add3A_317 = arith.constant 1024 : i32
    %add3A_318 = vector.broadcast %add3A_317 : i32 to vector<256x128xi32>
    %add3A_319 = arith.addi %iota3A, %add3A_318 : vector<256x128xi32>
    %lt3A_320 = arith.cmpf olt, %get3A_316, %select_n3A_289 : vector<256x128xf32>
    %select_n3A_321 = arith.select %lt3A_320, %select_n3A_289, %get3A_316 : vector<256x128xi1>, vector<256x128xf32>
    %select_n3A_322 = arith.select %lt3A_320, %select_n3A_290, %add3A_319 : vector<256x128xi1>, vector<256x128xi32>
    %select_n3A_323 = arith.select %lt3A_320, %get3A_316, %select_n3A_289 : vector<256x128xi1>, vector<256x128xf32>
    %select_n3A_324 = arith.select %lt3A_320, %add3A_319, %select_n3A_290 : vector<256x128xi1>, vector<256x128xi32>
    %lt3A_325 = arith.cmpf olt, %select_n3A_321, %select_n3A_294 : vector<256x128xf32>
    %select_n3A_326 = arith.select %lt3A_325, %select_n3A_294, %select_n3A_321 : vector<256x128xi1>, vector<256x128xf32>
    %select_n3A_327 = arith.select %lt3A_325, %select_n3A_295, %select_n3A_322 : vector<256x128xi1>, vector<256x128xi32>
    %select_n3A_328 = arith.select %lt3A_325, %select_n3A_321, %select_n3A_294 : vector<256x128xi1>, vector<256x128xf32>
    %select_n3A_329 = arith.select %lt3A_325, %select_n3A_322, %select_n3A_295 : vector<256x128xi1>, vector<256x128xi32>
    %lt3A_330 = arith.cmpf olt, %select_n3A_326, %select_n3A_299 : vector<256x128xf32>
    %select_n3A_331 = arith.select %lt3A_330, %select_n3A_299, %select_n3A_326 : vector<256x128xi1>, vector<256x128xf32>
    %select_n3A_332 = arith.select %lt3A_330, %select_n3A_300, %select_n3A_327 : vector<256x128xi1>, vector<256x128xi32>
    %select_n3A_333 = arith.select %lt3A_330, %select_n3A_326, %select_n3A_299 : vector<256x128xi1>, vector<256x128xf32>
    %select_n3A_334 = arith.select %lt3A_330, %select_n3A_327, %select_n3A_300 : vector<256x128xi1>, vector<256x128xi32>
    %lt3A_335 = arith.cmpf olt, %select_n3A_331, %select_n3A_304 : vector<256x128xf32>
    %select_n3A_336 = arith.select %lt3A_335, %select_n3A_304, %select_n3A_331 : vector<256x128xi1>, vector<256x128xf32>
    %select_n3A_337 = arith.select %lt3A_335, %select_n3A_305, %select_n3A_332 : vector<256x128xi1>, vector<256x128xi32>
    %select_n3A_338 = arith.select %lt3A_335, %select_n3A_331, %select_n3A_304 : vector<256x128xi1>, vector<256x128xf32>
    %select_n3A_339 = arith.select %lt3A_335, %select_n3A_332, %select_n3A_305 : vector<256x128xi1>, vector<256x128xi32>
    %lt3A_340 = arith.cmpf olt, %select_n3A_336, %select_n3A_309 : vector<256x128xf32>
    %select_n3A_341 = arith.select %lt3A_340, %select_n3A_309, %select_n3A_336 : vector<256x128xi1>, vector<256x128xf32>
    %select_n3A_342 = arith.select %lt3A_340, %select_n3A_310, %select_n3A_337 : vector<256x128xi1>, vector<256x128xi32>
    %select_n3A_343 = arith.select %lt3A_340, %select_n3A_336, %select_n3A_309 : vector<256x128xi1>, vector<256x128xf32>
    %select_n3A_344 = arith.select %lt3A_340, %select_n3A_337, %select_n3A_310 : vector<256x128xi1>, vector<256x128xi32>
    %lt3A_345 = arith.cmpf olt, %select_n3A_341, %select_n3A_312 : vector<256x128xf32>
    %select_n3A_346 = arith.select %lt3A_345, %select_n3A_341, %select_n3A_312 : vector<256x128xi1>, vector<256x128xf32>
    %select_n3A_347 = arith.select %lt3A_345, %select_n3A_342, %select_n3A_313 : vector<256x128xi1>, vector<256x128xi32>
    %get3A_348 = arith.constant 0 : index
    %get3A_349 = arith.constant 1152 : index
    %get3A_350 = vector.load %arg4[%get3A_348, %get3A_349] : memref<256x4096xf32, #tpu.memory_space<vmem>>, vector<256x128xf32>
    %add3A_351 = arith.constant 1152 : i32
    %add3A_352 = vector.broadcast %add3A_351 : i32 to vector<256x128xi32>
    %add3A_353 = arith.addi %iota3A, %add3A_352 : vector<256x128xi32>
    %lt3A_354 = arith.cmpf olt, %get3A_350, %select_n3A_323 : vector<256x128xf32>
    %select_n3A_355 = arith.select %lt3A_354, %select_n3A_323, %get3A_350 : vector<256x128xi1>, vector<256x128xf32>
    %select_n3A_356 = arith.select %lt3A_354, %select_n3A_324, %add3A_353 : vector<256x128xi1>, vector<256x128xi32>
    %select_n3A_357 = arith.select %lt3A_354, %get3A_350, %select_n3A_323 : vector<256x128xi1>, vector<256x128xf32>
    %select_n3A_358 = arith.select %lt3A_354, %add3A_353, %select_n3A_324 : vector<256x128xi1>, vector<256x128xi32>
    %lt3A_359 = arith.cmpf olt, %select_n3A_355, %select_n3A_328 : vector<256x128xf32>
    %select_n3A_360 = arith.select %lt3A_359, %select_n3A_328, %select_n3A_355 : vector<256x128xi1>, vector<256x128xf32>
    %select_n3A_361 = arith.select %lt3A_359, %select_n3A_329, %select_n3A_356 : vector<256x128xi1>, vector<256x128xi32>
    %select_n3A_362 = arith.select %lt3A_359, %select_n3A_355, %select_n3A_328 : vector<256x128xi1>, vector<256x128xf32>
    %select_n3A_363 = arith.select %lt3A_359, %select_n3A_356, %select_n3A_329 : vector<256x128xi1>, vector<256x128xi32>
    %lt3A_364 = arith.cmpf olt, %select_n3A_360, %select_n3A_333 : vector<256x128xf32>
    %select_n3A_365 = arith.select %lt3A_364, %select_n3A_333, %select_n3A_360 : vector<256x128xi1>, vector<256x128xf32>
    %select_n3A_366 = arith.select %lt3A_364, %select_n3A_334, %select_n3A_361 : vector<256x128xi1>, vector<256x128xi32>
    %select_n3A_367 = arith.select %lt3A_364, %select_n3A_360, %select_n3A_333 : vector<256x128xi1>, vector<256x128xf32>
    %select_n3A_368 = arith.select %lt3A_364, %select_n3A_361, %select_n3A_334 : vector<256x128xi1>, vector<256x128xi32>
    %lt3A_369 = arith.cmpf olt, %select_n3A_365, %select_n3A_338 : vector<256x128xf32>
    %select_n3A_370 = arith.select %lt3A_369, %select_n3A_338, %select_n3A_365 : vector<256x128xi1>, vector<256x128xf32>
    %select_n3A_371 = arith.select %lt3A_369, %select_n3A_339, %select_n3A_366 : vector<256x128xi1>, vector<256x128xi32>
    %select_n3A_372 = arith.select %lt3A_369, %select_n3A_365, %select_n3A_338 : vector<256x128xi1>, vector<256x128xf32>
    %select_n3A_373 = arith.select %lt3A_369, %select_n3A_366, %select_n3A_339 : vector<256x128xi1>, vector<256x128xi32>
    %lt3A_374 = arith.cmpf olt, %select_n3A_370, %select_n3A_343 : vector<256x128xf32>
    %select_n3A_375 = arith.select %lt3A_374, %select_n3A_343, %select_n3A_370 : vector<256x128xi1>, vector<256x128xf32>
    %select_n3A_376 = arith.select %lt3A_374, %select_n3A_344, %select_n3A_371 : vector<256x128xi1>, vector<256x128xi32>
    %select_n3A_377 = arith.select %lt3A_374, %select_n3A_370, %select_n3A_343 : vector<256x128xi1>, vector<256x128xf32>
    %select_n3A_378 = arith.select %lt3A_374, %select_n3A_371, %select_n3A_344 : vector<256x128xi1>, vector<256x128xi32>
    %lt3A_379 = arith.cmpf olt, %select_n3A_375, %select_n3A_346 : vector<256x128xf32>
    %select_n3A_380 = arith.select %lt3A_379, %select_n3A_375, %select_n3A_346 : vector<256x128xi1>, vector<256x128xf32>
    %select_n3A_381 = arith.select %lt3A_379, %select_n3A_376, %select_n3A_347 : vector<256x128xi1>, vector<256x128xi32>
    %get3A_382 = arith.constant 0 : index
    %get3A_383 = arith.constant 1280 : index
    %get3A_384 = vector.load %arg4[%get3A_382, %get3A_383] : memref<256x4096xf32, #tpu.memory_space<vmem>>, vector<256x128xf32>
    %add3A_385 = arith.constant 1280 : i32
    %add3A_386 = vector.broadcast %add3A_385 : i32 to vector<256x128xi32>
    %add3A_387 = arith.addi %iota3A, %add3A_386 : vector<256x128xi32>
    %lt3A_388 = arith.cmpf olt, %get3A_384, %select_n3A_357 : vector<256x128xf32>
    %select_n3A_389 = arith.select %lt3A_388, %select_n3A_357, %get3A_384 : vector<256x128xi1>, vector<256x128xf32>
    %select_n3A_390 = arith.select %lt3A_388, %select_n3A_358, %add3A_387 : vector<256x128xi1>, vector<256x128xi32>
    %select_n3A_391 = arith.select %lt3A_388, %get3A_384, %select_n3A_357 : vector<256x128xi1>, vector<256x128xf32>
    %select_n3A_392 = arith.select %lt3A_388, %add3A_387, %select_n3A_358 : vector<256x128xi1>, vector<256x128xi32>
    %lt3A_393 = arith.cmpf olt, %select_n3A_389, %select_n3A_362 : vector<256x128xf32>
    %select_n3A_394 = arith.select %lt3A_393, %select_n3A_362, %select_n3A_389 : vector<256x128xi1>, vector<256x128xf32>
    %select_n3A_395 = arith.select %lt3A_393, %select_n3A_363, %select_n3A_390 : vector<256x128xi1>, vector<256x128xi32>
    %select_n3A_396 = arith.select %lt3A_393, %select_n3A_389, %select_n3A_362 : vector<256x128xi1>, vector<256x128xf32>
    %select_n3A_397 = arith.select %lt3A_393, %select_n3A_390, %select_n3A_363 : vector<256x128xi1>, vector<256x128xi32>
    %lt3A_398 = arith.cmpf olt, %select_n3A_394, %select_n3A_367 : vector<256x128xf32>
    %select_n3A_399 = arith.select %lt3A_398, %select_n3A_367, %select_n3A_394 : vector<256x128xi1>, vector<256x128xf32>
    %select_n3A_400 = arith.select %lt3A_398, %select_n3A_368, %select_n3A_395 : vector<256x128xi1>, vector<256x128xi32>
    %select_n3A_401 = arith.select %lt3A_398, %select_n3A_394, %select_n3A_367 : vector<256x128xi1>, vector<256x128xf32>
    %select_n3A_402 = arith.select %lt3A_398, %select_n3A_395, %select_n3A_368 : vector<256x128xi1>, vector<256x128xi32>
    %lt3A_403 = arith.cmpf olt, %select_n3A_399, %select_n3A_372 : vector<256x128xf32>
    %select_n3A_404 = arith.select %lt3A_403, %select_n3A_372, %select_n3A_399 : vector<256x128xi1>, vector<256x128xf32>
    %select_n3A_405 = arith.select %lt3A_403, %select_n3A_373, %select_n3A_400 : vector<256x128xi1>, vector<256x128xi32>
    %select_n3A_406 = arith.select %lt3A_403, %select_n3A_399, %select_n3A_372 : vector<256x128xi1>, vector<256x128xf32>
    %select_n3A_407 = arith.select %lt3A_403, %select_n3A_400, %select_n3A_373 : vector<256x128xi1>, vector<256x128xi32>
    %lt3A_408 = arith.cmpf olt, %select_n3A_404, %select_n3A_377 : vector<256x128xf32>
    %select_n3A_409 = arith.select %lt3A_408, %select_n3A_377, %select_n3A_404 : vector<256x128xi1>, vector<256x128xf32>
    %select_n3A_410 = arith.select %lt3A_408, %select_n3A_378, %select_n3A_405 : vector<256x128xi1>, vector<256x128xi32>
    %select_n3A_411 = arith.select %lt3A_408, %select_n3A_404, %select_n3A_377 : vector<256x128xi1>, vector<256x128xf32>
    %select_n3A_412 = arith.select %lt3A_408, %select_n3A_405, %select_n3A_378 : vector<256x128xi1>, vector<256x128xi32>
    %lt3A_413 = arith.cmpf olt, %select_n3A_409, %select_n3A_380 : vector<256x128xf32>
    %select_n3A_414 = arith.select %lt3A_413, %select_n3A_409, %select_n3A_380 : vector<256x128xi1>, vector<256x128xf32>
    %select_n3A_415 = arith.select %lt3A_413, %select_n3A_410, %select_n3A_381 : vector<256x128xi1>, vector<256x128xi32>
    %get3A_416 = arith.constant 0 : index
    %get3A_417 = arith.constant 1408 : index
    %get3A_418 = vector.load %arg4[%get3A_416, %get3A_417] : memref<256x4096xf32, #tpu.memory_space<vmem>>, vector<256x128xf32>
    %add3A_419 = arith.constant 1408 : i32
    %add3A_420 = vector.broadcast %add3A_419 : i32 to vector<256x128xi32>
    %add3A_421 = arith.addi %iota3A, %add3A_420 : vector<256x128xi32>
    %lt3A_422 = arith.cmpf olt, %get3A_418, %select_n3A_391 : vector<256x128xf32>
    %select_n3A_423 = arith.select %lt3A_422, %select_n3A_391, %get3A_418 : vector<256x128xi1>, vector<256x128xf32>
    %select_n3A_424 = arith.select %lt3A_422, %select_n3A_392, %add3A_421 : vector<256x128xi1>, vector<256x128xi32>
    %select_n3A_425 = arith.select %lt3A_422, %get3A_418, %select_n3A_391 : vector<256x128xi1>, vector<256x128xf32>
    %select_n3A_426 = arith.select %lt3A_422, %add3A_421, %select_n3A_392 : vector<256x128xi1>, vector<256x128xi32>
    %lt3A_427 = arith.cmpf olt, %select_n3A_423, %select_n3A_396 : vector<256x128xf32>
    %select_n3A_428 = arith.select %lt3A_427, %select_n3A_396, %select_n3A_423 : vector<256x128xi1>, vector<256x128xf32>
    %select_n3A_429 = arith.select %lt3A_427, %select_n3A_397, %select_n3A_424 : vector<256x128xi1>, vector<256x128xi32>
    %select_n3A_430 = arith.select %lt3A_427, %select_n3A_423, %select_n3A_396 : vector<256x128xi1>, vector<256x128xf32>
    %select_n3A_431 = arith.select %lt3A_427, %select_n3A_424, %select_n3A_397 : vector<256x128xi1>, vector<256x128xi32>
    %lt3A_432 = arith.cmpf olt, %select_n3A_428, %select_n3A_401 : vector<256x128xf32>
    %select_n3A_433 = arith.select %lt3A_432, %select_n3A_401, %select_n3A_428 : vector<256x128xi1>, vector<256x128xf32>
    %select_n3A_434 = arith.select %lt3A_432, %select_n3A_402, %select_n3A_429 : vector<256x128xi1>, vector<256x128xi32>
    %select_n3A_435 = arith.select %lt3A_432, %select_n3A_428, %select_n3A_401 : vector<256x128xi1>, vector<256x128xf32>
    %select_n3A_436 = arith.select %lt3A_432, %select_n3A_429, %select_n3A_402 : vector<256x128xi1>, vector<256x128xi32>
    %lt3A_437 = arith.cmpf olt, %select_n3A_433, %select_n3A_406 : vector<256x128xf32>
    %select_n3A_438 = arith.select %lt3A_437, %select_n3A_406, %select_n3A_433 : vector<256x128xi1>, vector<256x128xf32>
    %select_n3A_439 = arith.select %lt3A_437, %select_n3A_407, %select_n3A_434 : vector<256x128xi1>, vector<256x128xi32>
    %select_n3A_440 = arith.select %lt3A_437, %select_n3A_433, %select_n3A_406 : vector<256x128xi1>, vector<256x128xf32>
    %select_n3A_441 = arith.select %lt3A_437, %select_n3A_434, %select_n3A_407 : vector<256x128xi1>, vector<256x128xi32>
    %lt3A_442 = arith.cmpf olt, %select_n3A_438, %select_n3A_411 : vector<256x128xf32>
    %select_n3A_443 = arith.select %lt3A_442, %select_n3A_411, %select_n3A_438 : vector<256x128xi1>, vector<256x128xf32>
    %select_n3A_444 = arith.select %lt3A_442, %select_n3A_412, %select_n3A_439 : vector<256x128xi1>, vector<256x128xi32>
    %select_n3A_445 = arith.select %lt3A_442, %select_n3A_438, %select_n3A_411 : vector<256x128xi1>, vector<256x128xf32>
    %select_n3A_446 = arith.select %lt3A_442, %select_n3A_439, %select_n3A_412 : vector<256x128xi1>, vector<256x128xi32>
    %lt3A_447 = arith.cmpf olt, %select_n3A_443, %select_n3A_414 : vector<256x128xf32>
    %select_n3A_448 = arith.select %lt3A_447, %select_n3A_443, %select_n3A_414 : vector<256x128xi1>, vector<256x128xf32>
    %select_n3A_449 = arith.select %lt3A_447, %select_n3A_444, %select_n3A_415 : vector<256x128xi1>, vector<256x128xi32>
    %get3A_450 = arith.constant 0 : index
    %get3A_451 = arith.constant 1536 : index
    %get3A_452 = vector.load %arg4[%get3A_450, %get3A_451] : memref<256x4096xf32, #tpu.memory_space<vmem>>, vector<256x128xf32>
    %add3A_453 = arith.constant 1536 : i32
    %add3A_454 = vector.broadcast %add3A_453 : i32 to vector<256x128xi32>
    %add3A_455 = arith.addi %iota3A, %add3A_454 : vector<256x128xi32>
    %lt3A_456 = arith.cmpf olt, %get3A_452, %select_n3A_425 : vector<256x128xf32>
    %select_n3A_457 = arith.select %lt3A_456, %select_n3A_425, %get3A_452 : vector<256x128xi1>, vector<256x128xf32>
    %select_n3A_458 = arith.select %lt3A_456, %select_n3A_426, %add3A_455 : vector<256x128xi1>, vector<256x128xi32>
    %select_n3A_459 = arith.select %lt3A_456, %get3A_452, %select_n3A_425 : vector<256x128xi1>, vector<256x128xf32>
    %select_n3A_460 = arith.select %lt3A_456, %add3A_455, %select_n3A_426 : vector<256x128xi1>, vector<256x128xi32>
    %lt3A_461 = arith.cmpf olt, %select_n3A_457, %select_n3A_430 : vector<256x128xf32>
    %select_n3A_462 = arith.select %lt3A_461, %select_n3A_430, %select_n3A_457 : vector<256x128xi1>, vector<256x128xf32>
    %select_n3A_463 = arith.select %lt3A_461, %select_n3A_431, %select_n3A_458 : vector<256x128xi1>, vector<256x128xi32>
    %select_n3A_464 = arith.select %lt3A_461, %select_n3A_457, %select_n3A_430 : vector<256x128xi1>, vector<256x128xf32>
    %select_n3A_465 = arith.select %lt3A_461, %select_n3A_458, %select_n3A_431 : vector<256x128xi1>, vector<256x128xi32>
    %lt3A_466 = arith.cmpf olt, %select_n3A_462, %select_n3A_435 : vector<256x128xf32>
    %select_n3A_467 = arith.select %lt3A_466, %select_n3A_435, %select_n3A_462 : vector<256x128xi1>, vector<256x128xf32>
    %select_n3A_468 = arith.select %lt3A_466, %select_n3A_436, %select_n3A_463 : vector<256x128xi1>, vector<256x128xi32>
    %select_n3A_469 = arith.select %lt3A_466, %select_n3A_462, %select_n3A_435 : vector<256x128xi1>, vector<256x128xf32>
    %select_n3A_470 = arith.select %lt3A_466, %select_n3A_463, %select_n3A_436 : vector<256x128xi1>, vector<256x128xi32>
    %lt3A_471 = arith.cmpf olt, %select_n3A_467, %select_n3A_440 : vector<256x128xf32>
    %select_n3A_472 = arith.select %lt3A_471, %select_n3A_440, %select_n3A_467 : vector<256x128xi1>, vector<256x128xf32>
    %select_n3A_473 = arith.select %lt3A_471, %select_n3A_441, %select_n3A_468 : vector<256x128xi1>, vector<256x128xi32>
    %select_n3A_474 = arith.select %lt3A_471, %select_n3A_467, %select_n3A_440 : vector<256x128xi1>, vector<256x128xf32>
    %select_n3A_475 = arith.select %lt3A_471, %select_n3A_468, %select_n3A_441 : vector<256x128xi1>, vector<256x128xi32>
    %lt3A_476 = arith.cmpf olt, %select_n3A_472, %select_n3A_445 : vector<256x128xf32>
    %select_n3A_477 = arith.select %lt3A_476, %select_n3A_445, %select_n3A_472 : vector<256x128xi1>, vector<256x128xf32>
    %select_n3A_478 = arith.select %lt3A_476, %select_n3A_446, %select_n3A_473 : vector<256x128xi1>, vector<256x128xi32>
    %select_n3A_479 = arith.select %lt3A_476, %select_n3A_472, %select_n3A_445 : vector<256x128xi1>, vector<256x128xf32>
    %select_n3A_480 = arith.select %lt3A_476, %select_n3A_473, %select_n3A_446 : vector<256x128xi1>, vector<256x128xi32>
    %lt3A_481 = arith.cmpf olt, %select_n3A_477, %select_n3A_448 : vector<256x128xf32>
    %select_n3A_482 = arith.select %lt3A_481, %select_n3A_477, %select_n3A_448 : vector<256x128xi1>, vector<256x128xf32>
    %select_n3A_483 = arith.select %lt3A_481, %select_n3A_478, %select_n3A_449 : vector<256x128xi1>, vector<256x128xi32>
    %get3A_484 = arith.constant 0 : index
    %get3A_485 = arith.constant 1664 : index
    %get3A_486 = vector.load %arg4[%get3A_484, %get3A_485] : memref<256x4096xf32, #tpu.memory_space<vmem>>, vector<256x128xf32>
    %add3A_487 = arith.constant 1664 : i32
    %add3A_488 = vector.broadcast %add3A_487 : i32 to vector<256x128xi32>
    %add3A_489 = arith.addi %iota3A, %add3A_488 : vector<256x128xi32>
    %lt3A_490 = arith.cmpf olt, %get3A_486, %select_n3A_459 : vector<256x128xf32>
    %select_n3A_491 = arith.select %lt3A_490, %select_n3A_459, %get3A_486 : vector<256x128xi1>, vector<256x128xf32>
    %select_n3A_492 = arith.select %lt3A_490, %select_n3A_460, %add3A_489 : vector<256x128xi1>, vector<256x128xi32>
    %select_n3A_493 = arith.select %lt3A_490, %get3A_486, %select_n3A_459 : vector<256x128xi1>, vector<256x128xf32>
    %select_n3A_494 = arith.select %lt3A_490, %add3A_489, %select_n3A_460 : vector<256x128xi1>, vector<256x128xi32>
    %lt3A_495 = arith.cmpf olt, %select_n3A_491, %select_n3A_464 : vector<256x128xf32>
    %select_n3A_496 = arith.select %lt3A_495, %select_n3A_464, %select_n3A_491 : vector<256x128xi1>, vector<256x128xf32>
    %select_n3A_497 = arith.select %lt3A_495, %select_n3A_465, %select_n3A_492 : vector<256x128xi1>, vector<256x128xi32>
    %select_n3A_498 = arith.select %lt3A_495, %select_n3A_491, %select_n3A_464 : vector<256x128xi1>, vector<256x128xf32>
    %select_n3A_499 = arith.select %lt3A_495, %select_n3A_492, %select_n3A_465 : vector<256x128xi1>, vector<256x128xi32>
    %lt3A_500 = arith.cmpf olt, %select_n3A_496, %select_n3A_469 : vector<256x128xf32>
    %select_n3A_501 = arith.select %lt3A_500, %select_n3A_469, %select_n3A_496 : vector<256x128xi1>, vector<256x128xf32>
    %select_n3A_502 = arith.select %lt3A_500, %select_n3A_470, %select_n3A_497 : vector<256x128xi1>, vector<256x128xi32>
    %select_n3A_503 = arith.select %lt3A_500, %select_n3A_496, %select_n3A_469 : vector<256x128xi1>, vector<256x128xf32>
    %select_n3A_504 = arith.select %lt3A_500, %select_n3A_497, %select_n3A_470 : vector<256x128xi1>, vector<256x128xi32>
    %lt3A_505 = arith.cmpf olt, %select_n3A_501, %select_n3A_474 : vector<256x128xf32>
    %select_n3A_506 = arith.select %lt3A_505, %select_n3A_474, %select_n3A_501 : vector<256x128xi1>, vector<256x128xf32>
    %select_n3A_507 = arith.select %lt3A_505, %select_n3A_475, %select_n3A_502 : vector<256x128xi1>, vector<256x128xi32>
    %select_n3A_508 = arith.select %lt3A_505, %select_n3A_501, %select_n3A_474 : vector<256x128xi1>, vector<256x128xf32>
    %select_n3A_509 = arith.select %lt3A_505, %select_n3A_502, %select_n3A_475 : vector<256x128xi1>, vector<256x128xi32>
    %lt3A_510 = arith.cmpf olt, %select_n3A_506, %select_n3A_479 : vector<256x128xf32>
    %select_n3A_511 = arith.select %lt3A_510, %select_n3A_479, %select_n3A_506 : vector<256x128xi1>, vector<256x128xf32>
    %select_n3A_512 = arith.select %lt3A_510, %select_n3A_480, %select_n3A_507 : vector<256x128xi1>, vector<256x128xi32>
    %select_n3A_513 = arith.select %lt3A_510, %select_n3A_506, %select_n3A_479 : vector<256x128xi1>, vector<256x128xf32>
    %select_n3A_514 = arith.select %lt3A_510, %select_n3A_507, %select_n3A_480 : vector<256x128xi1>, vector<256x128xi32>
    %lt3A_515 = arith.cmpf olt, %select_n3A_511, %select_n3A_482 : vector<256x128xf32>
    %select_n3A_516 = arith.select %lt3A_515, %select_n3A_511, %select_n3A_482 : vector<256x128xi1>, vector<256x128xf32>
    %select_n3A_517 = arith.select %lt3A_515, %select_n3A_512, %select_n3A_483 : vector<256x128xi1>, vector<256x128xi32>
    %get3A_518 = arith.constant 0 : index
    %get3A_519 = arith.constant 1792 : index
    %get3A_520 = vector.load %arg4[%get3A_518, %get3A_519] : memref<256x4096xf32, #tpu.memory_space<vmem>>, vector<256x128xf32>
    %add3A_521 = arith.constant 1792 : i32
    %add3A_522 = vector.broadcast %add3A_521 : i32 to vector<256x128xi32>
    %add3A_523 = arith.addi %iota3A, %add3A_522 : vector<256x128xi32>
    %lt3A_524 = arith.cmpf olt, %get3A_520, %select_n3A_493 : vector<256x128xf32>
    %select_n3A_525 = arith.select %lt3A_524, %select_n3A_493, %get3A_520 : vector<256x128xi1>, vector<256x128xf32>
    %select_n3A_526 = arith.select %lt3A_524, %select_n3A_494, %add3A_523 : vector<256x128xi1>, vector<256x128xi32>
    %select_n3A_527 = arith.select %lt3A_524, %get3A_520, %select_n3A_493 : vector<256x128xi1>, vector<256x128xf32>
    %select_n3A_528 = arith.select %lt3A_524, %add3A_523, %select_n3A_494 : vector<256x128xi1>, vector<256x128xi32>
    %lt3A_529 = arith.cmpf olt, %select_n3A_525, %select_n3A_498 : vector<256x128xf32>
    %select_n3A_530 = arith.select %lt3A_529, %select_n3A_498, %select_n3A_525 : vector<256x128xi1>, vector<256x128xf32>
    %select_n3A_531 = arith.select %lt3A_529, %select_n3A_499, %select_n3A_526 : vector<256x128xi1>, vector<256x128xi32>
    %select_n3A_532 = arith.select %lt3A_529, %select_n3A_525, %select_n3A_498 : vector<256x128xi1>, vector<256x128xf32>
    %select_n3A_533 = arith.select %lt3A_529, %select_n3A_526, %select_n3A_499 : vector<256x128xi1>, vector<256x128xi32>
    %lt3A_534 = arith.cmpf olt, %select_n3A_530, %select_n3A_503 : vector<256x128xf32>
    %select_n3A_535 = arith.select %lt3A_534, %select_n3A_503, %select_n3A_530 : vector<256x128xi1>, vector<256x128xf32>
    %select_n3A_536 = arith.select %lt3A_534, %select_n3A_504, %select_n3A_531 : vector<256x128xi1>, vector<256x128xi32>
    %select_n3A_537 = arith.select %lt3A_534, %select_n3A_530, %select_n3A_503 : vector<256x128xi1>, vector<256x128xf32>
    %select_n3A_538 = arith.select %lt3A_534, %select_n3A_531, %select_n3A_504 : vector<256x128xi1>, vector<256x128xi32>
    %lt3A_539 = arith.cmpf olt, %select_n3A_535, %select_n3A_508 : vector<256x128xf32>
    %select_n3A_540 = arith.select %lt3A_539, %select_n3A_508, %select_n3A_535 : vector<256x128xi1>, vector<256x128xf32>
    %select_n3A_541 = arith.select %lt3A_539, %select_n3A_509, %select_n3A_536 : vector<256x128xi1>, vector<256x128xi32>
    %select_n3A_542 = arith.select %lt3A_539, %select_n3A_535, %select_n3A_508 : vector<256x128xi1>, vector<256x128xf32>
    %select_n3A_543 = arith.select %lt3A_539, %select_n3A_536, %select_n3A_509 : vector<256x128xi1>, vector<256x128xi32>
    %lt3A_544 = arith.cmpf olt, %select_n3A_540, %select_n3A_513 : vector<256x128xf32>
    %select_n3A_545 = arith.select %lt3A_544, %select_n3A_513, %select_n3A_540 : vector<256x128xi1>, vector<256x128xf32>
    %select_n3A_546 = arith.select %lt3A_544, %select_n3A_514, %select_n3A_541 : vector<256x128xi1>, vector<256x128xi32>
    %select_n3A_547 = arith.select %lt3A_544, %select_n3A_540, %select_n3A_513 : vector<256x128xi1>, vector<256x128xf32>
    %select_n3A_548 = arith.select %lt3A_544, %select_n3A_541, %select_n3A_514 : vector<256x128xi1>, vector<256x128xi32>
    %lt3A_549 = arith.cmpf olt, %select_n3A_545, %select_n3A_516 : vector<256x128xf32>
    %select_n3A_550 = arith.select %lt3A_549, %select_n3A_545, %select_n3A_516 : vector<256x128xi1>, vector<256x128xf32>
    %select_n3A_551 = arith.select %lt3A_549, %select_n3A_546, %select_n3A_517 : vector<256x128xi1>, vector<256x128xi32>
    %get3A_552 = arith.constant 0 : index
    %get3A_553 = arith.constant 1920 : index
    %get3A_554 = vector.load %arg4[%get3A_552, %get3A_553] : memref<256x4096xf32, #tpu.memory_space<vmem>>, vector<256x128xf32>
    %add3A_555 = arith.constant 1920 : i32
    %add3A_556 = vector.broadcast %add3A_555 : i32 to vector<256x128xi32>
    %add3A_557 = arith.addi %iota3A, %add3A_556 : vector<256x128xi32>
    %lt3A_558 = arith.cmpf olt, %get3A_554, %select_n3A_527 : vector<256x128xf32>
    %select_n3A_559 = arith.select %lt3A_558, %select_n3A_527, %get3A_554 : vector<256x128xi1>, vector<256x128xf32>
    %select_n3A_560 = arith.select %lt3A_558, %select_n3A_528, %add3A_557 : vector<256x128xi1>, vector<256x128xi32>
    %select_n3A_561 = arith.select %lt3A_558, %get3A_554, %select_n3A_527 : vector<256x128xi1>, vector<256x128xf32>
    %select_n3A_562 = arith.select %lt3A_558, %add3A_557, %select_n3A_528 : vector<256x128xi1>, vector<256x128xi32>
    %lt3A_563 = arith.cmpf olt, %select_n3A_559, %select_n3A_532 : vector<256x128xf32>
    %select_n3A_564 = arith.select %lt3A_563, %select_n3A_532, %select_n3A_559 : vector<256x128xi1>, vector<256x128xf32>
    %select_n3A_565 = arith.select %lt3A_563, %select_n3A_533, %select_n3A_560 : vector<256x128xi1>, vector<256x128xi32>
    %select_n3A_566 = arith.select %lt3A_563, %select_n3A_559, %select_n3A_532 : vector<256x128xi1>, vector<256x128xf32>
    %select_n3A_567 = arith.select %lt3A_563, %select_n3A_560, %select_n3A_533 : vector<256x128xi1>, vector<256x128xi32>
    %lt3A_568 = arith.cmpf olt, %select_n3A_564, %select_n3A_537 : vector<256x128xf32>
    %select_n3A_569 = arith.select %lt3A_568, %select_n3A_537, %select_n3A_564 : vector<256x128xi1>, vector<256x128xf32>
    %select_n3A_570 = arith.select %lt3A_568, %select_n3A_538, %select_n3A_565 : vector<256x128xi1>, vector<256x128xi32>
    %select_n3A_571 = arith.select %lt3A_568, %select_n3A_564, %select_n3A_537 : vector<256x128xi1>, vector<256x128xf32>
    %select_n3A_572 = arith.select %lt3A_568, %select_n3A_565, %select_n3A_538 : vector<256x128xi1>, vector<256x128xi32>
    %lt3A_573 = arith.cmpf olt, %select_n3A_569, %select_n3A_542 : vector<256x128xf32>
    %select_n3A_574 = arith.select %lt3A_573, %select_n3A_542, %select_n3A_569 : vector<256x128xi1>, vector<256x128xf32>
    %select_n3A_575 = arith.select %lt3A_573, %select_n3A_543, %select_n3A_570 : vector<256x128xi1>, vector<256x128xi32>
    %select_n3A_576 = arith.select %lt3A_573, %select_n3A_569, %select_n3A_542 : vector<256x128xi1>, vector<256x128xf32>
    %select_n3A_577 = arith.select %lt3A_573, %select_n3A_570, %select_n3A_543 : vector<256x128xi1>, vector<256x128xi32>
    %lt3A_578 = arith.cmpf olt, %select_n3A_574, %select_n3A_547 : vector<256x128xf32>
    %select_n3A_579 = arith.select %lt3A_578, %select_n3A_547, %select_n3A_574 : vector<256x128xi1>, vector<256x128xf32>
    %select_n3A_580 = arith.select %lt3A_578, %select_n3A_548, %select_n3A_575 : vector<256x128xi1>, vector<256x128xi32>
    %select_n3A_581 = arith.select %lt3A_578, %select_n3A_574, %select_n3A_547 : vector<256x128xi1>, vector<256x128xf32>
    %select_n3A_582 = arith.select %lt3A_578, %select_n3A_575, %select_n3A_548 : vector<256x128xi1>, vector<256x128xi32>
    %lt3A_583 = arith.cmpf olt, %select_n3A_579, %select_n3A_550 : vector<256x128xf32>
    %select_n3A_584 = arith.select %lt3A_583, %select_n3A_579, %select_n3A_550 : vector<256x128xi1>, vector<256x128xf32>
    %select_n3A_585 = arith.select %lt3A_583, %select_n3A_580, %select_n3A_551 : vector<256x128xi1>, vector<256x128xi32>
    %get3A_586 = arith.constant 0 : index
    %get3A_587 = arith.constant 2048 : index
    %get3A_588 = vector.load %arg4[%get3A_586, %get3A_587] : memref<256x4096xf32, #tpu.memory_space<vmem>>, vector<256x128xf32>
    %add3A_589 = arith.constant 2048 : i32
    %add3A_590 = vector.broadcast %add3A_589 : i32 to vector<256x128xi32>
    %add3A_591 = arith.addi %iota3A, %add3A_590 : vector<256x128xi32>
    %lt3A_592 = arith.cmpf olt, %get3A_588, %select_n3A_561 : vector<256x128xf32>
    %select_n3A_593 = arith.select %lt3A_592, %select_n3A_561, %get3A_588 : vector<256x128xi1>, vector<256x128xf32>
    %select_n3A_594 = arith.select %lt3A_592, %select_n3A_562, %add3A_591 : vector<256x128xi1>, vector<256x128xi32>
    %select_n3A_595 = arith.select %lt3A_592, %get3A_588, %select_n3A_561 : vector<256x128xi1>, vector<256x128xf32>
    %select_n3A_596 = arith.select %lt3A_592, %add3A_591, %select_n3A_562 : vector<256x128xi1>, vector<256x128xi32>
    %lt3A_597 = arith.cmpf olt, %select_n3A_593, %select_n3A_566 : vector<256x128xf32>
    %select_n3A_598 = arith.select %lt3A_597, %select_n3A_566, %select_n3A_593 : vector<256x128xi1>, vector<256x128xf32>
    %select_n3A_599 = arith.select %lt3A_597, %select_n3A_567, %select_n3A_594 : vector<256x128xi1>, vector<256x128xi32>
    %select_n3A_600 = arith.select %lt3A_597, %select_n3A_593, %select_n3A_566 : vector<256x128xi1>, vector<256x128xf32>
    %select_n3A_601 = arith.select %lt3A_597, %select_n3A_594, %select_n3A_567 : vector<256x128xi1>, vector<256x128xi32>
    %lt3A_602 = arith.cmpf olt, %select_n3A_598, %select_n3A_571 : vector<256x128xf32>
    %select_n3A_603 = arith.select %lt3A_602, %select_n3A_571, %select_n3A_598 : vector<256x128xi1>, vector<256x128xf32>
    %select_n3A_604 = arith.select %lt3A_602, %select_n3A_572, %select_n3A_599 : vector<256x128xi1>, vector<256x128xi32>
    %select_n3A_605 = arith.select %lt3A_602, %select_n3A_598, %select_n3A_571 : vector<256x128xi1>, vector<256x128xf32>
    %select_n3A_606 = arith.select %lt3A_602, %select_n3A_599, %select_n3A_572 : vector<256x128xi1>, vector<256x128xi32>
    %lt3A_607 = arith.cmpf olt, %select_n3A_603, %select_n3A_576 : vector<256x128xf32>
    %select_n3A_608 = arith.select %lt3A_607, %select_n3A_576, %select_n3A_603 : vector<256x128xi1>, vector<256x128xf32>
    %select_n3A_609 = arith.select %lt3A_607, %select_n3A_577, %select_n3A_604 : vector<256x128xi1>, vector<256x128xi32>
    %select_n3A_610 = arith.select %lt3A_607, %select_n3A_603, %select_n3A_576 : vector<256x128xi1>, vector<256x128xf32>
    %select_n3A_611 = arith.select %lt3A_607, %select_n3A_604, %select_n3A_577 : vector<256x128xi1>, vector<256x128xi32>
    %lt3A_612 = arith.cmpf olt, %select_n3A_608, %select_n3A_581 : vector<256x128xf32>
    %select_n3A_613 = arith.select %lt3A_612, %select_n3A_581, %select_n3A_608 : vector<256x128xi1>, vector<256x128xf32>
    %select_n3A_614 = arith.select %lt3A_612, %select_n3A_582, %select_n3A_609 : vector<256x128xi1>, vector<256x128xi32>
    %select_n3A_615 = arith.select %lt3A_612, %select_n3A_608, %select_n3A_581 : vector<256x128xi1>, vector<256x128xf32>
    %select_n3A_616 = arith.select %lt3A_612, %select_n3A_609, %select_n3A_582 : vector<256x128xi1>, vector<256x128xi32>
    %lt3A_617 = arith.cmpf olt, %select_n3A_613, %select_n3A_584 : vector<256x128xf32>
    %select_n3A_618 = arith.select %lt3A_617, %select_n3A_613, %select_n3A_584 : vector<256x128xi1>, vector<256x128xf32>
    %select_n3A_619 = arith.select %lt3A_617, %select_n3A_614, %select_n3A_585 : vector<256x128xi1>, vector<256x128xi32>
    %get3A_620 = arith.constant 0 : index
    %get3A_621 = arith.constant 2176 : index
    %get3A_622 = vector.load %arg4[%get3A_620, %get3A_621] : memref<256x4096xf32, #tpu.memory_space<vmem>>, vector<256x128xf32>
    %add3A_623 = arith.constant 2176 : i32
    %add3A_624 = vector.broadcast %add3A_623 : i32 to vector<256x128xi32>
    %add3A_625 = arith.addi %iota3A, %add3A_624 : vector<256x128xi32>
    %lt3A_626 = arith.cmpf olt, %get3A_622, %select_n3A_595 : vector<256x128xf32>
    %select_n3A_627 = arith.select %lt3A_626, %select_n3A_595, %get3A_622 : vector<256x128xi1>, vector<256x128xf32>
    %select_n3A_628 = arith.select %lt3A_626, %select_n3A_596, %add3A_625 : vector<256x128xi1>, vector<256x128xi32>
    %select_n3A_629 = arith.select %lt3A_626, %get3A_622, %select_n3A_595 : vector<256x128xi1>, vector<256x128xf32>
    %select_n3A_630 = arith.select %lt3A_626, %add3A_625, %select_n3A_596 : vector<256x128xi1>, vector<256x128xi32>
    %lt3A_631 = arith.cmpf olt, %select_n3A_627, %select_n3A_600 : vector<256x128xf32>
    %select_n3A_632 = arith.select %lt3A_631, %select_n3A_600, %select_n3A_627 : vector<256x128xi1>, vector<256x128xf32>
    %select_n3A_633 = arith.select %lt3A_631, %select_n3A_601, %select_n3A_628 : vector<256x128xi1>, vector<256x128xi32>
    %select_n3A_634 = arith.select %lt3A_631, %select_n3A_627, %select_n3A_600 : vector<256x128xi1>, vector<256x128xf32>
    %select_n3A_635 = arith.select %lt3A_631, %select_n3A_628, %select_n3A_601 : vector<256x128xi1>, vector<256x128xi32>
    %lt3A_636 = arith.cmpf olt, %select_n3A_632, %select_n3A_605 : vector<256x128xf32>
    %select_n3A_637 = arith.select %lt3A_636, %select_n3A_605, %select_n3A_632 : vector<256x128xi1>, vector<256x128xf32>
    %select_n3A_638 = arith.select %lt3A_636, %select_n3A_606, %select_n3A_633 : vector<256x128xi1>, vector<256x128xi32>
    %select_n3A_639 = arith.select %lt3A_636, %select_n3A_632, %select_n3A_605 : vector<256x128xi1>, vector<256x128xf32>
    %select_n3A_640 = arith.select %lt3A_636, %select_n3A_633, %select_n3A_606 : vector<256x128xi1>, vector<256x128xi32>
    %lt3A_641 = arith.cmpf olt, %select_n3A_637, %select_n3A_610 : vector<256x128xf32>
    %select_n3A_642 = arith.select %lt3A_641, %select_n3A_610, %select_n3A_637 : vector<256x128xi1>, vector<256x128xf32>
    %select_n3A_643 = arith.select %lt3A_641, %select_n3A_611, %select_n3A_638 : vector<256x128xi1>, vector<256x128xi32>
    %select_n3A_644 = arith.select %lt3A_641, %select_n3A_637, %select_n3A_610 : vector<256x128xi1>, vector<256x128xf32>
    %select_n3A_645 = arith.select %lt3A_641, %select_n3A_638, %select_n3A_611 : vector<256x128xi1>, vector<256x128xi32>
    %lt3A_646 = arith.cmpf olt, %select_n3A_642, %select_n3A_615 : vector<256x128xf32>
    %select_n3A_647 = arith.select %lt3A_646, %select_n3A_615, %select_n3A_642 : vector<256x128xi1>, vector<256x128xf32>
    %select_n3A_648 = arith.select %lt3A_646, %select_n3A_616, %select_n3A_643 : vector<256x128xi1>, vector<256x128xi32>
    %select_n3A_649 = arith.select %lt3A_646, %select_n3A_642, %select_n3A_615 : vector<256x128xi1>, vector<256x128xf32>
    %select_n3A_650 = arith.select %lt3A_646, %select_n3A_643, %select_n3A_616 : vector<256x128xi1>, vector<256x128xi32>
    %lt3A_651 = arith.cmpf olt, %select_n3A_647, %select_n3A_618 : vector<256x128xf32>
    %select_n3A_652 = arith.select %lt3A_651, %select_n3A_647, %select_n3A_618 : vector<256x128xi1>, vector<256x128xf32>
    %select_n3A_653 = arith.select %lt3A_651, %select_n3A_648, %select_n3A_619 : vector<256x128xi1>, vector<256x128xi32>
    %get3A_654 = arith.constant 0 : index
    %get3A_655 = arith.constant 2304 : index
    %get3A_656 = vector.load %arg4[%get3A_654, %get3A_655] : memref<256x4096xf32, #tpu.memory_space<vmem>>, vector<256x128xf32>
    %add3A_657 = arith.constant 2304 : i32
    %add3A_658 = vector.broadcast %add3A_657 : i32 to vector<256x128xi32>
    %add3A_659 = arith.addi %iota3A, %add3A_658 : vector<256x128xi32>
    %lt3A_660 = arith.cmpf olt, %get3A_656, %select_n3A_629 : vector<256x128xf32>
    %select_n3A_661 = arith.select %lt3A_660, %select_n3A_629, %get3A_656 : vector<256x128xi1>, vector<256x128xf32>
    %select_n3A_662 = arith.select %lt3A_660, %select_n3A_630, %add3A_659 : vector<256x128xi1>, vector<256x128xi32>
    %select_n3A_663 = arith.select %lt3A_660, %get3A_656, %select_n3A_629 : vector<256x128xi1>, vector<256x128xf32>
    %select_n3A_664 = arith.select %lt3A_660, %add3A_659, %select_n3A_630 : vector<256x128xi1>, vector<256x128xi32>
    %lt3A_665 = arith.cmpf olt, %select_n3A_661, %select_n3A_634 : vector<256x128xf32>
    %select_n3A_666 = arith.select %lt3A_665, %select_n3A_634, %select_n3A_661 : vector<256x128xi1>, vector<256x128xf32>
    %select_n3A_667 = arith.select %lt3A_665, %select_n3A_635, %select_n3A_662 : vector<256x128xi1>, vector<256x128xi32>
    %select_n3A_668 = arith.select %lt3A_665, %select_n3A_661, %select_n3A_634 : vector<256x128xi1>, vector<256x128xf32>
    %select_n3A_669 = arith.select %lt3A_665, %select_n3A_662, %select_n3A_635 : vector<256x128xi1>, vector<256x128xi32>
    %lt3A_670 = arith.cmpf olt, %select_n3A_666, %select_n3A_639 : vector<256x128xf32>
    %select_n3A_671 = arith.select %lt3A_670, %select_n3A_639, %select_n3A_666 : vector<256x128xi1>, vector<256x128xf32>
    %select_n3A_672 = arith.select %lt3A_670, %select_n3A_640, %select_n3A_667 : vector<256x128xi1>, vector<256x128xi32>
    %select_n3A_673 = arith.select %lt3A_670, %select_n3A_666, %select_n3A_639 : vector<256x128xi1>, vector<256x128xf32>
    %select_n3A_674 = arith.select %lt3A_670, %select_n3A_667, %select_n3A_640 : vector<256x128xi1>, vector<256x128xi32>
    %lt3A_675 = arith.cmpf olt, %select_n3A_671, %select_n3A_644 : vector<256x128xf32>
    %select_n3A_676 = arith.select %lt3A_675, %select_n3A_644, %select_n3A_671 : vector<256x128xi1>, vector<256x128xf32>
    %select_n3A_677 = arith.select %lt3A_675, %select_n3A_645, %select_n3A_672 : vector<256x128xi1>, vector<256x128xi32>
    %select_n3A_678 = arith.select %lt3A_675, %select_n3A_671, %select_n3A_644 : vector<256x128xi1>, vector<256x128xf32>
    %select_n3A_679 = arith.select %lt3A_675, %select_n3A_672, %select_n3A_645 : vector<256x128xi1>, vector<256x128xi32>
    %lt3A_680 = arith.cmpf olt, %select_n3A_676, %select_n3A_649 : vector<256x128xf32>
    %select_n3A_681 = arith.select %lt3A_680, %select_n3A_649, %select_n3A_676 : vector<256x128xi1>, vector<256x128xf32>
    %select_n3A_682 = arith.select %lt3A_680, %select_n3A_650, %select_n3A_677 : vector<256x128xi1>, vector<256x128xi32>
    %select_n3A_683 = arith.select %lt3A_680, %select_n3A_676, %select_n3A_649 : vector<256x128xi1>, vector<256x128xf32>
    %select_n3A_684 = arith.select %lt3A_680, %select_n3A_677, %select_n3A_650 : vector<256x128xi1>, vector<256x128xi32>
    %lt3A_685 = arith.cmpf olt, %select_n3A_681, %select_n3A_652 : vector<256x128xf32>
    %select_n3A_686 = arith.select %lt3A_685, %select_n3A_681, %select_n3A_652 : vector<256x128xi1>, vector<256x128xf32>
    %select_n3A_687 = arith.select %lt3A_685, %select_n3A_682, %select_n3A_653 : vector<256x128xi1>, vector<256x128xi32>
    %get3A_688 = arith.constant 0 : index
    %get3A_689 = arith.constant 2432 : index
    %get3A_690 = vector.load %arg4[%get3A_688, %get3A_689] : memref<256x4096xf32, #tpu.memory_space<vmem>>, vector<256x128xf32>
    %add3A_691 = arith.constant 2432 : i32
    %add3A_692 = vector.broadcast %add3A_691 : i32 to vector<256x128xi32>
    %add3A_693 = arith.addi %iota3A, %add3A_692 : vector<256x128xi32>
    %lt3A_694 = arith.cmpf olt, %get3A_690, %select_n3A_663 : vector<256x128xf32>
    %select_n3A_695 = arith.select %lt3A_694, %select_n3A_663, %get3A_690 : vector<256x128xi1>, vector<256x128xf32>
    %select_n3A_696 = arith.select %lt3A_694, %select_n3A_664, %add3A_693 : vector<256x128xi1>, vector<256x128xi32>
    %select_n3A_697 = arith.select %lt3A_694, %get3A_690, %select_n3A_663 : vector<256x128xi1>, vector<256x128xf32>
    %select_n3A_698 = arith.select %lt3A_694, %add3A_693, %select_n3A_664 : vector<256x128xi1>, vector<256x128xi32>
    %lt3A_699 = arith.cmpf olt, %select_n3A_695, %select_n3A_668 : vector<256x128xf32>
    %select_n3A_700 = arith.select %lt3A_699, %select_n3A_668, %select_n3A_695 : vector<256x128xi1>, vector<256x128xf32>
    %select_n3A_701 = arith.select %lt3A_699, %select_n3A_669, %select_n3A_696 : vector<256x128xi1>, vector<256x128xi32>
    %select_n3A_702 = arith.select %lt3A_699, %select_n3A_695, %select_n3A_668 : vector<256x128xi1>, vector<256x128xf32>
    %select_n3A_703 = arith.select %lt3A_699, %select_n3A_696, %select_n3A_669 : vector<256x128xi1>, vector<256x128xi32>
    %lt3A_704 = arith.cmpf olt, %select_n3A_700, %select_n3A_673 : vector<256x128xf32>
    %select_n3A_705 = arith.select %lt3A_704, %select_n3A_673, %select_n3A_700 : vector<256x128xi1>, vector<256x128xf32>
    %select_n3A_706 = arith.select %lt3A_704, %select_n3A_674, %select_n3A_701 : vector<256x128xi1>, vector<256x128xi32>
    %select_n3A_707 = arith.select %lt3A_704, %select_n3A_700, %select_n3A_673 : vector<256x128xi1>, vector<256x128xf32>
    %select_n3A_708 = arith.select %lt3A_704, %select_n3A_701, %select_n3A_674 : vector<256x128xi1>, vector<256x128xi32>
    %lt3A_709 = arith.cmpf olt, %select_n3A_705, %select_n3A_678 : vector<256x128xf32>
    %select_n3A_710 = arith.select %lt3A_709, %select_n3A_678, %select_n3A_705 : vector<256x128xi1>, vector<256x128xf32>
    %select_n3A_711 = arith.select %lt3A_709, %select_n3A_679, %select_n3A_706 : vector<256x128xi1>, vector<256x128xi32>
    %select_n3A_712 = arith.select %lt3A_709, %select_n3A_705, %select_n3A_678 : vector<256x128xi1>, vector<256x128xf32>
    %select_n3A_713 = arith.select %lt3A_709, %select_n3A_706, %select_n3A_679 : vector<256x128xi1>, vector<256x128xi32>
    %lt3A_714 = arith.cmpf olt, %select_n3A_710, %select_n3A_683 : vector<256x128xf32>
    %select_n3A_715 = arith.select %lt3A_714, %select_n3A_683, %select_n3A_710 : vector<256x128xi1>, vector<256x128xf32>
    %select_n3A_716 = arith.select %lt3A_714, %select_n3A_684, %select_n3A_711 : vector<256x128xi1>, vector<256x128xi32>
    %select_n3A_717 = arith.select %lt3A_714, %select_n3A_710, %select_n3A_683 : vector<256x128xi1>, vector<256x128xf32>
    %select_n3A_718 = arith.select %lt3A_714, %select_n3A_711, %select_n3A_684 : vector<256x128xi1>, vector<256x128xi32>
    %lt3A_719 = arith.cmpf olt, %select_n3A_715, %select_n3A_686 : vector<256x128xf32>
    %select_n3A_720 = arith.select %lt3A_719, %select_n3A_715, %select_n3A_686 : vector<256x128xi1>, vector<256x128xf32>
    %select_n3A_721 = arith.select %lt3A_719, %select_n3A_716, %select_n3A_687 : vector<256x128xi1>, vector<256x128xi32>
    %get3A_722 = arith.constant 0 : index
    %get3A_723 = arith.constant 2560 : index
    %get3A_724 = vector.load %arg4[%get3A_722, %get3A_723] : memref<256x4096xf32, #tpu.memory_space<vmem>>, vector<256x128xf32>
    %add3A_725 = arith.constant 2560 : i32
    %add3A_726 = vector.broadcast %add3A_725 : i32 to vector<256x128xi32>
    %add3A_727 = arith.addi %iota3A, %add3A_726 : vector<256x128xi32>
    %lt3A_728 = arith.cmpf olt, %get3A_724, %select_n3A_697 : vector<256x128xf32>
    %select_n3A_729 = arith.select %lt3A_728, %select_n3A_697, %get3A_724 : vector<256x128xi1>, vector<256x128xf32>
    %select_n3A_730 = arith.select %lt3A_728, %select_n3A_698, %add3A_727 : vector<256x128xi1>, vector<256x128xi32>
    %select_n3A_731 = arith.select %lt3A_728, %get3A_724, %select_n3A_697 : vector<256x128xi1>, vector<256x128xf32>
    %select_n3A_732 = arith.select %lt3A_728, %add3A_727, %select_n3A_698 : vector<256x128xi1>, vector<256x128xi32>
    %lt3A_733 = arith.cmpf olt, %select_n3A_729, %select_n3A_702 : vector<256x128xf32>
    %select_n3A_734 = arith.select %lt3A_733, %select_n3A_702, %select_n3A_729 : vector<256x128xi1>, vector<256x128xf32>
    %select_n3A_735 = arith.select %lt3A_733, %select_n3A_703, %select_n3A_730 : vector<256x128xi1>, vector<256x128xi32>
    %select_n3A_736 = arith.select %lt3A_733, %select_n3A_729, %select_n3A_702 : vector<256x128xi1>, vector<256x128xf32>
    %select_n3A_737 = arith.select %lt3A_733, %select_n3A_730, %select_n3A_703 : vector<256x128xi1>, vector<256x128xi32>
    %lt3A_738 = arith.cmpf olt, %select_n3A_734, %select_n3A_707 : vector<256x128xf32>
    %select_n3A_739 = arith.select %lt3A_738, %select_n3A_707, %select_n3A_734 : vector<256x128xi1>, vector<256x128xf32>
    %select_n3A_740 = arith.select %lt3A_738, %select_n3A_708, %select_n3A_735 : vector<256x128xi1>, vector<256x128xi32>
    %select_n3A_741 = arith.select %lt3A_738, %select_n3A_734, %select_n3A_707 : vector<256x128xi1>, vector<256x128xf32>
    %select_n3A_742 = arith.select %lt3A_738, %select_n3A_735, %select_n3A_708 : vector<256x128xi1>, vector<256x128xi32>
    %lt3A_743 = arith.cmpf olt, %select_n3A_739, %select_n3A_712 : vector<256x128xf32>
    %select_n3A_744 = arith.select %lt3A_743, %select_n3A_712, %select_n3A_739 : vector<256x128xi1>, vector<256x128xf32>
    %select_n3A_745 = arith.select %lt3A_743, %select_n3A_713, %select_n3A_740 : vector<256x128xi1>, vector<256x128xi32>
    %select_n3A_746 = arith.select %lt3A_743, %select_n3A_739, %select_n3A_712 : vector<256x128xi1>, vector<256x128xf32>
    %select_n3A_747 = arith.select %lt3A_743, %select_n3A_740, %select_n3A_713 : vector<256x128xi1>, vector<256x128xi32>
    %lt3A_748 = arith.cmpf olt, %select_n3A_744, %select_n3A_717 : vector<256x128xf32>
    %select_n3A_749 = arith.select %lt3A_748, %select_n3A_717, %select_n3A_744 : vector<256x128xi1>, vector<256x128xf32>
    %select_n3A_750 = arith.select %lt3A_748, %select_n3A_718, %select_n3A_745 : vector<256x128xi1>, vector<256x128xi32>
    %select_n3A_751 = arith.select %lt3A_748, %select_n3A_744, %select_n3A_717 : vector<256x128xi1>, vector<256x128xf32>
    %select_n3A_752 = arith.select %lt3A_748, %select_n3A_745, %select_n3A_718 : vector<256x128xi1>, vector<256x128xi32>
    %lt3A_753 = arith.cmpf olt, %select_n3A_749, %select_n3A_720 : vector<256x128xf32>
    %select_n3A_754 = arith.select %lt3A_753, %select_n3A_749, %select_n3A_720 : vector<256x128xi1>, vector<256x128xf32>
    %select_n3A_755 = arith.select %lt3A_753, %select_n3A_750, %select_n3A_721 : vector<256x128xi1>, vector<256x128xi32>
    %get3A_756 = arith.constant 0 : index
    %get3A_757 = arith.constant 2688 : index
    %get3A_758 = vector.load %arg4[%get3A_756, %get3A_757] : memref<256x4096xf32, #tpu.memory_space<vmem>>, vector<256x128xf32>
    %add3A_759 = arith.constant 2688 : i32
    %add3A_760 = vector.broadcast %add3A_759 : i32 to vector<256x128xi32>
    %add3A_761 = arith.addi %iota3A, %add3A_760 : vector<256x128xi32>
    %lt3A_762 = arith.cmpf olt, %get3A_758, %select_n3A_731 : vector<256x128xf32>
    %select_n3A_763 = arith.select %lt3A_762, %select_n3A_731, %get3A_758 : vector<256x128xi1>, vector<256x128xf32>
    %select_n3A_764 = arith.select %lt3A_762, %select_n3A_732, %add3A_761 : vector<256x128xi1>, vector<256x128xi32>
    %select_n3A_765 = arith.select %lt3A_762, %get3A_758, %select_n3A_731 : vector<256x128xi1>, vector<256x128xf32>
    %select_n3A_766 = arith.select %lt3A_762, %add3A_761, %select_n3A_732 : vector<256x128xi1>, vector<256x128xi32>
    %lt3A_767 = arith.cmpf olt, %select_n3A_763, %select_n3A_736 : vector<256x128xf32>
    %select_n3A_768 = arith.select %lt3A_767, %select_n3A_736, %select_n3A_763 : vector<256x128xi1>, vector<256x128xf32>
    %select_n3A_769 = arith.select %lt3A_767, %select_n3A_737, %select_n3A_764 : vector<256x128xi1>, vector<256x128xi32>
    %select_n3A_770 = arith.select %lt3A_767, %select_n3A_763, %select_n3A_736 : vector<256x128xi1>, vector<256x128xf32>
    %select_n3A_771 = arith.select %lt3A_767, %select_n3A_764, %select_n3A_737 : vector<256x128xi1>, vector<256x128xi32>
    %lt3A_772 = arith.cmpf olt, %select_n3A_768, %select_n3A_741 : vector<256x128xf32>
    %select_n3A_773 = arith.select %lt3A_772, %select_n3A_741, %select_n3A_768 : vector<256x128xi1>, vector<256x128xf32>
    %select_n3A_774 = arith.select %lt3A_772, %select_n3A_742, %select_n3A_769 : vector<256x128xi1>, vector<256x128xi32>
    %select_n3A_775 = arith.select %lt3A_772, %select_n3A_768, %select_n3A_741 : vector<256x128xi1>, vector<256x128xf32>
    %select_n3A_776 = arith.select %lt3A_772, %select_n3A_769, %select_n3A_742 : vector<256x128xi1>, vector<256x128xi32>
    %lt3A_777 = arith.cmpf olt, %select_n3A_773, %select_n3A_746 : vector<256x128xf32>
    %select_n3A_778 = arith.select %lt3A_777, %select_n3A_746, %select_n3A_773 : vector<256x128xi1>, vector<256x128xf32>
    %select_n3A_779 = arith.select %lt3A_777, %select_n3A_747, %select_n3A_774 : vector<256x128xi1>, vector<256x128xi32>
    %select_n3A_780 = arith.select %lt3A_777, %select_n3A_773, %select_n3A_746 : vector<256x128xi1>, vector<256x128xf32>
    %select_n3A_781 = arith.select %lt3A_777, %select_n3A_774, %select_n3A_747 : vector<256x128xi1>, vector<256x128xi32>
    %lt3A_782 = arith.cmpf olt, %select_n3A_778, %select_n3A_751 : vector<256x128xf32>
    %select_n3A_783 = arith.select %lt3A_782, %select_n3A_751, %select_n3A_778 : vector<256x128xi1>, vector<256x128xf32>
    %select_n3A_784 = arith.select %lt3A_782, %select_n3A_752, %select_n3A_779 : vector<256x128xi1>, vector<256x128xi32>
    %select_n3A_785 = arith.select %lt3A_782, %select_n3A_778, %select_n3A_751 : vector<256x128xi1>, vector<256x128xf32>
    %select_n3A_786 = arith.select %lt3A_782, %select_n3A_779, %select_n3A_752 : vector<256x128xi1>, vector<256x128xi32>
    %lt3A_787 = arith.cmpf olt, %select_n3A_783, %select_n3A_754 : vector<256x128xf32>
    %select_n3A_788 = arith.select %lt3A_787, %select_n3A_783, %select_n3A_754 : vector<256x128xi1>, vector<256x128xf32>
    %select_n3A_789 = arith.select %lt3A_787, %select_n3A_784, %select_n3A_755 : vector<256x128xi1>, vector<256x128xi32>
    %get3A_790 = arith.constant 0 : index
    %get3A_791 = arith.constant 2816 : index
    %get3A_792 = vector.load %arg4[%get3A_790, %get3A_791] : memref<256x4096xf32, #tpu.memory_space<vmem>>, vector<256x128xf32>
    %add3A_793 = arith.constant 2816 : i32
    %add3A_794 = vector.broadcast %add3A_793 : i32 to vector<256x128xi32>
    %add3A_795 = arith.addi %iota3A, %add3A_794 : vector<256x128xi32>
    %lt3A_796 = arith.cmpf olt, %get3A_792, %select_n3A_765 : vector<256x128xf32>
    %select_n3A_797 = arith.select %lt3A_796, %select_n3A_765, %get3A_792 : vector<256x128xi1>, vector<256x128xf32>
    %select_n3A_798 = arith.select %lt3A_796, %select_n3A_766, %add3A_795 : vector<256x128xi1>, vector<256x128xi32>
    %select_n3A_799 = arith.select %lt3A_796, %get3A_792, %select_n3A_765 : vector<256x128xi1>, vector<256x128xf32>
    %select_n3A_800 = arith.select %lt3A_796, %add3A_795, %select_n3A_766 : vector<256x128xi1>, vector<256x128xi32>
    %lt3A_801 = arith.cmpf olt, %select_n3A_797, %select_n3A_770 : vector<256x128xf32>
    %select_n3A_802 = arith.select %lt3A_801, %select_n3A_770, %select_n3A_797 : vector<256x128xi1>, vector<256x128xf32>
    %select_n3A_803 = arith.select %lt3A_801, %select_n3A_771, %select_n3A_798 : vector<256x128xi1>, vector<256x128xi32>
    %select_n3A_804 = arith.select %lt3A_801, %select_n3A_797, %select_n3A_770 : vector<256x128xi1>, vector<256x128xf32>
    %select_n3A_805 = arith.select %lt3A_801, %select_n3A_798, %select_n3A_771 : vector<256x128xi1>, vector<256x128xi32>
    %lt3A_806 = arith.cmpf olt, %select_n3A_802, %select_n3A_775 : vector<256x128xf32>
    %select_n3A_807 = arith.select %lt3A_806, %select_n3A_775, %select_n3A_802 : vector<256x128xi1>, vector<256x128xf32>
    %select_n3A_808 = arith.select %lt3A_806, %select_n3A_776, %select_n3A_803 : vector<256x128xi1>, vector<256x128xi32>
    %select_n3A_809 = arith.select %lt3A_806, %select_n3A_802, %select_n3A_775 : vector<256x128xi1>, vector<256x128xf32>
    %select_n3A_810 = arith.select %lt3A_806, %select_n3A_803, %select_n3A_776 : vector<256x128xi1>, vector<256x128xi32>
    %lt3A_811 = arith.cmpf olt, %select_n3A_807, %select_n3A_780 : vector<256x128xf32>
    %select_n3A_812 = arith.select %lt3A_811, %select_n3A_780, %select_n3A_807 : vector<256x128xi1>, vector<256x128xf32>
    %select_n3A_813 = arith.select %lt3A_811, %select_n3A_781, %select_n3A_808 : vector<256x128xi1>, vector<256x128xi32>
    %select_n3A_814 = arith.select %lt3A_811, %select_n3A_807, %select_n3A_780 : vector<256x128xi1>, vector<256x128xf32>
    %select_n3A_815 = arith.select %lt3A_811, %select_n3A_808, %select_n3A_781 : vector<256x128xi1>, vector<256x128xi32>
    %lt3A_816 = arith.cmpf olt, %select_n3A_812, %select_n3A_785 : vector<256x128xf32>
    %select_n3A_817 = arith.select %lt3A_816, %select_n3A_785, %select_n3A_812 : vector<256x128xi1>, vector<256x128xf32>
    %select_n3A_818 = arith.select %lt3A_816, %select_n3A_786, %select_n3A_813 : vector<256x128xi1>, vector<256x128xi32>
    %select_n3A_819 = arith.select %lt3A_816, %select_n3A_812, %select_n3A_785 : vector<256x128xi1>, vector<256x128xf32>
    %select_n3A_820 = arith.select %lt3A_816, %select_n3A_813, %select_n3A_786 : vector<256x128xi1>, vector<256x128xi32>
    %lt3A_821 = arith.cmpf olt, %select_n3A_817, %select_n3A_788 : vector<256x128xf32>
    %select_n3A_822 = arith.select %lt3A_821, %select_n3A_817, %select_n3A_788 : vector<256x128xi1>, vector<256x128xf32>
    %select_n3A_823 = arith.select %lt3A_821, %select_n3A_818, %select_n3A_789 : vector<256x128xi1>, vector<256x128xi32>
    %get3A_824 = arith.constant 0 : index
    %get3A_825 = arith.constant 2944 : index
    %get3A_826 = vector.load %arg4[%get3A_824, %get3A_825] : memref<256x4096xf32, #tpu.memory_space<vmem>>, vector<256x128xf32>
    %add3A_827 = arith.constant 2944 : i32
    %add3A_828 = vector.broadcast %add3A_827 : i32 to vector<256x128xi32>
    %add3A_829 = arith.addi %iota3A, %add3A_828 : vector<256x128xi32>
    %lt3A_830 = arith.cmpf olt, %get3A_826, %select_n3A_799 : vector<256x128xf32>
    %select_n3A_831 = arith.select %lt3A_830, %select_n3A_799, %get3A_826 : vector<256x128xi1>, vector<256x128xf32>
    %select_n3A_832 = arith.select %lt3A_830, %select_n3A_800, %add3A_829 : vector<256x128xi1>, vector<256x128xi32>
    %select_n3A_833 = arith.select %lt3A_830, %get3A_826, %select_n3A_799 : vector<256x128xi1>, vector<256x128xf32>
    %select_n3A_834 = arith.select %lt3A_830, %add3A_829, %select_n3A_800 : vector<256x128xi1>, vector<256x128xi32>
    %lt3A_835 = arith.cmpf olt, %select_n3A_831, %select_n3A_804 : vector<256x128xf32>
    %select_n3A_836 = arith.select %lt3A_835, %select_n3A_804, %select_n3A_831 : vector<256x128xi1>, vector<256x128xf32>
    %select_n3A_837 = arith.select %lt3A_835, %select_n3A_805, %select_n3A_832 : vector<256x128xi1>, vector<256x128xi32>
    %select_n3A_838 = arith.select %lt3A_835, %select_n3A_831, %select_n3A_804 : vector<256x128xi1>, vector<256x128xf32>
    %select_n3A_839 = arith.select %lt3A_835, %select_n3A_832, %select_n3A_805 : vector<256x128xi1>, vector<256x128xi32>
    %lt3A_840 = arith.cmpf olt, %select_n3A_836, %select_n3A_809 : vector<256x128xf32>
    %select_n3A_841 = arith.select %lt3A_840, %select_n3A_809, %select_n3A_836 : vector<256x128xi1>, vector<256x128xf32>
    %select_n3A_842 = arith.select %lt3A_840, %select_n3A_810, %select_n3A_837 : vector<256x128xi1>, vector<256x128xi32>
    %select_n3A_843 = arith.select %lt3A_840, %select_n3A_836, %select_n3A_809 : vector<256x128xi1>, vector<256x128xf32>
    %select_n3A_844 = arith.select %lt3A_840, %select_n3A_837, %select_n3A_810 : vector<256x128xi1>, vector<256x128xi32>
    %lt3A_845 = arith.cmpf olt, %select_n3A_841, %select_n3A_814 : vector<256x128xf32>
    %select_n3A_846 = arith.select %lt3A_845, %select_n3A_814, %select_n3A_841 : vector<256x128xi1>, vector<256x128xf32>
    %select_n3A_847 = arith.select %lt3A_845, %select_n3A_815, %select_n3A_842 : vector<256x128xi1>, vector<256x128xi32>
    %select_n3A_848 = arith.select %lt3A_845, %select_n3A_841, %select_n3A_814 : vector<256x128xi1>, vector<256x128xf32>
    %select_n3A_849 = arith.select %lt3A_845, %select_n3A_842, %select_n3A_815 : vector<256x128xi1>, vector<256x128xi32>
    %lt3A_850 = arith.cmpf olt, %select_n3A_846, %select_n3A_819 : vector<256x128xf32>
    %select_n3A_851 = arith.select %lt3A_850, %select_n3A_819, %select_n3A_846 : vector<256x128xi1>, vector<256x128xf32>
    %select_n3A_852 = arith.select %lt3A_850, %select_n3A_820, %select_n3A_847 : vector<256x128xi1>, vector<256x128xi32>
    %select_n3A_853 = arith.select %lt3A_850, %select_n3A_846, %select_n3A_819 : vector<256x128xi1>, vector<256x128xf32>
    %select_n3A_854 = arith.select %lt3A_850, %select_n3A_847, %select_n3A_820 : vector<256x128xi1>, vector<256x128xi32>
    %lt3A_855 = arith.cmpf olt, %select_n3A_851, %select_n3A_822 : vector<256x128xf32>
    %select_n3A_856 = arith.select %lt3A_855, %select_n3A_851, %select_n3A_822 : vector<256x128xi1>, vector<256x128xf32>
    %select_n3A_857 = arith.select %lt3A_855, %select_n3A_852, %select_n3A_823 : vector<256x128xi1>, vector<256x128xi32>
    %get3A_858 = arith.constant 0 : index
    %get3A_859 = arith.constant 3072 : index
    %get3A_860 = vector.load %arg4[%get3A_858, %get3A_859] : memref<256x4096xf32, #tpu.memory_space<vmem>>, vector<256x128xf32>
    %add3A_861 = arith.constant 3072 : i32
    %add3A_862 = vector.broadcast %add3A_861 : i32 to vector<256x128xi32>
    %add3A_863 = arith.addi %iota3A, %add3A_862 : vector<256x128xi32>
    %lt3A_864 = arith.cmpf olt, %get3A_860, %select_n3A_833 : vector<256x128xf32>
    %select_n3A_865 = arith.select %lt3A_864, %select_n3A_833, %get3A_860 : vector<256x128xi1>, vector<256x128xf32>
    %select_n3A_866 = arith.select %lt3A_864, %select_n3A_834, %add3A_863 : vector<256x128xi1>, vector<256x128xi32>
    %select_n3A_867 = arith.select %lt3A_864, %get3A_860, %select_n3A_833 : vector<256x128xi1>, vector<256x128xf32>
    %select_n3A_868 = arith.select %lt3A_864, %add3A_863, %select_n3A_834 : vector<256x128xi1>, vector<256x128xi32>
    %lt3A_869 = arith.cmpf olt, %select_n3A_865, %select_n3A_838 : vector<256x128xf32>
    %select_n3A_870 = arith.select %lt3A_869, %select_n3A_838, %select_n3A_865 : vector<256x128xi1>, vector<256x128xf32>
    %select_n3A_871 = arith.select %lt3A_869, %select_n3A_839, %select_n3A_866 : vector<256x128xi1>, vector<256x128xi32>
    %select_n3A_872 = arith.select %lt3A_869, %select_n3A_865, %select_n3A_838 : vector<256x128xi1>, vector<256x128xf32>
    %select_n3A_873 = arith.select %lt3A_869, %select_n3A_866, %select_n3A_839 : vector<256x128xi1>, vector<256x128xi32>
    %lt3A_874 = arith.cmpf olt, %select_n3A_870, %select_n3A_843 : vector<256x128xf32>
    %select_n3A_875 = arith.select %lt3A_874, %select_n3A_843, %select_n3A_870 : vector<256x128xi1>, vector<256x128xf32>
    %select_n3A_876 = arith.select %lt3A_874, %select_n3A_844, %select_n3A_871 : vector<256x128xi1>, vector<256x128xi32>
    %select_n3A_877 = arith.select %lt3A_874, %select_n3A_870, %select_n3A_843 : vector<256x128xi1>, vector<256x128xf32>
    %select_n3A_878 = arith.select %lt3A_874, %select_n3A_871, %select_n3A_844 : vector<256x128xi1>, vector<256x128xi32>
    %lt3A_879 = arith.cmpf olt, %select_n3A_875, %select_n3A_848 : vector<256x128xf32>
    %select_n3A_880 = arith.select %lt3A_879, %select_n3A_848, %select_n3A_875 : vector<256x128xi1>, vector<256x128xf32>
    %select_n3A_881 = arith.select %lt3A_879, %select_n3A_849, %select_n3A_876 : vector<256x128xi1>, vector<256x128xi32>
    %select_n3A_882 = arith.select %lt3A_879, %select_n3A_875, %select_n3A_848 : vector<256x128xi1>, vector<256x128xf32>
    %select_n3A_883 = arith.select %lt3A_879, %select_n3A_876, %select_n3A_849 : vector<256x128xi1>, vector<256x128xi32>
    %lt3A_884 = arith.cmpf olt, %select_n3A_880, %select_n3A_853 : vector<256x128xf32>
    %select_n3A_885 = arith.select %lt3A_884, %select_n3A_853, %select_n3A_880 : vector<256x128xi1>, vector<256x128xf32>
    %select_n3A_886 = arith.select %lt3A_884, %select_n3A_854, %select_n3A_881 : vector<256x128xi1>, vector<256x128xi32>
    %select_n3A_887 = arith.select %lt3A_884, %select_n3A_880, %select_n3A_853 : vector<256x128xi1>, vector<256x128xf32>
    %select_n3A_888 = arith.select %lt3A_884, %select_n3A_881, %select_n3A_854 : vector<256x128xi1>, vector<256x128xi32>
    %lt3A_889 = arith.cmpf olt, %select_n3A_885, %select_n3A_856 : vector<256x128xf32>
    %select_n3A_890 = arith.select %lt3A_889, %select_n3A_885, %select_n3A_856 : vector<256x128xi1>, vector<256x128xf32>
    %select_n3A_891 = arith.select %lt3A_889, %select_n3A_886, %select_n3A_857 : vector<256x128xi1>, vector<256x128xi32>
    %get3A_892 = arith.constant 0 : index
    %get3A_893 = arith.constant 3200 : index
    %get3A_894 = vector.load %arg4[%get3A_892, %get3A_893] : memref<256x4096xf32, #tpu.memory_space<vmem>>, vector<256x128xf32>
    %add3A_895 = arith.constant 3200 : i32
    %add3A_896 = vector.broadcast %add3A_895 : i32 to vector<256x128xi32>
    %add3A_897 = arith.addi %iota3A, %add3A_896 : vector<256x128xi32>
    %lt3A_898 = arith.cmpf olt, %get3A_894, %select_n3A_867 : vector<256x128xf32>
    %select_n3A_899 = arith.select %lt3A_898, %select_n3A_867, %get3A_894 : vector<256x128xi1>, vector<256x128xf32>
    %select_n3A_900 = arith.select %lt3A_898, %select_n3A_868, %add3A_897 : vector<256x128xi1>, vector<256x128xi32>
    %select_n3A_901 = arith.select %lt3A_898, %get3A_894, %select_n3A_867 : vector<256x128xi1>, vector<256x128xf32>
    %select_n3A_902 = arith.select %lt3A_898, %add3A_897, %select_n3A_868 : vector<256x128xi1>, vector<256x128xi32>
    %lt3A_903 = arith.cmpf olt, %select_n3A_899, %select_n3A_872 : vector<256x128xf32>
    %select_n3A_904 = arith.select %lt3A_903, %select_n3A_872, %select_n3A_899 : vector<256x128xi1>, vector<256x128xf32>
    %select_n3A_905 = arith.select %lt3A_903, %select_n3A_873, %select_n3A_900 : vector<256x128xi1>, vector<256x128xi32>
    %select_n3A_906 = arith.select %lt3A_903, %select_n3A_899, %select_n3A_872 : vector<256x128xi1>, vector<256x128xf32>
    %select_n3A_907 = arith.select %lt3A_903, %select_n3A_900, %select_n3A_873 : vector<256x128xi1>, vector<256x128xi32>
    %lt3A_908 = arith.cmpf olt, %select_n3A_904, %select_n3A_877 : vector<256x128xf32>
    %select_n3A_909 = arith.select %lt3A_908, %select_n3A_877, %select_n3A_904 : vector<256x128xi1>, vector<256x128xf32>
    %select_n3A_910 = arith.select %lt3A_908, %select_n3A_878, %select_n3A_905 : vector<256x128xi1>, vector<256x128xi32>
    %select_n3A_911 = arith.select %lt3A_908, %select_n3A_904, %select_n3A_877 : vector<256x128xi1>, vector<256x128xf32>
    %select_n3A_912 = arith.select %lt3A_908, %select_n3A_905, %select_n3A_878 : vector<256x128xi1>, vector<256x128xi32>
    %lt3A_913 = arith.cmpf olt, %select_n3A_909, %select_n3A_882 : vector<256x128xf32>
    %select_n3A_914 = arith.select %lt3A_913, %select_n3A_882, %select_n3A_909 : vector<256x128xi1>, vector<256x128xf32>
    %select_n3A_915 = arith.select %lt3A_913, %select_n3A_883, %select_n3A_910 : vector<256x128xi1>, vector<256x128xi32>
    %select_n3A_916 = arith.select %lt3A_913, %select_n3A_909, %select_n3A_882 : vector<256x128xi1>, vector<256x128xf32>
    %select_n3A_917 = arith.select %lt3A_913, %select_n3A_910, %select_n3A_883 : vector<256x128xi1>, vector<256x128xi32>
    %lt3A_918 = arith.cmpf olt, %select_n3A_914, %select_n3A_887 : vector<256x128xf32>
    %select_n3A_919 = arith.select %lt3A_918, %select_n3A_887, %select_n3A_914 : vector<256x128xi1>, vector<256x128xf32>
    %select_n3A_920 = arith.select %lt3A_918, %select_n3A_888, %select_n3A_915 : vector<256x128xi1>, vector<256x128xi32>
    %select_n3A_921 = arith.select %lt3A_918, %select_n3A_914, %select_n3A_887 : vector<256x128xi1>, vector<256x128xf32>
    %select_n3A_922 = arith.select %lt3A_918, %select_n3A_915, %select_n3A_888 : vector<256x128xi1>, vector<256x128xi32>
    %lt3A_923 = arith.cmpf olt, %select_n3A_919, %select_n3A_890 : vector<256x128xf32>
    %select_n3A_924 = arith.select %lt3A_923, %select_n3A_919, %select_n3A_890 : vector<256x128xi1>, vector<256x128xf32>
    %select_n3A_925 = arith.select %lt3A_923, %select_n3A_920, %select_n3A_891 : vector<256x128xi1>, vector<256x128xi32>
    %get3A_926 = arith.constant 0 : index
    %get3A_927 = arith.constant 3328 : index
    %get3A_928 = vector.load %arg4[%get3A_926, %get3A_927] : memref<256x4096xf32, #tpu.memory_space<vmem>>, vector<256x128xf32>
    %add3A_929 = arith.constant 3328 : i32
    %add3A_930 = vector.broadcast %add3A_929 : i32 to vector<256x128xi32>
    %add3A_931 = arith.addi %iota3A, %add3A_930 : vector<256x128xi32>
    %lt3A_932 = arith.cmpf olt, %get3A_928, %select_n3A_901 : vector<256x128xf32>
    %select_n3A_933 = arith.select %lt3A_932, %select_n3A_901, %get3A_928 : vector<256x128xi1>, vector<256x128xf32>
    %select_n3A_934 = arith.select %lt3A_932, %select_n3A_902, %add3A_931 : vector<256x128xi1>, vector<256x128xi32>
    %select_n3A_935 = arith.select %lt3A_932, %get3A_928, %select_n3A_901 : vector<256x128xi1>, vector<256x128xf32>
    %select_n3A_936 = arith.select %lt3A_932, %add3A_931, %select_n3A_902 : vector<256x128xi1>, vector<256x128xi32>
    %lt3A_937 = arith.cmpf olt, %select_n3A_933, %select_n3A_906 : vector<256x128xf32>
    %select_n3A_938 = arith.select %lt3A_937, %select_n3A_906, %select_n3A_933 : vector<256x128xi1>, vector<256x128xf32>
    %select_n3A_939 = arith.select %lt3A_937, %select_n3A_907, %select_n3A_934 : vector<256x128xi1>, vector<256x128xi32>
    %select_n3A_940 = arith.select %lt3A_937, %select_n3A_933, %select_n3A_906 : vector<256x128xi1>, vector<256x128xf32>
    %select_n3A_941 = arith.select %lt3A_937, %select_n3A_934, %select_n3A_907 : vector<256x128xi1>, vector<256x128xi32>
    %lt3A_942 = arith.cmpf olt, %select_n3A_938, %select_n3A_911 : vector<256x128xf32>
    %select_n3A_943 = arith.select %lt3A_942, %select_n3A_911, %select_n3A_938 : vector<256x128xi1>, vector<256x128xf32>
    %select_n3A_944 = arith.select %lt3A_942, %select_n3A_912, %select_n3A_939 : vector<256x128xi1>, vector<256x128xi32>
    %select_n3A_945 = arith.select %lt3A_942, %select_n3A_938, %select_n3A_911 : vector<256x128xi1>, vector<256x128xf32>
    %select_n3A_946 = arith.select %lt3A_942, %select_n3A_939, %select_n3A_912 : vector<256x128xi1>, vector<256x128xi32>
    %lt3A_947 = arith.cmpf olt, %select_n3A_943, %select_n3A_916 : vector<256x128xf32>
    %select_n3A_948 = arith.select %lt3A_947, %select_n3A_916, %select_n3A_943 : vector<256x128xi1>, vector<256x128xf32>
    %select_n3A_949 = arith.select %lt3A_947, %select_n3A_917, %select_n3A_944 : vector<256x128xi1>, vector<256x128xi32>
    %select_n3A_950 = arith.select %lt3A_947, %select_n3A_943, %select_n3A_916 : vector<256x128xi1>, vector<256x128xf32>
    %select_n3A_951 = arith.select %lt3A_947, %select_n3A_944, %select_n3A_917 : vector<256x128xi1>, vector<256x128xi32>
    %lt3A_952 = arith.cmpf olt, %select_n3A_948, %select_n3A_921 : vector<256x128xf32>
    %select_n3A_953 = arith.select %lt3A_952, %select_n3A_921, %select_n3A_948 : vector<256x128xi1>, vector<256x128xf32>
    %select_n3A_954 = arith.select %lt3A_952, %select_n3A_922, %select_n3A_949 : vector<256x128xi1>, vector<256x128xi32>
    %select_n3A_955 = arith.select %lt3A_952, %select_n3A_948, %select_n3A_921 : vector<256x128xi1>, vector<256x128xf32>
    %select_n3A_956 = arith.select %lt3A_952, %select_n3A_949, %select_n3A_922 : vector<256x128xi1>, vector<256x128xi32>
    %lt3A_957 = arith.cmpf olt, %select_n3A_953, %select_n3A_924 : vector<256x128xf32>
    %select_n3A_958 = arith.select %lt3A_957, %select_n3A_953, %select_n3A_924 : vector<256x128xi1>, vector<256x128xf32>
    %select_n3A_959 = arith.select %lt3A_957, %select_n3A_954, %select_n3A_925 : vector<256x128xi1>, vector<256x128xi32>
    %get3A_960 = arith.constant 0 : index
    %get3A_961 = arith.constant 3456 : index
    %get3A_962 = vector.load %arg4[%get3A_960, %get3A_961] : memref<256x4096xf32, #tpu.memory_space<vmem>>, vector<256x128xf32>
    %add3A_963 = arith.constant 3456 : i32
    %add3A_964 = vector.broadcast %add3A_963 : i32 to vector<256x128xi32>
    %add3A_965 = arith.addi %iota3A, %add3A_964 : vector<256x128xi32>
    %lt3A_966 = arith.cmpf olt, %get3A_962, %select_n3A_935 : vector<256x128xf32>
    %select_n3A_967 = arith.select %lt3A_966, %select_n3A_935, %get3A_962 : vector<256x128xi1>, vector<256x128xf32>
    %select_n3A_968 = arith.select %lt3A_966, %select_n3A_936, %add3A_965 : vector<256x128xi1>, vector<256x128xi32>
    %select_n3A_969 = arith.select %lt3A_966, %get3A_962, %select_n3A_935 : vector<256x128xi1>, vector<256x128xf32>
    %select_n3A_970 = arith.select %lt3A_966, %add3A_965, %select_n3A_936 : vector<256x128xi1>, vector<256x128xi32>
    %lt3A_971 = arith.cmpf olt, %select_n3A_967, %select_n3A_940 : vector<256x128xf32>
    %select_n3A_972 = arith.select %lt3A_971, %select_n3A_940, %select_n3A_967 : vector<256x128xi1>, vector<256x128xf32>
    %select_n3A_973 = arith.select %lt3A_971, %select_n3A_941, %select_n3A_968 : vector<256x128xi1>, vector<256x128xi32>
    %select_n3A_974 = arith.select %lt3A_971, %select_n3A_967, %select_n3A_940 : vector<256x128xi1>, vector<256x128xf32>
    %select_n3A_975 = arith.select %lt3A_971, %select_n3A_968, %select_n3A_941 : vector<256x128xi1>, vector<256x128xi32>
    %lt3A_976 = arith.cmpf olt, %select_n3A_972, %select_n3A_945 : vector<256x128xf32>
    %select_n3A_977 = arith.select %lt3A_976, %select_n3A_945, %select_n3A_972 : vector<256x128xi1>, vector<256x128xf32>
    %select_n3A_978 = arith.select %lt3A_976, %select_n3A_946, %select_n3A_973 : vector<256x128xi1>, vector<256x128xi32>
    %select_n3A_979 = arith.select %lt3A_976, %select_n3A_972, %select_n3A_945 : vector<256x128xi1>, vector<256x128xf32>
    %select_n3A_980 = arith.select %lt3A_976, %select_n3A_973, %select_n3A_946 : vector<256x128xi1>, vector<256x128xi32>
    %lt3A_981 = arith.cmpf olt, %select_n3A_977, %select_n3A_950 : vector<256x128xf32>
    %select_n3A_982 = arith.select %lt3A_981, %select_n3A_950, %select_n3A_977 : vector<256x128xi1>, vector<256x128xf32>
    %select_n3A_983 = arith.select %lt3A_981, %select_n3A_951, %select_n3A_978 : vector<256x128xi1>, vector<256x128xi32>
    %select_n3A_984 = arith.select %lt3A_981, %select_n3A_977, %select_n3A_950 : vector<256x128xi1>, vector<256x128xf32>
    %select_n3A_985 = arith.select %lt3A_981, %select_n3A_978, %select_n3A_951 : vector<256x128xi1>, vector<256x128xi32>
    %lt3A_986 = arith.cmpf olt, %select_n3A_982, %select_n3A_955 : vector<256x128xf32>
    %select_n3A_987 = arith.select %lt3A_986, %select_n3A_955, %select_n3A_982 : vector<256x128xi1>, vector<256x128xf32>
    %select_n3A_988 = arith.select %lt3A_986, %select_n3A_956, %select_n3A_983 : vector<256x128xi1>, vector<256x128xi32>
    %select_n3A_989 = arith.select %lt3A_986, %select_n3A_982, %select_n3A_955 : vector<256x128xi1>, vector<256x128xf32>
    %select_n3A_990 = arith.select %lt3A_986, %select_n3A_983, %select_n3A_956 : vector<256x128xi1>, vector<256x128xi32>
    %lt3A_991 = arith.cmpf olt, %select_n3A_987, %select_n3A_958 : vector<256x128xf32>
    %select_n3A_992 = arith.select %lt3A_991, %select_n3A_987, %select_n3A_958 : vector<256x128xi1>, vector<256x128xf32>
    %select_n3A_993 = arith.select %lt3A_991, %select_n3A_988, %select_n3A_959 : vector<256x128xi1>, vector<256x128xi32>
    %get3A_994 = arith.constant 0 : index
    %get3A_995 = arith.constant 3584 : index
    %get3A_996 = vector.load %arg4[%get3A_994, %get3A_995] : memref<256x4096xf32, #tpu.memory_space<vmem>>, vector<256x128xf32>
    %add3A_997 = arith.constant 3584 : i32
    %add3A_998 = vector.broadcast %add3A_997 : i32 to vector<256x128xi32>
    %add3A_999 = arith.addi %iota3A, %add3A_998 : vector<256x128xi32>
    %lt3A_1000 = arith.cmpf olt, %get3A_996, %select_n3A_969 : vector<256x128xf32>
    %select_n3A_1001 = arith.select %lt3A_1000, %select_n3A_969, %get3A_996 : vector<256x128xi1>, vector<256x128xf32>
    %select_n3A_1002 = arith.select %lt3A_1000, %select_n3A_970, %add3A_999 : vector<256x128xi1>, vector<256x128xi32>
    %select_n3A_1003 = arith.select %lt3A_1000, %get3A_996, %select_n3A_969 : vector<256x128xi1>, vector<256x128xf32>
    %select_n3A_1004 = arith.select %lt3A_1000, %add3A_999, %select_n3A_970 : vector<256x128xi1>, vector<256x128xi32>
    %lt3A_1005 = arith.cmpf olt, %select_n3A_1001, %select_n3A_974 : vector<256x128xf32>
    %select_n3A_1006 = arith.select %lt3A_1005, %select_n3A_974, %select_n3A_1001 : vector<256x128xi1>, vector<256x128xf32>
    %select_n3A_1007 = arith.select %lt3A_1005, %select_n3A_975, %select_n3A_1002 : vector<256x128xi1>, vector<256x128xi32>
    %select_n3A_1008 = arith.select %lt3A_1005, %select_n3A_1001, %select_n3A_974 : vector<256x128xi1>, vector<256x128xf32>
    %select_n3A_1009 = arith.select %lt3A_1005, %select_n3A_1002, %select_n3A_975 : vector<256x128xi1>, vector<256x128xi32>
    %lt3A_1010 = arith.cmpf olt, %select_n3A_1006, %select_n3A_979 : vector<256x128xf32>
    %select_n3A_1011 = arith.select %lt3A_1010, %select_n3A_979, %select_n3A_1006 : vector<256x128xi1>, vector<256x128xf32>
    %select_n3A_1012 = arith.select %lt3A_1010, %select_n3A_980, %select_n3A_1007 : vector<256x128xi1>, vector<256x128xi32>
    %select_n3A_1013 = arith.select %lt3A_1010, %select_n3A_1006, %select_n3A_979 : vector<256x128xi1>, vector<256x128xf32>
    %select_n3A_1014 = arith.select %lt3A_1010, %select_n3A_1007, %select_n3A_980 : vector<256x128xi1>, vector<256x128xi32>
    %lt3A_1015 = arith.cmpf olt, %select_n3A_1011, %select_n3A_984 : vector<256x128xf32>
    %select_n3A_1016 = arith.select %lt3A_1015, %select_n3A_984, %select_n3A_1011 : vector<256x128xi1>, vector<256x128xf32>
    %select_n3A_1017 = arith.select %lt3A_1015, %select_n3A_985, %select_n3A_1012 : vector<256x128xi1>, vector<256x128xi32>
    %select_n3A_1018 = arith.select %lt3A_1015, %select_n3A_1011, %select_n3A_984 : vector<256x128xi1>, vector<256x128xf32>
    %select_n3A_1019 = arith.select %lt3A_1015, %select_n3A_1012, %select_n3A_985 : vector<256x128xi1>, vector<256x128xi32>
    %lt3A_1020 = arith.cmpf olt, %select_n3A_1016, %select_n3A_989 : vector<256x128xf32>
    %select_n3A_1021 = arith.select %lt3A_1020, %select_n3A_989, %select_n3A_1016 : vector<256x128xi1>, vector<256x128xf32>
    %select_n3A_1022 = arith.select %lt3A_1020, %select_n3A_990, %select_n3A_1017 : vector<256x128xi1>, vector<256x128xi32>
    %select_n3A_1023 = arith.select %lt3A_1020, %select_n3A_1016, %select_n3A_989 : vector<256x128xi1>, vector<256x128xf32>
    %select_n3A_1024 = arith.select %lt3A_1020, %select_n3A_1017, %select_n3A_990 : vector<256x128xi1>, vector<256x128xi32>
    %lt3A_1025 = arith.cmpf olt, %select_n3A_1021, %select_n3A_992 : vector<256x128xf32>
    %select_n3A_1026 = arith.select %lt3A_1025, %select_n3A_1021, %select_n3A_992 : vector<256x128xi1>, vector<256x128xf32>
    %select_n3A_1027 = arith.select %lt3A_1025, %select_n3A_1022, %select_n3A_993 : vector<256x128xi1>, vector<256x128xi32>
    %get3A_1028 = arith.constant 0 : index
    %get3A_1029 = arith.constant 3712 : index
    %get3A_1030 = vector.load %arg4[%get3A_1028, %get3A_1029] : memref<256x4096xf32, #tpu.memory_space<vmem>>, vector<256x128xf32>
    %add3A_1031 = arith.constant 3712 : i32
    %add3A_1032 = vector.broadcast %add3A_1031 : i32 to vector<256x128xi32>
    %add3A_1033 = arith.addi %iota3A, %add3A_1032 : vector<256x128xi32>
    %lt3A_1034 = arith.cmpf olt, %get3A_1030, %select_n3A_1003 : vector<256x128xf32>
    %select_n3A_1035 = arith.select %lt3A_1034, %select_n3A_1003, %get3A_1030 : vector<256x128xi1>, vector<256x128xf32>
    %select_n3A_1036 = arith.select %lt3A_1034, %select_n3A_1004, %add3A_1033 : vector<256x128xi1>, vector<256x128xi32>
    %select_n3A_1037 = arith.select %lt3A_1034, %get3A_1030, %select_n3A_1003 : vector<256x128xi1>, vector<256x128xf32>
    %select_n3A_1038 = arith.select %lt3A_1034, %add3A_1033, %select_n3A_1004 : vector<256x128xi1>, vector<256x128xi32>
    %lt3A_1039 = arith.cmpf olt, %select_n3A_1035, %select_n3A_1008 : vector<256x128xf32>
    %select_n3A_1040 = arith.select %lt3A_1039, %select_n3A_1008, %select_n3A_1035 : vector<256x128xi1>, vector<256x128xf32>
    %select_n3A_1041 = arith.select %lt3A_1039, %select_n3A_1009, %select_n3A_1036 : vector<256x128xi1>, vector<256x128xi32>
    %select_n3A_1042 = arith.select %lt3A_1039, %select_n3A_1035, %select_n3A_1008 : vector<256x128xi1>, vector<256x128xf32>
    %select_n3A_1043 = arith.select %lt3A_1039, %select_n3A_1036, %select_n3A_1009 : vector<256x128xi1>, vector<256x128xi32>
    %lt3A_1044 = arith.cmpf olt, %select_n3A_1040, %select_n3A_1013 : vector<256x128xf32>
    %select_n3A_1045 = arith.select %lt3A_1044, %select_n3A_1013, %select_n3A_1040 : vector<256x128xi1>, vector<256x128xf32>
    %select_n3A_1046 = arith.select %lt3A_1044, %select_n3A_1014, %select_n3A_1041 : vector<256x128xi1>, vector<256x128xi32>
    %select_n3A_1047 = arith.select %lt3A_1044, %select_n3A_1040, %select_n3A_1013 : vector<256x128xi1>, vector<256x128xf32>
    %select_n3A_1048 = arith.select %lt3A_1044, %select_n3A_1041, %select_n3A_1014 : vector<256x128xi1>, vector<256x128xi32>
    %lt3A_1049 = arith.cmpf olt, %select_n3A_1045, %select_n3A_1018 : vector<256x128xf32>
    %select_n3A_1050 = arith.select %lt3A_1049, %select_n3A_1018, %select_n3A_1045 : vector<256x128xi1>, vector<256x128xf32>
    %select_n3A_1051 = arith.select %lt3A_1049, %select_n3A_1019, %select_n3A_1046 : vector<256x128xi1>, vector<256x128xi32>
    %select_n3A_1052 = arith.select %lt3A_1049, %select_n3A_1045, %select_n3A_1018 : vector<256x128xi1>, vector<256x128xf32>
    %select_n3A_1053 = arith.select %lt3A_1049, %select_n3A_1046, %select_n3A_1019 : vector<256x128xi1>, vector<256x128xi32>
    %lt3A_1054 = arith.cmpf olt, %select_n3A_1050, %select_n3A_1023 : vector<256x128xf32>
    %select_n3A_1055 = arith.select %lt3A_1054, %select_n3A_1023, %select_n3A_1050 : vector<256x128xi1>, vector<256x128xf32>
    %select_n3A_1056 = arith.select %lt3A_1054, %select_n3A_1024, %select_n3A_1051 : vector<256x128xi1>, vector<256x128xi32>
    %select_n3A_1057 = arith.select %lt3A_1054, %select_n3A_1050, %select_n3A_1023 : vector<256x128xi1>, vector<256x128xf32>
    %select_n3A_1058 = arith.select %lt3A_1054, %select_n3A_1051, %select_n3A_1024 : vector<256x128xi1>, vector<256x128xi32>
    %lt3A_1059 = arith.cmpf olt, %select_n3A_1055, %select_n3A_1026 : vector<256x128xf32>
    %select_n3A_1060 = arith.select %lt3A_1059, %select_n3A_1055, %select_n3A_1026 : vector<256x128xi1>, vector<256x128xf32>
    %select_n3A_1061 = arith.select %lt3A_1059, %select_n3A_1056, %select_n3A_1027 : vector<256x128xi1>, vector<256x128xi32>
    %get3A_1062 = arith.constant 0 : index
    %get3A_1063 = arith.constant 3840 : index
    %get3A_1064 = vector.load %arg4[%get3A_1062, %get3A_1063] : memref<256x4096xf32, #tpu.memory_space<vmem>>, vector<256x128xf32>
    %add3A_1065 = arith.constant 3840 : i32
    %add3A_1066 = vector.broadcast %add3A_1065 : i32 to vector<256x128xi32>
    %add3A_1067 = arith.addi %iota3A, %add3A_1066 : vector<256x128xi32>
    %lt3A_1068 = arith.cmpf olt, %get3A_1064, %select_n3A_1037 : vector<256x128xf32>
    %select_n3A_1069 = arith.select %lt3A_1068, %select_n3A_1037, %get3A_1064 : vector<256x128xi1>, vector<256x128xf32>
    %select_n3A_1070 = arith.select %lt3A_1068, %select_n3A_1038, %add3A_1067 : vector<256x128xi1>, vector<256x128xi32>
    %select_n3A_1071 = arith.select %lt3A_1068, %get3A_1064, %select_n3A_1037 : vector<256x128xi1>, vector<256x128xf32>
    %select_n3A_1072 = arith.select %lt3A_1068, %add3A_1067, %select_n3A_1038 : vector<256x128xi1>, vector<256x128xi32>
    %lt3A_1073 = arith.cmpf olt, %select_n3A_1069, %select_n3A_1042 : vector<256x128xf32>
    %select_n3A_1074 = arith.select %lt3A_1073, %select_n3A_1042, %select_n3A_1069 : vector<256x128xi1>, vector<256x128xf32>
    %select_n3A_1075 = arith.select %lt3A_1073, %select_n3A_1043, %select_n3A_1070 : vector<256x128xi1>, vector<256x128xi32>
    %select_n3A_1076 = arith.select %lt3A_1073, %select_n3A_1069, %select_n3A_1042 : vector<256x128xi1>, vector<256x128xf32>
    %select_n3A_1077 = arith.select %lt3A_1073, %select_n3A_1070, %select_n3A_1043 : vector<256x128xi1>, vector<256x128xi32>
    %lt3A_1078 = arith.cmpf olt, %select_n3A_1074, %select_n3A_1047 : vector<256x128xf32>
    %select_n3A_1079 = arith.select %lt3A_1078, %select_n3A_1047, %select_n3A_1074 : vector<256x128xi1>, vector<256x128xf32>
    %select_n3A_1080 = arith.select %lt3A_1078, %select_n3A_1048, %select_n3A_1075 : vector<256x128xi1>, vector<256x128xi32>
    %select_n3A_1081 = arith.select %lt3A_1078, %select_n3A_1074, %select_n3A_1047 : vector<256x128xi1>, vector<256x128xf32>
    %select_n3A_1082 = arith.select %lt3A_1078, %select_n3A_1075, %select_n3A_1048 : vector<256x128xi1>, vector<256x128xi32>
    %lt3A_1083 = arith.cmpf olt, %select_n3A_1079, %select_n3A_1052 : vector<256x128xf32>
    %select_n3A_1084 = arith.select %lt3A_1083, %select_n3A_1052, %select_n3A_1079 : vector<256x128xi1>, vector<256x128xf32>
    %select_n3A_1085 = arith.select %lt3A_1083, %select_n3A_1053, %select_n3A_1080 : vector<256x128xi1>, vector<256x128xi32>
    %select_n3A_1086 = arith.select %lt3A_1083, %select_n3A_1079, %select_n3A_1052 : vector<256x128xi1>, vector<256x128xf32>
    %select_n3A_1087 = arith.select %lt3A_1083, %select_n3A_1080, %select_n3A_1053 : vector<256x128xi1>, vector<256x128xi32>
    %lt3A_1088 = arith.cmpf olt, %select_n3A_1084, %select_n3A_1057 : vector<256x128xf32>
    %select_n3A_1089 = arith.select %lt3A_1088, %select_n3A_1057, %select_n3A_1084 : vector<256x128xi1>, vector<256x128xf32>
    %select_n3A_1090 = arith.select %lt3A_1088, %select_n3A_1058, %select_n3A_1085 : vector<256x128xi1>, vector<256x128xi32>
    %select_n3A_1091 = arith.select %lt3A_1088, %select_n3A_1084, %select_n3A_1057 : vector<256x128xi1>, vector<256x128xf32>
    %select_n3A_1092 = arith.select %lt3A_1088, %select_n3A_1085, %select_n3A_1058 : vector<256x128xi1>, vector<256x128xi32>
    %lt3A_1093 = arith.cmpf olt, %select_n3A_1089, %select_n3A_1060 : vector<256x128xf32>
    %select_n3A_1094 = arith.select %lt3A_1093, %select_n3A_1089, %select_n3A_1060 : vector<256x128xi1>, vector<256x128xf32>
    %select_n3A_1095 = arith.select %lt3A_1093, %select_n3A_1090, %select_n3A_1061 : vector<256x128xi1>, vector<256x128xi32>
    %get3A_1096 = arith.constant 0 : index
    %get3A_1097 = arith.constant 3968 : index
    %get3A_1098 = vector.load %arg4[%get3A_1096, %get3A_1097] : memref<256x4096xf32, #tpu.memory_space<vmem>>, vector<256x128xf32>
    %add3A_1099 = arith.constant 3968 : i32
    %add3A_1100 = vector.broadcast %add3A_1099 : i32 to vector<256x128xi32>
    %add3A_1101 = arith.addi %iota3A, %add3A_1100 : vector<256x128xi32>
    %lt3A_1102 = arith.cmpf olt, %get3A_1098, %select_n3A_1071 : vector<256x128xf32>
    %select_n3A_1103 = arith.select %lt3A_1102, %select_n3A_1071, %get3A_1098 : vector<256x128xi1>, vector<256x128xf32>
    %select_n3A_1104 = arith.select %lt3A_1102, %select_n3A_1072, %add3A_1101 : vector<256x128xi1>, vector<256x128xi32>
    %select_n3A_1105 = arith.select %lt3A_1102, %get3A_1098, %select_n3A_1071 : vector<256x128xi1>, vector<256x128xf32>
    %select_n3A_1106 = arith.select %lt3A_1102, %add3A_1101, %select_n3A_1072 : vector<256x128xi1>, vector<256x128xi32>
    %lt3A_1107 = arith.cmpf olt, %select_n3A_1103, %select_n3A_1076 : vector<256x128xf32>
    %select_n3A_1108 = arith.select %lt3A_1107, %select_n3A_1076, %select_n3A_1103 : vector<256x128xi1>, vector<256x128xf32>
    %select_n3A_1109 = arith.select %lt3A_1107, %select_n3A_1077, %select_n3A_1104 : vector<256x128xi1>, vector<256x128xi32>
    %select_n3A_1110 = arith.select %lt3A_1107, %select_n3A_1103, %select_n3A_1076 : vector<256x128xi1>, vector<256x128xf32>
    %select_n3A_1111 = arith.select %lt3A_1107, %select_n3A_1104, %select_n3A_1077 : vector<256x128xi1>, vector<256x128xi32>
    %lt3A_1112 = arith.cmpf olt, %select_n3A_1108, %select_n3A_1081 : vector<256x128xf32>
    %select_n3A_1113 = arith.select %lt3A_1112, %select_n3A_1081, %select_n3A_1108 : vector<256x128xi1>, vector<256x128xf32>
    %select_n3A_1114 = arith.select %lt3A_1112, %select_n3A_1082, %select_n3A_1109 : vector<256x128xi1>, vector<256x128xi32>
    %select_n3A_1115 = arith.select %lt3A_1112, %select_n3A_1108, %select_n3A_1081 : vector<256x128xi1>, vector<256x128xf32>
    %select_n3A_1116 = arith.select %lt3A_1112, %select_n3A_1109, %select_n3A_1082 : vector<256x128xi1>, vector<256x128xi32>
    %lt3A_1117 = arith.cmpf olt, %select_n3A_1113, %select_n3A_1086 : vector<256x128xf32>
    %select_n3A_1118 = arith.select %lt3A_1117, %select_n3A_1086, %select_n3A_1113 : vector<256x128xi1>, vector<256x128xf32>
    %select_n3A_1119 = arith.select %lt3A_1117, %select_n3A_1087, %select_n3A_1114 : vector<256x128xi1>, vector<256x128xi32>
    %select_n3A_1120 = arith.select %lt3A_1117, %select_n3A_1113, %select_n3A_1086 : vector<256x128xi1>, vector<256x128xf32>
    %select_n3A_1121 = arith.select %lt3A_1117, %select_n3A_1114, %select_n3A_1087 : vector<256x128xi1>, vector<256x128xi32>
    %lt3A_1122 = arith.cmpf olt, %select_n3A_1118, %select_n3A_1091 : vector<256x128xf32>
    %select_n3A_1123 = arith.select %lt3A_1122, %select_n3A_1091, %select_n3A_1118 : vector<256x128xi1>, vector<256x128xf32>
    %select_n3A_1124 = arith.select %lt3A_1122, %select_n3A_1092, %select_n3A_1119 : vector<256x128xi1>, vector<256x128xi32>
    %select_n3A_1125 = arith.select %lt3A_1122, %select_n3A_1118, %select_n3A_1091 : vector<256x128xi1>, vector<256x128xf32>
    %select_n3A_1126 = arith.select %lt3A_1122, %select_n3A_1119, %select_n3A_1092 : vector<256x128xi1>, vector<256x128xi32>
    %lt3A_1127 = arith.cmpf olt, %select_n3A_1123, %select_n3A_1094 : vector<256x128xf32>
    %select_n3A_1128 = arith.select %lt3A_1127, %select_n3A_1123, %select_n3A_1094 : vector<256x128xi1>, vector<256x128xf32>
    %select_n3A_1129 = arith.select %lt3A_1127, %select_n3A_1124, %select_n3A_1095 : vector<256x128xi1>, vector<256x128xi32>
    %concatenate3A = tpu.concatenate %select_n3A_1105, %select_n3A_1110, %select_n3A_1115, %select_n3A_1120, %select_n3A_1125, %select_n3A_1128 in 1 : vector<256x128xf32>, vector<256x128xf32>, vector<256x128xf32>, vector<256x128xf32>, vector<256x128xf32>, vector<256x128xf32> -> vector<256x768xf32>
    %concatenate3A_1130 = tpu.concatenate %select_n3A_1106, %select_n3A_1111, %select_n3A_1116, %select_n3A_1121, %select_n3A_1126, %select_n3A_1129 in 1 : vector<256x128xi32>, vector<256x128xi32>, vector<256x128xi32>, vector<256x128xi32>, vector<256x128xi32>, vector<256x128xi32> -> vector<256x768xi32>
    %broadcast_in_dim3A_1131 = arith.constant 0 : i32
    %broadcast_in_dim3A_1132 = vector.broadcast %broadcast_in_dim3A_1131 : i32 to vector<256x21xi32>
    %broadcast_in_dim3A_1133 = arith.constant 0 : i32
    %broadcast_in_dim3A_1134 = vector.broadcast %broadcast_in_dim3A_1133 : i32 to vector<256x128xi32>
    %scan3A = arith.constant 2147483647 : i32
    %scan3A_1135 = arith.constant 0x7F800000 : f32
    %scan3A_1136 = arith.constant 0 : i32
    %scan3A_1137 = arith.constant 21 : i32
    %scan3A_1138 = arith.addi %scan3A_1136, %scan3A_1137 : i32
    %scan3A_1139 = arith.constant 1 : i32
    %scan3A_1140:3 = scf.for %scan3A_1153 = %scan3A_1136 to %scan3A_1138 step %scan3A_1139 iter_args(%scan3A_1154 = %concatenate3A, %scan3A_1155 = %broadcast_in_dim3A_1132, %scan3A_1156 = %broadcast_in_dim3A_1134) -> (vector<256x768xf32>, vector<256x21xi32>, vector<256x128xi32>)  : i32 {
      %reduce_min3A = arith.constant dense<0x7F800000> : vector<256xf32>
      %reduce_min3A_1157 = vector.multi_reduction <minimumf>, %scan3A_1154, %reduce_min3A [1] : vector<256x768xf32> to vector<256xf32>
      %broadcast_in_dim3A_1158 = vector.shape_cast %reduce_min3A_1157 : vector<256xf32> to vector<256x1xf32>
      %eq3A = vector.broadcast %broadcast_in_dim3A_1158 : vector<256x1xf32> to vector<256x768xf32>
      %eq3A_1159 = arith.cmpf oeq, %scan3A_1154, %eq3A : vector<256x768xf32>
      %broadcast_in_dim3A_1160 = vector.broadcast %scan3A : i32 to vector<256x768xi32>
      %select_n3A_1161 = arith.select %eq3A_1159, %concatenate3A_1130, %broadcast_in_dim3A_1160 : vector<256x768xi1>, vector<256x768xi32>
      %reduce_min3A_1162 = arith.constant dense<2147483647> : vector<256xi32>
      %reduce_min3A_1163 = vector.multi_reduction <minsi>, %select_n3A_1161, %reduce_min3A_1162 [1] : vector<256x768xi32> to vector<256xi32>
      %broadcast_in_dim3A_1164 = vector.shape_cast %reduce_min3A_1163 : vector<256xi32> to vector<256x1xi32>
      %eq3A_1165 = vector.broadcast %broadcast_in_dim3A_1158 : vector<256x1xf32> to vector<256x768xf32>
      %eq3A_1166 = arith.cmpf oeq, %scan3A_1154, %eq3A_1165 : vector<256x768xf32>
      %eq3A_1167 = vector.broadcast %broadcast_in_dim3A_1164 : vector<256x1xi32> to vector<256x768xi32>
      %eq3A_1168 = arith.cmpi eq, %concatenate3A_1130, %eq3A_1167 : vector<256x768xi32>
      %and3A = arith.andi %eq3A_1166, %eq3A_1168 : vector<256x768xi1>
      %broadcast_in_dim3A_1169 = vector.broadcast %scan3A_1135 : f32 to vector<256x768xf32>
      %select_n3A_1170 = arith.select %and3A, %broadcast_in_dim3A_1169, %scan3A_1154 : vector<256x768xi1>, vector<256x768xf32>
      %eq3A_1171 = vector.broadcast %scan3A_1153 : i32 to vector<256x21xi32>
      %eq3A_1172 = arith.cmpi eq, %iota3A_19, %eq3A_1171 : vector<256x21xi32>
      %broadcast_in_dim3A_1173 = vector.shape_cast %broadcast_in_dim3A_1164 : vector<256x1xi32> to vector<256x1xi32>
      %broadcast_in_dim3A_1174 = vector.broadcast %broadcast_in_dim3A_1173 : vector<256x1xi32> to vector<256x21xi32>
      %select_n3A_1175 = arith.select %eq3A_1172, %broadcast_in_dim3A_1174, %scan3A_1155 : vector<256x21xi1>, vector<256x21xi32>
      %jit3A = arith.constant 128 : i32
      %div3A = vector.broadcast %jit3A : i32 to vector<256x1xi32>
      %div3A_1176 = arith.divsi %broadcast_in_dim3A_1164, %div3A : vector<256x1xi32>
      %sign3A = arith.constant 0 : i32
      %sign3A_1177 = vector.broadcast %sign3A : i32 to vector<256x1xi32>
      %sign3A_1178 = arith.cmpi sgt, %broadcast_in_dim3A_1164, %sign3A_1177 : vector<256x1xi32>
      %sign3A_1179 = arith.extui %sign3A_1178 : vector<256x1xi1> to vector<256x1xi32>
      %sign3A_1180 = arith.constant 0 : i32
      %sign3A_1181 = vector.broadcast %sign3A_1180 : i32 to vector<256x1xi32>
      %sign3A_1182 = arith.cmpi slt, %broadcast_in_dim3A_1164, %sign3A_1181 : vector<256x1xi32>
      %sign3A_1183 = arith.extui %sign3A_1182 : vector<256x1xi1> to vector<256x1xi32>
      %sign3A_1184 = arith.subi %sign3A_1179, %sign3A_1183 : vector<256x1xi32>
      %sign3A_1185 = arith.constant 0 : i32
      %sign3A_1186 = arith.cmpi sgt, %jit3A, %sign3A_1185 : i32
      %sign3A_1187 = arith.extui %sign3A_1186 : i1 to i32
      %sign3A_1188 = arith.constant 0 : i32
      %sign3A_1189 = arith.cmpi slt, %jit3A, %sign3A_1188 : i32
      %sign3A_1190 = arith.extui %sign3A_1189 : i1 to i32
      %sign3A_1191 = arith.subi %sign3A_1187, %sign3A_1190 : i32
      %ne3A = vector.broadcast %sign3A_1191 : i32 to vector<256x1xi32>
      %ne3A_1192 = arith.cmpi ne, %sign3A_1184, %ne3A : vector<256x1xi32>
      %rem3A = vector.broadcast %jit3A : i32 to vector<256x1xi32>
      %rem3A_1193 = arith.remsi %broadcast_in_dim3A_1164, %rem3A : vector<256x1xi32>
      %ne3A_1194 = arith.constant 0 : i32
      %ne3A_1195 = vector.broadcast %ne3A_1194 : i32 to vector<256x1xi32>
      %ne3A_1196 = arith.cmpi ne, %rem3A_1193, %ne3A_1195 : vector<256x1xi32>
      %and3A_1197 = arith.andi %ne3A_1192, %ne3A_1196 : vector<256x1xi1>
      %sub3A = arith.constant 1 : i32
      %sub3A_1198 = vector.broadcast %sub3A : i32 to vector<256x1xi32>
      %sub3A_1199 = arith.subi %div3A_1176, %sub3A_1198 : vector<256x1xi32>
      %select_n3A_1200 = arith.select %and3A_1197, %sub3A_1199, %div3A_1176 : vector<256x1xi1>, vector<256x1xi32>
      %mul3A_1201 = arith.constant 128 : i32
      %mul3A_1202 = vector.broadcast %mul3A_1201 : i32 to vector<256x1xi32>
      %mul3A_1203 = arith.muli %select_n3A_1200, %mul3A_1202 : vector<256x1xi32>
      %sub3A_1204 = arith.subi %broadcast_in_dim3A_1164, %mul3A_1203 : vector<256x1xi32>
      %eq3A_1205 = vector.broadcast %sub3A_1204 : vector<256x1xi32> to vector<256x128xi32>
      %eq3A_1206 = arith.cmpi eq, %iota3A, %eq3A_1205 : vector<256x128xi32>
      %jit3A_1207 = arith.constant 1 : i32
      %jit3A_1208 = arith.constant 0 : i32
      %broadcast_in_dim3A_1209 = vector.broadcast %jit3A_1207 : i32 to vector<256x128xi32>
      %broadcast_in_dim3A_1210 = vector.broadcast %jit3A_1208 : i32 to vector<256x128xi32>
      %select_n3A_1211 = arith.select %eq3A_1206, %broadcast_in_dim3A_1209, %broadcast_in_dim3A_1210 : vector<256x128xi1>, vector<256x128xi32>
      %add3A_1212 = arith.addi %scan3A_1156, %select_n3A_1211 : vector<256x128xi32>
      scf.yield %select_n3A_1170, %select_n3A_1175, %add3A_1212 : vector<256x768xf32>, vector<256x21xi32>, vector<256x128xi32>
    }
    %scan3A_1141 = arith.constant 21 : i32
    %reduce_max3A = vector.shape_cast %scan3A_1140#2 : vector<256x128xi32> to vector<1x256x128xi32>
    %reduce_max3A_1142 = arith.constant dense<-2147483648> : vector<1xi32>
    %reduce_max3A_1143 = vector.multi_reduction <maxsi>, %reduce_max3A, %reduce_max3A_1142 [1, 2] : vector<1x256x128xi32> to vector<1xi32>
    %reduce_max3A_1144 = vector.shape_cast %reduce_max3A_1143 : vector<1xi32> to vector<1x1x1xi32>
    %reduce_max3A_1145 = vector.extract %reduce_max3A_1144[0, 0, 0] : i32 from vector<1x1x1xi32>
    %ge3A = arith.constant 6 : i32
    %ge3A_1146 = arith.cmpi sge, %reduce_max3A_1145, %ge3A : i32
    %swap3A_1147 = arith.constant 0 : index
    %swap3A_1148 = arith.constant 0 : index
    %swap3A_1149 = vector.load %arg3[%swap3A_1147, %swap3A_1148] : memref<256x21xi32, #tpu.memory_space<vmem>>, vector<256x21xi32>
    tpu.vector_store %arg3[%swap3A_1147, %swap3A_1148], %scan3A_1140#1 {strides = array<i32>} : memref<256x21xi32, #tpu.memory_space<vmem>>, vector<256x21xi32>,
    %convert_element_type3A = arith.extui %ge3A_1146 : i1 to i32
    %cond3A = arith.constant 2147483647 : i32
    %cond3A_1150 = arith.constant 0x7F800000 : f32
    %cond3A_1151 = arith.constant 0 : i32
    %cond3A_1152 = arith.cmpi ne, %convert_element_type3A, %cond3A_1151 : i32
    scf.if %cond3A_1152 {
      %iota3A_1153 = tpu.iota {dimensions = array<i32: 1>} : vector<256x4096xi32>
      %broadcast_in_dim3A_1154 = arith.constant 0 : i32
      %broadcast_in_dim3A_1155 = vector.broadcast %broadcast_in_dim3A_1154 : i32 to vector<256x21xi32>
      %scan3A_1156 = arith.constant 0 : i32
      %scan3A_1157 = arith.constant 21 : i32
      %scan3A_1158 = arith.addi %scan3A_1156, %scan3A_1157 : i32
      %scan3A_1159 = arith.constant 1 : i32
      %scan3A_1160 = scf.for %scan3A_1165 = %scan3A_1156 to %scan3A_1158 step %scan3A_1159 iter_args(%scan3A_1166 = %broadcast_in_dim3A_1155) -> (vector<256x21xi32>)  : i32 {
        %get3A_1167 = arith.constant 0 : index
        %get3A_1168 = arith.constant 0 : index
        %get3A_1169 = vector.load %arg4[%get3A_1167, %get3A_1168] : memref<256x4096xf32, #tpu.memory_space<vmem>>, vector<256x4096xf32>
        %reduce_min3A = arith.constant dense<0x7F800000> : vector<256xf32>
        %reduce_min3A_1170 = vector.multi_reduction <minimumf>, %get3A_1169, %reduce_min3A [1] : vector<256x4096xf32> to vector<256xf32>
        %broadcast_in_dim3A_1171 = vector.shape_cast %reduce_min3A_1170 : vector<256xf32> to vector<256x1xf32>
        %eq3A = vector.broadcast %broadcast_in_dim3A_1171 : vector<256x1xf32> to vector<256x4096xf32>
        %eq3A_1172 = arith.cmpf oeq, %get3A_1169, %eq3A : vector<256x4096xf32>
        %broadcast_in_dim3A_1173 = vector.broadcast %cond3A : i32 to vector<256x4096xi32>
        %select_n3A_1174 = arith.select %eq3A_1172, %iota3A_1153, %broadcast_in_dim3A_1173 : vector<256x4096xi1>, vector<256x4096xi32>
        %reduce_min3A_1175 = arith.constant dense<2147483647> : vector<256xi32>
        %reduce_min3A_1176 = vector.multi_reduction <minsi>, %select_n3A_1174, %reduce_min3A_1175 [1] : vector<256x4096xi32> to vector<256xi32>
        %broadcast_in_dim3A_1177 = vector.shape_cast %reduce_min3A_1176 : vector<256xi32> to vector<256x1xi32>
        %eq3A_1178 = vector.broadcast %broadcast_in_dim3A_1177 : vector<256x1xi32> to vector<256x4096xi32>
        %eq3A_1179 = arith.cmpi eq, %iota3A_1153, %eq3A_1178 : vector<256x4096xi32>
        %broadcast_in_dim3A_1180 = vector.broadcast %cond3A_1150 : f32 to vector<256x4096xf32>
        %select_n3A_1181 = arith.select %eq3A_1179, %broadcast_in_dim3A_1180, %get3A_1169 : vector<256x4096xi1>, vector<256x4096xf32>
        %swap3A_1182 = arith.constant 0 : index
        %swap3A_1183 = arith.constant 0 : index
        %swap3A_1184 = vector.load %arg4[%swap3A_1182, %swap3A_1183] : memref<256x4096xf32, #tpu.memory_space<vmem>>, vector<256x4096xf32>
        tpu.vector_store %arg4[%swap3A_1182, %swap3A_1183], %select_n3A_1181 {strides = array<i32>} : memref<256x4096xf32, #tpu.memory_space<vmem>>, vector<256x4096xf32>,
        %eq3A_1185 = vector.broadcast %scan3A_1165 : i32 to vector<256x21xi32>
        %eq3A_1186 = arith.cmpi eq, %iota3A_19, %eq3A_1185 : vector<256x21xi32>
        %broadcast_in_dim3A_1187 = vector.shape_cast %broadcast_in_dim3A_1177 : vector<256x1xi32> to vector<256x1xi32>
        %broadcast_in_dim3A_1188 = vector.broadcast %broadcast_in_dim3A_1187 : vector<256x1xi32> to vector<256x21xi32>
        %select_n3A_1189 = arith.select %eq3A_1186, %broadcast_in_dim3A_1188, %scan3A_1166 : vector<256x21xi1>, vector<256x21xi32>
        scf.yield %select_n3A_1189 : vector<256x21xi32>
      }
      %scan3A_1161 = arith.constant 21 : i32
      %swap3A_1162 = arith.constant 0 : index
      %swap3A_1163 = arith.constant 0 : index
      %swap3A_1164 = vector.load %arg3[%swap3A_1162, %swap3A_1163] : memref<256x21xi32, #tpu.memory_space<vmem>>, vector<256x21xi32>
      tpu.vector_store %arg3[%swap3A_1162, %swap3A_1163], %scan3A_1160 {strides = array<i32>} : memref<256x21xi32, #tpu.memory_space<vmem>>, vector<256x21xi32>,
    } else {
    }
    return
  }
  func.func @transform_0(%arg0: i32) -> (i32, i32) {
    %c0_i32 = arith.constant 0 : i32
    %c0_i32_0 = arith.constant 0 : i32
    return %arg0, %c0_i32 : i32, i32
  }
  func.func @transform_1(%arg0: i32) -> (i32, i32) {
    %c0_i32 = arith.constant 0 : i32
    %c0_i32_0 = arith.constant 0 : i32
    %c0_i32_1 = arith.constant 0 : i32
    return %c0_i32, %c0_i32_0 : i32, i32
  }
  func.func @transform_2(%arg0: i32) -> (i32, i32) {
    %c0_i32 = arith.constant 0 : i32
    %c0_i32_0 = arith.constant 0 : i32
    return %arg0, %c0_i32 : i32, i32
  }
}

module attributes {stable_mosaic.version = 14 : i64} {
  func.func @_s2_body(%arg0: i32, %arg1: memref<21x256x128xf32, #tpu.memory_space<vmem>>, %arg2: memref<256x128xf32, #tpu.memory_space<vmem>>, %arg3: memref<128x128xf32, #tpu.memory_space<vmem>>, %arg4: memref<128x256xf32, #tpu.memory_space<vmem>>, %arg5: memref<1x256xf32, #tpu.memory_space<vmem>>, %arg6: memref<256x128xf32, #tpu.memory_space<vmem>>, %arg7: memref<256x128xf32, #tpu.memory_space<vmem>>) attributes {dimension_semantics = [#tpu.dimension_semantics<arbitrary>], iteration_bounds = array<i64: 16>, scalar_prefetch = 0 : i64, scratch_operands = 0 : i64, tpu.core_type = #tpu.core_type<tc>, window_params = [{transform_indices = @transform_0, window_bounds = array<i64: 21, 256, 128>}, {transform_indices = @transform_1, window_bounds = array<i64: 256, 128>}, {pipeline_mode = #tpu.pipeline_mode<synchronous>, transform_indices = @transform_2, window_bounds = array<i64: 128, 128>}, {pipeline_mode = #tpu.pipeline_mode<synchronous>, transform_indices = @transform_3, window_bounds = array<i64: 128, 256>}, {pipeline_mode = #tpu.pipeline_mode<synchronous>, transform_indices = @transform_4, window_bounds = array<i64: 1, 256>}, {transform_indices = @transform_5, window_bounds = array<i64: 256, 128>}, {transform_indices = @transform_6, window_bounds = array<i64: 256, 128>}]} {
    %get3A = arith.constant 0 : index
    %get3A_0 = arith.constant 0 : index
    %get3A_1 = arith.constant 0 : index
    %get3A_2 = vector.load %arg1[%get3A, %get3A_0, %get3A_1] : memref<21x256x128xf32, #tpu.memory_space<vmem>>, vector<21x256x128xf32>
    %slice3A = vector.extract_strided_slice %get3A_2 {offsets = [1, 0, 0], sizes = [20, 256, 128], strides = [1, 1, 1]} : vector<21x256x128xf32> to vector<20x256x128xf32>
    %get3A_3 = arith.constant 0 : index
    %get3A_4 = arith.constant 0 : index
    %get3A_5 = vector.load %arg2[%get3A_3, %get3A_4] : memref<256x128xf32, #tpu.memory_space<vmem>>, vector<256x128xf32>
    %broadcast_in_dim3A = vector.shape_cast %get3A_5 : vector<256x128xf32> to vector<1x256x128xf32>
    %sub3A = vector.broadcast %broadcast_in_dim3A : vector<1x256x128xf32> to vector<20x256x128xf32>
    %sub3A_6 = arith.subf %slice3A, %sub3A : vector<20x256x128xf32>
    %reshape3A = vector.shape_cast %sub3A_6 : vector<20x256x128xf32> to vector<5120x128xf32>
    %mul3A = arith.mulf %reshape3A, %reshape3A : vector<5120x128xf32>
    %broadcast_in_dim3A_7 = arith.constant 1.000000e+00 : f32
    %broadcast_in_dim3A_8 = vector.broadcast %broadcast_in_dim3A_7 : f32 to vector<128x128xf32>
    %dot_general3A = arith.constant dense<0.000000e+00> : vector<5120x128xf32>
    %dot_general3A_9 = tpu.matmul %mul3A, %broadcast_in_dim3A_8, %dot_general3A {dimension_numbers = #tpu.dot_dimension_numbers<[1], [0], [0], [1], [0, 0, 1, 1], [], []>, transpose_lhs_hint = false} : vector<5120x128xf32>, vector<128x128xf32>, vector<5120x128xf32> -> vector<5120x128xf32>
    %sqrt3A = math.sqrt %dot_general3A_9 : vector<5120x128xf32>
    %max3A = arith.constant 9.99999996E-13 : f32
    %max3A_10 = vector.broadcast %max3A : f32 to vector<5120x128xf32>
    %max3A_11 = arith.maximumf %sqrt3A, %max3A_10 : vector<5120x128xf32>
    %div3A = arith.divf %reshape3A, %max3A_11 : vector<5120x128xf32>
    %get3A_12 = arith.constant 0 : index
    %get3A_13 = arith.constant 0 : index
    %get3A_14 = vector.load %arg3[%get3A_12, %get3A_13] : memref<128x128xf32, #tpu.memory_space<vmem>>, vector<128x128xf32>
    %mul3A_15 = arith.mulf %get3A_14, %get3A_14 : vector<128x128xf32>
    %reduce_sum3A = arith.constant dense<0.000000e+00> : vector<128xf32>
    %reduce_sum3A_16 = vector.multi_reduction <add>, %mul3A_15, %reduce_sum3A [0] : vector<128x128xf32> to vector<128xf32>
    %broadcast_in_dim3A_17 = vector.shape_cast %reduce_sum3A_16 : vector<128xf32> to vector<1x128xf32>
    %sqrt3A_18 = math.sqrt %broadcast_in_dim3A_17 : vector<1x128xf32>
    %max3A_19 = arith.constant 9.99999996E-13 : f32
    %max3A_20 = vector.broadcast %max3A_19 : f32 to vector<1x128xf32>
    %max3A_21 = arith.maximumf %sqrt3A_18, %max3A_20 : vector<1x128xf32>
    %div3A_22 = vector.broadcast %max3A_21 : vector<1x128xf32> to vector<128x128xf32>
    %div3A_23 = arith.divf %get3A_14, %div3A_22 : vector<128x128xf32>
    %dot_general3A_24 = arith.constant dense<0.000000e+00> : vector<5120x128xf32>
    %dot_general3A_25 = tpu.matmul %div3A, %div3A_23, %dot_general3A_24 {dimension_numbers = #tpu.dot_dimension_numbers<[1], [0], [0], [1], [0, 0, 1, 1], [], []>, transpose_lhs_hint = false} : vector<5120x128xf32>, vector<128x128xf32>, vector<5120x128xf32> -> vector<5120x128xf32>
    %max3A_26 = arith.constant 0.000000e+00 : f32
    %max3A_27 = vector.broadcast %max3A_26 : f32 to vector<5120x128xf32>
    %max3A_28 = arith.maximumf %dot_general3A_25, %max3A_27 : vector<5120x128xf32>
    %reshape3A_29 = vector.shape_cast %max3A_28 : vector<5120x128xf32> to vector<20x256x128xf32>
    %reduce_max3A = arith.constant dense<0xFF800000> : vector<256x128xf32>
    %reduce_max3A_30 = vector.multi_reduction <maximumf>, %reshape3A_29, %reduce_max3A [0] : vector<20x256x128xf32> to vector<256x128xf32>
    %max3A_31 = arith.constant 0.000000e+00 : f32
    %max3A_32 = vector.broadcast %max3A_31 : f32 to vector<256x128xf32>
    %max3A_33 = arith.maximumf %reduce_max3A_30, %max3A_32 : vector<256x128xf32>
    %get3A_34 = arith.constant 0 : index
    %get3A_35 = arith.constant 0 : index
    %get3A_36 = vector.load %arg4[%get3A_34, %get3A_35] : memref<128x256xf32, #tpu.memory_space<vmem>>, vector<128x256xf32>
    %dot_general3A_37 = arith.constant dense<0.000000e+00> : vector<256x256xf32>
    %dot_general3A_38 = tpu.matmul %max3A_33, %get3A_36, %dot_general3A_37 {dimension_numbers = #tpu.dot_dimension_numbers<[1], [0], [0], [1], [0, 0, 1, 1], [], []>, transpose_lhs_hint = false} : vector<256x128xf32>, vector<128x256xf32>, vector<256x256xf32> -> vector<256x256xf32>
    %get3A_39 = arith.constant 0 : index
    %get3A_40 = arith.constant 0 : index
    %get3A_41 = vector.load %arg5[%get3A_39, %get3A_40] : memref<1x256xf32, #tpu.memory_space<vmem>>, vector<1x256xf32>
    %add3A = vector.broadcast %get3A_41 : vector<1x256xf32> to vector<256x256xf32>
    %add3A_42 = arith.addf %dot_general3A_38, %add3A : vector<256x256xf32>
    %slice3A_43 = vector.extract_strided_slice %add3A_42 {offsets = [0, 0], sizes = [256, 128], strides = [1, 1]} : vector<256x256xf32> to vector<256x128xf32>
    %swap3A = arith.constant 0 : index
    %swap3A_44 = arith.constant 0 : index
    %swap3A_45 = vector.load %arg6[%swap3A, %swap3A_44] : memref<256x128xf32, #tpu.memory_space<vmem>>, vector<256x128xf32>
    tpu.vector_store %arg6[%swap3A, %swap3A_44], %slice3A_43 {strides = array<i32>} : memref<256x128xf32, #tpu.memory_space<vmem>>, vector<256x128xf32>,
    %slice3A_46 = vector.extract_strided_slice %add3A_42 {offsets = [0, 128], sizes = [256, 128], strides = [1, 1]} : vector<256x256xf32> to vector<256x128xf32>
    %swap3A_47 = arith.constant 0 : index
    %swap3A_48 = arith.constant 0 : index
    %swap3A_49 = vector.load %arg7[%swap3A_47, %swap3A_48] : memref<256x128xf32, #tpu.memory_space<vmem>>, vector<256x128xf32>
    tpu.vector_store %arg7[%swap3A_47, %swap3A_48], %slice3A_46 {strides = array<i32>} : memref<256x128xf32, #tpu.memory_space<vmem>>, vector<256x128xf32>,
    return
  }
  func.func @transform_0(%arg0: i32) -> (i32, i32, i32) {
    %c0_i32 = arith.constant 0 : i32
    %c0_i32_0 = arith.constant 0 : i32
    %c0_i32_1 = arith.constant 0 : i32
    return %c0_i32, %arg0, %c0_i32_0 : i32, i32, i32
  }
  func.func @transform_1(%arg0: i32) -> (i32, i32) {
    %c0_i32 = arith.constant 0 : i32
    %c0_i32_0 = arith.constant 0 : i32
    return %arg0, %c0_i32 : i32, i32
  }
  func.func @transform_2(%arg0: i32) -> (i32, i32) {
    %c0_i32 = arith.constant 0 : i32
    %c0_i32_0 = arith.constant 0 : i32
    %c0_i32_1 = arith.constant 0 : i32
    return %c0_i32, %c0_i32_0 : i32, i32
  }
  func.func @transform_3(%arg0: i32) -> (i32, i32) {
    %c0_i32 = arith.constant 0 : i32
    %c0_i32_0 = arith.constant 0 : i32
    %c0_i32_1 = arith.constant 0 : i32
    return %c0_i32, %c0_i32_0 : i32, i32
  }
  func.func @transform_4(%arg0: i32) -> (i32, i32) {
    %c0_i32 = arith.constant 0 : i32
    %c0_i32_0 = arith.constant 0 : i32
    %c0_i32_1 = arith.constant 0 : i32
    return %c0_i32, %c0_i32_0 : i32, i32
  }
  func.func @transform_5(%arg0: i32) -> (i32, i32) {
    %c0_i32 = arith.constant 0 : i32
    %c0_i32_0 = arith.constant 0 : i32
    return %arg0, %c0_i32 : i32, i32
  }
  func.func @transform_6(%arg0: i32) -> (i32, i32) {
    %c0_i32 = arith.constant 0 : i32
    %c0_i32_0 = arith.constant 0 : i32
    return %arg0, %c0_i32 : i32, i32
  }
}

module attributes {stable_mosaic.version = 14 : i64} {
  func.func @_s3_body(%arg0: i32, %arg1: memref<21x256x128xf32, #tpu.memory_space<vmem>>, %arg2: memref<256x128xf32, #tpu.memory_space<vmem>>, %arg3: memref<128x128xf32, #tpu.memory_space<vmem>>, %arg4: memref<256x128xf32, #tpu.memory_space<vmem>>, %arg5: memref<20x256x128xf32, #tpu.memory_space<vmem>>, %arg6: memref<128x128xf32, #tpu.memory_space<vmem>>, %arg7: memref<1x128xf32, #tpu.memory_space<vmem>>, %arg8: memref<128x128xf32, #tpu.memory_space<vmem>>, %arg9: memref<128x128xf32, #tpu.memory_space<vmem>>, %arg10: memref<128x128xf32, #tpu.memory_space<vmem>>, %arg11: memref<256x128xf32, #tpu.memory_space<vmem>>, %arg12: memref<256x128xf32, #tpu.memory_space<vmem>>, %arg13: memref<256x256xf32, #tpu.memory_space<vmem>>) attributes {dimension_semantics = [#tpu.dimension_semantics<arbitrary>], iteration_bounds = array<i64: 16>, scalar_prefetch = 0 : i64, scratch_operands = 0 : i64, tpu.core_type = #tpu.core_type<tc>, window_params = [{transform_indices = @transform_0, window_bounds = array<i64: 21, 256, 128>}, {transform_indices = @transform_1, window_bounds = array<i64: 256, 128>}, {pipeline_mode = #tpu.pipeline_mode<synchronous>, transform_indices = @transform_2, window_bounds = array<i64: 128, 128>}, {transform_indices = @transform_3, window_bounds = array<i64: 256, 128>}, {transform_indices = @transform_4, window_bounds = array<i64: 20, 256, 128>}, {pipeline_mode = #tpu.pipeline_mode<synchronous>, transform_indices = @transform_5, window_bounds = array<i64: 128, 128>}, {pipeline_mode = #tpu.pipeline_mode<synchronous>, transform_indices = @transform_6, window_bounds = array<i64: 1, 128>}, {pipeline_mode = #tpu.pipeline_mode<synchronous>, transform_indices = @transform_7, window_bounds = array<i64: 128, 128>}, {pipeline_mode = #tpu.pipeline_mode<synchronous>, transform_indices = @transform_8, window_bounds = array<i64: 128, 128>}, {pipeline_mode = #tpu.pipeline_mode<synchronous>, transform_indices = @transform_9, window_bounds = array<i64: 128, 128>}, {transform_indices = @transform_10, window_bounds = array<i64: 256, 128>}, {transform_indices = @transform_11, window_bounds = array<i64: 256, 128>}, {transform_indices = @transform_12, window_bounds = array<i64: 256, 256>}]} {
    %get3A = arith.constant 0 : index
    %get3A_0 = arith.constant 0 : index
    %get3A_1 = arith.constant 0 : index
    %get3A_2 = vector.load %arg1[%get3A, %get3A_0, %get3A_1] : memref<21x256x128xf32, #tpu.memory_space<vmem>>, vector<21x256x128xf32>
    %slice3A = vector.extract_strided_slice %get3A_2 {offsets = [1, 0, 0], sizes = [20, 256, 128], strides = [1, 1, 1]} : vector<21x256x128xf32> to vector<20x256x128xf32>
    %get3A_3 = arith.constant 0 : index
    %get3A_4 = arith.constant 0 : index
    %get3A_5 = vector.load %arg2[%get3A_3, %get3A_4] : memref<256x128xf32, #tpu.memory_space<vmem>>, vector<256x128xf32>
    %broadcast_in_dim3A = vector.shape_cast %get3A_5 : vector<256x128xf32> to vector<1x256x128xf32>
    %sub3A = vector.broadcast %broadcast_in_dim3A : vector<1x256x128xf32> to vector<20x256x128xf32>
    %sub3A_6 = arith.subf %slice3A, %sub3A : vector<20x256x128xf32>
    %reshape3A = vector.shape_cast %sub3A_6 : vector<20x256x128xf32> to vector<5120x128xf32>
    %mul3A = arith.mulf %reshape3A, %reshape3A : vector<5120x128xf32>
    %broadcast_in_dim3A_7 = arith.constant 1.000000e+00 : f32
    %broadcast_in_dim3A_8 = vector.broadcast %broadcast_in_dim3A_7 : f32 to vector<128x128xf32>
    %dot_general3A = arith.constant dense<0.000000e+00> : vector<5120x128xf32>
    %dot_general3A_9 = tpu.matmul %mul3A, %broadcast_in_dim3A_8, %dot_general3A {dimension_numbers = #tpu.dot_dimension_numbers<[1], [0], [0], [1], [0, 0, 1, 1], [], []>, transpose_lhs_hint = false} : vector<5120x128xf32>, vector<128x128xf32>, vector<5120x128xf32> -> vector<5120x128xf32>
    %sqrt3A = math.sqrt %dot_general3A_9 : vector<5120x128xf32>
    %max3A = arith.constant 9.99999996E-13 : f32
    %max3A_10 = vector.broadcast %max3A : f32 to vector<5120x128xf32>
    %max3A_11 = arith.maximumf %sqrt3A, %max3A_10 : vector<5120x128xf32>
    %div3A = arith.divf %reshape3A, %max3A_11 : vector<5120x128xf32>
    %get3A_12 = arith.constant 0 : index
    %get3A_13 = arith.constant 0 : index
    %get3A_14 = vector.load %arg3[%get3A_12, %get3A_13] : memref<128x128xf32, #tpu.memory_space<vmem>>, vector<128x128xf32>
    %mul3A_15 = arith.mulf %get3A_14, %get3A_14 : vector<128x128xf32>
    %reduce_sum3A = arith.constant dense<0.000000e+00> : vector<128xf32>
    %reduce_sum3A_16 = vector.multi_reduction <add>, %mul3A_15, %reduce_sum3A [0] : vector<128x128xf32> to vector<128xf32>
    %broadcast_in_dim3A_17 = vector.shape_cast %reduce_sum3A_16 : vector<128xf32> to vector<1x128xf32>
    %sqrt3A_18 = math.sqrt %broadcast_in_dim3A_17 : vector<1x128xf32>
    %max3A_19 = arith.constant 9.99999996E-13 : f32
    %max3A_20 = vector.broadcast %max3A_19 : f32 to vector<1x128xf32>
    %max3A_21 = arith.maximumf %sqrt3A_18, %max3A_20 : vector<1x128xf32>
    %div3A_22 = vector.broadcast %max3A_21 : vector<1x128xf32> to vector<128x128xf32>
    %div3A_23 = arith.divf %get3A_14, %div3A_22 : vector<128x128xf32>
    %dot_general3A_24 = arith.constant dense<0.000000e+00> : vector<5120x128xf32>
    %dot_general3A_25 = tpu.matmul %div3A, %div3A_23, %dot_general3A_24 {dimension_numbers = #tpu.dot_dimension_numbers<[1], [0], [0], [1], [0, 0, 1, 1], [], []>, transpose_lhs_hint = false} : vector<5120x128xf32>, vector<128x128xf32>, vector<5120x128xf32> -> vector<5120x128xf32>
    %max3A_26 = arith.constant 0.000000e+00 : f32
    %max3A_27 = vector.broadcast %max3A_26 : f32 to vector<5120x128xf32>
    %max3A_28 = arith.maximumf %dot_general3A_25, %max3A_27 : vector<5120x128xf32>
    %reshape3A_29 = vector.shape_cast %max3A_28 : vector<5120x128xf32> to vector<20x256x128xf32>
    %get3A_30 = arith.constant 0 : index
    %get3A_31 = arith.constant 0 : index
    %get3A_32 = arith.constant 0 : index
    %get3A_33 = vector.load %arg5[%get3A_30, %get3A_31, %get3A_32] : memref<20x256x128xf32, #tpu.memory_space<vmem>>, vector<20x256x128xf32>
    %mul3A_34 = arith.mulf %reshape3A_29, %get3A_33 : vector<20x256x128xf32>
    %get3A_35 = arith.constant 0 : index
    %get3A_36 = arith.constant 0 : index
    %get3A_37 = vector.load %arg4[%get3A_35, %get3A_36] : memref<256x128xf32, #tpu.memory_space<vmem>>, vector<256x128xf32>
    %reduce_max3A = arith.constant dense<0xFF800000> : vector<256x128xf32>
    %reduce_max3A_38 = vector.multi_reduction <maximumf>, %mul3A_34, %reduce_max3A [0] : vector<20x256x128xf32> to vector<256x128xf32>
    %add3A = arith.addf %get3A_37, %reduce_max3A_38 : vector<256x128xf32>
    %get3A_39 = arith.constant 0 : index
    %get3A_40 = arith.constant 0 : index
    %get3A_41 = vector.load %arg6[%get3A_39, %get3A_40] : memref<128x128xf32, #tpu.memory_space<vmem>>, vector<128x128xf32>
    %dot_general3A_42 = arith.constant dense<0.000000e+00> : vector<256x128xf32>
    %dot_general3A_43 = tpu.matmul %add3A, %get3A_41, %dot_general3A_42 {dimension_numbers = #tpu.dot_dimension_numbers<[1], [0], [0], [1], [0, 0, 1, 1], [], []>, transpose_lhs_hint = false} : vector<256x128xf32>, vector<128x128xf32>, vector<256x128xf32> -> vector<256x128xf32>
    %get3A_44 = arith.constant 0 : index
    %get3A_45 = arith.constant 0 : index
    %get3A_46 = vector.load %arg7[%get3A_44, %get3A_45] : memref<1x128xf32, #tpu.memory_space<vmem>>, vector<1x128xf32>
    %add3A_47 = vector.broadcast %get3A_46 : vector<1x128xf32> to vector<256x128xf32>
    %add3A_48 = arith.addf %dot_general3A_43, %add3A_47 : vector<256x128xf32>
    %swap3A = arith.constant 0 : index
    %swap3A_49 = arith.constant 0 : index
    %swap3A_50 = vector.load %arg11[%swap3A, %swap3A_49] : memref<256x128xf32, #tpu.memory_space<vmem>>, vector<256x128xf32>
    tpu.vector_store %arg11[%swap3A, %swap3A_49], %add3A {strides = array<i32>} : memref<256x128xf32, #tpu.memory_space<vmem>>, vector<256x128xf32>,
    %get3A_51 = arith.constant 0 : index
    %get3A_52 = arith.constant 0 : index
    %get3A_53 = vector.load %arg8[%get3A_51, %get3A_52] : memref<128x128xf32, #tpu.memory_space<vmem>>, vector<128x128xf32>
    %dot_general3A_54 = arith.constant dense<0.000000e+00> : vector<256x128xf32>
    %dot_general3A_55 = tpu.matmul %add3A_48, %get3A_53, %dot_general3A_54 {dimension_numbers = #tpu.dot_dimension_numbers<[1], [0], [0], [1], [0, 0, 1, 1], [], []>, transpose_lhs_hint = false} : vector<256x128xf32>, vector<128x128xf32>, vector<256x128xf32> -> vector<256x128xf32>
    %swap3A_56 = arith.constant 0 : index
    %swap3A_57 = arith.constant 0 : index
    %swap3A_58 = vector.load %arg12[%swap3A_56, %swap3A_57] : memref<256x128xf32, #tpu.memory_space<vmem>>, vector<256x128xf32>
    tpu.vector_store %arg12[%swap3A_56, %swap3A_57], %dot_general3A_55 {strides = array<i32>} : memref<256x128xf32, #tpu.memory_space<vmem>>, vector<256x128xf32>,
    %get3A_59 = arith.constant 0 : index
    %get3A_60 = arith.constant 0 : index
    %get3A_61 = vector.load %arg9[%get3A_59, %get3A_60] : memref<128x128xf32, #tpu.memory_space<vmem>>, vector<128x128xf32>
    %dot_general3A_62 = arith.constant dense<0.000000e+00> : vector<256x128xf32>
    %dot_general3A_63 = tpu.matmul %add3A_48, %get3A_61, %dot_general3A_62 {dimension_numbers = #tpu.dot_dimension_numbers<[1], [0], [0], [1], [0, 0, 1, 1], [], []>, transpose_lhs_hint = false} : vector<256x128xf32>, vector<128x128xf32>, vector<256x128xf32> -> vector<256x128xf32>
    %get3A_64 = arith.constant 0 : index
    %get3A_65 = arith.constant 0 : index
    %get3A_66 = vector.load %arg10[%get3A_64, %get3A_65] : memref<128x128xf32, #tpu.memory_space<vmem>>, vector<128x128xf32>
    %dot_general3A_67 = arith.constant dense<0.000000e+00> : vector<256x128xf32>
    %dot_general3A_68 = tpu.matmul %add3A_48, %get3A_66, %dot_general3A_67 {dimension_numbers = #tpu.dot_dimension_numbers<[1], [0], [0], [1], [0, 0, 1, 1], [], []>, transpose_lhs_hint = false} : vector<256x128xf32>, vector<128x128xf32>, vector<256x128xf32> -> vector<256x128xf32>
    %concatenate3A = tpu.concatenate %dot_general3A_63, %dot_general3A_68 in 1 : vector<256x128xf32>, vector<256x128xf32> -> vector<256x256xf32>
    %swap3A_69 = arith.constant 0 : index
    %swap3A_70 = arith.constant 0 : index
    %swap3A_71 = vector.load %arg13[%swap3A_69, %swap3A_70] : memref<256x256xf32, #tpu.memory_space<vmem>>, vector<256x256xf32>
    tpu.vector_store %arg13[%swap3A_69, %swap3A_70], %concatenate3A {strides = array<i32>} : memref<256x256xf32, #tpu.memory_space<vmem>>, vector<256x256xf32>,
    return
  }
  func.func @transform_0(%arg0: i32) -> (i32, i32, i32) {
    %c0_i32 = arith.constant 0 : i32
    %c0_i32_0 = arith.constant 0 : i32
    %c0_i32_1 = arith.constant 0 : i32
    return %c0_i32, %arg0, %c0_i32_0 : i32, i32, i32
  }
  func.func @transform_1(%arg0: i32) -> (i32, i32) {
    %c0_i32 = arith.constant 0 : i32
    %c0_i32_0 = arith.constant 0 : i32
    return %arg0, %c0_i32 : i32, i32
  }
  func.func @transform_2(%arg0: i32) -> (i32, i32) {
    %c0_i32 = arith.constant 0 : i32
    %c0_i32_0 = arith.constant 0 : i32
    %c0_i32_1 = arith.constant 0 : i32
    return %c0_i32, %c0_i32_0 : i32, i32
  }
  func.func @transform_3(%arg0: i32) -> (i32, i32) {
    %c0_i32 = arith.constant 0 : i32
    %c0_i32_0 = arith.constant 0 : i32
    return %arg0, %c0_i32 : i32, i32
  }
  func.func @transform_4(%arg0: i32) -> (i32, i32, i32) {
    %c0_i32 = arith.constant 0 : i32
    %c0_i32_0 = arith.constant 0 : i32
    %c0_i32_1 = arith.constant 0 : i32
    return %c0_i32, %arg0, %c0_i32_0 : i32, i32, i32
  }
  func.func @transform_5(%arg0: i32) -> (i32, i32) {
    %c0_i32 = arith.constant 0 : i32
    %c0_i32_0 = arith.constant 0 : i32
    %c0_i32_1 = arith.constant 0 : i32
    return %c0_i32, %c0_i32_0 : i32, i32
  }
  func.func @transform_6(%arg0: i32) -> (i32, i32) {
    %c0_i32 = arith.constant 0 : i32
    %c0_i32_0 = arith.constant 0 : i32
    %c0_i32_1 = arith.constant 0 : i32
    return %c0_i32, %c0_i32_0 : i32, i32
  }
  func.func @transform_7(%arg0: i32) -> (i32, i32) {
    %c0_i32 = arith.constant 0 : i32
    %c0_i32_0 = arith.constant 0 : i32
    %c0_i32_1 = arith.constant 0 : i32
    return %c0_i32, %c0_i32_0 : i32, i32
  }
  func.func @transform_8(%arg0: i32) -> (i32, i32) {
    %c0_i32 = arith.constant 0 : i32
    %c0_i32_0 = arith.constant 0 : i32
    %c0_i32_1 = arith.constant 0 : i32
    return %c0_i32, %c0_i32_0 : i32, i32
  }
  func.func @transform_9(%arg0: i32) -> (i32, i32) {
    %c0_i32 = arith.constant 0 : i32
    %c0_i32_0 = arith.constant 0 : i32
    %c0_i32_1 = arith.constant 0 : i32
    return %c0_i32, %c0_i32_0 : i32, i32
  }
  func.func @transform_10(%arg0: i32) -> (i32, i32) {
    %c0_i32 = arith.constant 0 : i32
    %c0_i32_0 = arith.constant 0 : i32
    return %arg0, %c0_i32 : i32, i32
  }
  func.func @transform_11(%arg0: i32) -> (i32, i32) {
    %c0_i32 = arith.constant 0 : i32
    %c0_i32_0 = arith.constant 0 : i32
    return %arg0, %c0_i32 : i32, i32
  }
  func.func @transform_12(%arg0: i32) -> (i32, i32) {
    %c0_i32 = arith.constant 0 : i32
    %c0_i32_0 = arith.constant 0 : i32
    return %arg0, %c0_i32 : i32, i32
  }
}

module attributes {stable_mosaic.version = 14 : i64} {
  func.func @_s4_body(%arg0: i32, %arg1: memref<21x256x128xf32, #tpu.memory_space<vmem>>, %arg2: memref<256x128xf32, #tpu.memory_space<vmem>>, %arg3: memref<256x128xf32, #tpu.memory_space<vmem>>, %arg4: memref<16x256x256xf32, #tpu.memory_space<vmem>>, %arg5: memref<256x128xf32, #tpu.memory_space<vmem>>, %arg6: memref<128x128xf32, #tpu.memory_space<vmem>>, %arg7: memref<1x128xf32, #tpu.memory_space<vmem>>, %arg8: memref<128x128xf32, #tpu.memory_space<vmem>>, %arg9: memref<1x128xf32, #tpu.memory_space<vmem>>, %arg10: memref<128x128xf32, #tpu.memory_space<vmem>>, %arg11: memref<1x128xf32, #tpu.memory_space<vmem>>, %arg12: memref<128x128xf32, #tpu.memory_space<vmem>>, %arg13: memref<1x128xf32, #tpu.memory_space<vmem>>, %arg14: memref<128x128xf32, #tpu.memory_space<vmem>>, %arg15: memref<1x128xf32, #tpu.memory_space<vmem>>, %arg16: memref<256x128xf32, #tpu.memory_space<vmem>>) attributes {dimension_semantics = [#tpu.dimension_semantics<arbitrary>], iteration_bounds = array<i64: 16>, scalar_prefetch = 0 : i64, scratch_operands = 0 : i64, tpu.core_type = #tpu.core_type<tc>, window_params = [{transform_indices = @transform_0, window_bounds = array<i64: 21, 256, 128>}, {transform_indices = @transform_1, window_bounds = array<i64: 256, 128>}, {transform_indices = @transform_2, window_bounds = array<i64: 256, 128>}, {transform_indices = @transform_3, window_bounds = array<i64: 16, 256, 256>}, {transform_indices = @transform_4, window_bounds = array<i64: 256, 128>}, {pipeline_mode = #tpu.pipeline_mode<synchronous>, transform_indices = @transform_5, window_bounds = array<i64: 128, 128>}, {pipeline_mode = #tpu.pipeline_mode<synchronous>, transform_indices = @transform_6, window_bounds = array<i64: 1, 128>}, {pipeline_mode = #tpu.pipeline_mode<synchronous>, transform_indices = @transform_7, window_bounds = array<i64: 128, 128>}, {pipeline_mode = #tpu.pipeline_mode<synchronous>, transform_indices = @transform_8, window_bounds = array<i64: 1, 128>}, {pipeline_mode = #tpu.pipeline_mode<synchronous>, transform_indices = @transform_9, window_bounds = array<i64: 128, 128>}, {pipeline_mode = #tpu.pipeline_mode<synchronous>, transform_indices = @transform_10, window_bounds = array<i64: 1, 128>}, {pipeline_mode = #tpu.pipeline_mode<synchronous>, transform_indices = @transform_11, window_bounds = array<i64: 128, 128>}, {pipeline_mode = #tpu.pipeline_mode<synchronous>, transform_indices = @transform_12, window_bounds = array<i64: 1, 128>}, {pipeline_mode = #tpu.pipeline_mode<synchronous>, transform_indices = @transform_13, window_bounds = array<i64: 128, 128>}, {pipeline_mode = #tpu.pipeline_mode<synchronous>, transform_indices = @transform_14, window_bounds = array<i64: 1, 128>}, {transform_indices = @transform_15, window_bounds = array<i64: 256, 128>}]} {
    %get3A = arith.constant 0 : index
    %get3A_0 = arith.constant 0 : index
    %get3A_1 = arith.constant 0 : index
    %get3A_2 = vector.load %arg1[%get3A, %get3A_0, %get3A_1] : memref<21x256x128xf32, #tpu.memory_space<vmem>>, vector<21x256x128xf32>
    %slice3A = vector.extract_strided_slice %get3A_2 {offsets = [0, 0, 0], sizes = [16, 256, 128], strides = [1, 1, 1]} : vector<21x256x128xf32> to vector<16x256x128xf32>
    %get3A_3 = arith.constant 0 : index
    %get3A_4 = arith.constant 0 : index
    %get3A_5 = vector.load %arg2[%get3A_3, %get3A_4] : memref<256x128xf32, #tpu.memory_space<vmem>>, vector<256x128xf32>
    %broadcast_in_dim3A = vector.shape_cast %get3A_5 : vector<256x128xf32> to vector<1x256x128xf32>
    %sub3A = vector.broadcast %broadcast_in_dim3A : vector<1x256x128xf32> to vector<16x256x128xf32>
    %sub3A_6 = arith.subf %sub3A, %slice3A : vector<16x256x128xf32>
    %reshape3A = vector.shape_cast %sub3A_6 : vector<16x256x128xf32> to vector<4096x128xf32>
    %get3A_7 = arith.constant 0 : index
    %get3A_8 = arith.constant 0 : index
    %get3A_9 = vector.load %arg6[%get3A_7, %get3A_8] : memref<128x128xf32, #tpu.memory_space<vmem>>, vector<128x128xf32>
    %dot_general3A = arith.constant dense<0.000000e+00> : vector<4096x128xf32>
    %dot_general3A_10 = tpu.matmul %reshape3A, %get3A_9, %dot_general3A {dimension_numbers = #tpu.dot_dimension_numbers<[1], [0], [0], [1], [0, 0, 1, 1], [], []>, transpose_lhs_hint = false} : vector<4096x128xf32>, vector<128x128xf32>, vector<4096x128xf32> -> vector<4096x128xf32>
    %get3A_11 = arith.constant 0 : index
    %get3A_12 = arith.constant 0 : index
    %get3A_13 = vector.load %arg7[%get3A_11, %get3A_12] : memref<1x128xf32, #tpu.memory_space<vmem>>, vector<1x128xf32>
    %add3A = vector.broadcast %get3A_13 : vector<1x128xf32> to vector<4096x128xf32>
    %add3A_14 = arith.addf %dot_general3A_10, %add3A : vector<4096x128xf32>
    %max3A = arith.constant 0.000000e+00 : f32
    %max3A_15 = vector.broadcast %max3A : f32 to vector<4096x128xf32>
    %max3A_16 = arith.maximumf %add3A_14, %max3A_15 : vector<4096x128xf32>
    %get3A_17 = arith.constant 0 : index
    %get3A_18 = arith.constant 0 : index
    %get3A_19 = vector.load %arg8[%get3A_17, %get3A_18] : memref<128x128xf32, #tpu.memory_space<vmem>>, vector<128x128xf32>
    %dot_general3A_20 = arith.constant dense<0.000000e+00> : vector<4096x128xf32>
    %dot_general3A_21 = tpu.matmul %max3A_16, %get3A_19, %dot_general3A_20 {dimension_numbers = #tpu.dot_dimension_numbers<[1], [0], [0], [1], [0, 0, 1, 1], [], []>, transpose_lhs_hint = false} : vector<4096x128xf32>, vector<128x128xf32>, vector<4096x128xf32> -> vector<4096x128xf32>
    %get3A_22 = arith.constant 0 : index
    %get3A_23 = arith.constant 0 : index
    %get3A_24 = vector.load %arg9[%get3A_22, %get3A_23] : memref<1x128xf32, #tpu.memory_space<vmem>>, vector<1x128xf32>
    %add3A_25 = vector.broadcast %get3A_24 : vector<1x128xf32> to vector<4096x128xf32>
    %add3A_26 = arith.addf %dot_general3A_21, %add3A_25 : vector<4096x128xf32>
    %get3A_27 = arith.constant 0 : index
    %get3A_28 = arith.constant 0 : index
    %get3A_29 = arith.constant 0 : index
    %get3A_30 = vector.load %arg4[%get3A_27, %get3A_28, %get3A_29] : memref<16x256x256xf32, #tpu.memory_space<vmem>>, vector<16x256x256xf32>
    %slice3A_31 = vector.extract_strided_slice %get3A_30 {offsets = [0, 0, 0], sizes = [16, 256, 128], strides = [1, 1, 1]} : vector<16x256x256xf32> to vector<16x256x128xf32>
    %reshape3A_32 = vector.shape_cast %slice3A_31 : vector<16x256x128xf32> to vector<4096x128xf32>
    %slice3A_33 = vector.extract_strided_slice %get3A_30 {offsets = [0, 0, 128], sizes = [16, 256, 128], strides = [1, 1, 1]} : vector<16x256x256xf32> to vector<16x256x128xf32>
    %reshape3A_34 = vector.shape_cast %slice3A_33 : vector<16x256x128xf32> to vector<4096x128xf32>
    %get3A_35 = arith.constant 0 : index
    %get3A_36 = arith.constant 0 : index
    %get3A_37 = vector.load %arg3[%get3A_35, %get3A_36] : memref<256x128xf32, #tpu.memory_space<vmem>>, vector<256x128xf32>
    %broadcast_in_dim3A_38 = vector.shape_cast %get3A_37 : vector<256x128xf32> to vector<1x256x128xf32>
    %broadcast_in_dim3A_39 = vector.shape_cast %broadcast_in_dim3A_38 : vector<1x256x128xf32> to vector<1x256x128xf32>
    %broadcast_in_dim3A_40 = vector.broadcast %broadcast_in_dim3A_39 : vector<1x256x128xf32> to vector<16x256x128xf32>
    %reshape3A_41 = vector.shape_cast %broadcast_in_dim3A_40 : vector<16x256x128xf32> to vector<4096x128xf32>
    %sub3A_42 = arith.subf %reshape3A_41, %reshape3A_32 : vector<4096x128xf32>
    %add3A_43 = arith.addf %sub3A_42, %add3A_26 : vector<4096x128xf32>
    %get3A_44 = arith.constant 0 : index
    %get3A_45 = arith.constant 0 : index
    %get3A_46 = vector.load %arg10[%get3A_44, %get3A_45] : memref<128x128xf32, #tpu.memory_space<vmem>>, vector<128x128xf32>
    %dot_general3A_47 = arith.constant dense<0.000000e+00> : vector<4096x128xf32>
    %dot_general3A_48 = tpu.matmul %add3A_43, %get3A_46, %dot_general3A_47 {dimension_numbers = #tpu.dot_dimension_numbers<[1], [0], [0], [1], [0, 0, 1, 1], [], []>, transpose_lhs_hint = false} : vector<4096x128xf32>, vector<128x128xf32>, vector<4096x128xf32> -> vector<4096x128xf32>
    %get3A_49 = arith.constant 0 : index
    %get3A_50 = arith.constant 0 : index
    %get3A_51 = vector.load %arg11[%get3A_49, %get3A_50] : memref<1x128xf32, #tpu.memory_space<vmem>>, vector<1x128xf32>
    %add3A_52 = vector.broadcast %get3A_51 : vector<1x128xf32> to vector<4096x128xf32>
    %add3A_53 = arith.addf %dot_general3A_48, %add3A_52 : vector<4096x128xf32>
    %max3A_54 = arith.constant 0.000000e+00 : f32
    %max3A_55 = vector.broadcast %max3A_54 : f32 to vector<4096x128xf32>
    %max3A_56 = arith.maximumf %add3A_53, %max3A_55 : vector<4096x128xf32>
    %get3A_57 = arith.constant 0 : index
    %get3A_58 = arith.constant 0 : index
    %get3A_59 = vector.load %arg12[%get3A_57, %get3A_58] : memref<128x128xf32, #tpu.memory_space<vmem>>, vector<128x128xf32>
    %dot_general3A_60 = arith.constant dense<0.000000e+00> : vector<4096x128xf32>
    %dot_general3A_61 = tpu.matmul %max3A_56, %get3A_59, %dot_general3A_60 {dimension_numbers = #tpu.dot_dimension_numbers<[1], [0], [0], [1], [0, 0, 1, 1], [], []>, transpose_lhs_hint = false} : vector<4096x128xf32>, vector<128x128xf32>, vector<4096x128xf32> -> vector<4096x128xf32>
    %get3A_62 = arith.constant 0 : index
    %get3A_63 = arith.constant 0 : index
    %get3A_64 = vector.load %arg13[%get3A_62, %get3A_63] : memref<1x128xf32, #tpu.memory_space<vmem>>, vector<1x128xf32>
    %add3A_65 = vector.broadcast %get3A_64 : vector<1x128xf32> to vector<4096x128xf32>
    %add3A_66 = arith.addf %dot_general3A_61, %add3A_65 : vector<4096x128xf32>
    %mul3A = arith.constant 0.0883883461 : f32
    %mul3A_67 = vector.broadcast %mul3A : f32 to vector<4096x128xf32>
    %mul3A_68 = arith.mulf %add3A_66, %mul3A_67 : vector<4096x128xf32>
    %reshape3A_69 = vector.shape_cast %mul3A_68 : vector<4096x128xf32> to vector<16x256x128xf32>
    %reduce_max3A = arith.constant dense<0xFF800000> : vector<256x128xf32>
    %reduce_max3A_70 = vector.multi_reduction <maximumf>, %reshape3A_69, %reduce_max3A [0] : vector<16x256x128xf32> to vector<256x128xf32>
    %broadcast_in_dim3A_71 = vector.shape_cast %reduce_max3A_70 : vector<256x128xf32> to vector<1x256x128xf32>
    %sub3A_72 = vector.broadcast %broadcast_in_dim3A_71 : vector<1x256x128xf32> to vector<16x256x128xf32>
    %sub3A_73 = arith.subf %reshape3A_69, %sub3A_72 : vector<16x256x128xf32>
    %exp3A = math.exp %sub3A_73 : vector<16x256x128xf32>
    %reduce_sum3A = arith.constant dense<0.000000e+00> : vector<256x128xf32>
    %reduce_sum3A_74 = vector.multi_reduction <add>, %exp3A, %reduce_sum3A [0] : vector<16x256x128xf32> to vector<256x128xf32>
    %broadcast_in_dim3A_75 = vector.shape_cast %reduce_sum3A_74 : vector<256x128xf32> to vector<1x256x128xf32>
    %div3A = vector.broadcast %broadcast_in_dim3A_75 : vector<1x256x128xf32> to vector<16x256x128xf32>
    %div3A_76 = arith.divf %exp3A, %div3A : vector<16x256x128xf32>
    %add3A_77 = arith.addf %reshape3A_34, %add3A_26 : vector<4096x128xf32>
    %reshape3A_78 = vector.shape_cast %add3A_77 : vector<4096x128xf32> to vector<16x256x128xf32>
    %mul3A_79 = arith.mulf %div3A_76, %reshape3A_78 : vector<16x256x128xf32>
    %reduce_sum3A_80 = arith.constant dense<0.000000e+00> : vector<256x128xf32>
    %reduce_sum3A_81 = vector.multi_reduction <add>, %mul3A_79, %reduce_sum3A_80 [0] : vector<16x256x128xf32> to vector<256x128xf32>
    %get3A_82 = arith.constant 0 : index
    %get3A_83 = arith.constant 0 : index
    %get3A_84 = vector.load %arg14[%get3A_82, %get3A_83] : memref<128x128xf32, #tpu.memory_space<vmem>>, vector<128x128xf32>
    %dot_general3A_85 = arith.constant dense<0.000000e+00> : vector<256x128xf32>
    %dot_general3A_86 = tpu.matmul %reduce_sum3A_81, %get3A_84, %dot_general3A_85 {dimension_numbers = #tpu.dot_dimension_numbers<[1], [0], [0], [1], [0, 0, 1, 1], [], []>, transpose_lhs_hint = false} : vector<256x128xf32>, vector<128x128xf32>, vector<256x128xf32> -> vector<256x128xf32>
    %get3A_87 = arith.constant 0 : index
    %get3A_88 = arith.constant 0 : index
    %get3A_89 = vector.load %arg15[%get3A_87, %get3A_88] : memref<1x128xf32, #tpu.memory_space<vmem>>, vector<1x128xf32>
    %add3A_90 = vector.broadcast %get3A_89 : vector<1x128xf32> to vector<256x128xf32>
    %add3A_91 = arith.addf %dot_general3A_86, %add3A_90 : vector<256x128xf32>
    %get3A_92 = arith.constant 0 : index
    %get3A_93 = arith.constant 0 : index
    %get3A_94 = vector.load %arg5[%get3A_92, %get3A_93] : memref<256x128xf32, #tpu.memory_space<vmem>>, vector<256x128xf32>
    %add3A_95 = arith.addf %add3A_91, %get3A_94 : vector<256x128xf32>
    %swap3A = arith.constant 0 : index
    %swap3A_96 = arith.constant 0 : index
    %swap3A_97 = vector.load %arg16[%swap3A, %swap3A_96] : memref<256x128xf32, #tpu.memory_space<vmem>>, vector<256x128xf32>
    tpu.vector_store %arg16[%swap3A, %swap3A_96], %add3A_95 {strides = array<i32>} : memref<256x128xf32, #tpu.memory_space<vmem>>, vector<256x128xf32>,
    return
  }
  func.func @transform_0(%arg0: i32) -> (i32, i32, i32) {
    %c0_i32 = arith.constant 0 : i32
    %c0_i32_0 = arith.constant 0 : i32
    %c0_i32_1 = arith.constant 0 : i32
    return %c0_i32, %arg0, %c0_i32_0 : i32, i32, i32
  }
  func.func @transform_1(%arg0: i32) -> (i32, i32) {
    %c0_i32 = arith.constant 0 : i32
    %c0_i32_0 = arith.constant 0 : i32
    return %arg0, %c0_i32 : i32, i32
  }
  func.func @transform_2(%arg0: i32) -> (i32, i32) {
    %c0_i32 = arith.constant 0 : i32
    %c0_i32_0 = arith.constant 0 : i32
    return %arg0, %c0_i32 : i32, i32
  }
  func.func @transform_3(%arg0: i32) -> (i32, i32, i32) {
    %c0_i32 = arith.constant 0 : i32
    %c0_i32_0 = arith.constant 0 : i32
    %c0_i32_1 = arith.constant 0 : i32
    return %c0_i32, %arg0, %c0_i32_0 : i32, i32, i32
  }
  func.func @transform_4(%arg0: i32) -> (i32, i32) {
    %c0_i32 = arith.constant 0 : i32
    %c0_i32_0 = arith.constant 0 : i32
    return %arg0, %c0_i32 : i32, i32
  }
  func.func @transform_5(%arg0: i32) -> (i32, i32) {
    %c0_i32 = arith.constant 0 : i32
    %c0_i32_0 = arith.constant 0 : i32
    %c0_i32_1 = arith.constant 0 : i32
    return %c0_i32, %c0_i32_0 : i32, i32
  }
  func.func @transform_6(%arg0: i32) -> (i32, i32) {
    %c0_i32 = arith.constant 0 : i32
    %c0_i32_0 = arith.constant 0 : i32
    %c0_i32_1 = arith.constant 0 : i32
    return %c0_i32, %c0_i32_0 : i32, i32
  }
  func.func @transform_7(%arg0: i32) -> (i32, i32) {
    %c0_i32 = arith.constant 0 : i32
    %c0_i32_0 = arith.constant 0 : i32
    %c0_i32_1 = arith.constant 0 : i32
    return %c0_i32, %c0_i32_0 : i32, i32
  }
  func.func @transform_8(%arg0: i32) -> (i32, i32) {
    %c0_i32 = arith.constant 0 : i32
    %c0_i32_0 = arith.constant 0 : i32
    %c0_i32_1 = arith.constant 0 : i32
    return %c0_i32, %c0_i32_0 : i32, i32
  }
  func.func @transform_9(%arg0: i32) -> (i32, i32) {
    %c0_i32 = arith.constant 0 : i32
    %c0_i32_0 = arith.constant 0 : i32
    %c0_i32_1 = arith.constant 0 : i32
    return %c0_i32, %c0_i32_0 : i32, i32
  }
  func.func @transform_10(%arg0: i32) -> (i32, i32) {
    %c0_i32 = arith.constant 0 : i32
    %c0_i32_0 = arith.constant 0 : i32
    %c0_i32_1 = arith.constant 0 : i32
    return %c0_i32, %c0_i32_0 : i32, i32
  }
  func.func @transform_11(%arg0: i32) -> (i32, i32) {
    %c0_i32 = arith.constant 0 : i32
    %c0_i32_0 = arith.constant 0 : i32
    %c0_i32_1 = arith.constant 0 : i32
    return %c0_i32, %c0_i32_0 : i32, i32
  }
  func.func @transform_12(%arg0: i32) -> (i32, i32) {
    %c0_i32 = arith.constant 0 : i32
    %c0_i32_0 = arith.constant 0 : i32
    %c0_i32_1 = arith.constant 0 : i32
    return %c0_i32, %c0_i32_0 : i32, i32
  }
  func.func @transform_13(%arg0: i32) -> (i32, i32) {
    %c0_i32 = arith.constant 0 : i32
    %c0_i32_0 = arith.constant 0 : i32
    %c0_i32_1 = arith.constant 0 : i32
    return %c0_i32, %c0_i32_0 : i32, i32
  }
  func.func @transform_14(%arg0: i32) -> (i32, i32) {
    %c0_i32 = arith.constant 0 : i32
    %c0_i32_0 = arith.constant 0 : i32
    %c0_i32_1 = arith.constant 0 : i32
    return %c0_i32, %c0_i32_0 : i32, i32
  }
  func.func @transform_15(%arg0: i32) -> (i32, i32) {
    %c0_i32 = arith.constant 0 : i32
    %c0_i32_0 = arith.constant 0 : i32
    return %arg0, %c0_i32 : i32, i32
  }
}

</mosaic_0001>

<sc_bundles>
// kernel: kernel.16.cloned.1.call-start
scs
__scs_entry_jumppad:
0x0: {  	(pc) =	sbr.rel $0x88, $3  }
0x1: {  	(tag) =	ssettag $0x0;
	lr =	simm.s32 $0x1  }
0x2: {  	[smem:$0x3F8D] =	sst lr;
	_ =	strace $0xD0000000  }
0x3: {  	_ = 	snop  }
0x4: {  	_ = 	snop  }
0x5: {  	_ = 	snop  }
0x6: {  	_ = 	snop  }
0x7: {  	_ = 	snop  }
__scs_overlays_trampoline_lowered:
0x8: {  	[smem:$0x3F9C] =	sst s0  }
0x9: {  	[smem:$0x3F9D] =	sst s1  }
0xa: {  	[smem:$0x3F9E] =	sst s2  }
0xb: {  	[smem:$0x3F9F] =	sst s3  }
0xc: {  	[smem:$0x3FA0] =	sst s4  }
0xd: {  	[smem:$0x3FA1] =	sst s5  }
0xe: {  	[smem:$0x3FA2] =	sst s6  }
0xf: {  	[smem:$0x3FA3] =	sst s7  }
0x10: {  	[smem:$0x3FA4] =	sst s8  }
0x11: {  	[smem:$0x3FA5] =	sst s9;
	s0 =	simm.s32 @!p0 $0x0  }
0x12: {  	s1 =	sld [smem:$0x3F8B];
	s0 =	simm.s32 @p0 $0x1  }
0x13: {  	[smem:$0x3FA6] =	sst s0;
	s0 =	simm.s32 @!p1 $0x0  }
0x14: {  	s2 =	sld [smem:$0x3F8A];
	s0 =	simm.s32 @p1 $0x1  }
0x15: {  	[smem:$0x3FA7] =	sst s0;
	s0 =	simm.s32 @!p2 $0x0  }
0x16: {  	s3 =	sld [smem:$0x3FDB];
	s0 =	simm.s32 @p2 $0x1  }
0x17: {  	s4 =	simm.s32 $0x1BF5;
	[smem:$0x3FA9] =	sst s0  }
0x18: {  	s0 =	sld [smem:$0x3F8C];
	_ =	swait.ge [sflag:s4], $0x0  }
0x19: {  	s7 =	sld [smem:$0x3F8D]  }
0x1a: {  	s8 =	sadd.s32 $0xFFFFE003, lr  }
0x1b: {  	s9 =	sadd.s32 $0xFFFFFEF7, lr;
	s5 =	simm.s32 $0xFFFFFFFF;
	p2 =	slt.u32 s8, $0xFFFFF086  }
0x1c: {  	p1 =	slt.u32 s9, $0xF7A;
	s5 =	simm.s32 @!p2 $0x0  }
0x1d: {  	s5 =	simm.s32 @p1 $0x1;
	p0 =	seq.s32 s7, s2  }
0x1e: {  	s7 =	smul.u32 @!p0 $0xF7A, s2;
	p2 =	seq.s32 @!p0 s5, $0x0  }
0x1f: {  	s9 =	smul.u32 $0xF7A, s1;
	s8 =	simm.s32 @!p0 $0x1BF5;
	p2 =	por !p2, p0  }
0x20: {  	[sflag:s8] =	ssyncset.s32 @!p0 $0xFFFFF086;
	s6 =	sadd.s32 @!p0 s3, s7;
	s7 =	simm.s32 @!p0 $0x108  }
0x21: {  	s3 =	sadd.s32 s3, s9;
	s6 =	sadd.s32 @!p0 $0x88, s6;
	s7 =	simm.s32 @p2 $0x1082  }
0x22: {  	[simem:s7], [sflag:s8] =	dma.local @!p0 [hbm:s6], $0xF7A  }
0x23: {  	s9 =	sor.u32 $0xD0000000, s2;
	s6 =	simm.s32 $0x108;
	_ =	swait.ge @!p0 [sflag:s8], $0x0  }
0x24: {  	s3 =	sadd.s32 $0x88, s3;
	s6 =	simm.s32 @!p1 $0x1082;
	[sflag:s4] =	ssyncset.s32 $0xFFFFF086  }
0x25: {  	[simem:s6], [sflag:s4] =	dma.local [hbm:s3], $0xF7A  }
0x26: {  	[smem:$0x3F8D] =	sst s1;
	(tag) =	ssettag s2;
	_ =	strace s9  }
0x27: {  	s1 =	sld [smem:$0x3F9D]  }
0x28: {  	s2 =	sld [smem:$0x3F9E]  }
0x29: {  	s4 =	sld [smem:$0x3FA0]  }
0x2a: {  	p0 =	seq.s32 s5, $0x0;
	s5 =	sld [smem:$0x3FA1]  }
0x2b: {  	s6 =	sld [smem:$0x3FA2]  }
0x2c: {  	s7 =	sld [smem:$0x3FA3]  }
0x2d: {  	s3 =	simm.s32 $0x108;
	s8 =	sld [smem:$0x3FA4]  }
0x2e: {  	s3 =	simm.s32 @!p0 $0x1082;
	s9 =	sld [smem:$0x3FA5]  }
0x2f: {  	lr =	sadd.s32 s0, s3;
	s0 =	sld [smem:$0x3F9C]  }
0x30: {  	s3 =	sld [smem:$0x3F9F]  }
0x31: {  	[smem:$0x3FA8] =	sst s10  }
0x32: {  	s10 =	sld [smem:$0x3FA6];
	_ =	sdelay $0x3  }
0x33: {  	p0 =	seq.s32 s10, $0x1;
	s10 =	sld [smem:$0x3FA8];
	_ =	sdelay $0x3  }
0x34: {  	[smem:$0x3FA8] =	sst s10  }
0x35: {  	s10 =	sld [smem:$0x3FA7];
	_ =	sdelay $0x3  }
0x36: {  	p1 =	seq.s32 s10, $0x1;
	s10 =	sld [smem:$0x3FA8];
	_ =	sdelay $0x3  }
0x37: {  	[smem:$0x3FA8] =	sst s10  }
0x38: {  	s10 =	sld [smem:$0x3FA9]  }
0x39: {  	_ = 	snop;
	(pc) =	sbr.ind lr, $3  }
0x3a: {  	_ = 	snop  }
0x3b: {  	_ = 	snop  }
0x3c: {  	p2 =	seq.s32 s10, $0x1;
	s10 =	sld [smem:$0x3FA8]  }
0x3d: {  	_ =	shalt  }
0x3e: {  	_ =	shalt  }
0x3f: {  	_ =	shalt  }
0x40: {  	_ =	shalt  }
0x41: {  	_ =	shalt  }
0x42: {  	_ =	shalt  }
0x43: {  	_ =	shalt  }
0x44: {  	_ =	shalt  }
0x45: {  	_ =	shalt  }
0x46: {  	_ =	shalt  }
0x47: {  	_ =	shalt  }
0x48: {  	_ =	shalt  }
0x49: {  	_ =	shalt  }
0x4a: {  	_ =	shalt  }
0x4b: {  	_ =	shalt  }
0x4c: {  	_ =	shalt  }
0x4d: {  	_ =	shalt  }
0x4e: {  	_ =	shalt  }
0x4f: {  	_ =	shalt  }
0x50: {  	_ =	shalt  }
0x51: {  	_ =	shalt  }
0x52: {  	_ =	shalt  }
0x53: {  	_ =	shalt  }
0x54: {  	_ =	shalt  }
0x55: {  	_ =	shalt  }
0x56: {  	_ =	shalt  }
0x57: {  	_ =	shalt  }
0x58: {  	_ =	shalt  }
0x59: {  	_ =	shalt  }
0x5a: {  	_ =	shalt  }
0x5b: {  	_ =	shalt  }
0x5c: {  	_ =	shalt  }
0x5d: {  	_ =	shalt  }
0x5e: {  	_ =	shalt  }
0x5f: {  	_ =	shalt  }
0x60: {  	_ =	shalt  }
0x61: {  	_ =	shalt  }
0x62: {  	_ =	shalt  }
0x63: {  	_ =	shalt  }
0x64: {  	_ =	shalt  }
0x65: {  	_ =	shalt  }
0x66: {  	_ =	shalt  }
0x67: {  	_ =	shalt  }
0x68: {  	_ =	shalt  }
0x69: {  	_ =	shalt  }
0x6a: {  	_ =	shalt  }
0x6b: {  	_ =	shalt  }
0x6c: {  	_ =	shalt  }
0x6d: {  	_ =	shalt  }
0x6e: {  	_ =	shalt  }
0x6f: {  	_ =	shalt  }
0x70: {  	_ =	shalt  }
0x71: {  	_ =	shalt  }
0x72: {  	_ =	shalt  }
0x73: {  	_ =	shalt  }
0x74: {  	_ =	shalt  }
0x75: {  	_ =	shalt  }
0x76: {  	_ =	shalt  }
0x77: {  	_ =	shalt  }
0x78: {  	_ =	shalt  }
0x79: {  	_ =	shalt  }
0x7a: {  	_ =	shalt  }
0x7b: {  	_ =	shalt  }
0x7c: {  	_ =	shalt  }
0x7d: {  	_ =	shalt  }
0x7e: {  	_ =	shalt  }
0x7f: {  	_ =	shalt  }
0x80: {  	_ =	shalt  }
0x81: {  	_ =	shalt  }
0x82: {  	_ =	shalt  }
0x83: {  	_ =	shalt  }
0x84: {  	_ =	shalt  }
0x85: {  	_ =	shalt  }
0x86: {  	_ =	shalt  }
0x87: {  	_ =	shalt  }
.Lfunc_end0:
.L_simem_size_0:
called_computation_lowered:
.L_overlay_start_0:
0x88: {  	s2 =	sld [smem:$0x3FD9]  }
0x89: {  	s3 =	sld [smem:$0x3FFE];
	_ =	sdelay $0x1  }
0x8a: {  	s1 =	srdreg.scid  }
0x8b: {  	s0 =	sand.u32 $0x1, s1  }
0x8c: {  	s16 =	sshll.u32 s0, $0xA;
	s2 =	sadd.s32 s3, s2  }
0x8d: {  	s2 =	sadd.s32 s2, s16  }
0x8e: {  	[smem:$0x3FB4] =	sst s2  }
0x8f: {  	_ = 	snop  }
0x90: {  	(tm) =	ssettm $0x1  }
0x91: {  	s17 =	sld [smem:$0x3FFB];
	_ =	sdelay $0x3  }
0x92: {  	_ =	strace s17  }
0x93: {  	s2 =	sld [smem:$0x3FFC];
	_ =	sdelay $0x3  }
0x94: {  	_ =	strace s2  }
0x95: {  	s2 =	sld [smem:$0x3FFD];
	_ =	sdelay $0x3  }
0x96: {  	_ =	strace s2  }
0x97: {  	_ =	strace $0x8FFFFFFF  }
0x98: {  	s18 =	sld [smem:$0x3FDB];
	_ =	sdelay $0x1  }
0x99: {  	s19 =	simm.s32 $_scs_section_size  }
0x9a: {  	s4 =	simm.s32 $_size__tile_overlayer_lowered;
	s5 =	simm.s32 $_tile_overlayer_lowered  }
0x9b: {  	s22 =	simm.s32 $0x1BFF;
	s21 =	sshll.u32 s5, $0x1;
	s2 =	sadd.s32 s19, s18  }
0x9c: {  	s6 =	simm.s32 $0x0;
	s20 =	sshll.u32 s4, $0x1;
	s4 =	sadd.s32 s21, s2  }
0x9d: {  	[timem:s6], [sflag:s22] =	dma.local [hbm:s4], s20  }
0x9e: {  	_ =	swait.ge [sflag:s22], s20  }
0x9f: {  	s3 =	ssub.s32 $0x0, s20;
	[sflag:s22] =	ssyncset.done $0x0  }
0xa0: {  	[sflag:s22] =	ssyncadd.s32 s3;
	_ =	sdelay $0x1  }
0xa1: {  	s23 =	simm.s32 $0x1B8B  }
0xa2: {  	_ =	swait.ge [sflag:s23], $0x1  }
0xa3: {  	[sflag:s23] =	ssyncset.done $0x0  }
0xa4: {  	s25 =	simm.s32 $0x1B8E;
	s24 =	sld [smem:$0x3FFE];
	[sflag:s23] =	ssyncadd.s32 $0xFFFFFFFF  }
0xa5: {  	s26 =	simm.s32 $execute0_lowered;
	[smem:$0x3FD2] =	sst s25  }
0xa6: {  	s4 =	sshll.u32 s26, $0x1;
	_ =	strace $0x80000046;
	[dreg:$0x1] =	wrdreg $0xFFFFFFFF  }
0xa7: {  	s28 =	simm.s32 $_size_execute0_lowered;
	s2 =	sadd.s32 s2, s4;
	[dreg:$0x0] =	wrdreg $0x0  }
0xa8: {  	s4 =	sshll.u32 s28, $0x1;
	[dreg:$0x2] =	wrdreg s2  }
0xa9: {  	[dreg:$0x3] =	wrdreg s4  }
0xaa: {  	[dreg:$0x4] =	wrdreg $0xC0  }
0xab: {  	_ =	task [dreg:s6], $0x5FFFF  }
0xac: {  	[dreg:$0x1] =	wrdreg $0xFFFFFFFF  }
0xad: {  	[dreg:$0x0] =	wrdreg $0x60  }
0xae: {  	[dreg:$0x2] =	wrdreg s24  }
0xaf: {  	[dreg:$0x3] =	wrdreg $0x9  }
0xb0: {  	_ =	task.clear_ibuf [dreg:s6], $0x4FFFF;
	_ =	strace $0x90000046  }
0xb1: {  	s29 =	simm.s32 $0x9;
	_ =	strace $0x80000048  }
0xb2: {  	_ =	swait.ge [sflag:s29], $0x1  }
0xb3: {  	[sflag:s29] =	ssyncadd.s32 $0xFFFFFFFF  }
0xb4: {  	_ =	strace $0x90000048  }
0xb5: {  	_ =	sfence  }
0xb6: {  	s30 =	sld [smem:$0x0];
	_ =	sdelay $0x2  }
0xb7: {  	s31 =	sshll.u32 s1, $0xD;
	s1 =	sshrl.u32 s1, $0x2  }
0xb8: {  	s3 =	sand.u32 $0x4000, s31;
	s1 =	sadd.s32 s1, s30  }
0xb9: {  	s0 =	sor.u32 s3, s0;
	s1 =	sshll.u32 s1, $0x11  }
0xba: {  	s0 =	sor.u32 s1, s0  }
0xbb: {  	s0 =	sadd.s32 $0x8F2B, s0  }
0xbc: {  	[sflag:s0] =	ssyncadd.remote.s32 $0x1  }
0xbd: {  	_ =	sfence.sel $0xFFFF  }
0xbe: {  	[dreg:$0x0] =	wrdreg $0xFFFFFFFF;
	(pc) =	sbr.abs _section_cstart, $3  }
0xbf: {  	[dreg:$0x1] =	wrdreg $0xFFFFFFFF  }
0xc0: {  	_ =	task.clear_ibuf [dreg:s6], $0x2FFFF;
	_ =	strace $0x9FFFFFFF  }
0xc1: {  	(tm) =	ssettm $0x7FFFFFFF  }
tec
execute0_lowered:
.L_overlay_start_1:
0x0: {  	(tag) =	ssettag $0x1  }
0x1: {  	s1 =	srdreg.scid  }
0x2: {  	s0 =	stileid.u32;
	s4 =	rddreg [dreg:$0x0]  }
0x3: {  	s15 =	simm.s32 $0x4A80;
	s16 =	simm.s32 $0x1;
	s17 =	simm.s32 $0x2  }
0x4: {  	s18 =	simm.s32 $0xA00;
	s19 =	simm.s32 $0x0;
	s12 =	smul.u32 $0x15000, s0  }
0x5: {  	s7 =	sand.u32 $0x1, s1;
	s3 =	sshrl.u32 s0, $0x2;
	s29 =	smul.u32 $0xA8000, s0  }
0x6: {  	s2 =	sshll.u32 s0, $0x1;
	s1 =	rddreg [dreg:$0x1];
	s3 =	smul.u32 $0x5400, s3  }
0x7: {  	s11 =	sadd.s32 $0x19400, s4;
	s5 =	sor.u32 s7, s2;
	s14 =	smul.u32 $0x54000, s7  }
0x8: {  	s2 =	simm.s32 $0x0;
	s9 =	ssub.s32 $0x2, s7;
	s30 =	smul.u32 $0xA800, s7  }
0x9: {  	s6 =	sshll.u32 s5, $0x7;
	[smem:$0x7FF] =	sst s2;
	s8 =	smul.u32 $0x54000, s5  }
0xa: {  	s10 =	smul.u32 $0xA800, s5;
	s26 =	sshrl.u32 s9, $0x1;
	s12 =	sadd.s32 s12, s11  }
0xb: {  	s6 =	sand.u32 $0x380, s6;
	_ =	strace $0x80000047;
	s9 =	ssub.s32 s9, s26  }
0xc: {  	s6 =	sor.u32 s3, s6;
	s3 =	sadd.s32 $0x6A00, s4;
	s28 =	sshrl.u32 s8, $0x3  }
0xd: {  	s8 =	sadd.s32 s14, s29;
	s10 =	sadd.s32 s10, s11;
	s14 =	simm.s32 $0xA80  }
0xe: {  	s6 =	sshrl.u32 s6, $0x3;
	s13 =	sadd.s32 s11, s28;
	s31 =	sshrl.u32 s8, $0x3  }
0xf: {  	s8 =	sadd.s32 $0x9800, s10;
	s6 =	sadd.s32 s6, s4;
	s5 =	sadd.s32 $0xA000, s13  }
0x10: {  	s7 =	sadd.s32 $0x9000, s13;
	s10 =	sadd.s32 s31, s11;
	s11 =	simm.s32 $0x80  }
0x11: {  	s4 =	sadd.s32 $0x16A00, s6;
	s6 =	smax.u32 s9, $0x1;
	s9 =	sadd.s32 s30, s12  }
0x12: {  	s13 =	simm.s32 $0x3;
	s12 =	simm.s32 $0x400;
	s9 =	sadd.s32 $0x800, s9  }
.LBB2_1:
0x13: {  	[tilespmem:s2], [sflag:$0x3] =	stream.strided.gather [hbm4b:s4+s11], $0xA80, s12, s11, $0x38;
	[tilespmem:$0x8A80] =	vst v63  }
0x14: {  	_ =	swait.ge [sflag:s13], $0xA80  }
0x15: {  	[sflag:s13] =	ssyncset.done $0x0  }
0x16: {  	[sflag:s13] =	ssyncadd.s32 $0xFFFFF580  }
0x17: {  	[tilespmem:s14], [sflag:$0x1] =	stream.indirect.gather [hbm4b:s3+s11], $0x80, s2, s11, $0xb8;
	[tilespmem:$0x8A80] =	vst v63  }
0x18: {  	_ = 	snop  }
0x19: {  	[tilespmem:s15], [sflag:$0x2] =	stream.indirect.gather [hbm4b:s3+s11], $0x80, s11, s11, $0xb8;
	[tilespmem:$0x8A80] =	vst v63  }
0x1a: {  	_ =	swait.ge [sflag:s16], $0x4000  }
0x1b: {  	[sflag:s16] =	ssyncset.done $0x0  }
0x1c: {  	s20 =	sadd.s32 $0x0, s10;
	[sflag:s16] =	ssyncadd.s32 $0xFFFFC000  }
0x1d: {  	[hbm4b:s20+s2] =	stream.linear.scatter [tilespmem:s14], [sflag:$0x3], $0x4000, $0x38;
	[tilespmem:$0x8A80] =	vst v63  }
0x1e: {  	_ =	swait.ge [sflag:s13], $0x4000  }
0x1f: {  	[sflag:s13] =	ssyncset.done $0x0  }
0x20: {  	s30 =	simm.s32 $0x100;
	[sflag:s13] =	ssyncadd.s32 $0xFFFFC000  }
0x21: {  	[tilespmem:s14], [sflag:$0x1] =	stream.indirect.gather [hbm4b:s3+s11], $0x80, s30, s11, $0xb8;
	[tilespmem:$0x8A80] =	vst v63  }
0x22: {  	_ =	swait.ge [sflag:s17], $0x4000  }
0x23: {  	[sflag:s17] =	ssyncset.done $0x0  }
0x24: {  	s31 =	sadd.s32 $0x0, s9;
	[sflag:s17] =	ssyncadd.s32 $0xFFFFC000  }
0x25: {  	[hbm4b:s31+s2] =	stream.linear.scatter [tilespmem:s15], [sflag:$0x3], $0x4000, $0x38;
	[tilespmem:$0x8A80] =	vst v63  }
0x26: {  	_ =	swait.ge [sflag:s13], $0x4000  }
0x27: {  	s21 =	simm.s32 $0x1000;
	[sflag:s13] =	ssyncset.done $0x0  }
0x28: {  	s22 =	simm.s32 $0x280;
	s20 =	simm.s32 $0x180;
	[sflag:s13] =	ssyncadd.s32 $0xFFFFC000  }
.LBB2_2:
0x29: {  	[tilespmem:s15], [sflag:$0x2] =	stream.indirect.gather [hbm4b:s3+s11], $0x80, s20, s11, $0xb8;
	[tilespmem:$0x8A80] =	vst v63  }
0x2a: {  	s23 =	smov.u32 s21;
	s20 =	smov.u32 s22  }
0x2b: {  	p0 =	sne.s32 s21, $0x8000;
	s21 =	sadd.s32 $0x1000, s21;
	_ =	swait.ge [sflag:s16], $0x4000  }
0x2c: {  	[sflag:s16] =	ssyncset.done $0x0  }
0x2d: {  	s24 =	sadd.s32 s23, s10;
	[sflag:s16] =	ssyncadd.s32 $0xFFFFC000  }
0x2e: {  	[hbm4b:s24+s2] =	stream.linear.scatter [tilespmem:s14], [sflag:$0x3], $0x4000, $0x38;
	[tilespmem:$0x8A80] =	vst v63  }
0x2f: {  	_ =	swait.ge [sflag:s13], $0x4000  }
0x30: {  	[sflag:s13] =	ssyncset.done $0x0  }
0x31: {  	s24 =	sadd.s32 $0xFFFFFF80, s22;
	[sflag:s13] =	ssyncadd.s32 $0xFFFFC000  }
0x32: {  	[tilespmem:s14], [sflag:$0x1] =	stream.indirect.gather [hbm4b:s3+s11], $0x80, s24, s11, $0xb8;
	[tilespmem:$0x8A80] =	vst v63  }
0x33: {  	_ =	swait.ge [sflag:s17], $0x4000  }
0x34: {  	[sflag:s17] =	ssyncset.done $0x0  }
.Ltmp0:
0x35: {  	s23 =	sadd.s32 s23, s9;
	[sflag:s17] =	ssyncadd.s32 $0xFFFFC000;
	(pc) =	sbr.rel @p0 .LBB2_2-.Ltmp0, $4  }
0x36: {  	[hbm4b:s23+s2] =	stream.linear.scatter [tilespmem:s15], [sflag:$0x3], $0x4000, $0x38;
	[tilespmem:$0x8A80] =	vst v63  }
0x37: {  	_ =	swait.ge [sflag:s13], $0x4000  }
0x38: {  	[sflag:s13] =	ssyncset.done $0x0  }
0x39: {  	s22 =	sadd.s32 $0x100, s22;
	[sflag:s13] =	ssyncadd.s32 $0xFFFFC000  }
0x3a: {  	[tilespmem:s15], [sflag:$0x2] =	stream.indirect.gather [hbm4b:s3+s11], $0x80, s20, s11, $0xb8;
	[tilespmem:$0x8A80] =	vst v63  }
0x3b: {  	_ =	swait.ge [sflag:s16], $0x4000  }
0x3c: {  	[sflag:s16] =	ssyncset.done $0x0  }
0x3d: {  	[sflag:s16] =	ssyncadd.s32 $0xFFFFC000  }
0x3e: {  	[hbm4b:s7+s2] =	stream.linear.scatter [tilespmem:s14], [sflag:$0x3], $0x4000, $0x38;
	[tilespmem:$0x8A80] =	vst v63  }
0x3f: {  	_ =	swait.ge [sflag:s13], $0x4000  }
0x40: {  	[sflag:s13] =	ssyncset.done $0x0  }
0x41: {  	[sflag:s13] =	ssyncadd.s32 $0xFFFFC000  }
0x42: {  	[tilespmem:s14], [sflag:$0x1] =	stream.indirect.gather [hbm4b:s3+s11], $0x80, s18, s11, $0xb8;
	[tilespmem:$0x8A80] =	vst v63  }
0x43: {  	_ =	swait.ge [sflag:s17], $0x4000  }
0x44: {  	[sflag:s17] =	ssyncset.done $0x0  }
0x45: {  	[sflag:s17] =	ssyncadd.s32 $0xFFFFC000  }
0x46: {  	[hbm4b:s8+s2] =	stream.linear.scatter [tilespmem:s15], [sflag:$0x3], $0x4000, $0x38;
	[tilespmem:$0x8A80] =	vst v63  }
0x47: {  	_ =	swait.ge [sflag:s13], $0x4000  }
0x48: {  	[sflag:s13] =	ssyncset.done $0x0  }
0x49: {  	[sflag:s13] =	ssyncadd.s32 $0xFFFFC000  }
0x4a: {  	s19 =	sadd.s32 $0x1, s19;
	_ =	swait.ge [sflag:s16], $0x4000  }
0x4b: {  	p0 =	sne.s32 s19, s6;
	[sflag:s16] =	ssyncset.done $0x0  }
.Ltmp1:
0x4c: {  	[sflag:s16] =	ssyncadd.s32 $0xFFFFC000;
	(pc) =	sbr.rel @p0 .LBB2_1-.Ltmp1, $4  }
0x4d: {  	[hbm4b:s5+s2] =	stream.linear.scatter [tilespmem:s14], [sflag:$0x3], $0x4000, $0x38;
	[tilespmem:$0x8A80] =	vst v63  }
0x4e: {  	_ =	swait.ge [sflag:s13], $0x4000  }
0x4f: {  	[sflag:s13] =	ssyncset.done $0x0  }
0x50: {  	[sflag:s13] =	ssyncadd.s32 $0xFFFFC000  }
0x51: {  	_ =	sfence.sel $0x180000  }
0x52: {  	[bflag:$0x0] =	sbarrier.arrive $0xFFFF  }
0x53: {  	p0 =	sne.s32 s0, $0x0;
	_ =	strace $0x90000047  }
0x54: {  	s0 =	sadd.s32 @!p0 $0x100000, s1;
	[bflag:$0x2] =	sbarrier.arrive $0xFFFF  }
0x55: {  	[sflag:s0] =	ssyncadd.tile.s32 @!p0 $0x1;
	_ =	shalt  }
.Lfunc_end2:
_tile_overlayer_lowered:
.L_overlay_start_2:
0x56: {  	(tag) =	ssettag $0x2  }
0x57: {  	s0 =	rddreg [dreg:$0x0];
	s2 =	stileid.u32  }
0x58: {  	s1 =	rddreg [dreg:$0x1];
	p0 =	sne.s32 s2, $0x0  }
0x59: {  	s3 =	rddreg [dreg:$0x2];
	[bflag:$0x3] =	sbarrier.arrive $0xFFFF;
	s2 =	simm.s32 @!p0 $0x1C03  }
0x5a: {  	[timem:s3], [sflag:s2] =	dma.local @!p0 [hbm:s0], s1  }
0x5b: {  	s0 =	simm.s32 @!p0 $0x3  }
0x5c: {  	_ =	swait.ge @!p0 [sflag:s0], s1  }
0x5d: {  	s1 =	ssub.s32 @!p0 $0x0, s1;
	[sflag:s0] =	ssyncset.done @!p0 $0x0  }
0x5e: {  	[sflag:s0] =	ssyncadd.s32 @!p0 s1  }
0x5f: {  	[bflag:$0x3] =	sbarrier.arrive $0xFFFF  }
0x60: {  	_ =	shalt  }

// kernel: kernel.19.cloned.1.call-start
scs
__scs_entry_jumppad:
0x0: {  	(pc) =	sbr.rel $0x88, $3  }
0x1: {  	(tag) =	ssettag $0x0;
	lr =	simm.s32 $0x1  }
0x2: {  	[smem:$0x3F8D] =	sst lr;
	_ =	strace $0xD0000000  }
0x3: {  	_ = 	snop  }
0x4: {  	_ = 	snop  }
0x5: {  	_ = 	snop  }
0x6: {  	_ = 	snop  }
0x7: {  	_ = 	snop  }
__scs_overlays_trampoline_lowered:
0x8: {  	[smem:$0x3F9C] =	sst s0  }
0x9: {  	[smem:$0x3F9D] =	sst s1  }
0xa: {  	[smem:$0x3F9E] =	sst s2  }
0xb: {  	[smem:$0x3F9F] =	sst s3  }
0xc: {  	[smem:$0x3FA0] =	sst s4  }
0xd: {  	[smem:$0x3FA1] =	sst s5  }
0xe: {  	[smem:$0x3FA2] =	sst s6  }
0xf: {  	[smem:$0x3FA3] =	sst s7  }
0x10: {  	[smem:$0x3FA4] =	sst s8  }
0x11: {  	[smem:$0x3FA5] =	sst s9;
	s0 =	simm.s32 @!p0 $0x0  }
0x12: {  	s1 =	sld [smem:$0x3F8B];
	s0 =	simm.s32 @p0 $0x1  }
0x13: {  	[smem:$0x3FA6] =	sst s0;
	s0 =	simm.s32 @!p1 $0x0  }
0x14: {  	s2 =	sld [smem:$0x3F8A];
	s0 =	simm.s32 @p1 $0x1  }
0x15: {  	[smem:$0x3FA7] =	sst s0;
	s0 =	simm.s32 @!p2 $0x0  }
0x16: {  	s3 =	sld [smem:$0x3FDB];
	s0 =	simm.s32 @p2 $0x1  }
0x17: {  	s4 =	simm.s32 $0x1BF5;
	[smem:$0x3FA9] =	sst s0  }
0x18: {  	s0 =	sld [smem:$0x3F8C];
	_ =	swait.ge [sflag:s4], $0x0  }
0x19: {  	s7 =	sld [smem:$0x3F8D]  }
0x1a: {  	s8 =	sadd.s32 $0xFFFFE003, lr  }
0x1b: {  	s9 =	sadd.s32 $0xFFFFFEF7, lr;
	s5 =	simm.s32 $0xFFFFFFFF;
	p2 =	slt.u32 s8, $0xFFFFF086  }
0x1c: {  	p1 =	slt.u32 s9, $0xF7A;
	s5 =	simm.s32 @!p2 $0x0  }
0x1d: {  	s5 =	simm.s32 @p1 $0x1;
	p0 =	seq.s32 s7, s2  }
0x1e: {  	s7 =	smul.u32 @!p0 $0xF7A, s2;
	p2 =	seq.s32 @!p0 s5, $0x0  }
0x1f: {  	s9 =	smul.u32 $0xF7A, s1;
	s8 =	simm.s32 @!p0 $0x1BF5;
	p2 =	por !p2, p0  }
0x20: {  	[sflag:s8] =	ssyncset.s32 @!p0 $0xFFFFF086;
	s6 =	sadd.s32 @!p0 s3, s7;
	s7 =	simm.s32 @!p0 $0x108  }
0x21: {  	s3 =	sadd.s32 s3, s9;
	s6 =	sadd.s32 @!p0 $0x88, s6;
	s7 =	simm.s32 @p2 $0x1082  }
0x22: {  	[simem:s7], [sflag:s8] =	dma.local @!p0 [hbm:s6], $0xF7A  }
0x23: {  	s9 =	sor.u32 $0xD0000000, s2;
	s6 =	simm.s32 $0x108;
	_ =	swait.ge @!p0 [sflag:s8], $0x0  }
0x24: {  	s3 =	sadd.s32 $0x88, s3;
	s6 =	simm.s32 @!p1 $0x1082;
	[sflag:s4] =	ssyncset.s32 $0xFFFFF086  }
0x25: {  	[simem:s6], [sflag:s4] =	dma.local [hbm:s3], $0xF7A  }
0x26: {  	[smem:$0x3F8D] =	sst s1;
	(tag) =	ssettag s2;
	_ =	strace s9  }
0x27: {  	s1 =	sld [smem:$0x3F9D]  }
0x28: {  	s2 =	sld [smem:$0x3F9E]  }
0x29: {  	s4 =	sld [smem:$0x3FA0]  }
0x2a: {  	p0 =	seq.s32 s5, $0x0;
	s5 =	sld [smem:$0x3FA1]  }
0x2b: {  	s6 =	sld [smem:$0x3FA2]  }
0x2c: {  	s7 =	sld [smem:$0x3FA3]  }
0x2d: {  	s3 =	simm.s32 $0x108;
	s8 =	sld [smem:$0x3FA4]  }
0x2e: {  	s3 =	simm.s32 @!p0 $0x1082;
	s9 =	sld [smem:$0x3FA5]  }
0x2f: {  	lr =	sadd.s32 s0, s3;
	s0 =	sld [smem:$0x3F9C]  }
0x30: {  	s3 =	sld [smem:$0x3F9F]  }
0x31: {  	[smem:$0x3FA8] =	sst s10  }
0x32: {  	s10 =	sld [smem:$0x3FA6];
	_ =	sdelay $0x3  }
0x33: {  	p0 =	seq.s32 s10, $0x1;
	s10 =	sld [smem:$0x3FA8];
	_ =	sdelay $0x3  }
0x34: {  	[smem:$0x3FA8] =	sst s10  }
0x35: {  	s10 =	sld [smem:$0x3FA7];
	_ =	sdelay $0x3  }
0x36: {  	p1 =	seq.s32 s10, $0x1;
	s10 =	sld [smem:$0x3FA8];
	_ =	sdelay $0x3  }
0x37: {  	[smem:$0x3FA8] =	sst s10  }
0x38: {  	s10 =	sld [smem:$0x3FA9]  }
0x39: {  	_ = 	snop;
	(pc) =	sbr.ind lr, $3  }
0x3a: {  	_ = 	snop  }
0x3b: {  	_ = 	snop  }
0x3c: {  	p2 =	seq.s32 s10, $0x1;
	s10 =	sld [smem:$0x3FA8]  }
0x3d: {  	_ =	shalt  }
0x3e: {  	_ =	shalt  }
0x3f: {  	_ =	shalt  }
0x40: {  	_ =	shalt  }
0x41: {  	_ =	shalt  }
0x42: {  	_ =	shalt  }
0x43: {  	_ =	shalt  }
0x44: {  	_ =	shalt  }
0x45: {  	_ =	shalt  }
0x46: {  	_ =	shalt  }
0x47: {  	_ =	shalt  }
0x48: {  	_ =	shalt  }
0x49: {  	_ =	shalt  }
0x4a: {  	_ =	shalt  }
0x4b: {  	_ =	shalt  }
0x4c: {  	_ =	shalt  }
0x4d: {  	_ =	shalt  }
0x4e: {  	_ =	shalt  }
0x4f: {  	_ =	shalt  }
0x50: {  	_ =	shalt  }
0x51: {  	_ =	shalt  }
0x52: {  	_ =	shalt  }
0x53: {  	_ =	shalt  }
0x54: {  	_ =	shalt  }
0x55: {  	_ =	shalt  }
0x56: {  	_ =	shalt  }
0x57: {  	_ =	shalt  }
0x58: {  	_ =	shalt  }
0x59: {  	_ =	shalt  }
0x5a: {  	_ =	shalt  }
0x5b: {  	_ =	shalt  }
0x5c: {  	_ =	shalt  }
0x5d: {  	_ =	shalt  }
0x5e: {  	_ =	shalt  }
0x5f: {  	_ =	shalt  }
0x60: {  	_ =	shalt  }
0x61: {  	_ =	shalt  }
0x62: {  	_ =	shalt  }
0x63: {  	_ =	shalt  }
0x64: {  	_ =	shalt  }
0x65: {  	_ =	shalt  }
0x66: {  	_ =	shalt  }
0x67: {  	_ =	shalt  }
0x68: {  	_ =	shalt  }
0x69: {  	_ =	shalt  }
0x6a: {  	_ =	shalt  }
0x6b: {  	_ =	shalt  }
0x6c: {  	_ =	shalt  }
0x6d: {  	_ =	shalt  }
0x6e: {  	_ =	shalt  }
0x6f: {  	_ =	shalt  }
0x70: {  	_ =	shalt  }
0x71: {  	_ =	shalt  }
0x72: {  	_ =	shalt  }
0x73: {  	_ =	shalt  }
0x74: {  	_ =	shalt  }
0x75: {  	_ =	shalt  }
0x76: {  	_ =	shalt  }
0x77: {  	_ =	shalt  }
0x78: {  	_ =	shalt  }
0x79: {  	_ =	shalt  }
0x7a: {  	_ =	shalt  }
0x7b: {  	_ =	shalt  }
0x7c: {  	_ =	shalt  }
0x7d: {  	_ =	shalt  }
0x7e: {  	_ =	shalt  }
0x7f: {  	_ =	shalt  }
0x80: {  	_ =	shalt  }
0x81: {  	_ =	shalt  }
0x82: {  	_ =	shalt  }
0x83: {  	_ =	shalt  }
0x84: {  	_ =	shalt  }
0x85: {  	_ =	shalt  }
0x86: {  	_ =	shalt  }
0x87: {  	_ =	shalt  }
.Lfunc_end0:
.L_simem_size_0:
called_computation.1_lowered:
.L_overlay_start_0:
0x88: {  	s2 =	sld [smem:$0x3FD9]  }
0x89: {  	s3 =	sld [smem:$0x3FFE];
	_ =	sdelay $0x1  }
0x8a: {  	s1 =	srdreg.scid  }
0x8b: {  	s0 =	sand.u32 $0x1, s1  }
0x8c: {  	s17 =	sshll.u32 s0, $0xA;
	s2 =	sadd.s32 s3, s2  }
0x8d: {  	s2 =	sadd.s32 s2, s17  }
0x8e: {  	[smem:$0x3FB4] =	sst s2  }
0x8f: {  	_ = 	snop  }
0x90: {  	(tm) =	ssettm $0x1  }
0x91: {  	s18 =	sld [smem:$0x3FFB];
	_ =	sdelay $0x3  }
0x92: {  	_ =	strace s18  }
0x93: {  	s2 =	sld [smem:$0x3FFC];
	_ =	sdelay $0x3  }
0x94: {  	_ =	strace s2  }
0x95: {  	s2 =	sld [smem:$0x3FFD];
	_ =	sdelay $0x3  }
0x96: {  	_ =	strace s2  }
0x97: {  	_ =	strace $0x8FFFFFFF  }
0x98: {  	s19 =	sld [smem:$0x3FDB];
	_ =	sdelay $0x1  }
0x99: {  	s20 =	simm.s32 $_scs_section_size  }
0x9a: {  	s4 =	simm.s32 $_size__tile_overlayer_lowered;
	s5 =	simm.s32 $_tile_overlayer_lowered  }
0x9b: {  	s6 =	simm.s32 $0x1BFF;
	s21 =	sshll.u32 s5, $0x1;
	s3 =	sadd.s32 s20, s19  }
0x9c: {  	s22 =	simm.s32 $0x0;
	s4 =	sshll.u32 s4, $0x1;
	s5 =	sadd.s32 s21, s3  }
0x9d: {  	[timem:s22], [sflag:s6] =	dma.local [hbm:s5], s4  }
0x9e: {  	_ =	swait.ge [sflag:s6], s4  }
0x9f: {  	s4 =	ssub.s32 $0x0, s4;
	[sflag:s6] =	ssyncset.done $0x0  }
0xa0: {  	[sflag:s6] =	ssyncadd.s32 s4;
	_ =	sdelay $0x1  }
0xa1: {  	s23 =	simm.s32 $0x1B8B  }
0xa2: {  	_ =	swait.ge [sflag:s23], $0x1  }
0xa3: {  	[sflag:s23] =	ssyncset.done $0x0  }
0xa4: {  	[sflag:s23] =	ssyncadd.s32 $0xFFFFFFFF  }
0xa5: {  	s4 =	sld [smem:$0x0]  }
0xa6: {  	s5 =	sand.u32 $0xFFFFFFFE, s1  }
0xa7: {  	p0 =	sne.s32 s1, s5  }
0xa8: {  	s5 =	sshll.u32 @p0 s5, $0xE  }
0xa9: {  	s5 =	sadd.s32 @p0 $0x11B8D, s5;
	s6 =	sshll.u32 @p0 s4, $0x11  }
0xaa: {  	s5 =	sor.u32 @p0 s6, s5  }
0xab: {  	[sflag:s5] =	ssyncadd.remote.s32 @p0 $0x1;
	_ =	sdelay $0x1  }
0xac: {  	s5 =	simm.s32 @p0 $0x1B8D  }
0xad: {  	_ =	swait.eq @p0 [sflag:s5], $0x1  }
0xae: {  	[sflag:s5] =	ssyncadd.s32 @p0 $0xFFFFFFFF  }
0xaf: {  	s6 =	sshll.u32 @!p0 s1, $0xE  }
0xb0: {  	s6 =	sor.u32 @!p0 $0x4000, s6;
	s5 =	simm.s32 @!p0 $0x1B8D  }
0xb1: {  	s4 =	sshll.u32 @!p0 s4, $0x11;
	s6 =	sadd.s32 @!p0 $0x11B8D, s6;
	_ =	swait.eq @!p0 [sflag:s5], $0x1  }
0xb2: {  	s4 =	sor.u32 @!p0 s4, s6;
	[sflag:s5] =	ssyncadd.s32 @!p0 $0xFFFFFFFF  }
0xb3: {  	s25 =	simm.s32 $0x1B8E;
	s24 =	sld [smem:$0x3FFE];
	[sflag:s4] =	ssyncadd.remote.s32 @!p0 $0x1  }
0xb4: {  	s26 =	simm.s32 $execute0_lowered;
	[smem:$0x3FD2] =	sst s25  }
0xb5: {  	s5 =	sshll.u32 s26, $0x1;
	_ =	strace $0x8000004C;
	[dreg:$0x1] =	wrdreg $0xFFFFFFFF  }
0xb6: {  	s28 =	simm.s32 $_size_execute0_lowered;
	s3 =	sadd.s32 s3, s5;
	[dreg:$0x0] =	wrdreg $0x0  }
0xb7: {  	s5 =	sshll.u32 s28, $0x1;
	[dreg:$0x2] =	wrdreg s3  }
0xb8: {  	[dreg:$0x3] =	wrdreg s5  }
0xb9: {  	[dreg:$0x4] =	wrdreg $0xC0  }
0xba: {  	_ =	task [dreg:s22], $0x5FFFF  }
0xbb: {  	[dreg:$0x1] =	wrdreg $0xFFFFFFFF  }
0xbc: {  	[dreg:$0x0] =	wrdreg $0x60  }
0xbd: {  	[dreg:$0x2] =	wrdreg s24  }
0xbe: {  	[dreg:$0x3] =	wrdreg $0x9  }
0xbf: {  	_ =	task.clear_ibuf [dreg:s22], $0x4FFFF;
	_ =	strace $0x9000004C  }
0xc0: {  	s29 =	simm.s32 $0x9;
	_ =	strace $0x8000004E  }
0xc1: {  	_ =	swait.ge [sflag:s29], $0x1  }
0xc2: {  	[sflag:s29] =	ssyncadd.s32 $0xFFFFFFFF  }
0xc3: {  	_ =	strace $0x9000004E  }
0xc4: {  	_ =	sfence  }
0xc5: {  	s30 =	sld [smem:$0x0];
	_ =	sdelay $0x2  }
0xc6: {  	s31 =	sshll.u32 s1, $0xD;
	s1 =	sshrl.u32 s1, $0x2  }
0xc7: {  	s4 =	sand.u32 $0x4000, s31;
	s1 =	sadd.s32 s1, s30  }
0xc8: {  	s0 =	sor.u32 s4, s0;
	s1 =	sshll.u32 s1, $0x11  }
0xc9: {  	s0 =	sor.u32 s1, s0  }
0xca: {  	s0 =	sadd.s32 $0x8F2B, s0  }
0xcb: {  	[sflag:s0] =	ssyncadd.remote.s32 $0x1  }
0xcc: {  	_ =	sfence.sel $0xFFFF  }
0xcd: {  	[dreg:$0x0] =	wrdreg $0xFFFFFFFF;
	(pc) =	sbr.abs _section_cstart, $3  }
0xce: {  	[dreg:$0x1] =	wrdreg $0xFFFFFFFF  }
0xcf: {  	_ =	task.clear_ibuf [dreg:s22], $0x2FFFF;
	_ =	strace $0x9FFFFFFF  }
0xd0: {  	(tm) =	ssettm $0x7FFFFFFF  }
0xd1: {  	_ =	shalt  }
tec
execute0_lowered:
.L_overlay_start_1:
0x0: {  	(tag) =	ssettag $0x1  }
0x1: {  	s1 =	srdreg.scid  }
0x2: {  	s0 =	stileid.u32;
	s4 =	rddreg [dreg:$0x0];
	s14 =	simm.s32 $0x4A00  }
0x3: {  	s15 =	simm.s32 $0x1;
	s16 =	simm.s32 $0x2;
	s10 =	smul.u32 $0x14000, s0  }
0x4: {  	s17 =	simm.s32 $0x0;
	s3 =	sshrl.u32 s0, $0x2;
	s13 =	smul.u32 $0xA0000, s0  }
0x5: {  	s5 =	sand.u32 $0x1, s1;
	s2 =	sshll.u32 s0, $0x1;
	s3 =	smul.u32 $0x5000, s3  }
0x6: {  	s1 =	rddreg [dreg:$0x1];
	s11 =	sadd.s32 $0x2DE600, s4;
	s12 =	smul.u32 $0xA000, s5  }
0x7: {  	s6 =	sor.u32 s5, s2;
	s2 =	simm.s32 $0x0;
	s28 =	smul.u32 $0x50000, s5  }
0x8: {  	s24 =	ssub.s32 $0x2, s5;
	s7 =	sshll.u32 s6, $0x7;
	s8 =	smul.u32 $0x50000, s6  }
0x9: {  	[smem:$0x7FF] =	sst s2;
	s9 =	smul.u32 $0xA000, s6;
	s25 =	sshrl.u32 s24, $0x1  }
0xa: {  	s29 =	sadd.s32 s10, s11;
	s7 =	sand.u32 $0x380, s7;
	_ =	strace $0x8000004D  }
0xb: {  	s10 =	sadd.s32 s12, s29;
	s30 =	sadd.s32 s28, s13;
	s12 =	simm.s32 $0x3  }
0xc: {  	s13 =	simm.s32 $0xA00;
	s7 =	sor.u32 s3, s7;
	s3 =	sadd.s32 $0x2CE600, s4  }
0xd: {  	s8 =	sshrl.u32 s8, $0x3;
	s9 =	sadd.s32 s9, s11;
	s31 =	sshrl.u32 s30, $0x3  }
0xe: {  	s7 =	sshrl.u32 s7, $0x3;
	s26 =	sadd.s32 s11, s8;
	s8 =	sadd.s32 $0x800, s10  }
0xf: {  	s10 =	simm.s32 $0x80;
	s23 =	sadd.s32 s7, s4;
	s7 =	ssub.s32 s24, s25  }
0x10: {  	s6 =	sadd.s32 $0x9000, s26;
	s4 =	sadd.s32 $0x2CBE00, s23;
	s5 =	smax.u32 s7, $0x1  }
0x11: {  	s7 =	sadd.s32 $0x9800, s9;
	s9 =	sadd.s32 s31, s11;
	s11 =	simm.s32 $0x400  }
.LBB2_1:
0x12: {  	[tilespmem:s2], [sflag:$0x3] =	stream.strided.gather [hbm4b:s4+s10], $0xA00, s11, s10, $0x38;
	[tilespmem:$0x8A00] =	vst v63  }
0x13: {  	_ =	swait.ge [sflag:s12], $0xA00  }
0x14: {  	[sflag:s12] =	ssyncset.done $0x0  }
0x15: {  	[sflag:s12] =	ssyncadd.s32 $0xFFFFF600  }
0x16: {  	[tilespmem:s13], [sflag:$0x1] =	stream.indirect.gather [hbm4b:s3+s10], $0x80, s2, s10, $0xb8;
	[tilespmem:$0x8A00] =	vst v63  }
0x17: {  	_ = 	snop  }
0x18: {  	[tilespmem:s14], [sflag:$0x2] =	stream.indirect.gather [hbm4b:s3+s10], $0x80, s10, s10, $0xb8;
	[tilespmem:$0x8A00] =	vst v63  }
0x19: {  	_ =	swait.ge [sflag:s15], $0x4000  }
0x1a: {  	[sflag:s15] =	ssyncset.done $0x0  }
0x1b: {  	s18 =	sadd.s32 $0x0, s9;
	[sflag:s15] =	ssyncadd.s32 $0xFFFFC000  }
0x1c: {  	[hbm4b:s18+s2] =	stream.linear.scatter [tilespmem:s13], [sflag:$0x3], $0x4000, $0x38;
	[tilespmem:$0x8A00] =	vst v63  }
0x1d: {  	_ =	swait.ge [sflag:s12], $0x4000  }
0x1e: {  	[sflag:s12] =	ssyncset.done $0x0  }
0x1f: {  	s30 =	simm.s32 $0x100;
	[sflag:s12] =	ssyncadd.s32 $0xFFFFC000  }
0x20: {  	[tilespmem:s13], [sflag:$0x1] =	stream.indirect.gather [hbm4b:s3+s10], $0x80, s30, s10, $0xb8;
	[tilespmem:$0x8A00] =	vst v63  }
0x21: {  	_ =	swait.ge [sflag:s16], $0x4000  }
0x22: {  	[sflag:s16] =	ssyncset.done $0x0  }
0x23: {  	s31 =	sadd.s32 $0x0, s8;
	[sflag:s16] =	ssyncadd.s32 $0xFFFFC000  }
0x24: {  	[hbm4b:s31+s2] =	stream.linear.scatter [tilespmem:s14], [sflag:$0x3], $0x4000, $0x38;
	[tilespmem:$0x8A00] =	vst v63  }
0x25: {  	_ =	swait.ge [sflag:s12], $0x4000  }
0x26: {  	s19 =	simm.s32 $0x1000;
	[sflag:s12] =	ssyncset.done $0x0  }
0x27: {  	s20 =	simm.s32 $0x280;
	s18 =	simm.s32 $0x180;
	[sflag:s12] =	ssyncadd.s32 $0xFFFFC000  }
.LBB2_2:
0x28: {  	[tilespmem:s14], [sflag:$0x2] =	stream.indirect.gather [hbm4b:s3+s10], $0x80, s18, s10, $0xb8;
	[tilespmem:$0x8A00] =	vst v63  }
0x29: {  	s21 =	smov.u32 s19;
	s18 =	smov.u32 s20  }
0x2a: {  	p0 =	sne.s32 s19, $0x8000;
	s19 =	sadd.s32 $0x1000, s19;
	_ =	swait.ge [sflag:s15], $0x4000  }
0x2b: {  	[sflag:s15] =	ssyncset.done $0x0  }
0x2c: {  	s22 =	sadd.s32 s21, s9;
	[sflag:s15] =	ssyncadd.s32 $0xFFFFC000  }
0x2d: {  	[hbm4b:s22+s2] =	stream.linear.scatter [tilespmem:s13], [sflag:$0x3], $0x4000, $0x38;
	[tilespmem:$0x8A00] =	vst v63  }
0x2e: {  	_ =	swait.ge [sflag:s12], $0x4000  }
0x2f: {  	[sflag:s12] =	ssyncset.done $0x0  }
0x30: {  	s22 =	sadd.s32 $0xFFFFFF80, s20;
	[sflag:s12] =	ssyncadd.s32 $0xFFFFC000  }
0x31: {  	[tilespmem:s13], [sflag:$0x1] =	stream.indirect.gather [hbm4b:s3+s10], $0x80, s22, s10, $0xb8;
	[tilespmem:$0x8A00] =	vst v63  }
0x32: {  	_ =	swait.ge [sflag:s16], $0x4000  }
0x33: {  	[sflag:s16] =	ssyncset.done $0x0  }
.Ltmp0:
0x34: {  	s21 =	sadd.s32 s21, s8;
	[sflag:s16] =	ssyncadd.s32 $0xFFFFC000;
	(pc) =	sbr.rel @p0 .LBB2_2-.Ltmp0, $4  }
0x35: {  	[hbm4b:s21+s2] =	stream.linear.scatter [tilespmem:s14], [sflag:$0x3], $0x4000, $0x38;
	[tilespmem:$0x8A00] =	vst v63  }
0x36: {  	_ =	swait.ge [sflag:s12], $0x4000  }
0x37: {  	[sflag:s12] =	ssyncset.done $0x0  }
0x38: {  	s20 =	sadd.s32 $0x100, s20;
	[sflag:s12] =	ssyncadd.s32 $0xFFFFC000  }
0x39: {  	[tilespmem:s14], [sflag:$0x2] =	stream.indirect.gather [hbm4b:s3+s10], $0x80, s18, s10, $0xb8;
	[tilespmem:$0x8A00] =	vst v63  }
0x3a: {  	_ =	swait.ge [sflag:s15], $0x4000  }
0x3b: {  	[sflag:s15] =	ssyncset.done $0x0  }
0x3c: {  	[sflag:s15] =	ssyncadd.s32 $0xFFFFC000  }
0x3d: {  	[hbm4b:s6+s2] =	stream.linear.scatter [tilespmem:s13], [sflag:$0x3], $0x4000, $0x38;
	[tilespmem:$0x8A00] =	vst v63  }
0x3e: {  	_ =	swait.ge [sflag:s12], $0x4000  }
0x3f: {  	[sflag:s12] =	ssyncset.done $0x0  }
0x40: {  	[sflag:s12] =	ssyncadd.s32 $0xFFFFC000  }
0x41: {  	s17 =	sadd.s32 $0x1, s17;
	_ =	swait.ge [sflag:s16], $0x4000  }
0x42: {  	p0 =	sne.s32 s17, s5;
	[sflag:s16] =	ssyncset.done $0x0  }
.Ltmp1:
0x43: {  	[sflag:s16] =	ssyncadd.s32 $0xFFFFC000;
	(pc) =	sbr.rel @p0 .LBB2_1-.Ltmp1, $4  }
0x44: {  	[hbm4b:s7+s2] =	stream.linear.scatter [tilespmem:s14], [sflag:$0x3], $0x4000, $0x38;
	[tilespmem:$0x8A00] =	vst v63  }
0x45: {  	_ =	swait.ge [sflag:s12], $0x4000  }
0x46: {  	[sflag:s12] =	ssyncset.done $0x0  }
0x47: {  	[sflag:s12] =	ssyncadd.s32 $0xFFFFC000  }
0x48: {  	_ =	sfence.sel $0x180000  }
0x49: {  	[bflag:$0x0] =	sbarrier.arrive $0xFFFF  }
0x4a: {  	p0 =	sne.s32 s0, $0x0;
	_ =	strace $0x9000004D  }
0x4b: {  	s0 =	sadd.s32 @!p0 $0x100000, s1;
	[bflag:$0x2] =	sbarrier.arrive $0xFFFF  }
0x4c: {  	[sflag:s0] =	ssyncadd.tile.s32 @!p0 $0x1;
	_ =	shalt  }
.Lfunc_end2:
_tile_overlayer_lowered:
.L_overlay_start_2:
0x4d: {  	(tag) =	ssettag $0x2  }
0x4e: {  	s0 =	rddreg [dreg:$0x0];
	s2 =	stileid.u32  }
0x4f: {  	s1 =	rddreg [dreg:$0x1];
	p0 =	sne.s32 s2, $0x0  }
0x50: {  	s3 =	rddreg [dreg:$0x2];
	[bflag:$0x3] =	sbarrier.arrive $0xFFFF;
	s2 =	simm.s32 @!p0 $0x1C03  }
0x51: {  	[timem:s3], [sflag:s2] =	dma.local @!p0 [hbm:s0], s1  }
0x52: {  	s0 =	simm.s32 @!p0 $0x3  }
0x53: {  	_ =	swait.ge @!p0 [sflag:s0], s1  }
0x54: {  	s1 =	ssub.s32 @!p0 $0x0, s1;
	[sflag:s0] =	ssyncset.done @!p0 $0x0  }
0x55: {  	[sflag:s0] =	ssyncadd.s32 @!p0 s1  }
0x56: {  	[bflag:$0x3] =	sbarrier.arrive $0xFFFF  }
0x57: {  	_ =	shalt  }

// kernel: kernel.22.cloned.1.call-start
scs
__scs_entry_jumppad:
0x0: {  	(pc) =	sbr.rel $0x88, $3  }
0x1: {  	(tag) =	ssettag $0x0;
	lr =	simm.s32 $0x1  }
0x2: {  	[smem:$0x3F8D] =	sst lr;
	_ =	strace $0xD0000000  }
0x3: {  	_ = 	snop  }
0x4: {  	_ = 	snop  }
0x5: {  	_ = 	snop  }
0x6: {  	_ = 	snop  }
0x7: {  	_ = 	snop  }
__scs_overlays_trampoline_lowered:
0x8: {  	[smem:$0x3F9C] =	sst s0  }
0x9: {  	[smem:$0x3F9D] =	sst s1  }
0xa: {  	[smem:$0x3F9E] =	sst s2  }
0xb: {  	[smem:$0x3F9F] =	sst s3  }
0xc: {  	[smem:$0x3FA0] =	sst s4  }
0xd: {  	[smem:$0x3FA1] =	sst s5  }
0xe: {  	[smem:$0x3FA2] =	sst s6  }
0xf: {  	[smem:$0x3FA3] =	sst s7  }
0x10: {  	[smem:$0x3FA4] =	sst s8  }
0x11: {  	[smem:$0x3FA5] =	sst s9;
	s0 =	simm.s32 @!p0 $0x0  }
0x12: {  	s1 =	sld [smem:$0x3F8B];
	s0 =	simm.s32 @p0 $0x1  }
0x13: {  	[smem:$0x3FA6] =	sst s0;
	s0 =	simm.s32 @!p1 $0x0  }
0x14: {  	s2 =	sld [smem:$0x3F8A];
	s0 =	simm.s32 @p1 $0x1  }
0x15: {  	[smem:$0x3FA7] =	sst s0;
	s0 =	simm.s32 @!p2 $0x0  }
0x16: {  	s3 =	sld [smem:$0x3FDB];
	s0 =	simm.s32 @p2 $0x1  }
0x17: {  	s4 =	simm.s32 $0x1BF5;
	[smem:$0x3FA9] =	sst s0  }
0x18: {  	s0 =	sld [smem:$0x3F8C];
	_ =	swait.ge [sflag:s4], $0x0  }
0x19: {  	s7 =	sld [smem:$0x3F8D]  }
0x1a: {  	s8 =	sadd.s32 $0xFFFFE003, lr  }
0x1b: {  	s9 =	sadd.s32 $0xFFFFFEF7, lr;
	s5 =	simm.s32 $0xFFFFFFFF;
	p2 =	slt.u32 s8, $0xFFFFF086  }
0x1c: {  	p1 =	slt.u32 s9, $0xF7A;
	s5 =	simm.s32 @!p2 $0x0  }
0x1d: {  	s5 =	simm.s32 @p1 $0x1;
	p0 =	seq.s32 s7, s2  }
0x1e: {  	s7 =	smul.u32 @!p0 $0xF7A, s2;
	p2 =	seq.s32 @!p0 s5, $0x0  }
0x1f: {  	s9 =	smul.u32 $0xF7A, s1;
	s8 =	simm.s32 @!p0 $0x1BF5;
	p2 =	por !p2, p0  }
0x20: {  	[sflag:s8] =	ssyncset.s32 @!p0 $0xFFFFF086;
	s6 =	sadd.s32 @!p0 s3, s7;
	s7 =	simm.s32 @!p0 $0x108  }
0x21: {  	s3 =	sadd.s32 s3, s9;
	s6 =	sadd.s32 @!p0 $0x88, s6;
	s7 =	simm.s32 @p2 $0x1082  }
0x22: {  	[simem:s7], [sflag:s8] =	dma.local @!p0 [hbm:s6], $0xF7A  }
0x23: {  	s9 =	sor.u32 $0xD0000000, s2;
	s6 =	simm.s32 $0x108;
	_ =	swait.ge @!p0 [sflag:s8], $0x0  }
0x24: {  	s3 =	sadd.s32 $0x88, s3;
	s6 =	simm.s32 @!p1 $0x1082;
	[sflag:s4] =	ssyncset.s32 $0xFFFFF086  }
0x25: {  	[simem:s6], [sflag:s4] =	dma.local [hbm:s3], $0xF7A  }
0x26: {  	[smem:$0x3F8D] =	sst s1;
	(tag) =	ssettag s2;
	_ =	strace s9  }
0x27: {  	s1 =	sld [smem:$0x3F9D]  }
0x28: {  	s2 =	sld [smem:$0x3F9E]  }
0x29: {  	s4 =	sld [smem:$0x3FA0]  }
0x2a: {  	p0 =	seq.s32 s5, $0x0;
	s5 =	sld [smem:$0x3FA1]  }
0x2b: {  	s6 =	sld [smem:$0x3FA2]  }
0x2c: {  	s7 =	sld [smem:$0x3FA3]  }
0x2d: {  	s3 =	simm.s32 $0x108;
	s8 =	sld [smem:$0x3FA4]  }
0x2e: {  	s3 =	simm.s32 @!p0 $0x1082;
	s9 =	sld [smem:$0x3FA5]  }
0x2f: {  	lr =	sadd.s32 s0, s3;
	s0 =	sld [smem:$0x3F9C]  }
0x30: {  	s3 =	sld [smem:$0x3F9F]  }
0x31: {  	[smem:$0x3FA8] =	sst s10  }
0x32: {  	s10 =	sld [smem:$0x3FA6];
	_ =	sdelay $0x3  }
0x33: {  	p0 =	seq.s32 s10, $0x1;
	s10 =	sld [smem:$0x3FA8];
	_ =	sdelay $0x3  }
0x34: {  	[smem:$0x3FA8] =	sst s10  }
0x35: {  	s10 =	sld [smem:$0x3FA7];
	_ =	sdelay $0x3  }
0x36: {  	p1 =	seq.s32 s10, $0x1;
	s10 =	sld [smem:$0x3FA8];
	_ =	sdelay $0x3  }
0x37: {  	[smem:$0x3FA8] =	sst s10  }
0x38: {  	s10 =	sld [smem:$0x3FA9]  }
0x39: {  	_ = 	snop;
	(pc) =	sbr.ind lr, $3  }
0x3a: {  	_ = 	snop  }
0x3b: {  	_ = 	snop  }
0x3c: {  	p2 =	seq.s32 s10, $0x1;
	s10 =	sld [smem:$0x3FA8]  }
0x3d: {  	_ =	shalt  }
0x3e: {  	_ =	shalt  }
0x3f: {  	_ =	shalt  }
0x40: {  	_ =	shalt  }
0x41: {  	_ =	shalt  }
0x42: {  	_ =	shalt  }
0x43: {  	_ =	shalt  }
0x44: {  	_ =	shalt  }
0x45: {  	_ =	shalt  }
0x46: {  	_ =	shalt  }
0x47: {  	_ =	shalt  }
0x48: {  	_ =	shalt  }
0x49: {  	_ =	shalt  }
0x4a: {  	_ =	shalt  }
0x4b: {  	_ =	shalt  }
0x4c: {  	_ =	shalt  }
0x4d: {  	_ =	shalt  }
0x4e: {  	_ =	shalt  }
0x4f: {  	_ =	shalt  }
0x50: {  	_ =	shalt  }
0x51: {  	_ =	shalt  }
0x52: {  	_ =	shalt  }
0x53: {  	_ =	shalt  }
0x54: {  	_ =	shalt  }
0x55: {  	_ =	shalt  }
0x56: {  	_ =	shalt  }
0x57: {  	_ =	shalt  }
0x58: {  	_ =	shalt  }
0x59: {  	_ =	shalt  }
0x5a: {  	_ =	shalt  }
0x5b: {  	_ =	shalt  }
0x5c: {  	_ =	shalt  }
0x5d: {  	_ =	shalt  }
0x5e: {  	_ =	shalt  }
0x5f: {  	_ =	shalt  }
0x60: {  	_ =	shalt  }
0x61: {  	_ =	shalt  }
0x62: {  	_ =	shalt  }
0x63: {  	_ =	shalt  }
0x64: {  	_ =	shalt  }
0x65: {  	_ =	shalt  }
0x66: {  	_ =	shalt  }
0x67: {  	_ =	shalt  }
0x68: {  	_ =	shalt  }
0x69: {  	_ =	shalt  }
0x6a: {  	_ =	shalt  }
0x6b: {  	_ =	shalt  }
0x6c: {  	_ =	shalt  }
0x6d: {  	_ =	shalt  }
0x6e: {  	_ =	shalt  }
0x6f: {  	_ =	shalt  }
0x70: {  	_ =	shalt  }
0x71: {  	_ =	shalt  }
0x72: {  	_ =	shalt  }
0x73: {  	_ =	shalt  }
0x74: {  	_ =	shalt  }
0x75: {  	_ =	shalt  }
0x76: {  	_ =	shalt  }
0x77: {  	_ =	shalt  }
0x78: {  	_ =	shalt  }
0x79: {  	_ =	shalt  }
0x7a: {  	_ =	shalt  }
0x7b: {  	_ =	shalt  }
0x7c: {  	_ =	shalt  }
0x7d: {  	_ =	shalt  }
0x7e: {  	_ =	shalt  }
0x7f: {  	_ =	shalt  }
0x80: {  	_ =	shalt  }
0x81: {  	_ =	shalt  }
0x82: {  	_ =	shalt  }
0x83: {  	_ =	shalt  }
0x84: {  	_ =	shalt  }
0x85: {  	_ =	shalt  }
0x86: {  	_ =	shalt  }
0x87: {  	_ =	shalt  }
.Lfunc_end0:
.L_simem_size_0:
called_computation.2_lowered:
.L_overlay_start_0:
0x88: {  	s2 =	sld [smem:$0x3FD9]  }
0x89: {  	s3 =	sld [smem:$0x3FFE];
	_ =	sdelay $0x1  }
0x8a: {  	s1 =	srdreg.scid  }
0x8b: {  	s0 =	sand.u32 $0x1, s1  }
0x8c: {  	s17 =	sshll.u32 s0, $0xA;
	s2 =	sadd.s32 s3, s2  }
0x8d: {  	s2 =	sadd.s32 s2, s17  }
0x8e: {  	[smem:$0x3FB4] =	sst s2  }
0x8f: {  	_ = 	snop  }
0x90: {  	(tm) =	ssettm $0x1  }
0x91: {  	s18 =	sld [smem:$0x3FFB];
	_ =	sdelay $0x3  }
0x92: {  	_ =	strace s18  }
0x93: {  	s2 =	sld [smem:$0x3FFC];
	_ =	sdelay $0x3  }
0x94: {  	_ =	strace s2  }
0x95: {  	s2 =	sld [smem:$0x3FFD];
	_ =	sdelay $0x3  }
0x96: {  	_ =	strace s2  }
0x97: {  	_ =	strace $0x8FFFFFFF  }
0x98: {  	s19 =	sld [smem:$0x3FDB];
	_ =	sdelay $0x1  }
0x99: {  	s20 =	simm.s32 $_scs_section_size  }
0x9a: {  	s4 =	simm.s32 $_size__tile_overlayer_lowered;
	s5 =	simm.s32 $_tile_overlayer_lowered  }
0x9b: {  	s6 =	simm.s32 $0x1BFF;
	s21 =	sshll.u32 s5, $0x1;
	s3 =	sadd.s32 s20, s19  }
0x9c: {  	s22 =	simm.s32 $0x0;
	s4 =	sshll.u32 s4, $0x1;
	s5 =	sadd.s32 s21, s3  }
0x9d: {  	[timem:s22], [sflag:s6] =	dma.local [hbm:s5], s4  }
0x9e: {  	_ =	swait.ge [sflag:s6], s4  }
0x9f: {  	s4 =	ssub.s32 $0x0, s4;
	[sflag:s6] =	ssyncset.done $0x0  }
0xa0: {  	[sflag:s6] =	ssyncadd.s32 s4;
	_ =	sdelay $0x1  }
0xa1: {  	s23 =	simm.s32 $0x1B8B  }
0xa2: {  	_ =	swait.ge [sflag:s23], $0x1  }
0xa3: {  	[sflag:s23] =	ssyncset.done $0x0  }
0xa4: {  	[sflag:s23] =	ssyncadd.s32 $0xFFFFFFFF  }
0xa5: {  	s4 =	sld [smem:$0x0]  }
0xa6: {  	s5 =	sand.u32 $0xFFFFFFFE, s1  }
0xa7: {  	p0 =	sne.s32 s1, s5  }
0xa8: {  	s5 =	sshll.u32 @p0 s5, $0xE  }
0xa9: {  	s5 =	sadd.s32 @p0 $0x11B8D, s5;
	s6 =	sshll.u32 @p0 s4, $0x11  }
0xaa: {  	s5 =	sor.u32 @p0 s6, s5  }
0xab: {  	[sflag:s5] =	ssyncadd.remote.s32 @p0 $0x1;
	_ =	sdelay $0x1  }
0xac: {  	s5 =	simm.s32 @p0 $0x1B8D  }
0xad: {  	_ =	swait.eq @p0 [sflag:s5], $0x1  }
0xae: {  	[sflag:s5] =	ssyncadd.s32 @p0 $0xFFFFFFFF  }
0xaf: {  	s6 =	sshll.u32 @!p0 s1, $0xE  }
0xb0: {  	s6 =	sor.u32 @!p0 $0x4000, s6;
	s5 =	simm.s32 @!p0 $0x1B8D  }
0xb1: {  	s4 =	sshll.u32 @!p0 s4, $0x11;
	s6 =	sadd.s32 @!p0 $0x11B8D, s6;
	_ =	swait.eq @!p0 [sflag:s5], $0x1  }
0xb2: {  	s4 =	sor.u32 @!p0 s4, s6;
	[sflag:s5] =	ssyncadd.s32 @!p0 $0xFFFFFFFF  }
0xb3: {  	s25 =	simm.s32 $0x1B8E;
	s24 =	sld [smem:$0x3FFE];
	[sflag:s4] =	ssyncadd.remote.s32 @!p0 $0x1  }
0xb4: {  	s26 =	simm.s32 $execute0_lowered;
	[smem:$0x3FD2] =	sst s25  }
0xb5: {  	s5 =	sshll.u32 s26, $0x1;
	_ =	strace $0x80000052;
	[dreg:$0x1] =	wrdreg $0xFFFFFFFF  }
0xb6: {  	s28 =	simm.s32 $_size_execute0_lowered;
	s3 =	sadd.s32 s3, s5;
	[dreg:$0x0] =	wrdreg $0x0  }
0xb7: {  	s5 =	sshll.u32 s28, $0x1;
	[dreg:$0x2] =	wrdreg s3  }
0xb8: {  	[dreg:$0x3] =	wrdreg s5  }
0xb9: {  	[dreg:$0x4] =	wrdreg $0xC0  }
0xba: {  	_ =	task [dreg:s22], $0x5FFFF  }
0xbb: {  	[dreg:$0x1] =	wrdreg $0xFFFFFFFF  }
0xbc: {  	[dreg:$0x0] =	wrdreg $0x60  }
0xbd: {  	[dreg:$0x2] =	wrdreg s24  }
0xbe: {  	[dreg:$0x3] =	wrdreg $0x9  }
0xbf: {  	_ =	task.clear_ibuf [dreg:s22], $0x4FFFF;
	_ =	strace $0x90000052  }
0xc0: {  	s29 =	simm.s32 $0x9;
	_ =	strace $0x80000054  }
0xc1: {  	_ =	swait.ge [sflag:s29], $0x1  }
0xc2: {  	[sflag:s29] =	ssyncadd.s32 $0xFFFFFFFF  }
0xc3: {  	_ =	strace $0x90000054  }
0xc4: {  	_ =	sfence  }
0xc5: {  	s30 =	sld [smem:$0x0];
	_ =	sdelay $0x2  }
0xc6: {  	s31 =	sshll.u32 s1, $0xD;
	s1 =	sshrl.u32 s1, $0x2  }
0xc7: {  	s4 =	sand.u32 $0x4000, s31;
	s1 =	sadd.s32 s1, s30  }
0xc8: {  	s0 =	sor.u32 s4, s0;
	s1 =	sshll.u32 s1, $0x11  }
0xc9: {  	s0 =	sor.u32 s1, s0  }
0xca: {  	s0 =	sadd.s32 $0x8F2B, s0  }
0xcb: {  	[sflag:s0] =	ssyncadd.remote.s32 $0x1  }
0xcc: {  	_ =	sfence.sel $0xFFFF  }
0xcd: {  	[dreg:$0x0] =	wrdreg $0xFFFFFFFF;
	(pc) =	sbr.abs _section_cstart, $3  }
0xce: {  	[dreg:$0x1] =	wrdreg $0xFFFFFFFF  }
0xcf: {  	_ =	task.clear_ibuf [dreg:s22], $0x2FFFF;
	_ =	strace $0x9FFFFFFF  }
0xd0: {  	(tm) =	ssettm $0x7FFFFFFF  }
0xd1: {  	_ =	shalt  }
tec
execute0_lowered:
.L_overlay_start_1:
0x0: {  	(tag) =	ssettag $0x1  }
0x1: {  	s0 =	rddreg [dreg:$0x0];
	s2 =	simm.s32 $0x0;
	s7 =	stileid.u32  }
0x2: {  	s4 =	srdreg.scid;
	s9 =	simm.s32 $0x3;
	s10 =	simm.s32 $0x800  }
0x3: {  	s22 =	simm.s32 $0x6800;
	s23 =	simm.s32 $0x7000;
	s24 =	simm.s32 $0x7800  }
0x4: {  	s28 =	simm.s32 $0x9000;
	s29 =	simm.s32 $0x9800;
	s30 =	simm.s32 $0xA000  }
0x5: {  	s31 =	simm.s32 $0xA800;
	s11 =	simm.s32 $0xE000;
	s12 =	simm.s32 $0xE800  }
0x6: {  	s13 =	simm.s32 $0xF000;
	s14 =	simm.s32 $0xF800;
	s15 =	simm.s32 $0x10000  }
0x7: {  	s16 =	simm.s32 $0x1;
	s17 =	simm.s32 $0x2;
	s19 =	simm.s32 $0x0  }
0x8: {  	[smem:$0x7FF] =	sst s2;
	s1 =	sshll.u32 s7, $0x9;
	s3 =	sadd.s32 $0x2CBE00, s0  }
0x9: {  	s4 =	sand.u32 $0x1, s4;
	s5 =	sshll.u32 s7, $0x5;
	s7 =	sshll.u32 s7, $0x11  }
0xa: {  	_ =	strace $0x80000053;
	s1 =	sand.u32 $0x1800, s1;
	s6 =	sshll.u32 s4, $0x4  }
0xb: {  	s8 =	ssub.s32 $0x2, s4;
	s4 =	sshll.u32 s4, $0x10;
	s1 =	sadd.s32 s1, s0  }
0xc: {  	s5 =	sor.u32 s6, s5;
	s0 =	sadd.s32 s7, s0;
	s25 =	sshrl.u32 s8, $0x1  }
0xd: {  	s7 =	simm.s32 $0xC000;
	s5 =	sand.u32 $0x70, s5;
	s6 =	ssub.s32 s8, s25  }
.Ltmp0:
0xe: {  	s0 =	sadd.s32 s4, s0;
	s25 =	simm.s32 $0x8000;
	(pc) =	sbr.rel .LBB2_1-.Ltmp0, $4  }
0xf: {  	s8 =	simm.s32 $0xC800;
	s4 =	simm.s32 $0xD000;
	s1 =	sadd.s32 s5, s1  }
0x10: {  	v2 =	vlaneseq.u32;
	s26 =	smax.u32 s6, $0x1;
	s6 =	sadd.s32 $0x57E600, s0;
	s0 =	simm.s32 $0xB000  }
0x11: {  	vm0 =	vmmov $0xffff;
	v1 =	vshrl.u32 v2, $0x3;
	s5 =	simm.s32 $0xD800;
	s1 =	sadd.s32 $0x179400, s1;
	[dreg:$0x3] =	wrdreg s26  }
0x12: {  	v0 =	vand.u32 $0x7, v2;
	v2 =	vor.u32 $0x8, v2;
	v1 =	vmul.u32 $0x8, v1;
	s26 =	simm.s32 $0x8800;
	[dreg:$0x2] =	wrdreg s1;
	s1 =	simm.s32 $0xB800  }
.LBB2_6:
0x13: {  	s19 =	rddreg [dreg:$0x4]  }
0x14: {  	s18 =	rddreg [dreg:$0x3];
	s19 =	sadd.s32 $0x1, s19  }
0x15: {  	p0 =	sne.s32 s19, s18  }
.Ltmp1:
0x16: {  	_ = 	snop;
	(pc) =	sbr.rel @!p0 .LBB2_7-.Ltmp1, $1  }
0x17: {  	_ =	sdelay $0x3  }
.LBB2_1:
0x18: {  	[dreg:$0x4] =	wrdreg s19  }
0x19: {  	s18 =	rddreg [dreg:$0x2];
	s21 =	simm.s32 $0x80;
	s20 =	simm.s32 $0x400  }
0x1a: {  	[tilespmem:s2], [sflag:$0x3] =	stream.strided.gather [hbm4b:s18+s21], $0x800, s20, s21, $0x38;
	[tilespmem:$0x10800] =	vst v63  }
0x1b: {  	_ =	swait.ge [sflag:s9], $0x800  }
0x1c: {  	[sflag:s9] =	ssyncset.done $0x0  }
0x1d: {  	[sflag:s9] =	ssyncadd.s32 $0xFFFFF800  }
0x1e: {  	v3 =	vld [tilespmem:$0x0];
	_ =	sdelay $0x4  }
0x1f: {  	v4 =	vshll.u32 v3, $0x1  }
0x20: {  	v3 =	vand.u32 $0x7, v3;
	v4 =	vand.u32 $0xFFFFFFF0, v4  }
0x21: {  	v3 =	vor.u32 v3, v4  }
0x22: {  	v4 =	vperm.xlane v3, v0;
	_ =	sdelay $0x1  }
0x23: {  	v3 =	vperm.xlane v3, v2;
	v4 =	vadd.s32 v1, v4;
	_ =	sdelay $0x1  }
0x24: {  	v3 =	vadd.s32 v1, v3;
	_ =	sdelay $0x2  }
0x25: {  	[tilespmem:s10], [sflag:$0x1] =	stream.indirect_vreg.gather [hbm4b:s3+s2], $0x80, v4, vm0, $0xb8;
	[tilespmem:$0x10800] =	vst v63  }
0x26: {  	s20 =	simm.s32 $0x1000  }
0x27: {  	[tilespmem:s20], [sflag:$0x1] =	stream.indirect_vreg.gather [hbm4b:s3+s2], $0x80, v3, vm0, $0xb8;
	[tilespmem:$0x10800] =	vst v63  }
0x28: {  	v3 =	vld [tilespmem:$0x10];
	_ =	sdelay $0x4  }
0x29: {  	v49 =	vshll.u32 v3, $0x1  }
0x2a: {  	v3 =	vand.u32 $0x7, v3;
	v4 =	vand.u32 $0xFFFFFFF0, v49  }
0x2b: {  	v3 =	vor.u32 v3, v4  }
0x2c: {  	v4 =	vperm.xlane v3, v0;
	_ =	sdelay $0x1  }
0x2d: {  	v3 =	vperm.xlane v3, v2;
	v4 =	vadd.s32 v1, v4;
	_ =	sdelay $0x1  }
0x2e: {  	v3 =	vadd.s32 v1, v3;
	_ =	sdelay $0x1  }
0x2f: {  	s21 =	simm.s32 $0x1800  }
0x30: {  	[tilespmem:s21], [sflag:$0x1] =	stream.indirect_vreg.gather [hbm4b:s3+s2], $0x80, v4, vm0, $0xb8;
	[tilespmem:$0x10800] =	vst v63  }
0x31: {  	s19 =	simm.s32 $0x2000  }
0x32: {  	[tilespmem:s19], [sflag:$0x1] =	stream.indirect_vreg.gather [hbm4b:s3+s2], $0x80, v3, vm0, $0xb8;
	[tilespmem:$0x10800] =	vst v63  }
0x33: {  	v3 =	vld [tilespmem:$0x20];
	_ =	sdelay $0x4  }
0x34: {  	v50 =	vshll.u32 v3, $0x1  }
0x35: {  	v3 =	vand.u32 $0x7, v3;
	v4 =	vand.u32 $0xFFFFFFF0, v50  }
0x36: {  	v3 =	vor.u32 v3, v4  }
0x37: {  	v4 =	vperm.xlane v3, v0;
	_ =	sdelay $0x1  }
0x38: {  	v3 =	vperm.xlane v3, v2;
	v4 =	vadd.s32 v1, v4;
	_ =	sdelay $0x1  }
0x39: {  	v3 =	vadd.s32 v1, v3;
	_ =	sdelay $0x1  }
0x3a: {  	s20 =	simm.s32 $0x2800  }
0x3b: {  	[tilespmem:s20], [sflag:$0x1] =	stream.indirect_vreg.gather [hbm4b:s3+s2], $0x80, v4, vm0, $0xb8;
	[tilespmem:$0x10800] =	vst v63  }
0x3c: {  	s21 =	simm.s32 $0x3000  }
0x3d: {  	[tilespmem:s21], [sflag:$0x1] =	stream.indirect_vreg.gather [hbm4b:s3+s2], $0x80, v3, vm0, $0xb8;
	[tilespmem:$0x10800] =	vst v63  }
0x3e: {  	v3 =	vld [tilespmem:$0x30];
	_ =	sdelay $0x4  }
0x3f: {  	v51 =	vshll.u32 v3, $0x1  }
0x40: {  	v3 =	vand.u32 $0x7, v3;
	v4 =	vand.u32 $0xFFFFFFF0, v51  }
0x41: {  	v3 =	vor.u32 v3, v4  }
0x42: {  	v4 =	vperm.xlane v3, v0;
	_ =	sdelay $0x1  }
0x43: {  	v3 =	vperm.xlane v3, v2;
	v4 =	vadd.s32 v1, v4;
	_ =	sdelay $0x1  }
0x44: {  	v3 =	vadd.s32 v1, v3;
	_ =	sdelay $0x1  }
0x45: {  	s19 =	simm.s32 $0x3800  }
0x46: {  	[tilespmem:s19], [sflag:$0x1] =	stream.indirect_vreg.gather [hbm4b:s3+s2], $0x80, v4, vm0, $0xb8;
	[tilespmem:$0x10800] =	vst v63  }
0x47: {  	s20 =	simm.s32 $0x4000  }
0x48: {  	[tilespmem:s20], [sflag:$0x1] =	stream.indirect_vreg.gather [hbm4b:s3+s2], $0x80, v3, vm0, $0xb8;
	[tilespmem:$0x10800] =	vst v63  }
0x49: {  	v3 =	vld [tilespmem:$0x40];
	_ =	sdelay $0x4  }
0x4a: {  	v52 =	vshll.u32 v3, $0x1  }
0x4b: {  	v3 =	vand.u32 $0x7, v3;
	v4 =	vand.u32 $0xFFFFFFF0, v52  }
0x4c: {  	v3 =	vor.u32 v3, v4  }
0x4d: {  	v4 =	vperm.xlane v3, v0;
	_ =	sdelay $0x1  }
0x4e: {  	v3 =	vperm.xlane v3, v2;
	v4 =	vadd.s32 v1, v4;
	_ =	sdelay $0x1  }
0x4f: {  	v3 =	vadd.s32 v1, v3;
	_ =	sdelay $0x1  }
0x50: {  	s21 =	simm.s32 $0x4800  }
0x51: {  	[tilespmem:s21], [sflag:$0x1] =	stream.indirect_vreg.gather [hbm4b:s3+s2], $0x80, v4, vm0, $0xb8;
	[tilespmem:$0x10800] =	vst v63  }
0x52: {  	s19 =	simm.s32 $0x5000  }
0x53: {  	[tilespmem:s19], [sflag:$0x1] =	stream.indirect_vreg.gather [hbm4b:s3+s2], $0x80, v3, vm0, $0xb8;
	[tilespmem:$0x10800] =	vst v63  }
0x54: {  	v3 =	vld [tilespmem:$0x50];
	_ =	sdelay $0x4  }
0x55: {  	v53 =	vshll.u32 v3, $0x1  }
0x56: {  	v3 =	vand.u32 $0x7, v3;
	v4 =	vand.u32 $0xFFFFFFF0, v53  }
0x57: {  	v3 =	vor.u32 v3, v4  }
0x58: {  	v4 =	vperm.xlane v3, v0;
	_ =	sdelay $0x1  }
0x59: {  	v3 =	vperm.xlane v3, v2;
	v4 =	vadd.s32 v1, v4;
	_ =	sdelay $0x1  }
0x5a: {  	v3 =	vadd.s32 v1, v3;
	_ =	sdelay $0x1  }
0x5b: {  	s20 =	simm.s32 $0x5800  }
0x5c: {  	[tilespmem:s20], [sflag:$0x1] =	stream.indirect_vreg.gather [hbm4b:s3+s2], $0x80, v4, vm0, $0xb8;
	[tilespmem:$0x10800] =	vst v63  }
0x5d: {  	s21 =	simm.s32 $0x6000  }
0x5e: {  	[tilespmem:s21], [sflag:$0x1] =	stream.indirect_vreg.gather [hbm4b:s3+s2], $0x80, v3, vm0, $0xb8;
	[tilespmem:$0x10800] =	vst v63  }
0x5f: {  	v3 =	vld [tilespmem:$0x60];
	_ =	sdelay $0x4  }
0x60: {  	v54 =	vshll.u32 v3, $0x1  }
0x61: {  	v3 =	vand.u32 $0x7, v3;
	v4 =	vand.u32 $0xFFFFFFF0, v54  }
0x62: {  	v3 =	vor.u32 v3, v4  }
0x63: {  	v4 =	vperm.xlane v3, v0;
	_ =	sdelay $0x1  }
0x64: {  	v3 =	vperm.xlane v3, v2;
	v4 =	vadd.s32 v1, v4;
	_ =	sdelay $0x1  }
0x65: {  	v3 =	vadd.s32 v1, v3;
	_ =	sdelay $0x2  }
0x66: {  	[tilespmem:s22], [sflag:$0x1] =	stream.indirect_vreg.gather [hbm4b:s3+s2], $0x80, v4, vm0, $0xb8;
	[tilespmem:$0x10800] =	vst v63  }
0x67: {  	_ = 	snop  }
0x68: {  	[tilespmem:s23], [sflag:$0x1] =	stream.indirect_vreg.gather [hbm4b:s3+s2], $0x80, v3, vm0, $0xb8;
	[tilespmem:$0x10800] =	vst v63  }
0x69: {  	v3 =	vld [tilespmem:$0x70];
	_ =	sdelay $0x4  }
0x6a: {  	v55 =	vshll.u32 v3, $0x1  }
0x6b: {  	v3 =	vand.u32 $0x7, v3;
	v4 =	vand.u32 $0xFFFFFFF0, v55  }
0x6c: {  	v3 =	vor.u32 v3, v4  }
0x6d: {  	v4 =	vperm.xlane v3, v0;
	_ =	sdelay $0x1  }
0x6e: {  	v3 =	vperm.xlane v3, v2;
	v4 =	vadd.s32 v1, v4;
	_ =	sdelay $0x1  }
0x6f: {  	v3 =	vadd.s32 v1, v3;
	_ =	sdelay $0x2  }
0x70: {  	[tilespmem:s24], [sflag:$0x1] =	stream.indirect_vreg.gather [hbm4b:s3+s2], $0x80, v4, vm0, $0xb8;
	[tilespmem:$0x10800] =	vst v63  }
0x71: {  	_ = 	snop  }
0x72: {  	[tilespmem:s25], [sflag:$0x1] =	stream.indirect_vreg.gather [hbm4b:s3+s2], $0x80, v3, vm0, $0xb8;
	[tilespmem:$0x10800] =	vst v63  }
0x73: {  	v3 =	vld [tilespmem:$0x80];
	_ =	sdelay $0x4  }
0x74: {  	v56 =	vshll.u32 v3, $0x1  }
0x75: {  	v3 =	vand.u32 $0x7, v3;
	v4 =	vand.u32 $0xFFFFFFF0, v56  }
0x76: {  	v3 =	vor.u32 v3, v4  }
0x77: {  	v4 =	vperm.xlane v3, v0;
	_ =	sdelay $0x1  }
0x78: {  	v3 =	vperm.xlane v3, v2;
	v4 =	vadd.s32 v1, v4;
	_ =	sdelay $0x1  }
0x79: {  	v3 =	vadd.s32 v1, v3;
	_ =	sdelay $0x2  }
0x7a: {  	[tilespmem:s26], [sflag:$0x2] =	stream.indirect_vreg.gather [hbm4b:s3+s2], $0x80, v4, vm0, $0xb8;
	[tilespmem:$0x10800] =	vst v63  }
0x7b: {  	_ = 	snop  }
0x7c: {  	[tilespmem:s28], [sflag:$0x2] =	stream.indirect_vreg.gather [hbm4b:s3+s2], $0x80, v3, vm0, $0xb8;
	[tilespmem:$0x10800] =	vst v63  }
0x7d: {  	v3 =	vld [tilespmem:$0x90];
	_ =	sdelay $0x4  }
0x7e: {  	v57 =	vshll.u32 v3, $0x1  }
0x7f: {  	v3 =	vand.u32 $0x7, v3;
	v4 =	vand.u32 $0xFFFFFFF0, v57  }
0x80: {  	v3 =	vor.u32 v3, v4  }
0x81: {  	v4 =	vperm.xlane v3, v0;
	_ =	sdelay $0x1  }
0x82: {  	v3 =	vperm.xlane v3, v2;
	v4 =	vadd.s32 v1, v4;
	_ =	sdelay $0x1  }
0x83: {  	v3 =	vadd.s32 v1, v3;
	_ =	sdelay $0x2  }
0x84: {  	[tilespmem:s29], [sflag:$0x2] =	stream.indirect_vreg.gather [hbm4b:s3+s2], $0x80, v4, vm0, $0xb8;
	[tilespmem:$0x10800] =	vst v63  }
0x85: {  	_ = 	snop  }
0x86: {  	[tilespmem:s30], [sflag:$0x2] =	stream.indirect_vreg.gather [hbm4b:s3+s2], $0x80, v3, vm0, $0xb8;
	[tilespmem:$0x10800] =	vst v63  }
0x87: {  	v3 =	vld [tilespmem:$0xA0];
	_ =	sdelay $0x4  }
0x88: {  	v58 =	vshll.u32 v3, $0x1  }
0x89: {  	v3 =	vand.u32 $0x7, v3;
	v4 =	vand.u32 $0xFFFFFFF0, v58  }
0x8a: {  	v3 =	vor.u32 v3, v4  }
0x8b: {  	v4 =	vperm.xlane v3, v0;
	_ =	sdelay $0x1  }
0x8c: {  	v3 =	vperm.xlane v3, v2;
	v4 =	vadd.s32 v1, v4;
	_ =	sdelay $0x1  }
0x8d: {  	v3 =	vadd.s32 v1, v3;
	_ =	sdelay $0x2  }
0x8e: {  	[tilespmem:s31], [sflag:$0x2] =	stream.indirect_vreg.gather [hbm4b:s3+s2], $0x80, v4, vm0, $0xb8;
	[tilespmem:$0x10800] =	vst v63  }
0x8f: {  	_ = 	snop  }
0x90: {  	[tilespmem:s0], [sflag:$0x2] =	stream.indirect_vreg.gather [hbm4b:s3+s2], $0x80, v3, vm0, $0xb8;
	[tilespmem:$0x10800] =	vst v63  }
0x91: {  	v3 =	vld [tilespmem:$0xB0];
	_ =	sdelay $0x4  }
0x92: {  	v59 =	vshll.u32 v3, $0x1  }
0x93: {  	v3 =	vand.u32 $0x7, v3;
	v4 =	vand.u32 $0xFFFFFFF0, v59  }
0x94: {  	v3 =	vor.u32 v3, v4  }
0x95: {  	v4 =	vperm.xlane v3, v0;
	_ =	sdelay $0x1  }
0x96: {  	v3 =	vperm.xlane v3, v2;
	v4 =	vadd.s32 v1, v4;
	_ =	sdelay $0x1  }
0x97: {  	v3 =	vadd.s32 v1, v3;
	_ =	sdelay $0x2  }
0x98: {  	[tilespmem:s1], [sflag:$0x2] =	stream.indirect_vreg.gather [hbm4b:s3+s2], $0x80, v4, vm0, $0xb8;
	[tilespmem:$0x10800] =	vst v63  }
0x99: {  	_ = 	snop  }
0x9a: {  	[tilespmem:s7], [sflag:$0x2] =	stream.indirect_vreg.gather [hbm4b:s3+s2], $0x80, v3, vm0, $0xb8;
	[tilespmem:$0x10800] =	vst v63  }
0x9b: {  	v3 =	vld [tilespmem:$0xC0];
	_ =	sdelay $0x4  }
0x9c: {  	v60 =	vshll.u32 v3, $0x1  }
0x9d: {  	v3 =	vand.u32 $0x7, v3;
	v4 =	vand.u32 $0xFFFFFFF0, v60  }
0x9e: {  	v3 =	vor.u32 v3, v4  }
0x9f: {  	v4 =	vperm.xlane v3, v0;
	_ =	sdelay $0x1  }
0xa0: {  	v3 =	vperm.xlane v3, v2;
	v4 =	vadd.s32 v1, v4;
	_ =	sdelay $0x1  }
0xa1: {  	v3 =	vadd.s32 v1, v3;
	_ =	sdelay $0x2  }
0xa2: {  	[tilespmem:s8], [sflag:$0x2] =	stream.indirect_vreg.gather [hbm4b:s3+s2], $0x80, v4, vm0, $0xb8;
	[tilespmem:$0x10800] =	vst v63  }
0xa3: {  	_ = 	snop  }
0xa4: {  	[tilespmem:s4], [sflag:$0x2] =	stream.indirect_vreg.gather [hbm4b:s3+s2], $0x80, v3, vm0, $0xb8;
	[tilespmem:$0x10800] =	vst v63  }
0xa5: {  	v3 =	vld [tilespmem:$0xD0];
	_ =	sdelay $0x4  }
0xa6: {  	v61 =	vshll.u32 v3, $0x1  }
0xa7: {  	v3 =	vand.u32 $0x7, v3;
	v4 =	vand.u32 $0xFFFFFFF0, v61  }
0xa8: {  	v3 =	vor.u32 v3, v4  }
0xa9: {  	v4 =	vperm.xlane v3, v0;
	_ =	sdelay $0x1  }
0xaa: {  	v3 =	vperm.xlane v3, v2;
	v4 =	vadd.s32 v1, v4;
	_ =	sdelay $0x1  }
0xab: {  	v3 =	vadd.s32 v1, v3;
	_ =	sdelay $0x2  }
0xac: {  	[tilespmem:s5], [sflag:$0x2] =	stream.indirect_vreg.gather [hbm4b:s3+s2], $0x80, v4, vm0, $0xb8;
	[tilespmem:$0x10800] =	vst v63  }
0xad: {  	_ = 	snop  }
0xae: {  	[tilespmem:s11], [sflag:$0x2] =	stream.indirect_vreg.gather [hbm4b:s3+s2], $0x80, v3, vm0, $0xb8;
	[tilespmem:$0x10800] =	vst v63  }
0xaf: {  	v3 =	vld [tilespmem:$0xE0];
	_ =	sdelay $0x4  }
0xb0: {  	v62 =	vshll.u32 v3, $0x1  }
0xb1: {  	v3 =	vand.u32 $0x7, v3;
	v4 =	vand.u32 $0xFFFFFFF0, v62  }
0xb2: {  	v3 =	vor.u32 v3, v4  }
0xb3: {  	v4 =	vperm.xlane v3, v0;
	_ =	sdelay $0x1  }
0xb4: {  	v3 =	vperm.xlane v3, v2;
	v4 =	vadd.s32 v1, v4;
	_ =	sdelay $0x1  }
0xb5: {  	v3 =	vadd.s32 v1, v3;
	_ =	sdelay $0x2  }
0xb6: {  	[tilespmem:s12], [sflag:$0x2] =	stream.indirect_vreg.gather [hbm4b:s3+s2], $0x80, v4, vm0, $0xb8;
	[tilespmem:$0x10800] =	vst v63  }
0xb7: {  	_ = 	snop  }
0xb8: {  	[tilespmem:s13], [sflag:$0x2] =	stream.indirect_vreg.gather [hbm4b:s3+s2], $0x80, v3, vm0, $0xb8;
	[tilespmem:$0x10800] =	vst v63  }
0xb9: {  	v3 =	vld [tilespmem:$0xF0];
	_ =	sdelay $0x4  }
0xba: {  	v63 =	vshll.u32 v3, $0x1  }
0xbb: {  	v3 =	vand.u32 $0x7, v3;
	v4 =	vand.u32 $0xFFFFFFF0, v63  }
0xbc: {  	v3 =	vor.u32 v3, v4  }
0xbd: {  	v4 =	vperm.xlane v3, v0;
	_ =	sdelay $0x1  }
0xbe: {  	v3 =	vperm.xlane v3, v2;
	v4 =	vadd.s32 v1, v4;
	_ =	sdelay $0x1  }
0xbf: {  	v3 =	vadd.s32 v1, v3;
	_ =	sdelay $0x2  }
0xc0: {  	[tilespmem:s14], [sflag:$0x2] =	stream.indirect_vreg.gather [hbm4b:s3+s2], $0x80, v4, vm0, $0xb8;
	[tilespmem:$0x10800] =	vst v63  }
0xc1: {  	s18 =	simm.s32 $0x1F0;
	s19 =	simm.s32 $0x0  }
0xc2: {  	[tilespmem:s15], [sflag:$0x2] =	stream.indirect_vreg.gather [hbm4b:s3+s2], $0x80, v3, vm0, $0xb8;
	[tilespmem:$0x10800] =	vst v63  }
.LBB2_2:
0xc3: {  	_ =	swait.ge [sflag:s16], $0x8000  }
0xc4: {  	p0 =	seq.s32 s19, $0xE000;
	[sflag:s16] =	ssyncset.done $0x0  }
.Ltmp2:
0xc5: {  	s20 =	sadd.s32 s19, s6;
	[sflag:s16] =	ssyncadd.s32 $0xFFFF8000;
	(pc) =	sbr.rel @p0 .LBB2_4-.Ltmp2, $4  }
0xc6: {  	[hbm4b:s20+s2] =	stream.linear.scatter [tilespmem:s10], [sflag:$0x3], $0x8000, $0x38;
	[tilespmem:$0x10800] =	vst v63  }
0xc7: {  	_ =	swait.ge [sflag:s9], $0x8000  }
0xc8: {  	[sflag:s9] =	ssyncset.done $0x0  }
0xc9: {  	[sflag:s9] =	ssyncadd.s32 $0xFFFF8000  }
0xca: {  	v3 =	vld [tilespmem:s18+$0xFFFFFF10];
	_ =	sdelay $0x4  }
0xcb: {  	v4 =	vshll.u32 v3, $0x1  }
0xcc: {  	v3 =	vand.u32 $0x7, v3;
	v4 =	vand.u32 $0xFFFFFFF0, v4  }
0xcd: {  	v3 =	vor.u32 v3, v4  }
0xce: {  	v4 =	vperm.xlane v3, v0;
	_ =	sdelay $0x1  }
0xcf: {  	v3 =	vperm.xlane v3, v2;
	v4 =	vadd.s32 v1, v4;
	_ =	sdelay $0x1  }
0xd0: {  	v3 =	vadd.s32 v1, v3;
	_ =	sdelay $0x2  }
0xd1: {  	[tilespmem:s10], [sflag:$0x1] =	stream.indirect_vreg.gather [hbm4b:s3+s2], $0x80, v4, vm0, $0xb8;
	[tilespmem:$0x10800] =	vst v63  }
0xd2: {  	s21 =	simm.s32 $0x1000  }
0xd3: {  	[tilespmem:s21], [sflag:$0x1] =	stream.indirect_vreg.gather [hbm4b:s3+s2], $0x80, v3, vm0, $0xb8;
	[tilespmem:$0x10800] =	vst v63  }
0xd4: {  	v3 =	vld [tilespmem:s18+$0xFFFFFF20];
	_ =	sdelay $0x4  }
0xd5: {  	v57 =	vshll.u32 v3, $0x1  }
0xd6: {  	v3 =	vand.u32 $0x7, v3;
	v4 =	vand.u32 $0xFFFFFFF0, v57  }
0xd7: {  	v3 =	vor.u32 v3, v4  }
0xd8: {  	v4 =	vperm.xlane v3, v0;
	_ =	sdelay $0x1  }
0xd9: {  	v3 =	vperm.xlane v3, v2;
	v4 =	vadd.s32 v1, v4;
	_ =	sdelay $0x1  }
0xda: {  	v3 =	vadd.s32 v1, v3;
	_ =	sdelay $0x1  }
0xdb: {  	s21 =	simm.s32 $0x1800  }
0xdc: {  	[tilespmem:s21], [sflag:$0x1] =	stream.indirect_vreg.gather [hbm4b:s3+s2], $0x80, v4, vm0, $0xb8;
	[tilespmem:$0x10800] =	vst v63  }
0xdd: {  	s21 =	simm.s32 $0x2000  }
0xde: {  	[tilespmem:s21], [sflag:$0x1] =	stream.indirect_vreg.gather [hbm4b:s3+s2], $0x80, v3, vm0, $0xb8;
	[tilespmem:$0x10800] =	vst v63  }
0xdf: {  	v3 =	vld [tilespmem:s18+$0xFFFFFF30];
	_ =	sdelay $0x4  }
0xe0: {  	v58 =	vshll.u32 v3, $0x1  }
0xe1: {  	v3 =	vand.u32 $0x7, v3;
	v4 =	vand.u32 $0xFFFFFFF0, v58  }
0xe2: {  	v3 =	vor.u32 v3, v4  }
0xe3: {  	v4 =	vperm.xlane v3, v0;
	_ =	sdelay $0x1  }
0xe4: {  	v3 =	vperm.xlane v3, v2;
	v4 =	vadd.s32 v1, v4;
	_ =	sdelay $0x1  }
0xe5: {  	v3 =	vadd.s32 v1, v3;
	_ =	sdelay $0x1  }
0xe6: {  	s21 =	simm.s32 $0x2800  }
0xe7: {  	[tilespmem:s21], [sflag:$0x1] =	stream.indirect_vreg.gather [hbm4b:s3+s2], $0x80, v4, vm0, $0xb8;
	[tilespmem:$0x10800] =	vst v63  }
0xe8: {  	s21 =	simm.s32 $0x3000  }
0xe9: {  	[tilespmem:s21], [sflag:$0x1] =	stream.indirect_vreg.gather [hbm4b:s3+s2], $0x80, v3, vm0, $0xb8;
	[tilespmem:$0x10800] =	vst v63  }
0xea: {  	v3 =	vld [tilespmem:s18+$0xFFFFFF40];
	_ =	sdelay $0x4  }
0xeb: {  	v59 =	vshll.u32 v3, $0x1  }
0xec: {  	v3 =	vand.u32 $0x7, v3;
	v4 =	vand.u32 $0xFFFFFFF0, v59  }
0xed: {  	v3 =	vor.u32 v3, v4  }
0xee: {  	v4 =	vperm.xlane v3, v0;
	_ =	sdelay $0x1  }
0xef: {  	v3 =	vperm.xlane v3, v2;
	v4 =	vadd.s32 v1, v4;
	_ =	sdelay $0x1  }
0xf0: {  	v3 =	vadd.s32 v1, v3;
	_ =	sdelay $0x1  }
0xf1: {  	s21 =	simm.s32 $0x3800  }
0xf2: {  	[tilespmem:s21], [sflag:$0x1] =	stream.indirect_vreg.gather [hbm4b:s3+s2], $0x80, v4, vm0, $0xb8;
	[tilespmem:$0x10800] =	vst v63  }
0xf3: {  	s21 =	simm.s32 $0x4000  }
0xf4: {  	[tilespmem:s21], [sflag:$0x1] =	stream.indirect_vreg.gather [hbm4b:s3+s2], $0x80, v3, vm0, $0xb8;
	[tilespmem:$0x10800] =	vst v63  }
0xf5: {  	v3 =	vld [tilespmem:s18+$0xFFFFFF50];
	_ =	sdelay $0x4  }
0xf6: {  	v60 =	vshll.u32 v3, $0x1  }
0xf7: {  	v3 =	vand.u32 $0x7, v3;
	v4 =	vand.u32 $0xFFFFFFF0, v60  }
0xf8: {  	v3 =	vor.u32 v3, v4  }
0xf9: {  	v4 =	vperm.xlane v3, v0;
	_ =	sdelay $0x1  }
0xfa: {  	v3 =	vperm.xlane v3, v2;
	v4 =	vadd.s32 v1, v4;
	_ =	sdelay $0x1  }
0xfb: {  	v3 =	vadd.s32 v1, v3;
	_ =	sdelay $0x1  }
0xfc: {  	s21 =	simm.s32 $0x4800  }
0xfd: {  	[tilespmem:s21], [sflag:$0x1] =	stream.indirect_vreg.gather [hbm4b:s3+s2], $0x80, v4, vm0, $0xb8;
	[tilespmem:$0x10800] =	vst v63  }
0xfe: {  	s21 =	simm.s32 $0x5000  }
0xff: {  	[tilespmem:s21], [sflag:$0x1] =	stream.indirect_vreg.gather [hbm4b:s3+s2], $0x80, v3, vm0, $0xb8;
	[tilespmem:$0x10800] =	vst v63  }
0x100: {  	v3 =	vld [tilespmem:s18+$0xFFFFFF60];
	_ =	sdelay $0x4  }
0x101: {  	v61 =	vshll.u32 v3, $0x1  }
0x102: {  	v3 =	vand.u32 $0x7, v3;
	v4 =	vand.u32 $0xFFFFFFF0, v61  }
0x103: {  	v3 =	vor.u32 v3, v4  }
0x104: {  	v4 =	vperm.xlane v3, v0;
	_ =	sdelay $0x1  }
0x105: {  	v3 =	vperm.xlane v3, v2;
	v4 =	vadd.s32 v1, v4;
	_ =	sdelay $0x1  }
0x106: {  	v3 =	vadd.s32 v1, v3;
	_ =	sdelay $0x1  }
0x107: {  	s21 =	simm.s32 $0x5800  }
0x108: {  	[tilespmem:s21], [sflag:$0x1] =	stream.indirect_vreg.gather [hbm4b:s3+s2], $0x80, v4, vm0, $0xb8;
	[tilespmem:$0x10800] =	vst v63  }
0x109: {  	s21 =	simm.s32 $0x6000  }
0x10a: {  	[tilespmem:s21], [sflag:$0x1] =	stream.indirect_vreg.gather [hbm4b:s3+s2], $0x80, v3, vm0, $0xb8;
	[tilespmem:$0x10800] =	vst v63  }
0x10b: {  	v3 =	vld [tilespmem:s18+$0xFFFFFF70];
	_ =	sdelay $0x4  }
0x10c: {  	v62 =	vshll.u32 v3, $0x1  }
0x10d: {  	v3 =	vand.u32 $0x7, v3;
	v4 =	vand.u32 $0xFFFFFFF0, v62  }
0x10e: {  	v3 =	vor.u32 v3, v4  }
0x10f: {  	v4 =	vperm.xlane v3, v0;
	_ =	sdelay $0x1  }
0x110: {  	v3 =	vperm.xlane v3, v2;
	v4 =	vadd.s32 v1, v4;
	_ =	sdelay $0x1  }
0x111: {  	v3 =	vadd.s32 v1, v3;
	_ =	sdelay $0x2  }
0x112: {  	[tilespmem:s22], [sflag:$0x1] =	stream.indirect_vreg.gather [hbm4b:s3+s2], $0x80, v4, vm0, $0xb8;
	[tilespmem:$0x10800] =	vst v63  }
0x113: {  	_ = 	snop  }
0x114: {  	[tilespmem:s23], [sflag:$0x1] =	stream.indirect_vreg.gather [hbm4b:s3+s2], $0x80, v3, vm0, $0xb8;
	[tilespmem:$0x10800] =	vst v63  }
0x115: {  	v3 =	vld [tilespmem:s18+$0xFFFFFF80];
	_ =	sdelay $0x4  }
0x116: {  	v63 =	vshll.u32 v3, $0x1  }
0x117: {  	v3 =	vand.u32 $0x7, v3;
	v4 =	vand.u32 $0xFFFFFFF0, v63  }
0x118: {  	v3 =	vor.u32 v3, v4  }
0x119: {  	v4 =	vperm.xlane v3, v0;
	_ =	sdelay $0x1  }
0x11a: {  	v3 =	vperm.xlane v3, v2;
	v4 =	vadd.s32 v1, v4;
	_ =	sdelay $0x1  }
0x11b: {  	v3 =	vadd.s32 v1, v3;
	_ =	sdelay $0x2  }
0x11c: {  	[tilespmem:s24], [sflag:$0x1] =	stream.indirect_vreg.gather [hbm4b:s3+s2], $0x80, v4, vm0, $0xb8;
	[tilespmem:$0x10800] =	vst v63  }
0x11d: {  	_ = 	snop  }
0x11e: {  	[tilespmem:s25], [sflag:$0x1] =	stream.indirect_vreg.gather [hbm4b:s3+s2], $0x80, v3, vm0, $0xb8;
	[tilespmem:$0x10800] =	vst v63  }
.LBB2_4:
0x11f: {  	_ =	swait.ge [sflag:s17], $0x8000  }
0x120: {  	[sflag:s17] =	ssyncset.done $0x0  }
.Ltmp3:
0x121: {  	s20 =	sadd.s32 $0x1000, s20;
	[sflag:s17] =	ssyncadd.s32 $0xFFFF8000;
	(pc) =	sbr.rel @p0 .LBB2_6-.Ltmp3, $4  }
0x122: {  	[hbm4b:s20+s2] =	stream.linear.scatter [tilespmem:s26], [sflag:$0x3], $0x8000, $0x38;
	[tilespmem:$0x10800] =	vst v63  }
0x123: {  	_ =	swait.ge [sflag:s9], $0x8000  }
0x124: {  	[sflag:s9] =	ssyncset.done $0x0  }
0x125: {  	[sflag:s9] =	ssyncadd.s32 $0xFFFF8000  }
0x126: {  	v3 =	vld [tilespmem:s18+$0xFFFFFF90];
	_ =	sdelay $0x4  }
0x127: {  	v4 =	vshll.u32 v3, $0x1  }
0x128: {  	v3 =	vand.u32 $0x7, v3;
	v4 =	vand.u32 $0xFFFFFFF0, v4  }
0x129: {  	v3 =	vor.u32 v3, v4  }
0x12a: {  	v4 =	vperm.xlane v3, v0;
	_ =	sdelay $0x1  }
0x12b: {  	v3 =	vperm.xlane v3, v2;
	v4 =	vadd.s32 v1, v4;
	_ =	sdelay $0x1  }
0x12c: {  	v3 =	vadd.s32 v1, v3;
	_ =	sdelay $0x2  }
0x12d: {  	[tilespmem:s26], [sflag:$0x2] =	stream.indirect_vreg.gather [hbm4b:s3+s2], $0x80, v4, vm0, $0xb8;
	[tilespmem:$0x10800] =	vst v63  }
0x12e: {  	_ = 	snop  }
0x12f: {  	[tilespmem:s28], [sflag:$0x2] =	stream.indirect_vreg.gather [hbm4b:s3+s2], $0x80, v3, vm0, $0xb8;
	[tilespmem:$0x10800] =	vst v63  }
0x130: {  	v3 =	vld [tilespmem:s18+$0xFFFFFFA0];
	_ =	sdelay $0x4  }
0x131: {  	v57 =	vshll.u32 v3, $0x1  }
0x132: {  	v3 =	vand.u32 $0x7, v3;
	v4 =	vand.u32 $0xFFFFFFF0, v57  }
0x133: {  	v3 =	vor.u32 v3, v4  }
0x134: {  	v4 =	vperm.xlane v3, v0;
	_ =	sdelay $0x1  }
0x135: {  	v3 =	vperm.xlane v3, v2;
	v4 =	vadd.s32 v1, v4;
	_ =	sdelay $0x1  }
0x136: {  	v3 =	vadd.s32 v1, v3;
	_ =	sdelay $0x2  }
0x137: {  	[tilespmem:s29], [sflag:$0x2] =	stream.indirect_vreg.gather [hbm4b:s3+s2], $0x80, v4, vm0, $0xb8;
	[tilespmem:$0x10800] =	vst v63  }
0x138: {  	_ = 	snop  }
0x139: {  	[tilespmem:s30], [sflag:$0x2] =	stream.indirect_vreg.gather [hbm4b:s3+s2], $0x80, v3, vm0, $0xb8;
	[tilespmem:$0x10800] =	vst v63  }
0x13a: {  	v3 =	vld [tilespmem:s18+$0xFFFFFFB0];
	_ =	sdelay $0x4  }
0x13b: {  	v58 =	vshll.u32 v3, $0x1  }
0x13c: {  	v3 =	vand.u32 $0x7, v3;
	v4 =	vand.u32 $0xFFFFFFF0, v58  }
0x13d: {  	v3 =	vor.u32 v3, v4  }
0x13e: {  	v4 =	vperm.xlane v3, v0;
	_ =	sdelay $0x1  }
0x13f: {  	v3 =	vperm.xlane v3, v2;
	v4 =	vadd.s32 v1, v4;
	_ =	sdelay $0x1  }
0x140: {  	v3 =	vadd.s32 v1, v3;
	_ =	sdelay $0x2  }
0x141: {  	[tilespmem:s31], [sflag:$0x2] =	stream.indirect_vreg.gather [hbm4b:s3+s2], $0x80, v4, vm0, $0xb8;
	[tilespmem:$0x10800] =	vst v63  }
0x142: {  	_ = 	snop  }
0x143: {  	[tilespmem:s0], [sflag:$0x2] =	stream.indirect_vreg.gather [hbm4b:s3+s2], $0x80, v3, vm0, $0xb8;
	[tilespmem:$0x10800] =	vst v63  }
0x144: {  	v3 =	vld [tilespmem:s18+$0xFFFFFFC0];
	_ =	sdelay $0x4  }
0x145: {  	v59 =	vshll.u32 v3, $0x1  }
0x146: {  	v3 =	vand.u32 $0x7, v3;
	v4 =	vand.u32 $0xFFFFFFF0, v59  }
0x147: {  	v3 =	vor.u32 v3, v4  }
0x148: {  	v4 =	vperm.xlane v3, v0;
	_ =	sdelay $0x1  }
0x149: {  	v3 =	vperm.xlane v3, v2;
	v4 =	vadd.s32 v1, v4;
	_ =	sdelay $0x1  }
0x14a: {  	v3 =	vadd.s32 v1, v3;
	_ =	sdelay $0x2  }
0x14b: {  	[tilespmem:s1], [sflag:$0x2] =	stream.indirect_vreg.gather [hbm4b:s3+s2], $0x80, v4, vm0, $0xb8;
	[tilespmem:$0x10800] =	vst v63  }
0x14c: {  	_ = 	snop  }
0x14d: {  	[tilespmem:s7], [sflag:$0x2] =	stream.indirect_vreg.gather [hbm4b:s3+s2], $0x80, v3, vm0, $0xb8;
	[tilespmem:$0x10800] =	vst v63  }
0x14e: {  	v3 =	vld [tilespmem:s18+$0xFFFFFFD0];
	_ =	sdelay $0x4  }
0x14f: {  	v60 =	vshll.u32 v3, $0x1  }
0x150: {  	v3 =	vand.u32 $0x7, v3;
	v4 =	vand.u32 $0xFFFFFFF0, v60  }
0x151: {  	v3 =	vor.u32 v3, v4  }
0x152: {  	v4 =	vperm.xlane v3, v0;
	_ =	sdelay $0x1  }
0x153: {  	v3 =	vperm.xlane v3, v2;
	v4 =	vadd.s32 v1, v4;
	_ =	sdelay $0x1  }
0x154: {  	v3 =	vadd.s32 v1, v3;
	_ =	sdelay $0x2  }
0x155: {  	[tilespmem:s8], [sflag:$0x2] =	stream.indirect_vreg.gather [hbm4b:s3+s2], $0x80, v4, vm0, $0xb8;
	[tilespmem:$0x10800] =	vst v63  }
0x156: {  	_ = 	snop  }
0x157: {  	[tilespmem:s4], [sflag:$0x2] =	stream.indirect_vreg.gather [hbm4b:s3+s2], $0x80, v3, vm0, $0xb8;
	[tilespmem:$0x10800] =	vst v63  }
0x158: {  	v3 =	vld [tilespmem:s18+$0xFFFFFFE0];
	_ =	sdelay $0x4  }
0x159: {  	v61 =	vshll.u32 v3, $0x1  }
0x15a: {  	v3 =	vand.u32 $0x7, v3;
	v4 =	vand.u32 $0xFFFFFFF0, v61  }
0x15b: {  	v3 =	vor.u32 v3, v4  }
0x15c: {  	v4 =	vperm.xlane v3, v0;
	_ =	sdelay $0x1  }
0x15d: {  	v3 =	vperm.xlane v3, v2;
	v4 =	vadd.s32 v1, v4;
	_ =	sdelay $0x1  }
0x15e: {  	v3 =	vadd.s32 v1, v3;
	_ =	sdelay $0x2  }
0x15f: {  	[tilespmem:s5], [sflag:$0x2] =	stream.indirect_vreg.gather [hbm4b:s3+s2], $0x80, v4, vm0, $0xb8;
	[tilespmem:$0x10800] =	vst v63  }
0x160: {  	_ = 	snop  }
0x161: {  	[tilespmem:s11], [sflag:$0x2] =	stream.indirect_vreg.gather [hbm4b:s3+s2], $0x80, v3, vm0, $0xb8;
	[tilespmem:$0x10800] =	vst v63  }
0x162: {  	v3 =	vld [tilespmem:s18+$0xFFFFFFF0];
	_ =	sdelay $0x4  }
0x163: {  	v62 =	vshll.u32 v3, $0x1  }
0x164: {  	v3 =	vand.u32 $0x7, v3;
	v4 =	vand.u32 $0xFFFFFFF0, v62  }
0x165: {  	v3 =	vor.u32 v3, v4  }
0x166: {  	v4 =	vperm.xlane v3, v0;
	_ =	sdelay $0x1  }
0x167: {  	v3 =	vperm.xlane v3, v2;
	v4 =	vadd.s32 v1, v4;
	_ =	sdelay $0x1  }
0x168: {  	v3 =	vadd.s32 v1, v3;
	_ =	sdelay $0x2  }
0x169: {  	[tilespmem:s12], [sflag:$0x2] =	stream.indirect_vreg.gather [hbm4b:s3+s2], $0x80, v4, vm0, $0xb8;
	[tilespmem:$0x10800] =	vst v63  }
0x16a: {  	_ = 	snop  }
0x16b: {  	[tilespmem:s13], [sflag:$0x2] =	stream.indirect_vreg.gather [hbm4b:s3+s2], $0x80, v3, vm0, $0xb8;
	[tilespmem:$0x10800] =	vst v63  }
0x16c: {  	v3 =	vld [tilespmem:s18+$0x0];
	_ =	sdelay $0x4  }
0x16d: {  	v63 =	vshll.u32 v3, $0x1  }
0x16e: {  	v3 =	vand.u32 $0x7, v3;
	v4 =	vand.u32 $0xFFFFFFF0, v63  }
0x16f: {  	v3 =	vor.u32 v3, v4  }
0x170: {  	v4 =	vperm.xlane v3, v0;
	_ =	sdelay $0x1  }
0x171: {  	v3 =	vperm.xlane v3, v2;
	v4 =	vadd.s32 v1, v4;
	_ =	sdelay $0x1  }
0x172: {  	v3 =	vadd.s32 v1, v3  }
.Ltmp4:
0x173: {  	_ = 	snop;
	(pc) =	sbr.rel .LBB2_2-.Ltmp4, $4  }
0x174: {  	_ = 	snop  }
0x175: {  	[tilespmem:s14], [sflag:$0x2] =	stream.indirect_vreg.gather [hbm4b:s3+s2], $0x80, v4, vm0, $0xb8;
	[tilespmem:$0x10800] =	vst v63  }
0x176: {  	s19 =	sadd.s32 $0x2000, s19;
	s18 =	sadd.s32 $0x100, s18  }
0x177: {  	[tilespmem:s15], [sflag:$0x2] =	stream.indirect_vreg.gather [hbm4b:s3+s2], $0x80, v3, vm0, $0xb8;
	[tilespmem:$0x10800] =	vst v63  }
.LBB2_7:
0x178: {  	_ =	sfence.sel $0x180000  }
0x179: {  	[bflag:$0x0] =	sbarrier.arrive $0xFFFF  }
0x17a: {  	_ =	strace $0x90000053  }
0x17b: {  	s0 =	stileid.u32;
	[bflag:$0x2] =	sbarrier.arrive $0xFFFF  }
0x17c: {  	p0 =	sne.s32 s0, $0x0;
	s0 =	rddreg [dreg:$0x1]  }
0x17d: {  	s0 =	sadd.s32 @!p0 $0x100000, s0  }
0x17e: {  	[sflag:s0] =	ssyncadd.tile.s32 @!p0 $0x1;
	_ =	shalt  }
.Lfunc_end2:
_tile_overlayer_lowered:
.L_overlay_start_2:
0x17f: {  	(tag) =	ssettag $0x2  }
0x180: {  	s0 =	rddreg [dreg:$0x0];
	s2 =	stileid.u32  }
0x181: {  	s1 =	rddreg [dreg:$0x1];
	p0 =	sne.s32 s2, $0x0  }
0x182: {  	s3 =	rddreg [dreg:$0x2];
	[bflag:$0x3] =	sbarrier.arrive $0xFFFF;
	s2 =	simm.s32 @!p0 $0x1C03  }
0x183: {  	[timem:s3], [sflag:s2] =	dma.local @!p0 [hbm:s0], s1  }
0x184: {  	s0 =	simm.s32 @!p0 $0x3  }
0x185: {  	_ =	swait.ge @!p0 [sflag:s0], s1  }
0x186: {  	s1 =	ssub.s32 @!p0 $0x0, s1;
	[sflag:s0] =	ssyncset.done @!p0 $0x0  }
0x187: {  	[sflag:s0] =	ssyncadd.s32 @!p0 s1  }
0x188: {  	[bflag:$0x3] =	sbarrier.arrive $0xFFFF  }
0x189: {  	_ =	shalt  }

// kernel: kernel.25.cloned.1.call-start
scs
__scs_entry_jumppad:
0x0: {  	(pc) =	sbr.rel $0x88, $3  }
0x1: {  	(tag) =	ssettag $0x0;
	lr =	simm.s32 $0x1  }
0x2: {  	[smem:$0x3F8D] =	sst lr;
	_ =	strace $0xD0000000  }
0x3: {  	_ = 	snop  }
0x4: {  	_ = 	snop  }
0x5: {  	_ = 	snop  }
0x6: {  	_ = 	snop  }
0x7: {  	_ = 	snop  }
__scs_overlays_trampoline_lowered:
0x8: {  	[smem:$0x3F9C] =	sst s0  }
0x9: {  	[smem:$0x3F9D] =	sst s1  }
0xa: {  	[smem:$0x3F9E] =	sst s2  }
0xb: {  	[smem:$0x3F9F] =	sst s3  }
0xc: {  	[smem:$0x3FA0] =	sst s4  }
0xd: {  	[smem:$0x3FA1] =	sst s5  }
0xe: {  	[smem:$0x3FA2] =	sst s6  }
0xf: {  	[smem:$0x3FA3] =	sst s7  }
0x10: {  	[smem:$0x3FA4] =	sst s8  }
0x11: {  	[smem:$0x3FA5] =	sst s9;
	s0 =	simm.s32 @!p0 $0x0  }
0x12: {  	s1 =	sld [smem:$0x3F8B];
	s0 =	simm.s32 @p0 $0x1  }
0x13: {  	[smem:$0x3FA6] =	sst s0;
	s0 =	simm.s32 @!p1 $0x0  }
0x14: {  	s2 =	sld [smem:$0x3F8A];
	s0 =	simm.s32 @p1 $0x1  }
0x15: {  	[smem:$0x3FA7] =	sst s0;
	s0 =	simm.s32 @!p2 $0x0  }
0x16: {  	s3 =	sld [smem:$0x3FDB];
	s0 =	simm.s32 @p2 $0x1  }
0x17: {  	s4 =	simm.s32 $0x1BF5;
	[smem:$0x3FA9] =	sst s0  }
0x18: {  	s0 =	sld [smem:$0x3F8C];
	_ =	swait.ge [sflag:s4], $0x0  }
0x19: {  	s7 =	sld [smem:$0x3F8D]  }
0x1a: {  	s8 =	sadd.s32 $0xFFFFE003, lr  }
0x1b: {  	s9 =	sadd.s32 $0xFFFFFEF7, lr;
	s5 =	simm.s32 $0xFFFFFFFF;
	p2 =	slt.u32 s8, $0xFFFFF086  }
0x1c: {  	p1 =	slt.u32 s9, $0xF7A;
	s5 =	simm.s32 @!p2 $0x0  }
0x1d: {  	s5 =	simm.s32 @p1 $0x1;
	p0 =	seq.s32 s7, s2  }
0x1e: {  	s7 =	smul.u32 @!p0 $0xF7A, s2;
	p2 =	seq.s32 @!p0 s5, $0x0  }
0x1f: {  	s9 =	smul.u32 $0xF7A, s1;
	s8 =	simm.s32 @!p0 $0x1BF5;
	p2 =	por !p2, p0  }
0x20: {  	[sflag:s8] =	ssyncset.s32 @!p0 $0xFFFFF086;
	s6 =	sadd.s32 @!p0 s3, s7;
	s7 =	simm.s32 @!p0 $0x108  }
0x21: {  	s3 =	sadd.s32 s3, s9;
	s6 =	sadd.s32 @!p0 $0x88, s6;
	s7 =	simm.s32 @p2 $0x1082  }
0x22: {  	[simem:s7], [sflag:s8] =	dma.local @!p0 [hbm:s6], $0xF7A  }
0x23: {  	s9 =	sor.u32 $0xD0000000, s2;
	s6 =	simm.s32 $0x108;
	_ =	swait.ge @!p0 [sflag:s8], $0x0  }
0x24: {  	s3 =	sadd.s32 $0x88, s3;
	s6 =	simm.s32 @!p1 $0x1082;
	[sflag:s4] =	ssyncset.s32 $0xFFFFF086  }
0x25: {  	[simem:s6], [sflag:s4] =	dma.local [hbm:s3], $0xF7A  }
0x26: {  	[smem:$0x3F8D] =	sst s1;
	(tag) =	ssettag s2;
	_ =	strace s9  }
0x27: {  	s1 =	sld [smem:$0x3F9D]  }
0x28: {  	s2 =	sld [smem:$0x3F9E]  }
0x29: {  	s4 =	sld [smem:$0x3FA0]  }
0x2a: {  	p0 =	seq.s32 s5, $0x0;
	s5 =	sld [smem:$0x3FA1]  }
0x2b: {  	s6 =	sld [smem:$0x3FA2]  }
0x2c: {  	s7 =	sld [smem:$0x3FA3]  }
0x2d: {  	s3 =	simm.s32 $0x108;
	s8 =	sld [smem:$0x3FA4]  }
0x2e: {  	s3 =	simm.s32 @!p0 $0x1082;
	s9 =	sld [smem:$0x3FA5]  }
0x2f: {  	lr =	sadd.s32 s0, s3;
	s0 =	sld [smem:$0x3F9C]  }
0x30: {  	s3 =	sld [smem:$0x3F9F]  }
0x31: {  	[smem:$0x3FA8] =	sst s10  }
0x32: {  	s10 =	sld [smem:$0x3FA6];
	_ =	sdelay $0x3  }
0x33: {  	p0 =	seq.s32 s10, $0x1;
	s10 =	sld [smem:$0x3FA8];
	_ =	sdelay $0x3  }
0x34: {  	[smem:$0x3FA8] =	sst s10  }
0x35: {  	s10 =	sld [smem:$0x3FA7];
	_ =	sdelay $0x3  }
0x36: {  	p1 =	seq.s32 s10, $0x1;
	s10 =	sld [smem:$0x3FA8];
	_ =	sdelay $0x3  }
0x37: {  	[smem:$0x3FA8] =	sst s10  }
0x38: {  	s10 =	sld [smem:$0x3FA9]  }
0x39: {  	_ = 	snop;
	(pc) =	sbr.ind lr, $3  }
0x3a: {  	_ = 	snop  }
0x3b: {  	_ = 	snop  }
0x3c: {  	p2 =	seq.s32 s10, $0x1;
	s10 =	sld [smem:$0x3FA8]  }
0x3d: {  	_ =	shalt  }
0x3e: {  	_ =	shalt  }
0x3f: {  	_ =	shalt  }
0x40: {  	_ =	shalt  }
0x41: {  	_ =	shalt  }
0x42: {  	_ =	shalt  }
0x43: {  	_ =	shalt  }
0x44: {  	_ =	shalt  }
0x45: {  	_ =	shalt  }
0x46: {  	_ =	shalt  }
0x47: {  	_ =	shalt  }
0x48: {  	_ =	shalt  }
0x49: {  	_ =	shalt  }
0x4a: {  	_ =	shalt  }
0x4b: {  	_ =	shalt  }
0x4c: {  	_ =	shalt  }
0x4d: {  	_ =	shalt  }
0x4e: {  	_ =	shalt  }
0x4f: {  	_ =	shalt  }
0x50: {  	_ =	shalt  }
0x51: {  	_ =	shalt  }
0x52: {  	_ =	shalt  }
0x53: {  	_ =	shalt  }
0x54: {  	_ =	shalt  }
0x55: {  	_ =	shalt  }
0x56: {  	_ =	shalt  }
0x57: {  	_ =	shalt  }
0x58: {  	_ =	shalt  }
0x59: {  	_ =	shalt  }
0x5a: {  	_ =	shalt  }
0x5b: {  	_ =	shalt  }
0x5c: {  	_ =	shalt  }
0x5d: {  	_ =	shalt  }
0x5e: {  	_ =	shalt  }
0x5f: {  	_ =	shalt  }
0x60: {  	_ =	shalt  }
0x61: {  	_ =	shalt  }
0x62: {  	_ =	shalt  }
0x63: {  	_ =	shalt  }
0x64: {  	_ =	shalt  }
0x65: {  	_ =	shalt  }
0x66: {  	_ =	shalt  }
0x67: {  	_ =	shalt  }
0x68: {  	_ =	shalt  }
0x69: {  	_ =	shalt  }
0x6a: {  	_ =	shalt  }
0x6b: {  	_ =	shalt  }
0x6c: {  	_ =	shalt  }
0x6d: {  	_ =	shalt  }
0x6e: {  	_ =	shalt  }
0x6f: {  	_ =	shalt  }
0x70: {  	_ =	shalt  }
0x71: {  	_ =	shalt  }
0x72: {  	_ =	shalt  }
0x73: {  	_ =	shalt  }
0x74: {  	_ =	shalt  }
0x75: {  	_ =	shalt  }
0x76: {  	_ =	shalt  }
0x77: {  	_ =	shalt  }
0x78: {  	_ =	shalt  }
0x79: {  	_ =	shalt  }
0x7a: {  	_ =	shalt  }
0x7b: {  	_ =	shalt  }
0x7c: {  	_ =	shalt  }
0x7d: {  	_ =	shalt  }
0x7e: {  	_ =	shalt  }
0x7f: {  	_ =	shalt  }
0x80: {  	_ =	shalt  }
0x81: {  	_ =	shalt  }
0x82: {  	_ =	shalt  }
0x83: {  	_ =	shalt  }
0x84: {  	_ =	shalt  }
0x85: {  	_ =	shalt  }
0x86: {  	_ =	shalt  }
0x87: {  	_ =	shalt  }
.Lfunc_end0:
.L_simem_size_0:
called_computation.3_lowered:
.L_overlay_start_0:
0x88: {  	s2 =	sld [smem:$0x3FD9]  }
0x89: {  	s3 =	sld [smem:$0x3FFE];
	_ =	sdelay $0x1  }
0x8a: {  	s1 =	srdreg.scid  }
0x8b: {  	s0 =	sand.u32 $0x1, s1  }
0x8c: {  	s17 =	sshll.u32 s0, $0xA;
	s2 =	sadd.s32 s3, s2  }
0x8d: {  	s2 =	sadd.s32 s2, s17  }
0x8e: {  	[smem:$0x3FB4] =	sst s2  }
0x8f: {  	_ = 	snop  }
0x90: {  	s18 =	sld [smem:$0x3FD0];
	(tm) =	ssettm $0x1  }
0x91: {  	s19 =	sld [smem:$0x3FFB];
	_ =	sdelay $0x3  }
0x92: {  	_ =	strace s19  }
0x93: {  	s2 =	sld [smem:$0x3FFC];
	_ =	sdelay $0x3  }
0x94: {  	_ =	strace s2  }
0x95: {  	s2 =	sld [smem:$0x3FFD];
	_ =	sdelay $0x3  }
0x96: {  	_ =	strace s2  }
0x97: {  	_ =	strace $0x8FFFFFFF  }
0x98: {  	s20 =	sld [smem:$0x3FDB];
	_ =	sdelay $0x1  }
0x99: {  	s4 =	simm.s32 $_scs_section_size  }
0x9a: {  	s5 =	simm.s32 $_size__tile_overlayer_lowered;
	s6 =	simm.s32 $_tile_overlayer_lowered  }
0x9b: {  	s7 =	simm.s32 $0x1BFF;
	s21 =	sshll.u32 s6, $0x1;
	s4 =	sadd.s32 s4, s20  }
0x9c: {  	s22 =	simm.s32 $0x0;
	s5 =	sshll.u32 s5, $0x1;
	s6 =	sadd.s32 s21, s4  }
0x9d: {  	[timem:s22], [sflag:s7] =	dma.local [hbm:s6], s5  }
0x9e: {  	_ =	swait.ge [sflag:s7], s5  }
0x9f: {  	s5 =	ssub.s32 $0x0, s5;
	[sflag:s7] =	ssyncset.done $0x0  }
0xa0: {  	[sflag:s7] =	ssyncadd.s32 s5;
	_ =	sdelay $0x1  }
0xa1: {  	s23 =	simm.s32 $0x1B8B  }
0xa2: {  	_ =	swait.ge [sflag:s23], $0x1  }
0xa3: {  	[sflag:s23] =	ssyncset.done $0x0  }
0xa4: {  	[sflag:s23] =	ssyncadd.s32 $0xFFFFFFFF  }
0xa5: {  	s5 =	sld [smem:$0x0]  }
0xa6: {  	s6 =	sand.u32 $0xFFFFFFFE, s1  }
0xa7: {  	p0 =	sne.s32 s1, s6  }
0xa8: {  	s6 =	sshll.u32 @p0 s6, $0xE  }
0xa9: {  	s6 =	sadd.s32 @p0 $0x11B8D, s6;
	s7 =	sshll.u32 @p0 s5, $0x11  }
0xaa: {  	s6 =	sor.u32 @p0 s7, s6  }
0xab: {  	[sflag:s6] =	ssyncadd.remote.s32 @p0 $0x1;
	_ =	sdelay $0x1  }
0xac: {  	s6 =	simm.s32 @p0 $0x1B8D  }
0xad: {  	_ =	swait.eq @p0 [sflag:s6], $0x1  }
0xae: {  	[sflag:s6] =	ssyncadd.s32 @p0 $0xFFFFFFFF  }
0xaf: {  	s7 =	sshll.u32 @!p0 s1, $0xE  }
0xb0: {  	s7 =	sor.u32 @!p0 $0x4000, s7;
	s6 =	simm.s32 @!p0 $0x1B8D  }
0xb1: {  	s5 =	sshll.u32 @!p0 s5, $0x11;
	s7 =	sadd.s32 @!p0 $0x11B8D, s7;
	_ =	swait.eq @!p0 [sflag:s6], $0x1  }
0xb2: {  	s5 =	sor.u32 @!p0 s5, s7;
	[sflag:s6] =	ssyncadd.s32 @!p0 $0xFFFFFFFF  }
0xb3: {  	s25 =	simm.s32 $0x1B8E;
	s24 =	sld [smem:$0x3FFE];
	[sflag:s5] =	ssyncadd.remote.s32 @!p0 $0x1  }
0xb4: {  	s26 =	simm.s32 $execute0_lowered;
	[smem:$0x3FD2] =	sst s25  }
0xb5: {  	s6 =	sshll.u32 s26, $0x1;
	_ =	strace $0x80000049;
	[dreg:$0x1] =	wrdreg $0xFFFFFFFF  }
0xb6: {  	s28 =	simm.s32 $_size_execute0_lowered;
	s4 =	sadd.s32 s4, s6;
	[dreg:$0x0] =	wrdreg $0x0  }
0xb7: {  	s6 =	sshll.u32 s28, $0x1;
	[dreg:$0x2] =	wrdreg s4  }
0xb8: {  	[dreg:$0x3] =	wrdreg s6  }
0xb9: {  	[dreg:$0x4] =	wrdreg $0xC0  }
0xba: {  	_ =	task [dreg:s22], $0x5FFFF  }
0xbb: {  	[dreg:$0x1] =	wrdreg $0xFFFFFFFF  }
0xbc: {  	[dreg:$0x0] =	wrdreg $0x60  }
0xbd: {  	[dreg:$0x2] =	wrdreg s18  }
0xbe: {  	[dreg:$0x3] =	wrdreg s24  }
0xbf: {  	[dreg:$0x4] =	wrdreg $0xA  }
0xc0: {  	_ =	task.clear_ibuf [dreg:s22], $0x5FFFF;
	_ =	strace $0x90000049  }
0xc1: {  	s29 =	simm.s32 $0xA;
	_ =	strace $0x8000004B  }
0xc2: {  	_ =	swait.ge [sflag:s29], $0x1  }
0xc3: {  	[sflag:s29] =	ssyncadd.s32 $0xFFFFFFFF  }
0xc4: {  	_ =	strace $0x9000004B  }
0xc5: {  	_ =	sfence  }
0xc6: {  	s30 =	sld [smem:$0x0];
	_ =	sdelay $0x2  }
0xc7: {  	s31 =	sshll.u32 s1, $0xD;
	s1 =	sshrl.u32 s1, $0x2  }
0xc8: {  	s4 =	sand.u32 $0x4000, s31;
	s1 =	sadd.s32 s1, s30  }
0xc9: {  	s0 =	sor.u32 s4, s0;
	s1 =	sshll.u32 s1, $0x11  }
0xca: {  	s0 =	sor.u32 s1, s0  }
0xcb: {  	s0 =	sadd.s32 $0x8F2B, s0  }
0xcc: {  	[sflag:s0] =	ssyncadd.remote.s32 $0x1  }
0xcd: {  	_ =	sfence.sel $0xFFFF  }
0xce: {  	[dreg:$0x0] =	wrdreg $0xFFFFFFFF;
	(pc) =	sbr.abs _section_cstart, $3  }
0xcf: {  	[dreg:$0x1] =	wrdreg $0xFFFFFFFF  }
0xd0: {  	_ =	task.clear_ibuf [dreg:s22], $0x2FFFF;
	_ =	strace $0x9FFFFFFF  }
0xd1: {  	(tm) =	ssettm $0x7FFFFFFF  }
tec
execute0_lowered:
.L_overlay_start_1:
0x0: {  	(tag) =	ssettag $0x1  }
0x1: {  	s1 =	srdreg.scid  }
0x2: {  	s0 =	stileid.u32;
	s2 =	rddreg [dreg:$0x0]  }
0x3: {  	s5 =	rddreg [dreg:$0x1];
	s3 =	simm.s32 $0x0;
	s15 =	simm.s32 $0x4A80  }
0x4: {  	s16 =	simm.s32 $0x1;
	s17 =	simm.s32 $0x2;
	s12 =	smul.u32 $0x15000, s0  }
0x5: {  	s18 =	simm.s32 $0xA00;
	s24 =	sshrl.u32 s0, $0x2;
	s29 =	smul.u32 $0xA8000, s0  }
0x6: {  	s19 =	simm.s32 $0x0;
	s7 =	sand.u32 $0x1, s1;
	s6 =	smul.u32 $0x5400, s24  }
0x7: {  	s23 =	sshll.u32 s0, $0x1;
	[smem:$0x7FF] =	sst s3;
	s14 =	smul.u32 $0x54000, s7  }
0x8: {  	s11 =	sadd.s32 $0x17BE00, s5;
	s4 =	sor.u32 s7, s23;
	s30 =	smul.u32 $0xA800, s7  }
0x9: {  	s1 =	rddreg [dreg:$0x2];
	_ =	strace $0x8000004A;
	s25 =	smul.u32 $0x54000, s4  }
0xa: {  	s9 =	ssub.s32 $0x2, s7;
	s8 =	sshll.u32 s4, $0x7;
	s10 =	smul.u32 $0xA800, s4  }
0xb: {  	s26 =	sshrl.u32 s9, $0x1;
	s12 =	sadd.s32 s12, s11;
	s8 =	sand.u32 $0x380, s8  }
0xc: {  	s9 =	ssub.s32 s9, s26;
	s6 =	sor.u32 s6, s8;
	s28 =	sshrl.u32 s25, $0x3  }
0xd: {  	s8 =	sadd.s32 s14, s29;
	s10 =	sadd.s32 s10, s11;
	s14 =	simm.s32 $0xA80  }
0xe: {  	s6 =	sshrl.u32 s6, $0x3;
	s13 =	sadd.s32 s11, s28;
	s31 =	sshrl.u32 s8, $0x3  }
0xf: {  	s8 =	sadd.s32 $0x9800, s10;
	s6 =	sadd.s32 s6, s5;
	s5 =	sadd.s32 $0xA000, s13  }
0x10: {  	s7 =	sadd.s32 $0x9000, s13;
	s10 =	sadd.s32 s31, s11;
	s11 =	simm.s32 $0x80  }
0x11: {  	s4 =	sadd.s32 $0x179400, s6;
	s6 =	smax.u32 s9, $0x1;
	s9 =	sadd.s32 s30, s12  }
0x12: {  	s13 =	simm.s32 $0x3;
	s12 =	simm.s32 $0x400;
	s9 =	sadd.s32 $0x800, s9  }
.LBB2_1:
0x13: {  	[tilespmem:s3], [sflag:$0x3] =	stream.strided.gather [hbm4b:s4+s11], $0xA80, s12, s11, $0x38;
	[tilespmem:$0x8A80] =	vst v63  }
0x14: {  	_ =	swait.ge [sflag:s13], $0xA80  }
0x15: {  	[sflag:s13] =	ssyncset.done $0x0  }
0x16: {  	[sflag:s13] =	ssyncadd.s32 $0xFFFFF580  }
0x17: {  	[tilespmem:s14], [sflag:$0x1] =	stream.indirect.gather [hbm4b:s2+s11], $0x80, s3, s11, $0xb8;
	[tilespmem:$0x8A80] =	vst v63  }
0x18: {  	_ = 	snop  }
0x19: {  	[tilespmem:s15], [sflag:$0x2] =	stream.indirect.gather [hbm4b:s2+s11], $0x80, s11, s11, $0xb8;
	[tilespmem:$0x8A80] =	vst v63  }
0x1a: {  	_ =	swait.ge [sflag:s16], $0x4000  }
0x1b: {  	[sflag:s16] =	ssyncset.done $0x0  }
0x1c: {  	s20 =	sadd.s32 $0x0, s10;
	[sflag:s16] =	ssyncadd.s32 $0xFFFFC000  }
0x1d: {  	[hbm4b:s20+s3] =	stream.linear.scatter [tilespmem:s14], [sflag:$0x3], $0x4000, $0x38;
	[tilespmem:$0x8A80] =	vst v63  }
0x1e: {  	_ =	swait.ge [sflag:s13], $0x4000  }
0x1f: {  	[sflag:s13] =	ssyncset.done $0x0  }
0x20: {  	s30 =	simm.s32 $0x100;
	[sflag:s13] =	ssyncadd.s32 $0xFFFFC000  }
0x21: {  	[tilespmem:s14], [sflag:$0x1] =	stream.indirect.gather [hbm4b:s2+s11], $0x80, s30, s11, $0xb8;
	[tilespmem:$0x8A80] =	vst v63  }
0x22: {  	_ =	swait.ge [sflag:s17], $0x4000  }
0x23: {  	[sflag:s17] =	ssyncset.done $0x0  }
0x24: {  	s31 =	sadd.s32 $0x0, s9;
	[sflag:s17] =	ssyncadd.s32 $0xFFFFC000  }
0x25: {  	[hbm4b:s31+s3] =	stream.linear.scatter [tilespmem:s15], [sflag:$0x3], $0x4000, $0x38;
	[tilespmem:$0x8A80] =	vst v63  }
0x26: {  	_ =	swait.ge [sflag:s13], $0x4000  }
0x27: {  	s21 =	simm.s32 $0x1000;
	[sflag:s13] =	ssyncset.done $0x0  }
0x28: {  	s22 =	simm.s32 $0x280;
	s20 =	simm.s32 $0x180;
	[sflag:s13] =	ssyncadd.s32 $0xFFFFC000  }
.LBB2_2:
0x29: {  	[tilespmem:s15], [sflag:$0x2] =	stream.indirect.gather [hbm4b:s2+s11], $0x80, s20, s11, $0xb8;
	[tilespmem:$0x8A80] =	vst v63  }
0x2a: {  	s23 =	smov.u32 s21;
	s20 =	smov.u32 s22  }
0x2b: {  	p0 =	sne.s32 s21, $0x8000;
	s21 =	sadd.s32 $0x1000, s21;
	_ =	swait.ge [sflag:s16], $0x4000  }
0x2c: {  	[sflag:s16] =	ssyncset.done $0x0  }
0x2d: {  	s24 =	sadd.s32 s23, s10;
	[sflag:s16] =	ssyncadd.s32 $0xFFFFC000  }
0x2e: {  	[hbm4b:s24+s3] =	stream.linear.scatter [tilespmem:s14], [sflag:$0x3], $0x4000, $0x38;
	[tilespmem:$0x8A80] =	vst v63  }
0x2f: {  	_ =	swait.ge [sflag:s13], $0x4000  }
0x30: {  	[sflag:s13] =	ssyncset.done $0x0  }
0x31: {  	s24 =	sadd.s32 $0xFFFFFF80, s22;
	[sflag:s13] =	ssyncadd.s32 $0xFFFFC000  }
0x32: {  	[tilespmem:s14], [sflag:$0x1] =	stream.indirect.gather [hbm4b:s2+s11], $0x80, s24, s11, $0xb8;
	[tilespmem:$0x8A80] =	vst v63  }
0x33: {  	_ =	swait.ge [sflag:s17], $0x4000  }
0x34: {  	[sflag:s17] =	ssyncset.done $0x0  }
.Ltmp0:
0x35: {  	s23 =	sadd.s32 s23, s9;
	[sflag:s17] =	ssyncadd.s32 $0xFFFFC000;
	(pc) =	sbr.rel @p0 .LBB2_2-.Ltmp0, $4  }
0x36: {  	[hbm4b:s23+s3] =	stream.linear.scatter [tilespmem:s15], [sflag:$0x3], $0x4000, $0x38;
	[tilespmem:$0x8A80] =	vst v63  }
0x37: {  	_ =	swait.ge [sflag:s13], $0x4000  }
0x38: {  	[sflag:s13] =	ssyncset.done $0x0  }
0x39: {  	s22 =	sadd.s32 $0x100, s22;
	[sflag:s13] =	ssyncadd.s32 $0xFFFFC000  }
0x3a: {  	[tilespmem:s15], [sflag:$0x2] =	stream.indirect.gather [hbm4b:s2+s11], $0x80, s20, s11, $0xb8;
	[tilespmem:$0x8A80] =	vst v63  }
0x3b: {  	_ =	swait.ge [sflag:s16], $0x4000  }
0x3c: {  	[sflag:s16] =	ssyncset.done $0x0  }
0x3d: {  	[sflag:s16] =	ssyncadd.s32 $0xFFFFC000  }
0x3e: {  	[hbm4b:s7+s3] =	stream.linear.scatter [tilespmem:s14], [sflag:$0x3], $0x4000, $0x38;
	[tilespmem:$0x8A80] =	vst v63  }
0x3f: {  	_ =	swait.ge [sflag:s13], $0x4000  }
0x40: {  	[sflag:s13] =	ssyncset.done $0x0  }
0x41: {  	[sflag:s13] =	ssyncadd.s32 $0xFFFFC000  }
0x42: {  	[tilespmem:s14], [sflag:$0x1] =	stream.indirect.gather [hbm4b:s2+s11], $0x80, s18, s11, $0xb8;
	[tilespmem:$0x8A80] =	vst v63  }
0x43: {  	_ =	swait.ge [sflag:s17], $0x4000  }
0x44: {  	[sflag:s17] =	ssyncset.done $0x0  }
0x45: {  	[sflag:s17] =	ssyncadd.s32 $0xFFFFC000  }
0x46: {  	[hbm4b:s8+s3] =	stream.linear.scatter [tilespmem:s15], [sflag:$0x3], $0x4000, $0x38;
	[tilespmem:$0x8A80] =	vst v63  }
0x47: {  	_ =	swait.ge [sflag:s13], $0x4000  }
0x48: {  	[sflag:s13] =	ssyncset.done $0x0  }
0x49: {  	[sflag:s13] =	ssyncadd.s32 $0xFFFFC000  }
0x4a: {  	s19 =	sadd.s32 $0x1, s19;
	_ =	swait.ge [sflag:s16], $0x4000  }
0x4b: {  	p0 =	sne.s32 s19, s6;
	[sflag:s16] =	ssyncset.done $0x0  }
.Ltmp1:
0x4c: {  	[sflag:s16] =	ssyncadd.s32 $0xFFFFC000;
	(pc) =	sbr.rel @p0 .LBB2_1-.Ltmp1, $4  }
0x4d: {  	[hbm4b:s5+s3] =	stream.linear.scatter [tilespmem:s14], [sflag:$0x3], $0x4000, $0x38;
	[tilespmem:$0x8A80] =	vst v63  }
0x4e: {  	_ =	swait.ge [sflag:s13], $0x4000  }
0x4f: {  	[sflag:s13] =	ssyncset.done $0x0  }
0x50: {  	[sflag:s13] =	ssyncadd.s32 $0xFFFFC000  }
0x51: {  	_ =	sfence.sel $0x180000  }
0x52: {  	[bflag:$0x0] =	sbarrier.arrive $0xFFFF  }
0x53: {  	p0 =	sne.s32 s0, $0x0;
	_ =	strace $0x9000004A  }
0x54: {  	s0 =	sadd.s32 @!p0 $0x100000, s1;
	[bflag:$0x2] =	sbarrier.arrive $0xFFFF  }
0x55: {  	[sflag:s0] =	ssyncadd.tile.s32 @!p0 $0x1;
	_ =	shalt  }
.Lfunc_end2:
_tile_overlayer_lowered:
.L_overlay_start_2:
0x56: {  	(tag) =	ssettag $0x2  }
0x57: {  	s0 =	rddreg [dreg:$0x0];
	s2 =	stileid.u32  }
0x58: {  	s1 =	rddreg [dreg:$0x1];
	p0 =	sne.s32 s2, $0x0  }
0x59: {  	s3 =	rddreg [dreg:$0x2];
	[bflag:$0x3] =	sbarrier.arrive $0xFFFF;
	s2 =	simm.s32 @!p0 $0x1C03  }
0x5a: {  	[timem:s3], [sflag:s2] =	dma.local @!p0 [hbm:s0], s1  }
0x5b: {  	s0 =	simm.s32 @!p0 $0x3  }
0x5c: {  	_ =	swait.ge @!p0 [sflag:s0], s1  }
0x5d: {  	s1 =	ssub.s32 @!p0 $0x0, s1;
	[sflag:s0] =	ssyncset.done @!p0 $0x0  }
0x5e: {  	[sflag:s0] =	ssyncadd.s32 @!p0 s1  }
0x5f: {  	[bflag:$0x3] =	sbarrier.arrive $0xFFFF  }
0x60: {  	_ =	shalt  }

// kernel: kernel.28.cloned.1.call-start
scs
__scs_entry_jumppad:
0x0: {  	(pc) =	sbr.rel $0x88, $3  }
0x1: {  	(tag) =	ssettag $0x0;
	lr =	simm.s32 $0x1  }
0x2: {  	[smem:$0x3F8D] =	sst lr;
	_ =	strace $0xD0000000  }
0x3: {  	_ = 	snop  }
0x4: {  	_ = 	snop  }
0x5: {  	_ = 	snop  }
0x6: {  	_ = 	snop  }
0x7: {  	_ = 	snop  }
__scs_overlays_trampoline_lowered:
0x8: {  	[smem:$0x3F9C] =	sst s0  }
0x9: {  	[smem:$0x3F9D] =	sst s1  }
0xa: {  	[smem:$0x3F9E] =	sst s2  }
0xb: {  	[smem:$0x3F9F] =	sst s3  }
0xc: {  	[smem:$0x3FA0] =	sst s4  }
0xd: {  	[smem:$0x3FA1] =	sst s5  }
0xe: {  	[smem:$0x3FA2] =	sst s6  }
0xf: {  	[smem:$0x3FA3] =	sst s7  }
0x10: {  	[smem:$0x3FA4] =	sst s8  }
0x11: {  	[smem:$0x3FA5] =	sst s9;
	s0 =	simm.s32 @!p0 $0x0  }
0x12: {  	s1 =	sld [smem:$0x3F8B];
	s0 =	simm.s32 @p0 $0x1  }
0x13: {  	[smem:$0x3FA6] =	sst s0;
	s0 =	simm.s32 @!p1 $0x0  }
0x14: {  	s2 =	sld [smem:$0x3F8A];
	s0 =	simm.s32 @p1 $0x1  }
0x15: {  	[smem:$0x3FA7] =	sst s0;
	s0 =	simm.s32 @!p2 $0x0  }
0x16: {  	s3 =	sld [smem:$0x3FDB];
	s0 =	simm.s32 @p2 $0x1  }
0x17: {  	s4 =	simm.s32 $0x1BF5;
	[smem:$0x3FA9] =	sst s0  }
0x18: {  	s0 =	sld [smem:$0x3F8C];
	_ =	swait.ge [sflag:s4], $0x0  }
0x19: {  	s7 =	sld [smem:$0x3F8D]  }
0x1a: {  	s8 =	sadd.s32 $0xFFFFE003, lr  }
0x1b: {  	s9 =	sadd.s32 $0xFFFFFEF7, lr;
	s5 =	simm.s32 $0xFFFFFFFF;
	p2 =	slt.u32 s8, $0xFFFFF086  }
0x1c: {  	p1 =	slt.u32 s9, $0xF7A;
	s5 =	simm.s32 @!p2 $0x0  }
0x1d: {  	s5 =	simm.s32 @p1 $0x1;
	p0 =	seq.s32 s7, s2  }
0x1e: {  	s7 =	smul.u32 @!p0 $0xF7A, s2;
	p2 =	seq.s32 @!p0 s5, $0x0  }
0x1f: {  	s9 =	smul.u32 $0xF7A, s1;
	s8 =	simm.s32 @!p0 $0x1BF5;
	p2 =	por !p2, p0  }
0x20: {  	[sflag:s8] =	ssyncset.s32 @!p0 $0xFFFFF086;
	s6 =	sadd.s32 @!p0 s3, s7;
	s7 =	simm.s32 @!p0 $0x108  }
0x21: {  	s3 =	sadd.s32 s3, s9;
	s6 =	sadd.s32 @!p0 $0x88, s6;
	s7 =	simm.s32 @p2 $0x1082  }
0x22: {  	[simem:s7], [sflag:s8] =	dma.local @!p0 [hbm:s6], $0xF7A  }
0x23: {  	s9 =	sor.u32 $0xD0000000, s2;
	s6 =	simm.s32 $0x108;
	_ =	swait.ge @!p0 [sflag:s8], $0x0  }
0x24: {  	s3 =	sadd.s32 $0x88, s3;
	s6 =	simm.s32 @!p1 $0x1082;
	[sflag:s4] =	ssyncset.s32 $0xFFFFF086  }
0x25: {  	[simem:s6], [sflag:s4] =	dma.local [hbm:s3], $0xF7A  }
0x26: {  	[smem:$0x3F8D] =	sst s1;
	(tag) =	ssettag s2;
	_ =	strace s9  }
0x27: {  	s1 =	sld [smem:$0x3F9D]  }
0x28: {  	s2 =	sld [smem:$0x3F9E]  }
0x29: {  	s4 =	sld [smem:$0x3FA0]  }
0x2a: {  	p0 =	seq.s32 s5, $0x0;
	s5 =	sld [smem:$0x3FA1]  }
0x2b: {  	s6 =	sld [smem:$0x3FA2]  }
0x2c: {  	s7 =	sld [smem:$0x3FA3]  }
0x2d: {  	s3 =	simm.s32 $0x108;
	s8 =	sld [smem:$0x3FA4]  }
0x2e: {  	s3 =	simm.s32 @!p0 $0x1082;
	s9 =	sld [smem:$0x3FA5]  }
0x2f: {  	lr =	sadd.s32 s0, s3;
	s0 =	sld [smem:$0x3F9C]  }
0x30: {  	s3 =	sld [smem:$0x3F9F]  }
0x31: {  	[smem:$0x3FA8] =	sst s10  }
0x32: {  	s10 =	sld [smem:$0x3FA6];
	_ =	sdelay $0x3  }
0x33: {  	p0 =	seq.s32 s10, $0x1;
	s10 =	sld [smem:$0x3FA8];
	_ =	sdelay $0x3  }
0x34: {  	[smem:$0x3FA8] =	sst s10  }
0x35: {  	s10 =	sld [smem:$0x3FA7];
	_ =	sdelay $0x3  }
0x36: {  	p1 =	seq.s32 s10, $0x1;
	s10 =	sld [smem:$0x3FA8];
	_ =	sdelay $0x3  }
0x37: {  	[smem:$0x3FA8] =	sst s10  }
0x38: {  	s10 =	sld [smem:$0x3FA9]  }
0x39: {  	_ = 	snop;
	(pc) =	sbr.ind lr, $3  }
0x3a: {  	_ = 	snop  }
0x3b: {  	_ = 	snop  }
0x3c: {  	p2 =	seq.s32 s10, $0x1;
	s10 =	sld [smem:$0x3FA8]  }
0x3d: {  	_ =	shalt  }
0x3e: {  	_ =	shalt  }
0x3f: {  	_ =	shalt  }
0x40: {  	_ =	shalt  }
0x41: {  	_ =	shalt  }
0x42: {  	_ =	shalt  }
0x43: {  	_ =	shalt  }
0x44: {  	_ =	shalt  }
0x45: {  	_ =	shalt  }
0x46: {  	_ =	shalt  }
0x47: {  	_ =	shalt  }
0x48: {  	_ =	shalt  }
0x49: {  	_ =	shalt  }
0x4a: {  	_ =	shalt  }
0x4b: {  	_ =	shalt  }
0x4c: {  	_ =	shalt  }
0x4d: {  	_ =	shalt  }
0x4e: {  	_ =	shalt  }
0x4f: {  	_ =	shalt  }
0x50: {  	_ =	shalt  }
0x51: {  	_ =	shalt  }
0x52: {  	_ =	shalt  }
0x53: {  	_ =	shalt  }
0x54: {  	_ =	shalt  }
0x55: {  	_ =	shalt  }
0x56: {  	_ =	shalt  }
0x57: {  	_ =	shalt  }
0x58: {  	_ =	shalt  }
0x59: {  	_ =	shalt  }
0x5a: {  	_ =	shalt  }
0x5b: {  	_ =	shalt  }
0x5c: {  	_ =	shalt  }
0x5d: {  	_ =	shalt  }
0x5e: {  	_ =	shalt  }
0x5f: {  	_ =	shalt  }
0x60: {  	_ =	shalt  }
0x61: {  	_ =	shalt  }
0x62: {  	_ =	shalt  }
0x63: {  	_ =	shalt  }
0x64: {  	_ =	shalt  }
0x65: {  	_ =	shalt  }
0x66: {  	_ =	shalt  }
0x67: {  	_ =	shalt  }
0x68: {  	_ =	shalt  }
0x69: {  	_ =	shalt  }
0x6a: {  	_ =	shalt  }
0x6b: {  	_ =	shalt  }
0x6c: {  	_ =	shalt  }
0x6d: {  	_ =	shalt  }
0x6e: {  	_ =	shalt  }
0x6f: {  	_ =	shalt  }
0x70: {  	_ =	shalt  }
0x71: {  	_ =	shalt  }
0x72: {  	_ =	shalt  }
0x73: {  	_ =	shalt  }
0x74: {  	_ =	shalt  }
0x75: {  	_ =	shalt  }
0x76: {  	_ =	shalt  }
0x77: {  	_ =	shalt  }
0x78: {  	_ =	shalt  }
0x79: {  	_ =	shalt  }
0x7a: {  	_ =	shalt  }
0x7b: {  	_ =	shalt  }
0x7c: {  	_ =	shalt  }
0x7d: {  	_ =	shalt  }
0x7e: {  	_ =	shalt  }
0x7f: {  	_ =	shalt  }
0x80: {  	_ =	shalt  }
0x81: {  	_ =	shalt  }
0x82: {  	_ =	shalt  }
0x83: {  	_ =	shalt  }
0x84: {  	_ =	shalt  }
0x85: {  	_ =	shalt  }
0x86: {  	_ =	shalt  }
0x87: {  	_ =	shalt  }
.Lfunc_end0:
.L_simem_size_0:
called_computation.4_lowered:
.L_overlay_start_0:
0x88: {  	s2 =	sld [smem:$0x3FD9]  }
0x89: {  	s3 =	sld [smem:$0x3FFE];
	_ =	sdelay $0x1  }
0x8a: {  	s1 =	srdreg.scid  }
0x8b: {  	s0 =	sand.u32 $0x1, s1  }
0x8c: {  	s17 =	sshll.u32 s0, $0xA;
	s2 =	sadd.s32 s3, s2  }
0x8d: {  	s2 =	sadd.s32 s2, s17  }
0x8e: {  	[smem:$0x3FB4] =	sst s2  }
0x8f: {  	_ = 	snop  }
0x90: {  	(tm) =	ssettm $0x1  }
0x91: {  	s18 =	sld [smem:$0x3FFB];
	_ =	sdelay $0x3  }
0x92: {  	_ =	strace s18  }
0x93: {  	s2 =	sld [smem:$0x3FFC];
	_ =	sdelay $0x3  }
0x94: {  	_ =	strace s2  }
0x95: {  	s2 =	sld [smem:$0x3FFD];
	_ =	sdelay $0x3  }
0x96: {  	_ =	strace s2  }
0x97: {  	_ =	strace $0x8FFFFFFF  }
0x98: {  	s19 =	sld [smem:$0x3FDB];
	_ =	sdelay $0x1  }
0x99: {  	s20 =	simm.s32 $_scs_section_size  }
0x9a: {  	s4 =	simm.s32 $_size__tile_overlayer_lowered;
	s5 =	simm.s32 $_tile_overlayer_lowered  }
0x9b: {  	s6 =	simm.s32 $0x1BFF;
	s21 =	sshll.u32 s5, $0x1;
	s3 =	sadd.s32 s20, s19  }
0x9c: {  	s22 =	simm.s32 $0x0;
	s4 =	sshll.u32 s4, $0x1;
	s5 =	sadd.s32 s21, s3  }
0x9d: {  	[timem:s22], [sflag:s6] =	dma.local [hbm:s5], s4  }
0x9e: {  	_ =	swait.ge [sflag:s6], s4  }
0x9f: {  	s4 =	ssub.s32 $0x0, s4;
	[sflag:s6] =	ssyncset.done $0x0  }
0xa0: {  	[sflag:s6] =	ssyncadd.s32 s4;
	_ =	sdelay $0x1  }
0xa1: {  	s23 =	simm.s32 $0x1B8B  }
0xa2: {  	_ =	swait.ge [sflag:s23], $0x1  }
0xa3: {  	[sflag:s23] =	ssyncset.done $0x0  }
0xa4: {  	[sflag:s23] =	ssyncadd.s32 $0xFFFFFFFF  }
0xa5: {  	s4 =	sld [smem:$0x0]  }
0xa6: {  	s5 =	sand.u32 $0xFFFFFFFE, s1  }
0xa7: {  	p0 =	sne.s32 s1, s5  }
0xa8: {  	s5 =	sshll.u32 @p0 s5, $0xE  }
0xa9: {  	s5 =	sadd.s32 @p0 $0x11B8D, s5;
	s6 =	sshll.u32 @p0 s4, $0x11  }
0xaa: {  	s5 =	sor.u32 @p0 s6, s5  }
0xab: {  	[sflag:s5] =	ssyncadd.remote.s32 @p0 $0x1;
	_ =	sdelay $0x1  }
0xac: {  	s5 =	simm.s32 @p0 $0x1B8D  }
0xad: {  	_ =	swait.eq @p0 [sflag:s5], $0x1  }
0xae: {  	[sflag:s5] =	ssyncadd.s32 @p0 $0xFFFFFFFF  }
0xaf: {  	s6 =	sshll.u32 @!p0 s1, $0xE  }
0xb0: {  	s6 =	sor.u32 @!p0 $0x4000, s6;
	s5 =	simm.s32 @!p0 $0x1B8D  }
0xb1: {  	s4 =	sshll.u32 @!p0 s4, $0x11;
	s6 =	sadd.s32 @!p0 $0x11B8D, s6;
	_ =	swait.eq @!p0 [sflag:s5], $0x1  }
0xb2: {  	s4 =	sor.u32 @!p0 s4, s6;
	[sflag:s5] =	ssyncadd.s32 @!p0 $0xFFFFFFFF  }
0xb3: {  	s25 =	simm.s32 $0x1B8E;
	s24 =	sld [smem:$0x3FFE];
	[sflag:s4] =	ssyncadd.remote.s32 @!p0 $0x1  }
0xb4: {  	s26 =	simm.s32 $execute0_lowered;
	[smem:$0x3FD2] =	sst s25  }
0xb5: {  	s5 =	sshll.u32 s26, $0x1;
	_ =	strace $0x8000004F;
	[dreg:$0x1] =	wrdreg $0xFFFFFFFF  }
0xb6: {  	s28 =	simm.s32 $_size_execute0_lowered;
	s3 =	sadd.s32 s3, s5;
	[dreg:$0x0] =	wrdreg $0x0  }
0xb7: {  	s5 =	sshll.u32 s28, $0x1;
	[dreg:$0x2] =	wrdreg s3  }
0xb8: {  	[dreg:$0x3] =	wrdreg s5  }
0xb9: {  	[dreg:$0x4] =	wrdreg $0xC0  }
0xba: {  	_ =	task [dreg:s22], $0x5FFFF  }
0xbb: {  	[dreg:$0x1] =	wrdreg $0xFFFFFFFF  }
0xbc: {  	[dreg:$0x0] =	wrdreg $0x60  }
0xbd: {  	[dreg:$0x2] =	wrdreg s24  }
0xbe: {  	[dreg:$0x3] =	wrdreg $0xA  }
0xbf: {  	_ =	task.clear_ibuf [dreg:s22], $0x4FFFF;
	_ =	strace $0x9000004F  }
0xc0: {  	s29 =	simm.s32 $0xA;
	_ =	strace $0x80000051  }
0xc1: {  	_ =	swait.ge [sflag:s29], $0x1  }
0xc2: {  	[sflag:s29] =	ssyncadd.s32 $0xFFFFFFFF  }
0xc3: {  	_ =	strace $0x90000051  }
0xc4: {  	_ =	sfence  }
0xc5: {  	s30 =	sld [smem:$0x0];
	_ =	sdelay $0x2  }
0xc6: {  	s31 =	sshll.u32 s1, $0xD;
	s1 =	sshrl.u32 s1, $0x2  }
0xc7: {  	s4 =	sand.u32 $0x4000, s31;
	s1 =	sadd.s32 s1, s30  }
0xc8: {  	s0 =	sor.u32 s4, s0;
	s1 =	sshll.u32 s1, $0x11  }
0xc9: {  	s0 =	sor.u32 s1, s0  }
0xca: {  	s0 =	sadd.s32 $0x8F2B, s0  }
0xcb: {  	[sflag:s0] =	ssyncadd.remote.s32 $0x1  }
0xcc: {  	_ =	sfence.sel $0xFFFF  }
0xcd: {  	[dreg:$0x0] =	wrdreg $0xFFFFFFFF;
	(pc) =	sbr.abs _section_cstart, $3  }
0xce: {  	[dreg:$0x1] =	wrdreg $0xFFFFFFFF  }
0xcf: {  	_ =	task.clear_ibuf [dreg:s22], $0x2FFFF;
	_ =	strace $0x9FFFFFFF  }
0xd0: {  	(tm) =	ssettm $0x7FFFFFFF  }
0xd1: {  	_ =	shalt  }
tec
execute0_lowered:
.L_overlay_start_1:
0x0: {  	(tag) =	ssettag $0x1  }
0x1: {  	s1 =	srdreg.scid  }
0x2: {  	s0 =	stileid.u32;
	s4 =	rddreg [dreg:$0x0];
	s14 =	simm.s32 $0x4A00  }
0x3: {  	s15 =	simm.s32 $0x1;
	s16 =	simm.s32 $0x2;
	s10 =	smul.u32 $0x14000, s0  }
0x4: {  	s17 =	simm.s32 $0x0;
	s3 =	sshrl.u32 s0, $0x2;
	s13 =	smul.u32 $0xA0000, s0  }
0x5: {  	s5 =	sand.u32 $0x1, s1;
	s2 =	sshll.u32 s0, $0x1;
	s3 =	smul.u32 $0x5000, s3  }
0x6: {  	s1 =	rddreg [dreg:$0x1];
	s11 =	sadd.s32 $0x43E600, s4;
	s12 =	smul.u32 $0xA000, s5  }
0x7: {  	s6 =	sor.u32 s5, s2;
	s2 =	simm.s32 $0x0;
	s28 =	smul.u32 $0x50000, s5  }
0x8: {  	s24 =	ssub.s32 $0x2, s5;
	s7 =	sshll.u32 s6, $0x7;
	s8 =	smul.u32 $0x50000, s6  }
0x9: {  	[smem:$0x7FF] =	sst s2;
	s9 =	smul.u32 $0xA000, s6;
	s25 =	sshrl.u32 s24, $0x1  }
0xa: {  	s29 =	sadd.s32 s10, s11;
	s7 =	sand.u32 $0x380, s7;
	_ =	strace $0x80000050  }
0xb: {  	s10 =	sadd.s32 s12, s29;
	s30 =	sadd.s32 s28, s13;
	s12 =	simm.s32 $0x3  }
0xc: {  	s13 =	simm.s32 $0xA00;
	s7 =	sor.u32 s3, s7;
	s3 =	sadd.s32 $0x41E600, s4  }
0xd: {  	s8 =	sshrl.u32 s8, $0x3;
	s9 =	sadd.s32 s9, s11;
	s31 =	sshrl.u32 s30, $0x3  }
0xe: {  	s7 =	sshrl.u32 s7, $0x3;
	s26 =	sadd.s32 s11, s8;
	s8 =	sadd.s32 $0x800, s10  }
0xf: {  	s10 =	simm.s32 $0x80;
	s23 =	sadd.s32 s7, s4;
	s7 =	ssub.s32 s24, s25  }
0x10: {  	s6 =	sadd.s32 $0x9000, s26;
	s4 =	sadd.s32 $0x16A00, s23;
	s5 =	smax.u32 s7, $0x1  }
0x11: {  	s7 =	sadd.s32 $0x9800, s9;
	s9 =	sadd.s32 s31, s11;
	s11 =	simm.s32 $0x400  }
.LBB2_1:
0x12: {  	[tilespmem:s2], [sflag:$0x3] =	stream.strided.gather [hbm4b:s4+s10], $0xA00, s11, s10, $0x38;
	[tilespmem:$0x8A00] =	vst v63  }
0x13: {  	_ =	swait.ge [sflag:s12], $0xA00  }
0x14: {  	[sflag:s12] =	ssyncset.done $0x0  }
0x15: {  	[sflag:s12] =	ssyncadd.s32 $0xFFFFF600  }
0x16: {  	[tilespmem:s13], [sflag:$0x1] =	stream.indirect.gather [hbm4b:s3+s10], $0x80, s2, s10, $0xb8;
	[tilespmem:$0x8A00] =	vst v63  }
0x17: {  	_ = 	snop  }
0x18: {  	[tilespmem:s14], [sflag:$0x2] =	stream.indirect.gather [hbm4b:s3+s10], $0x80, s10, s10, $0xb8;
	[tilespmem:$0x8A00] =	vst v63  }
0x19: {  	_ =	swait.ge [sflag:s15], $0x4000  }
0x1a: {  	[sflag:s15] =	ssyncset.done $0x0  }
0x1b: {  	s18 =	sadd.s32 $0x0, s9;
	[sflag:s15] =	ssyncadd.s32 $0xFFFFC000  }
0x1c: {  	[hbm4b:s18+s2] =	stream.linear.scatter [tilespmem:s13], [sflag:$0x3], $0x4000, $0x38;
	[tilespmem:$0x8A00] =	vst v63  }
0x1d: {  	_ =	swait.ge [sflag:s12], $0x4000  }
0x1e: {  	[sflag:s12] =	ssyncset.done $0x0  }
0x1f: {  	s30 =	simm.s32 $0x100;
	[sflag:s12] =	ssyncadd.s32 $0xFFFFC000  }
0x20: {  	[tilespmem:s13], [sflag:$0x1] =	stream.indirect.gather [hbm4b:s3+s10], $0x80, s30, s10, $0xb8;
	[tilespmem:$0x8A00] =	vst v63  }
0x21: {  	_ =	swait.ge [sflag:s16], $0x4000  }
0x22: {  	[sflag:s16] =	ssyncset.done $0x0  }
0x23: {  	s31 =	sadd.s32 $0x0, s8;
	[sflag:s16] =	ssyncadd.s32 $0xFFFFC000  }
0x24: {  	[hbm4b:s31+s2] =	stream.linear.scatter [tilespmem:s14], [sflag:$0x3], $0x4000, $0x38;
	[tilespmem:$0x8A00] =	vst v63  }
0x25: {  	_ =	swait.ge [sflag:s12], $0x4000  }
0x26: {  	s19 =	simm.s32 $0x1000;
	[sflag:s12] =	ssyncset.done $0x0  }
0x27: {  	s20 =	simm.s32 $0x280;
	s18 =	simm.s32 $0x180;
	[sflag:s12] =	ssyncadd.s32 $0xFFFFC000  }
.LBB2_2:
0x28: {  	[tilespmem:s14], [sflag:$0x2] =	stream.indirect.gather [hbm4b:s3+s10], $0x80, s18, s10, $0xb8;
	[tilespmem:$0x8A00] =	vst v63  }
0x29: {  	s21 =	smov.u32 s19;
	s18 =	smov.u32 s20  }
0x2a: {  	p0 =	sne.s32 s19, $0x8000;
	s19 =	sadd.s32 $0x1000, s19;
	_ =	swait.ge [sflag:s15], $0x4000  }
0x2b: {  	[sflag:s15] =	ssyncset.done $0x0  }
0x2c: {  	s22 =	sadd.s32 s21, s9;
	[sflag:s15] =	ssyncadd.s32 $0xFFFFC000  }
0x2d: {  	[hbm4b:s22+s2] =	stream.linear.scatter [tilespmem:s13], [sflag:$0x3], $0x4000, $0x38;
	[tilespmem:$0x8A00] =	vst v63  }
0x2e: {  	_ =	swait.ge [sflag:s12], $0x4000  }
0x2f: {  	[sflag:s12] =	ssyncset.done $0x0  }
0x30: {  	s22 =	sadd.s32 $0xFFFFFF80, s20;
	[sflag:s12] =	ssyncadd.s32 $0xFFFFC000  }
0x31: {  	[tilespmem:s13], [sflag:$0x1] =	stream.indirect.gather [hbm4b:s3+s10], $0x80, s22, s10, $0xb8;
	[tilespmem:$0x8A00] =	vst v63  }
0x32: {  	_ =	swait.ge [sflag:s16], $0x4000  }
0x33: {  	[sflag:s16] =	ssyncset.done $0x0  }
.Ltmp0:
0x34: {  	s21 =	sadd.s32 s21, s8;
	[sflag:s16] =	ssyncadd.s32 $0xFFFFC000;
	(pc) =	sbr.rel @p0 .LBB2_2-.Ltmp0, $4  }
0x35: {  	[hbm4b:s21+s2] =	stream.linear.scatter [tilespmem:s14], [sflag:$0x3], $0x4000, $0x38;
	[tilespmem:$0x8A00] =	vst v63  }
0x36: {  	_ =	swait.ge [sflag:s12], $0x4000  }
0x37: {  	[sflag:s12] =	ssyncset.done $0x0  }
0x38: {  	s20 =	sadd.s32 $0x100, s20;
	[sflag:s12] =	ssyncadd.s32 $0xFFFFC000  }
0x39: {  	[tilespmem:s14], [sflag:$0x2] =	stream.indirect.gather [hbm4b:s3+s10], $0x80, s18, s10, $0xb8;
	[tilespmem:$0x8A00] =	vst v63  }
0x3a: {  	_ =	swait.ge [sflag:s15], $0x4000  }
0x3b: {  	[sflag:s15] =	ssyncset.done $0x0  }
0x3c: {  	[sflag:s15] =	ssyncadd.s32 $0xFFFFC000  }
0x3d: {  	[hbm4b:s6+s2] =	stream.linear.scatter [tilespmem:s13], [sflag:$0x3], $0x4000, $0x38;
	[tilespmem:$0x8A00] =	vst v63  }
0x3e: {  	_ =	swait.ge [sflag:s12], $0x4000  }
0x3f: {  	[sflag:s12] =	ssyncset.done $0x0  }
0x40: {  	[sflag:s12] =	ssyncadd.s32 $0xFFFFC000  }
0x41: {  	s17 =	sadd.s32 $0x1, s17;
	_ =	swait.ge [sflag:s16], $0x4000  }
0x42: {  	p0 =	sne.s32 s17, s5;
	[sflag:s16] =	ssyncset.done $0x0  }
.Ltmp1:
0x43: {  	[sflag:s16] =	ssyncadd.s32 $0xFFFFC000;
	(pc) =	sbr.rel @p0 .LBB2_1-.Ltmp1, $4  }
0x44: {  	[hbm4b:s7+s2] =	stream.linear.scatter [tilespmem:s14], [sflag:$0x3], $0x4000, $0x38;
	[tilespmem:$0x8A00] =	vst v63  }
0x45: {  	_ =	swait.ge [sflag:s12], $0x4000  }
0x46: {  	[sflag:s12] =	ssyncset.done $0x0  }
0x47: {  	[sflag:s12] =	ssyncadd.s32 $0xFFFFC000  }
0x48: {  	_ =	sfence.sel $0x180000  }
0x49: {  	[bflag:$0x0] =	sbarrier.arrive $0xFFFF  }
0x4a: {  	p0 =	sne.s32 s0, $0x0;
	_ =	strace $0x90000050  }
0x4b: {  	s0 =	sadd.s32 @!p0 $0x100000, s1;
	[bflag:$0x2] =	sbarrier.arrive $0xFFFF  }
0x4c: {  	[sflag:s0] =	ssyncadd.tile.s32 @!p0 $0x1;
	_ =	shalt  }
.Lfunc_end2:
_tile_overlayer_lowered:
.L_overlay_start_2:
0x4d: {  	(tag) =	ssettag $0x2  }
0x4e: {  	s0 =	rddreg [dreg:$0x0];
	s2 =	stileid.u32  }
0x4f: {  	s1 =	rddreg [dreg:$0x1];
	p0 =	sne.s32 s2, $0x0  }
0x50: {  	s3 =	rddreg [dreg:$0x2];
	[bflag:$0x3] =	sbarrier.arrive $0xFFFF;
	s2 =	simm.s32 @!p0 $0x1C03  }
0x51: {  	[timem:s3], [sflag:s2] =	dma.local @!p0 [hbm:s0], s1  }
0x52: {  	s0 =	simm.s32 @!p0 $0x3  }
0x53: {  	_ =	swait.ge @!p0 [sflag:s0], s1  }
0x54: {  	s1 =	ssub.s32 @!p0 $0x0, s1;
	[sflag:s0] =	ssyncset.done @!p0 $0x0  }
0x55: {  	[sflag:s0] =	ssyncadd.s32 @!p0 s1  }
0x56: {  	[bflag:$0x3] =	sbarrier.arrive $0xFFFF  }
0x57: {  	_ =	shalt  }

// kernel: kernel.31.cloned.1.call-start
scs
__scs_entry_jumppad:
0x0: {  	(pc) =	sbr.rel $0x88, $3  }
0x1: {  	(tag) =	ssettag $0x0;
	lr =	simm.s32 $0x1  }
0x2: {  	[smem:$0x3F8D] =	sst lr;
	_ =	strace $0xD0000000  }
0x3: {  	_ = 	snop  }
0x4: {  	_ = 	snop  }
0x5: {  	_ = 	snop  }
0x6: {  	_ = 	snop  }
0x7: {  	_ = 	snop  }
__scs_overlays_trampoline_lowered:
0x8: {  	[smem:$0x3F9C] =	sst s0  }
0x9: {  	[smem:$0x3F9D] =	sst s1  }
0xa: {  	[smem:$0x3F9E] =	sst s2  }
0xb: {  	[smem:$0x3F9F] =	sst s3  }
0xc: {  	[smem:$0x3FA0] =	sst s4  }
0xd: {  	[smem:$0x3FA1] =	sst s5  }
0xe: {  	[smem:$0x3FA2] =	sst s6  }
0xf: {  	[smem:$0x3FA3] =	sst s7  }
0x10: {  	[smem:$0x3FA4] =	sst s8  }
0x11: {  	[smem:$0x3FA5] =	sst s9;
	s0 =	simm.s32 @!p0 $0x0  }
0x12: {  	s1 =	sld [smem:$0x3F8B];
	s0 =	simm.s32 @p0 $0x1  }
0x13: {  	[smem:$0x3FA6] =	sst s0;
	s0 =	simm.s32 @!p1 $0x0  }
0x14: {  	s2 =	sld [smem:$0x3F8A];
	s0 =	simm.s32 @p1 $0x1  }
0x15: {  	[smem:$0x3FA7] =	sst s0;
	s0 =	simm.s32 @!p2 $0x0  }
0x16: {  	s3 =	sld [smem:$0x3FDB];
	s0 =	simm.s32 @p2 $0x1  }
0x17: {  	s4 =	simm.s32 $0x1BF5;
	[smem:$0x3FA9] =	sst s0  }
0x18: {  	s0 =	sld [smem:$0x3F8C];
	_ =	swait.ge [sflag:s4], $0x0  }
0x19: {  	s7 =	sld [smem:$0x3F8D]  }
0x1a: {  	s8 =	sadd.s32 $0xFFFFE003, lr  }
0x1b: {  	s9 =	sadd.s32 $0xFFFFFEF7, lr;
	s5 =	simm.s32 $0xFFFFFFFF;
	p2 =	slt.u32 s8, $0xFFFFF086  }
0x1c: {  	p1 =	slt.u32 s9, $0xF7A;
	s5 =	simm.s32 @!p2 $0x0  }
0x1d: {  	s5 =	simm.s32 @p1 $0x1;
	p0 =	seq.s32 s7, s2  }
0x1e: {  	s7 =	smul.u32 @!p0 $0xF7A, s2;
	p2 =	seq.s32 @!p0 s5, $0x0  }
0x1f: {  	s9 =	smul.u32 $0xF7A, s1;
	s8 =	simm.s32 @!p0 $0x1BF5;
	p2 =	por !p2, p0  }
0x20: {  	[sflag:s8] =	ssyncset.s32 @!p0 $0xFFFFF086;
	s6 =	sadd.s32 @!p0 s3, s7;
	s7 =	simm.s32 @!p0 $0x108  }
0x21: {  	s3 =	sadd.s32 s3, s9;
	s6 =	sadd.s32 @!p0 $0x88, s6;
	s7 =	simm.s32 @p2 $0x1082  }
0x22: {  	[simem:s7], [sflag:s8] =	dma.local @!p0 [hbm:s6], $0xF7A  }
0x23: {  	s9 =	sor.u32 $0xD0000000, s2;
	s6 =	simm.s32 $0x108;
	_ =	swait.ge @!p0 [sflag:s8], $0x0  }
0x24: {  	s3 =	sadd.s32 $0x88, s3;
	s6 =	simm.s32 @!p1 $0x1082;
	[sflag:s4] =	ssyncset.s32 $0xFFFFF086  }
0x25: {  	[simem:s6], [sflag:s4] =	dma.local [hbm:s3], $0xF7A  }
0x26: {  	[smem:$0x3F8D] =	sst s1;
	(tag) =	ssettag s2;
	_ =	strace s9  }
0x27: {  	s1 =	sld [smem:$0x3F9D]  }
0x28: {  	s2 =	sld [smem:$0x3F9E]  }
0x29: {  	s4 =	sld [smem:$0x3FA0]  }
0x2a: {  	p0 =	seq.s32 s5, $0x0;
	s5 =	sld [smem:$0x3FA1]  }
0x2b: {  	s6 =	sld [smem:$0x3FA2]  }
0x2c: {  	s7 =	sld [smem:$0x3FA3]  }
0x2d: {  	s3 =	simm.s32 $0x108;
	s8 =	sld [smem:$0x3FA4]  }
0x2e: {  	s3 =	simm.s32 @!p0 $0x1082;
	s9 =	sld [smem:$0x3FA5]  }
0x2f: {  	lr =	sadd.s32 s0, s3;
	s0 =	sld [smem:$0x3F9C]  }
0x30: {  	s3 =	sld [smem:$0x3F9F]  }
0x31: {  	[smem:$0x3FA8] =	sst s10  }
0x32: {  	s10 =	sld [smem:$0x3FA6];
	_ =	sdelay $0x3  }
0x33: {  	p0 =	seq.s32 s10, $0x1;
	s10 =	sld [smem:$0x3FA8];
	_ =	sdelay $0x3  }
0x34: {  	[smem:$0x3FA8] =	sst s10  }
0x35: {  	s10 =	sld [smem:$0x3FA7];
	_ =	sdelay $0x3  }
0x36: {  	p1 =	seq.s32 s10, $0x1;
	s10 =	sld [smem:$0x3FA8];
	_ =	sdelay $0x3  }
0x37: {  	[smem:$0x3FA8] =	sst s10  }
0x38: {  	s10 =	sld [smem:$0x3FA9]  }
0x39: {  	_ = 	snop;
	(pc) =	sbr.ind lr, $3  }
0x3a: {  	_ = 	snop  }
0x3b: {  	_ = 	snop  }
0x3c: {  	p2 =	seq.s32 s10, $0x1;
	s10 =	sld [smem:$0x3FA8]  }
0x3d: {  	_ =	shalt  }
0x3e: {  	_ =	shalt  }
0x3f: {  	_ =	shalt  }
0x40: {  	_ =	shalt  }
0x41: {  	_ =	shalt  }
0x42: {  	_ =	shalt  }
0x43: {  	_ =	shalt  }
0x44: {  	_ =	shalt  }
0x45: {  	_ =	shalt  }
0x46: {  	_ =	shalt  }
0x47: {  	_ =	shalt  }
0x48: {  	_ =	shalt  }
0x49: {  	_ =	shalt  }
0x4a: {  	_ =	shalt  }
0x4b: {  	_ =	shalt  }
0x4c: {  	_ =	shalt  }
0x4d: {  	_ =	shalt  }
0x4e: {  	_ =	shalt  }
0x4f: {  	_ =	shalt  }
0x50: {  	_ =	shalt  }
0x51: {  	_ =	shalt  }
0x52: {  	_ =	shalt  }
0x53: {  	_ =	shalt  }
0x54: {  	_ =	shalt  }
0x55: {  	_ =	shalt  }
0x56: {  	_ =	shalt  }
0x57: {  	_ =	shalt  }
0x58: {  	_ =	shalt  }
0x59: {  	_ =	shalt  }
0x5a: {  	_ =	shalt  }
0x5b: {  	_ =	shalt  }
0x5c: {  	_ =	shalt  }
0x5d: {  	_ =	shalt  }
0x5e: {  	_ =	shalt  }
0x5f: {  	_ =	shalt  }
0x60: {  	_ =	shalt  }
0x61: {  	_ =	shalt  }
0x62: {  	_ =	shalt  }
0x63: {  	_ =	shalt  }
0x64: {  	_ =	shalt  }
0x65: {  	_ =	shalt  }
0x66: {  	_ =	shalt  }
0x67: {  	_ =	shalt  }
0x68: {  	_ =	shalt  }
0x69: {  	_ =	shalt  }
0x6a: {  	_ =	shalt  }
0x6b: {  	_ =	shalt  }
0x6c: {  	_ =	shalt  }
0x6d: {  	_ =	shalt  }
0x6e: {  	_ =	shalt  }
0x6f: {  	_ =	shalt  }
0x70: {  	_ =	shalt  }
0x71: {  	_ =	shalt  }
0x72: {  	_ =	shalt  }
0x73: {  	_ =	shalt  }
0x74: {  	_ =	shalt  }
0x75: {  	_ =	shalt  }
0x76: {  	_ =	shalt  }
0x77: {  	_ =	shalt  }
0x78: {  	_ =	shalt  }
0x79: {  	_ =	shalt  }
0x7a: {  	_ =	shalt  }
0x7b: {  	_ =	shalt  }
0x7c: {  	_ =	shalt  }
0x7d: {  	_ =	shalt  }
0x7e: {  	_ =	shalt  }
0x7f: {  	_ =	shalt  }
0x80: {  	_ =	shalt  }
0x81: {  	_ =	shalt  }
0x82: {  	_ =	shalt  }
0x83: {  	_ =	shalt  }
0x84: {  	_ =	shalt  }
0x85: {  	_ =	shalt  }
0x86: {  	_ =	shalt  }
0x87: {  	_ =	shalt  }
.Lfunc_end0:
.L_simem_size_0:
called_computation.5_lowered:
.L_overlay_start_0:
0x88: {  	s2 =	sld [smem:$0x3FD9]  }
0x89: {  	s3 =	sld [smem:$0x3FFE];
	_ =	sdelay $0x1  }
0x8a: {  	s1 =	srdreg.scid  }
0x8b: {  	s0 =	sand.u32 $0x1, s1  }
0x8c: {  	s17 =	sshll.u32 s0, $0xA;
	s2 =	sadd.s32 s3, s2  }
0x8d: {  	s2 =	sadd.s32 s2, s17  }
0x8e: {  	[smem:$0x3FB4] =	sst s2  }
0x8f: {  	_ = 	snop  }
0x90: {  	s18 =	sld [smem:$0x3FD0];
	(tm) =	ssettm $0x1  }
0x91: {  	s19 =	sld [smem:$0x3FFB];
	_ =	sdelay $0x3  }
0x92: {  	_ =	strace s19  }
0x93: {  	s2 =	sld [smem:$0x3FFC];
	_ =	sdelay $0x3  }
0x94: {  	_ =	strace s2  }
0x95: {  	s2 =	sld [smem:$0x3FFD];
	_ =	sdelay $0x3  }
0x96: {  	_ =	strace s2  }
0x97: {  	_ =	strace $0x8FFFFFFF  }
0x98: {  	s20 =	sld [smem:$0x3FDB];
	_ =	sdelay $0x1  }
0x99: {  	s4 =	simm.s32 $_scs_section_size  }
0x9a: {  	s5 =	simm.s32 $_size__tile_overlayer_lowered;
	s6 =	simm.s32 $_tile_overlayer_lowered  }
0x9b: {  	s7 =	simm.s32 $0x1BFF;
	s21 =	sshll.u32 s6, $0x1;
	s4 =	sadd.s32 s4, s20  }
0x9c: {  	s22 =	simm.s32 $0x0;
	s5 =	sshll.u32 s5, $0x1;
	s6 =	sadd.s32 s21, s4  }
0x9d: {  	[timem:s22], [sflag:s7] =	dma.local [hbm:s6], s5  }
0x9e: {  	_ =	swait.ge [sflag:s7], s5  }
0x9f: {  	s5 =	ssub.s32 $0x0, s5;
	[sflag:s7] =	ssyncset.done $0x0  }
0xa0: {  	[sflag:s7] =	ssyncadd.s32 s5;
	_ =	sdelay $0x1  }
0xa1: {  	s23 =	simm.s32 $0x1B8B  }
0xa2: {  	_ =	swait.ge [sflag:s23], $0x1  }
0xa3: {  	[sflag:s23] =	ssyncset.done $0x0  }
0xa4: {  	[sflag:s23] =	ssyncadd.s32 $0xFFFFFFFF  }
0xa5: {  	s5 =	sld [smem:$0x0]  }
0xa6: {  	s6 =	sand.u32 $0xFFFFFFFE, s1  }
0xa7: {  	p0 =	sne.s32 s1, s6  }
0xa8: {  	s6 =	sshll.u32 @p0 s6, $0xE  }
0xa9: {  	s6 =	sadd.s32 @p0 $0x11B8D, s6;
	s7 =	sshll.u32 @p0 s5, $0x11  }
0xaa: {  	s6 =	sor.u32 @p0 s7, s6  }
0xab: {  	[sflag:s6] =	ssyncadd.remote.s32 @p0 $0x1;
	_ =	sdelay $0x1  }
0xac: {  	s6 =	simm.s32 @p0 $0x1B8D  }
0xad: {  	_ =	swait.eq @p0 [sflag:s6], $0x1  }
0xae: {  	[sflag:s6] =	ssyncadd.s32 @p0 $0xFFFFFFFF  }
0xaf: {  	s7 =	sshll.u32 @!p0 s1, $0xE  }
0xb0: {  	s7 =	sor.u32 @!p0 $0x4000, s7;
	s6 =	simm.s32 @!p0 $0x1B8D  }
0xb1: {  	s5 =	sshll.u32 @!p0 s5, $0x11;
	s7 =	sadd.s32 @!p0 $0x11B8D, s7;
	_ =	swait.eq @!p0 [sflag:s6], $0x1  }
0xb2: {  	s5 =	sor.u32 @!p0 s5, s7;
	[sflag:s6] =	ssyncadd.s32 @!p0 $0xFFFFFFFF  }
0xb3: {  	s25 =	simm.s32 $0x1B8E;
	s24 =	sld [smem:$0x3FFE];
	[sflag:s5] =	ssyncadd.remote.s32 @!p0 $0x1  }
0xb4: {  	s26 =	simm.s32 $execute0_lowered;
	[smem:$0x3FD2] =	sst s25  }
0xb5: {  	s6 =	sshll.u32 s26, $0x1;
	_ =	strace $0x80000055;
	[dreg:$0x1] =	wrdreg $0xFFFFFFFF  }
0xb6: {  	s28 =	simm.s32 $_size_execute0_lowered;
	s4 =	sadd.s32 s4, s6;
	[dreg:$0x0] =	wrdreg $0x0  }
0xb7: {  	s6 =	sshll.u32 s28, $0x1;
	[dreg:$0x2] =	wrdreg s4  }
0xb8: {  	[dreg:$0x3] =	wrdreg s6  }
0xb9: {  	[dreg:$0x4] =	wrdreg $0xC0  }
0xba: {  	_ =	task [dreg:s22], $0x5FFFF  }
0xbb: {  	[dreg:$0x1] =	wrdreg $0xFFFFFFFF  }
0xbc: {  	[dreg:$0x0] =	wrdreg $0x60  }
0xbd: {  	[dreg:$0x2] =	wrdreg s18  }
0xbe: {  	[dreg:$0x3] =	wrdreg s24  }
0xbf: {  	[dreg:$0x4] =	wrdreg $0xA  }
0xc0: {  	_ =	task.clear_ibuf [dreg:s22], $0x5FFFF;
	_ =	strace $0x90000055  }
0xc1: {  	s29 =	simm.s32 $0xA;
	_ =	strace $0x80000057  }
0xc2: {  	_ =	swait.ge [sflag:s29], $0x1  }
0xc3: {  	[sflag:s29] =	ssyncadd.s32 $0xFFFFFFFF  }
0xc4: {  	_ =	strace $0x90000057  }
0xc5: {  	_ =	sfence  }
0xc6: {  	s30 =	sld [smem:$0x0];
	_ =	sdelay $0x2  }
0xc7: {  	s31 =	sshll.u32 s1, $0xD;
	s1 =	sshrl.u32 s1, $0x2  }
0xc8: {  	s4 =	sand.u32 $0x4000, s31;
	s1 =	sadd.s32 s1, s30  }
0xc9: {  	s0 =	sor.u32 s4, s0;
	s1 =	sshll.u32 s1, $0x11  }
0xca: {  	s0 =	sor.u32 s1, s0  }
0xcb: {  	s0 =	sadd.s32 $0x8F2B, s0  }
0xcc: {  	[sflag:s0] =	ssyncadd.remote.s32 $0x1  }
0xcd: {  	_ =	sfence.sel $0xFFFF  }
0xce: {  	[dreg:$0x0] =	wrdreg $0xFFFFFFFF;
	(pc) =	sbr.abs _section_cstart, $3  }
0xcf: {  	[dreg:$0x1] =	wrdreg $0xFFFFFFFF  }
0xd0: {  	_ =	task.clear_ibuf [dreg:s22], $0x2FFFF;
	_ =	strace $0x9FFFFFFF  }
0xd1: {  	(tm) =	ssettm $0x7FFFFFFF  }
tec
execute0_lowered:
.L_overlay_start_1:
0x0: {  	(tag) =	ssettag $0x1  }
0x1: {  	s2 =	rddreg [dreg:$0x0]  }
0x2: {  	s0 =	rddreg [dreg:$0x1];
	s3 =	simm.s32 $0x0  }
0x3: {  	s7 =	stileid.u32;
	s4 =	srdreg.scid;
	s9 =	simm.s32 $0x3  }
0x4: {  	s10 =	simm.s32 $0x800;
	s22 =	simm.s32 $0x6800;
	s23 =	simm.s32 $0x7000  }
0x5: {  	s24 =	simm.s32 $0x7800;
	s28 =	simm.s32 $0x9000;
	s29 =	simm.s32 $0x9800  }
0x6: {  	s30 =	simm.s32 $0xA000;
	s31 =	simm.s32 $0xA800;
	s11 =	simm.s32 $0xE000  }
0x7: {  	s12 =	simm.s32 $0xE800;
	s13 =	simm.s32 $0xF000;
	s14 =	simm.s32 $0xF800  }
0x8: {  	s15 =	simm.s32 $0x10000;
	s16 =	simm.s32 $0x1;
	s17 =	simm.s32 $0x2  }
0x9: {  	s19 =	simm.s32 $0x0;
	[smem:$0x7FF] =	sst s3;
	s1 =	sshll.u32 s7, $0x9  }
0xa: {  	s4 =	sand.u32 $0x1, s4;
	s5 =	sshll.u32 s7, $0x5;
	s7 =	sshll.u32 s7, $0x11  }
0xb: {  	_ =	strace $0x80000056;
	s1 =	sand.u32 $0x1800, s1;
	s6 =	sshll.u32 s4, $0x4  }
0xc: {  	s8 =	ssub.s32 $0x2, s4;
	s4 =	sshll.u32 s4, $0x10;
	s1 =	sadd.s32 s1, s0  }
0xd: {  	s5 =	sor.u32 s6, s5;
	s0 =	sadd.s32 s7, s0;
	s25 =	sshrl.u32 s8, $0x1  }
0xe: {  	s7 =	simm.s32 $0xC000;
	s5 =	sand.u32 $0x70, s5;
	s6 =	ssub.s32 s8, s25  }
.Ltmp0:
0xf: {  	s0 =	sadd.s32 s4, s0;
	s25 =	simm.s32 $0x8000;
	(pc) =	sbr.rel .LBB2_1-.Ltmp0, $4  }
0x10: {  	s8 =	simm.s32 $0xC800;
	s4 =	simm.s32 $0xD000;
	s1 =	sadd.s32 s5, s1  }
0x11: {  	v2 =	vlaneseq.u32;
	s26 =	smax.u32 s6, $0x1;
	s6 =	sadd.s32 $0x30BE00, s0;
	s0 =	simm.s32 $0xB000  }
0x12: {  	vm0 =	vmmov $0xffff;
	v1 =	vshrl.u32 v2, $0x3;
	s5 =	simm.s32 $0xD800;
	s1 =	sadd.s32 $0x169400, s1;
	[dreg:$0x4] =	wrdreg s26  }
0x13: {  	v0 =	vand.u32 $0x7, v2;
	v2 =	vor.u32 $0x8, v2;
	v1 =	vmul.u32 $0x8, v1;
	s26 =	simm.s32 $0x8800;
	[dreg:$0x3] =	wrdreg s1;
	s1 =	simm.s32 $0xB800  }
.LBB2_6:
0x14: {  	s19 =	rddreg [dreg:$0x5]  }
0x15: {  	s18 =	rddreg [dreg:$0x4];
	s19 =	sadd.s32 $0x1, s19  }
0x16: {  	p0 =	sne.s32 s19, s18  }
.Ltmp1:
0x17: {  	_ = 	snop;
	(pc) =	sbr.rel @!p0 .LBB2_7-.Ltmp1, $1  }
0x18: {  	_ =	sdelay $0x3  }
.LBB2_1:
0x19: {  	[dreg:$0x5] =	wrdreg s19  }
0x1a: {  	s18 =	rddreg [dreg:$0x3];
	s21 =	simm.s32 $0x80;
	s20 =	simm.s32 $0x400  }
0x1b: {  	[tilespmem:s3], [sflag:$0x3] =	stream.strided.gather [hbm4b:s18+s21], $0x800, s20, s21, $0x38;
	[tilespmem:$0x10800] =	vst v63  }
0x1c: {  	_ =	swait.ge [sflag:s9], $0x800  }
0x1d: {  	[sflag:s9] =	ssyncset.done $0x0  }
0x1e: {  	[sflag:s9] =	ssyncadd.s32 $0xFFFFF800  }
0x1f: {  	v3 =	vld [tilespmem:$0x0];
	_ =	sdelay $0x4  }
0x20: {  	v4 =	vshll.u32 v3, $0x1  }
0x21: {  	v3 =	vand.u32 $0x7, v3;
	v4 =	vand.u32 $0xFFFFFFF0, v4  }
0x22: {  	v3 =	vor.u32 v3, v4  }
0x23: {  	v4 =	vperm.xlane v3, v0;
	_ =	sdelay $0x1  }
0x24: {  	v3 =	vperm.xlane v3, v2;
	v4 =	vadd.s32 v1, v4;
	_ =	sdelay $0x1  }
0x25: {  	v3 =	vadd.s32 v1, v3;
	_ =	sdelay $0x2  }
0x26: {  	[tilespmem:s10], [sflag:$0x1] =	stream.indirect_vreg.gather [hbm4b:s2+s3], $0x80, v4, vm0, $0xb8;
	[tilespmem:$0x10800] =	vst v63  }
0x27: {  	s20 =	simm.s32 $0x1000  }
0x28: {  	[tilespmem:s20], [sflag:$0x1] =	stream.indirect_vreg.gather [hbm4b:s2+s3], $0x80, v3, vm0, $0xb8;
	[tilespmem:$0x10800] =	vst v63  }
0x29: {  	v3 =	vld [tilespmem:$0x10];
	_ =	sdelay $0x4  }
0x2a: {  	v49 =	vshll.u32 v3, $0x1  }
0x2b: {  	v3 =	vand.u32 $0x7, v3;
	v4 =	vand.u32 $0xFFFFFFF0, v49  }
0x2c: {  	v3 =	vor.u32 v3, v4  }
0x2d: {  	v4 =	vperm.xlane v3, v0;
	_ =	sdelay $0x1  }
0x2e: {  	v3 =	vperm.xlane v3, v2;
	v4 =	vadd.s32 v1, v4;
	_ =	sdelay $0x1  }
0x2f: {  	v3 =	vadd.s32 v1, v3;
	_ =	sdelay $0x1  }
0x30: {  	s21 =	simm.s32 $0x1800  }
0x31: {  	[tilespmem:s21], [sflag:$0x1] =	stream.indirect_vreg.gather [hbm4b:s2+s3], $0x80, v4, vm0, $0xb8;
	[tilespmem:$0x10800] =	vst v63  }
0x32: {  	s19 =	simm.s32 $0x2000  }
0x33: {  	[tilespmem:s19], [sflag:$0x1] =	stream.indirect_vreg.gather [hbm4b:s2+s3], $0x80, v3, vm0, $0xb8;
	[tilespmem:$0x10800] =	vst v63  }
0x34: {  	v3 =	vld [tilespmem:$0x20];
	_ =	sdelay $0x4  }
0x35: {  	v50 =	vshll.u32 v3, $0x1  }
0x36: {  	v3 =	vand.u32 $0x7, v3;
	v4 =	vand.u32 $0xFFFFFFF0, v50  }
0x37: {  	v3 =	vor.u32 v3, v4  }
0x38: {  	v4 =	vperm.xlane v3, v0;
	_ =	sdelay $0x1  }
0x39: {  	v3 =	vperm.xlane v3, v2;
	v4 =	vadd.s32 v1, v4;
	_ =	sdelay $0x1  }
0x3a: {  	v3 =	vadd.s32 v1, v3;
	_ =	sdelay $0x1  }
0x3b: {  	s20 =	simm.s32 $0x2800  }
0x3c: {  	[tilespmem:s20], [sflag:$0x1] =	stream.indirect_vreg.gather [hbm4b:s2+s3], $0x80, v4, vm0, $0xb8;
	[tilespmem:$0x10800] =	vst v63  }
0x3d: {  	s21 =	simm.s32 $0x3000  }
0x3e: {  	[tilespmem:s21], [sflag:$0x1] =	stream.indirect_vreg.gather [hbm4b:s2+s3], $0x80, v3, vm0, $0xb8;
	[tilespmem:$0x10800] =	vst v63  }
0x3f: {  	v3 =	vld [tilespmem:$0x30];
	_ =	sdelay $0x4  }
0x40: {  	v51 =	vshll.u32 v3, $0x1  }
0x41: {  	v3 =	vand.u32 $0x7, v3;
	v4 =	vand.u32 $0xFFFFFFF0, v51  }
0x42: {  	v3 =	vor.u32 v3, v4  }
0x43: {  	v4 =	vperm.xlane v3, v0;
	_ =	sdelay $0x1  }
0x44: {  	v3 =	vperm.xlane v3, v2;
	v4 =	vadd.s32 v1, v4;
	_ =	sdelay $0x1  }
0x45: {  	v3 =	vadd.s32 v1, v3;
	_ =	sdelay $0x1  }
0x46: {  	s19 =	simm.s32 $0x3800  }
0x47: {  	[tilespmem:s19], [sflag:$0x1] =	stream.indirect_vreg.gather [hbm4b:s2+s3], $0x80, v4, vm0, $0xb8;
	[tilespmem:$0x10800] =	vst v63  }
0x48: {  	s20 =	simm.s32 $0x4000  }
0x49: {  	[tilespmem:s20], [sflag:$0x1] =	stream.indirect_vreg.gather [hbm4b:s2+s3], $0x80, v3, vm0, $0xb8;
	[tilespmem:$0x10800] =	vst v63  }
0x4a: {  	v3 =	vld [tilespmem:$0x40];
	_ =	sdelay $0x4  }
0x4b: {  	v52 =	vshll.u32 v3, $0x1  }
0x4c: {  	v3 =	vand.u32 $0x7, v3;
	v4 =	vand.u32 $0xFFFFFFF0, v52  }
0x4d: {  	v3 =	vor.u32 v3, v4  }
0x4e: {  	v4 =	vperm.xlane v3, v0;
	_ =	sdelay $0x1  }
0x4f: {  	v3 =	vperm.xlane v3, v2;
	v4 =	vadd.s32 v1, v4;
	_ =	sdelay $0x1  }
0x50: {  	v3 =	vadd.s32 v1, v3;
	_ =	sdelay $0x1  }
0x51: {  	s21 =	simm.s32 $0x4800  }
0x52: {  	[tilespmem:s21], [sflag:$0x1] =	stream.indirect_vreg.gather [hbm4b:s2+s3], $0x80, v4, vm0, $0xb8;
	[tilespmem:$0x10800] =	vst v63  }
0x53: {  	s19 =	simm.s32 $0x5000  }
0x54: {  	[tilespmem:s19], [sflag:$0x1] =	stream.indirect_vreg.gather [hbm4b:s2+s3], $0x80, v3, vm0, $0xb8;
	[tilespmem:$0x10800] =	vst v63  }
0x55: {  	v3 =	vld [tilespmem:$0x50];
	_ =	sdelay $0x4  }
0x56: {  	v53 =	vshll.u32 v3, $0x1  }
0x57: {  	v3 =	vand.u32 $0x7, v3;
	v4 =	vand.u32 $0xFFFFFFF0, v53  }
0x58: {  	v3 =	vor.u32 v3, v4  }
0x59: {  	v4 =	vperm.xlane v3, v0;
	_ =	sdelay $0x1  }
0x5a: {  	v3 =	vperm.xlane v3, v2;
	v4 =	vadd.s32 v1, v4;
	_ =	sdelay $0x1  }
0x5b: {  	v3 =	vadd.s32 v1, v3;
	_ =	sdelay $0x1  }
0x5c: {  	s20 =	simm.s32 $0x5800  }
0x5d: {  	[tilespmem:s20], [sflag:$0x1] =	stream.indirect_vreg.gather [hbm4b:s2+s3], $0x80, v4, vm0, $0xb8;
	[tilespmem:$0x10800] =	vst v63  }
0x5e: {  	s21 =	simm.s32 $0x6000  }
0x5f: {  	[tilespmem:s21], [sflag:$0x1] =	stream.indirect_vreg.gather [hbm4b:s2+s3], $0x80, v3, vm0, $0xb8;
	[tilespmem:$0x10800] =	vst v63  }
0x60: {  	v3 =	vld [tilespmem:$0x60];
	_ =	sdelay $0x4  }
0x61: {  	v54 =	vshll.u32 v3, $0x1  }
0x62: {  	v3 =	vand.u32 $0x7, v3;
	v4 =	vand.u32 $0xFFFFFFF0, v54  }
0x63: {  	v3 =	vor.u32 v3, v4  }
0x64: {  	v4 =	vperm.xlane v3, v0;
	_ =	sdelay $0x1  }
0x65: {  	v3 =	vperm.xlane v3, v2;
	v4 =	vadd.s32 v1, v4;
	_ =	sdelay $0x1  }
0x66: {  	v3 =	vadd.s32 v1, v3;
	_ =	sdelay $0x2  }
0x67: {  	[tilespmem:s22], [sflag:$0x1] =	stream.indirect_vreg.gather [hbm4b:s2+s3], $0x80, v4, vm0, $0xb8;
	[tilespmem:$0x10800] =	vst v63  }
0x68: {  	_ = 	snop  }
0x69: {  	[tilespmem:s23], [sflag:$0x1] =	stream.indirect_vreg.gather [hbm4b:s2+s3], $0x80, v3, vm0, $0xb8;
	[tilespmem:$0x10800] =	vst v63  }
0x6a: {  	v3 =	vld [tilespmem:$0x70];
	_ =	sdelay $0x4  }
0x6b: {  	v55 =	vshll.u32 v3, $0x1  }
0x6c: {  	v3 =	vand.u32 $0x7, v3;
	v4 =	vand.u32 $0xFFFFFFF0, v55  }
0x6d: {  	v3 =	vor.u32 v3, v4  }
0x6e: {  	v4 =	vperm.xlane v3, v0;
	_ =	sdelay $0x1  }
0x6f: {  	v3 =	vperm.xlane v3, v2;
	v4 =	vadd.s32 v1, v4;
	_ =	sdelay $0x1  }
0x70: {  	v3 =	vadd.s32 v1, v3;
	_ =	sdelay $0x2  }
0x71: {  	[tilespmem:s24], [sflag:$0x1] =	stream.indirect_vreg.gather [hbm4b:s2+s3], $0x80, v4, vm0, $0xb8;
	[tilespmem:$0x10800] =	vst v63  }
0x72: {  	_ = 	snop  }
0x73: {  	[tilespmem:s25], [sflag:$0x1] =	stream.indirect_vreg.gather [hbm4b:s2+s3], $0x80, v3, vm0, $0xb8;
	[tilespmem:$0x10800] =	vst v63  }
0x74: {  	v3 =	vld [tilespmem:$0x80];
	_ =	sdelay $0x4  }
0x75: {  	v56 =	vshll.u32 v3, $0x1  }
0x76: {  	v3 =	vand.u32 $0x7, v3;
	v4 =	vand.u32 $0xFFFFFFF0, v56  }
0x77: {  	v3 =	vor.u32 v3, v4  }
0x78: {  	v4 =	vperm.xlane v3, v0;
	_ =	sdelay $0x1  }
0x79: {  	v3 =	vperm.xlane v3, v2;
	v4 =	vadd.s32 v1, v4;
	_ =	sdelay $0x1  }
0x7a: {  	v3 =	vadd.s32 v1, v3;
	_ =	sdelay $0x2  }
0x7b: {  	[tilespmem:s26], [sflag:$0x2] =	stream.indirect_vreg.gather [hbm4b:s2+s3], $0x80, v4, vm0, $0xb8;
	[tilespmem:$0x10800] =	vst v63  }
0x7c: {  	_ = 	snop  }
0x7d: {  	[tilespmem:s28], [sflag:$0x2] =	stream.indirect_vreg.gather [hbm4b:s2+s3], $0x80, v3, vm0, $0xb8;
	[tilespmem:$0x10800] =	vst v63  }
0x7e: {  	v3 =	vld [tilespmem:$0x90];
	_ =	sdelay $0x4  }
0x7f: {  	v57 =	vshll.u32 v3, $0x1  }
0x80: {  	v3 =	vand.u32 $0x7, v3;
	v4 =	vand.u32 $0xFFFFFFF0, v57  }
0x81: {  	v3 =	vor.u32 v3, v4  }
0x82: {  	v4 =	vperm.xlane v3, v0;
	_ =	sdelay $0x1  }
0x83: {  	v3 =	vperm.xlane v3, v2;
	v4 =	vadd.s32 v1, v4;
	_ =	sdelay $0x1  }
0x84: {  	v3 =	vadd.s32 v1, v3;
	_ =	sdelay $0x2  }
0x85: {  	[tilespmem:s29], [sflag:$0x2] =	stream.indirect_vreg.gather [hbm4b:s2+s3], $0x80, v4, vm0, $0xb8;
	[tilespmem:$0x10800] =	vst v63  }
0x86: {  	_ = 	snop  }
0x87: {  	[tilespmem:s30], [sflag:$0x2] =	stream.indirect_vreg.gather [hbm4b:s2+s3], $0x80, v3, vm0, $0xb8;
	[tilespmem:$0x10800] =	vst v63  }
0x88: {  	v3 =	vld [tilespmem:$0xA0];
	_ =	sdelay $0x4  }
0x89: {  	v58 =	vshll.u32 v3, $0x1  }
0x8a: {  	v3 =	vand.u32 $0x7, v3;
	v4 =	vand.u32 $0xFFFFFFF0, v58  }
0x8b: {  	v3 =	vor.u32 v3, v4  }
0x8c: {  	v4 =	vperm.xlane v3, v0;
	_ =	sdelay $0x1  }
0x8d: {  	v3 =	vperm.xlane v3, v2;
	v4 =	vadd.s32 v1, v4;
	_ =	sdelay $0x1  }
0x8e: {  	v3 =	vadd.s32 v1, v3;
	_ =	sdelay $0x2  }
0x8f: {  	[tilespmem:s31], [sflag:$0x2] =	stream.indirect_vreg.gather [hbm4b:s2+s3], $0x80, v4, vm0, $0xb8;
	[tilespmem:$0x10800] =	vst v63  }
0x90: {  	_ = 	snop  }
0x91: {  	[tilespmem:s0], [sflag:$0x2] =	stream.indirect_vreg.gather [hbm4b:s2+s3], $0x80, v3, vm0, $0xb8;
	[tilespmem:$0x10800] =	vst v63  }
0x92: {  	v3 =	vld [tilespmem:$0xB0];
	_ =	sdelay $0x4  }
0x93: {  	v59 =	vshll.u32 v3, $0x1  }
0x94: {  	v3 =	vand.u32 $0x7, v3;
	v4 =	vand.u32 $0xFFFFFFF0, v59  }
0x95: {  	v3 =	vor.u32 v3, v4  }
0x96: {  	v4 =	vperm.xlane v3, v0;
	_ =	sdelay $0x1  }
0x97: {  	v3 =	vperm.xlane v3, v2;
	v4 =	vadd.s32 v1, v4;
	_ =	sdelay $0x1  }
0x98: {  	v3 =	vadd.s32 v1, v3;
	_ =	sdelay $0x2  }
0x99: {  	[tilespmem:s1], [sflag:$0x2] =	stream.indirect_vreg.gather [hbm4b:s2+s3], $0x80, v4, vm0, $0xb8;
	[tilespmem:$0x10800] =	vst v63  }
0x9a: {  	_ = 	snop  }
0x9b: {  	[tilespmem:s7], [sflag:$0x2] =	stream.indirect_vreg.gather [hbm4b:s2+s3], $0x80, v3, vm0, $0xb8;
	[tilespmem:$0x10800] =	vst v63  }
0x9c: {  	v3 =	vld [tilespmem:$0xC0];
	_ =	sdelay $0x4  }
0x9d: {  	v60 =	vshll.u32 v3, $0x1  }
0x9e: {  	v3 =	vand.u32 $0x7, v3;
	v4 =	vand.u32 $0xFFFFFFF0, v60  }
0x9f: {  	v3 =	vor.u32 v3, v4  }
0xa0: {  	v4 =	vperm.xlane v3, v0;
	_ =	sdelay $0x1  }
0xa1: {  	v3 =	vperm.xlane v3, v2;
	v4 =	vadd.s32 v1, v4;
	_ =	sdelay $0x1  }
0xa2: {  	v3 =	vadd.s32 v1, v3;
	_ =	sdelay $0x2  }
0xa3: {  	[tilespmem:s8], [sflag:$0x2] =	stream.indirect_vreg.gather [hbm4b:s2+s3], $0x80, v4, vm0, $0xb8;
	[tilespmem:$0x10800] =	vst v63  }
0xa4: {  	_ = 	snop  }
0xa5: {  	[tilespmem:s4], [sflag:$0x2] =	stream.indirect_vreg.gather [hbm4b:s2+s3], $0x80, v3, vm0, $0xb8;
	[tilespmem:$0x10800] =	vst v63  }
0xa6: {  	v3 =	vld [tilespmem:$0xD0];
	_ =	sdelay $0x4  }
0xa7: {  	v61 =	vshll.u32 v3, $0x1  }
0xa8: {  	v3 =	vand.u32 $0x7, v3;
	v4 =	vand.u32 $0xFFFFFFF0, v61  }
0xa9: {  	v3 =	vor.u32 v3, v4  }
0xaa: {  	v4 =	vperm.xlane v3, v0;
	_ =	sdelay $0x1  }
0xab: {  	v3 =	vperm.xlane v3, v2;
	v4 =	vadd.s32 v1, v4;
	_ =	sdelay $0x1  }
0xac: {  	v3 =	vadd.s32 v1, v3;
	_ =	sdelay $0x2  }
0xad: {  	[tilespmem:s5], [sflag:$0x2] =	stream.indirect_vreg.gather [hbm4b:s2+s3], $0x80, v4, vm0, $0xb8;
	[tilespmem:$0x10800] =	vst v63  }
0xae: {  	_ = 	snop  }
0xaf: {  	[tilespmem:s11], [sflag:$0x2] =	stream.indirect_vreg.gather [hbm4b:s2+s3], $0x80, v3, vm0, $0xb8;
	[tilespmem:$0x10800] =	vst v63  }
0xb0: {  	v3 =	vld [tilespmem:$0xE0];
	_ =	sdelay $0x4  }
0xb1: {  	v62 =	vshll.u32 v3, $0x1  }
0xb2: {  	v3 =	vand.u32 $0x7, v3;
	v4 =	vand.u32 $0xFFFFFFF0, v62  }
0xb3: {  	v3 =	vor.u32 v3, v4  }
0xb4: {  	v4 =	vperm.xlane v3, v0;
	_ =	sdelay $0x1  }
0xb5: {  	v3 =	vperm.xlane v3, v2;
	v4 =	vadd.s32 v1, v4;
	_ =	sdelay $0x1  }
0xb6: {  	v3 =	vadd.s32 v1, v3;
	_ =	sdelay $0x2  }
0xb7: {  	[tilespmem:s12], [sflag:$0x2] =	stream.indirect_vreg.gather [hbm4b:s2+s3], $0x80, v4, vm0, $0xb8;
	[tilespmem:$0x10800] =	vst v63  }
0xb8: {  	_ = 	snop  }
0xb9: {  	[tilespmem:s13], [sflag:$0x2] =	stream.indirect_vreg.gather [hbm4b:s2+s3], $0x80, v3, vm0, $0xb8;
	[tilespmem:$0x10800] =	vst v63  }
0xba: {  	v3 =	vld [tilespmem:$0xF0];
	_ =	sdelay $0x4  }
0xbb: {  	v63 =	vshll.u32 v3, $0x1  }
0xbc: {  	v3 =	vand.u32 $0x7, v3;
	v4 =	vand.u32 $0xFFFFFFF0, v63  }
0xbd: {  	v3 =	vor.u32 v3, v4  }
0xbe: {  	v4 =	vperm.xlane v3, v0;
	_ =	sdelay $0x1  }
0xbf: {  	v3 =	vperm.xlane v3, v2;
	v4 =	vadd.s32 v1, v4;
	_ =	sdelay $0x1  }
0xc0: {  	v3 =	vadd.s32 v1, v3;
	_ =	sdelay $0x2  }
0xc1: {  	[tilespmem:s14], [sflag:$0x2] =	stream.indirect_vreg.gather [hbm4b:s2+s3], $0x80, v4, vm0, $0xb8;
	[tilespmem:$0x10800] =	vst v63  }
0xc2: {  	s18 =	simm.s32 $0x1F0;
	s19 =	simm.s32 $0x0  }
0xc3: {  	[tilespmem:s15], [sflag:$0x2] =	stream.indirect_vreg.gather [hbm4b:s2+s3], $0x80, v3, vm0, $0xb8;
	[tilespmem:$0x10800] =	vst v63  }
.LBB2_2:
0xc4: {  	_ =	swait.ge [sflag:s16], $0x8000  }
0xc5: {  	p0 =	seq.s32 s19, $0xE000;
	[sflag:s16] =	ssyncset.done $0x0  }
.Ltmp2:
0xc6: {  	s20 =	sadd.s32 s19, s6;
	[sflag:s16] =	ssyncadd.s32 $0xFFFF8000;
	(pc) =	sbr.rel @p0 .LBB2_4-.Ltmp2, $4  }
0xc7: {  	[hbm4b:s20+s3] =	stream.linear.scatter [tilespmem:s10], [sflag:$0x3], $0x8000, $0x38;
	[tilespmem:$0x10800] =	vst v63  }
0xc8: {  	_ =	swait.ge [sflag:s9], $0x8000  }
0xc9: {  	[sflag:s9] =	ssyncset.done $0x0  }
0xca: {  	[sflag:s9] =	ssyncadd.s32 $0xFFFF8000  }
0xcb: {  	v3 =	vld [tilespmem:s18+$0xFFFFFF10];
	_ =	sdelay $0x4  }
0xcc: {  	v4 =	vshll.u32 v3, $0x1  }
0xcd: {  	v3 =	vand.u32 $0x7, v3;
	v4 =	vand.u32 $0xFFFFFFF0, v4  }
0xce: {  	v3 =	vor.u32 v3, v4  }
0xcf: {  	v4 =	vperm.xlane v3, v0;
	_ =	sdelay $0x1  }
0xd0: {  	v3 =	vperm.xlane v3, v2;
	v4 =	vadd.s32 v1, v4;
	_ =	sdelay $0x1  }
0xd1: {  	v3 =	vadd.s32 v1, v3;
	_ =	sdelay $0x2  }
0xd2: {  	[tilespmem:s10], [sflag:$0x1] =	stream.indirect_vreg.gather [hbm4b:s2+s3], $0x80, v4, vm0, $0xb8;
	[tilespmem:$0x10800] =	vst v63  }
0xd3: {  	s21 =	simm.s32 $0x1000  }
0xd4: {  	[tilespmem:s21], [sflag:$0x1] =	stream.indirect_vreg.gather [hbm4b:s2+s3], $0x80, v3, vm0, $0xb8;
	[tilespmem:$0x10800] =	vst v63  }
0xd5: {  	v3 =	vld [tilespmem:s18+$0xFFFFFF20];
	_ =	sdelay $0x4  }
0xd6: {  	v57 =	vshll.u32 v3, $0x1  }
0xd7: {  	v3 =	vand.u32 $0x7, v3;
	v4 =	vand.u32 $0xFFFFFFF0, v57  }
0xd8: {  	v3 =	vor.u32 v3, v4  }
0xd9: {  	v4 =	vperm.xlane v3, v0;
	_ =	sdelay $0x1  }
0xda: {  	v3 =	vperm.xlane v3, v2;
	v4 =	vadd.s32 v1, v4;
	_ =	sdelay $0x1  }
0xdb: {  	v3 =	vadd.s32 v1, v3;
	_ =	sdelay $0x1  }
0xdc: {  	s21 =	simm.s32 $0x1800  }
0xdd: {  	[tilespmem:s21], [sflag:$0x1] =	stream.indirect_vreg.gather [hbm4b:s2+s3], $0x80, v4, vm0, $0xb8;
	[tilespmem:$0x10800] =	vst v63  }
0xde: {  	s21 =	simm.s32 $0x2000  }
0xdf: {  	[tilespmem:s21], [sflag:$0x1] =	stream.indirect_vreg.gather [hbm4b:s2+s3], $0x80, v3, vm0, $0xb8;
	[tilespmem:$0x10800] =	vst v63  }
0xe0: {  	v3 =	vld [tilespmem:s18+$0xFFFFFF30];
	_ =	sdelay $0x4  }
0xe1: {  	v58 =	vshll.u32 v3, $0x1  }
0xe2: {  	v3 =	vand.u32 $0x7, v3;
	v4 =	vand.u32 $0xFFFFFFF0, v58  }
0xe3: {  	v3 =	vor.u32 v3, v4  }
0xe4: {  	v4 =	vperm.xlane v3, v0;
	_ =	sdelay $0x1  }
0xe5: {  	v3 =	vperm.xlane v3, v2;
	v4 =	vadd.s32 v1, v4;
	_ =	sdelay $0x1  }
0xe6: {  	v3 =	vadd.s32 v1, v3;
	_ =	sdelay $0x1  }
0xe7: {  	s21 =	simm.s32 $0x2800  }
0xe8: {  	[tilespmem:s21], [sflag:$0x1] =	stream.indirect_vreg.gather [hbm4b:s2+s3], $0x80, v4, vm0, $0xb8;
	[tilespmem:$0x10800] =	vst v63  }
0xe9: {  	s21 =	simm.s32 $0x3000  }
0xea: {  	[tilespmem:s21], [sflag:$0x1] =	stream.indirect_vreg.gather [hbm4b:s2+s3], $0x80, v3, vm0, $0xb8;
	[tilespmem:$0x10800] =	vst v63  }
0xeb: {  	v3 =	vld [tilespmem:s18+$0xFFFFFF40];
	_ =	sdelay $0x4  }
0xec: {  	v59 =	vshll.u32 v3, $0x1  }
0xed: {  	v3 =	vand.u32 $0x7, v3;
	v4 =	vand.u32 $0xFFFFFFF0, v59  }
0xee: {  	v3 =	vor.u32 v3, v4  }
0xef: {  	v4 =	vperm.xlane v3, v0;
	_ =	sdelay $0x1  }
0xf0: {  	v3 =	vperm.xlane v3, v2;
	v4 =	vadd.s32 v1, v4;
	_ =	sdelay $0x1  }
0xf1: {  	v3 =	vadd.s32 v1, v3;
	_ =	sdelay $0x1  }
0xf2: {  	s21 =	simm.s32 $0x3800  }
0xf3: {  	[tilespmem:s21], [sflag:$0x1] =	stream.indirect_vreg.gather [hbm4b:s2+s3], $0x80, v4, vm0, $0xb8;
	[tilespmem:$0x10800] =	vst v63  }
0xf4: {  	s21 =	simm.s32 $0x4000  }
0xf5: {  	[tilespmem:s21], [sflag:$0x1] =	stream.indirect_vreg.gather [hbm4b:s2+s3], $0x80, v3, vm0, $0xb8;
	[tilespmem:$0x10800] =	vst v63  }
0xf6: {  	v3 =	vld [tilespmem:s18+$0xFFFFFF50];
	_ =	sdelay $0x4  }
0xf7: {  	v60 =	vshll.u32 v3, $0x1  }
0xf8: {  	v3 =	vand.u32 $0x7, v3;
	v4 =	vand.u32 $0xFFFFFFF0, v60  }
0xf9: {  	v3 =	vor.u32 v3, v4  }
0xfa: {  	v4 =	vperm.xlane v3, v0;
	_ =	sdelay $0x1  }
0xfb: {  	v3 =	vperm.xlane v3, v2;
	v4 =	vadd.s32 v1, v4;
	_ =	sdelay $0x1  }
0xfc: {  	v3 =	vadd.s32 v1, v3;
	_ =	sdelay $0x1  }
0xfd: {  	s21 =	simm.s32 $0x4800  }
0xfe: {  	[tilespmem:s21], [sflag:$0x1] =	stream.indirect_vreg.gather [hbm4b:s2+s3], $0x80, v4, vm0, $0xb8;
	[tilespmem:$0x10800] =	vst v63  }
0xff: {  	s21 =	simm.s32 $0x5000  }
0x100: {  	[tilespmem:s21], [sflag:$0x1] =	stream.indirect_vreg.gather [hbm4b:s2+s3], $0x80, v3, vm0, $0xb8;
	[tilespmem:$0x10800] =	vst v63  }
0x101: {  	v3 =	vld [tilespmem:s18+$0xFFFFFF60];
	_ =	sdelay $0x4  }
0x102: {  	v61 =	vshll.u32 v3, $0x1  }
0x103: {  	v3 =	vand.u32 $0x7, v3;
	v4 =	vand.u32 $0xFFFFFFF0, v61  }
0x104: {  	v3 =	vor.u32 v3, v4  }
0x105: {  	v4 =	vperm.xlane v3, v0;
	_ =	sdelay $0x1  }
0x106: {  	v3 =	vperm.xlane v3, v2;
	v4 =	vadd.s32 v1, v4;
	_ =	sdelay $0x1  }
0x107: {  	v3 =	vadd.s32 v1, v3;
	_ =	sdelay $0x1  }
0x108: {  	s21 =	simm.s32 $0x5800  }
0x109: {  	[tilespmem:s21], [sflag:$0x1] =	stream.indirect_vreg.gather [hbm4b:s2+s3], $0x80, v4, vm0, $0xb8;
	[tilespmem:$0x10800] =	vst v63  }
0x10a: {  	s21 =	simm.s32 $0x6000  }
0x10b: {  	[tilespmem:s21], [sflag:$0x1] =	stream.indirect_vreg.gather [hbm4b:s2+s3], $0x80, v3, vm0, $0xb8;
	[tilespmem:$0x10800] =	vst v63  }
0x10c: {  	v3 =	vld [tilespmem:s18+$0xFFFFFF70];
	_ =	sdelay $0x4  }
0x10d: {  	v62 =	vshll.u32 v3, $0x1  }
0x10e: {  	v3 =	vand.u32 $0x7, v3;
	v4 =	vand.u32 $0xFFFFFFF0, v62  }
0x10f: {  	v3 =	vor.u32 v3, v4  }
0x110: {  	v4 =	vperm.xlane v3, v0;
	_ =	sdelay $0x1  }
0x111: {  	v3 =	vperm.xlane v3, v2;
	v4 =	vadd.s32 v1, v4;
	_ =	sdelay $0x1  }
0x112: {  	v3 =	vadd.s32 v1, v3;
	_ =	sdelay $0x2  }
0x113: {  	[tilespmem:s22], [sflag:$0x1] =	stream.indirect_vreg.gather [hbm4b:s2+s3], $0x80, v4, vm0, $0xb8;
	[tilespmem:$0x10800] =	vst v63  }
0x114: {  	_ = 	snop  }
0x115: {  	[tilespmem:s23], [sflag:$0x1] =	stream.indirect_vreg.gather [hbm4b:s2+s3], $0x80, v3, vm0, $0xb8;
	[tilespmem:$0x10800] =	vst v63  }
0x116: {  	v3 =	vld [tilespmem:s18+$0xFFFFFF80];
	_ =	sdelay $0x4  }
0x117: {  	v63 =	vshll.u32 v3, $0x1  }
0x118: {  	v3 =	vand.u32 $0x7, v3;
	v4 =	vand.u32 $0xFFFFFFF0, v63  }
0x119: {  	v3 =	vor.u32 v3, v4  }
0x11a: {  	v4 =	vperm.xlane v3, v0;
	_ =	sdelay $0x1  }
0x11b: {  	v3 =	vperm.xlane v3, v2;
	v4 =	vadd.s32 v1, v4;
	_ =	sdelay $0x1  }
0x11c: {  	v3 =	vadd.s32 v1, v3;
	_ =	sdelay $0x2  }
0x11d: {  	[tilespmem:s24], [sflag:$0x1] =	stream.indirect_vreg.gather [hbm4b:s2+s3], $0x80, v4, vm0, $0xb8;
	[tilespmem:$0x10800] =	vst v63  }
0x11e: {  	_ = 	snop  }
0x11f: {  	[tilespmem:s25], [sflag:$0x1] =	stream.indirect_vreg.gather [hbm4b:s2+s3], $0x80, v3, vm0, $0xb8;
	[tilespmem:$0x10800] =	vst v63  }
.LBB2_4:
0x120: {  	_ =	swait.ge [sflag:s17], $0x8000  }
0x121: {  	[sflag:s17] =	ssyncset.done $0x0  }
.Ltmp3:
0x122: {  	s20 =	sadd.s32 $0x1000, s20;
	[sflag:s17] =	ssyncadd.s32 $0xFFFF8000;
	(pc) =	sbr.rel @p0 .LBB2_6-.Ltmp3, $4  }
0x123: {  	[hbm4b:s20+s3] =	stream.linear.scatter [tilespmem:s26], [sflag:$0x3], $0x8000, $0x38;
	[tilespmem:$0x10800] =	vst v63  }
0x124: {  	_ =	swait.ge [sflag:s9], $0x8000  }
0x125: {  	[sflag:s9] =	ssyncset.done $0x0  }
0x126: {  	[sflag:s9] =	ssyncadd.s32 $0xFFFF8000  }
0x127: {  	v3 =	vld [tilespmem:s18+$0xFFFFFF90];
	_ =	sdelay $0x4  }
0x128: {  	v4 =	vshll.u32 v3, $0x1  }
0x129: {  	v3 =	vand.u32 $0x7, v3;
	v4 =	vand.u32 $0xFFFFFFF0, v4  }
0x12a: {  	v3 =	vor.u32 v3, v4  }
0x12b: {  	v4 =	vperm.xlane v3, v0;
	_ =	sdelay $0x1  }
0x12c: {  	v3 =	vperm.xlane v3, v2;
	v4 =	vadd.s32 v1, v4;
	_ =	sdelay $0x1  }
0x12d: {  	v3 =	vadd.s32 v1, v3;
	_ =	sdelay $0x2  }
0x12e: {  	[tilespmem:s26], [sflag:$0x2] =	stream.indirect_vreg.gather [hbm4b:s2+s3], $0x80, v4, vm0, $0xb8;
	[tilespmem:$0x10800] =	vst v63  }
0x12f: {  	_ = 	snop  }
0x130: {  	[tilespmem:s28], [sflag:$0x2] =	stream.indirect_vreg.gather [hbm4b:s2+s3], $0x80, v3, vm0, $0xb8;
	[tilespmem:$0x10800] =	vst v63  }
0x131: {  	v3 =	vld [tilespmem:s18+$0xFFFFFFA0];
	_ =	sdelay $0x4  }
0x132: {  	v57 =	vshll.u32 v3, $0x1  }
0x133: {  	v3 =	vand.u32 $0x7, v3;
	v4 =	vand.u32 $0xFFFFFFF0, v57  }
0x134: {  	v3 =	vor.u32 v3, v4  }
0x135: {  	v4 =	vperm.xlane v3, v0;
	_ =	sdelay $0x1  }
0x136: {  	v3 =	vperm.xlane v3, v2;
	v4 =	vadd.s32 v1, v4;
	_ =	sdelay $0x1  }
0x137: {  	v3 =	vadd.s32 v1, v3;
	_ =	sdelay $0x2  }
0x138: {  	[tilespmem:s29], [sflag:$0x2] =	stream.indirect_vreg.gather [hbm4b:s2+s3], $0x80, v4, vm0, $0xb8;
	[tilespmem:$0x10800] =	vst v63  }
0x139: {  	_ = 	snop  }
0x13a: {  	[tilespmem:s30], [sflag:$0x2] =	stream.indirect_vreg.gather [hbm4b:s2+s3], $0x80, v3, vm0, $0xb8;
	[tilespmem:$0x10800] =	vst v63  }
0x13b: {  	v3 =	vld [tilespmem:s18+$0xFFFFFFB0];
	_ =	sdelay $0x4  }
0x13c: {  	v58 =	vshll.u32 v3, $0x1  }
0x13d: {  	v3 =	vand.u32 $0x7, v3;
	v4 =	vand.u32 $0xFFFFFFF0, v58  }
0x13e: {  	v3 =	vor.u32 v3, v4  }
0x13f: {  	v4 =	vperm.xlane v3, v0;
	_ =	sdelay $0x1  }
0x140: {  	v3 =	vperm.xlane v3, v2;
	v4 =	vadd.s32 v1, v4;
	_ =	sdelay $0x1  }
0x141: {  	v3 =	vadd.s32 v1, v3;
	_ =	sdelay $0x2  }
0x142: {  	[tilespmem:s31], [sflag:$0x2] =	stream.indirect_vreg.gather [hbm4b:s2+s3], $0x80, v4, vm0, $0xb8;
	[tilespmem:$0x10800] =	vst v63  }
0x143: {  	_ = 	snop  }
0x144: {  	[tilespmem:s0], [sflag:$0x2] =	stream.indirect_vreg.gather [hbm4b:s2+s3], $0x80, v3, vm0, $0xb8;
	[tilespmem:$0x10800] =	vst v63  }
0x145: {  	v3 =	vld [tilespmem:s18+$0xFFFFFFC0];
	_ =	sdelay $0x4  }
0x146: {  	v59 =	vshll.u32 v3, $0x1  }
0x147: {  	v3 =	vand.u32 $0x7, v3;
	v4 =	vand.u32 $0xFFFFFFF0, v59  }
0x148: {  	v3 =	vor.u32 v3, v4  }
0x149: {  	v4 =	vperm.xlane v3, v0;
	_ =	sdelay $0x1  }
0x14a: {  	v3 =	vperm.xlane v3, v2;
	v4 =	vadd.s32 v1, v4;
	_ =	sdelay $0x1  }
0x14b: {  	v3 =	vadd.s32 v1, v3;
	_ =	sdelay $0x2  }
0x14c: {  	[tilespmem:s1], [sflag:$0x2] =	stream.indirect_vreg.gather [hbm4b:s2+s3], $0x80, v4, vm0, $0xb8;
	[tilespmem:$0x10800] =	vst v63  }
0x14d: {  	_ = 	snop  }
0x14e: {  	[tilespmem:s7], [sflag:$0x2] =	stream.indirect_vreg.gather [hbm4b:s2+s3], $0x80, v3, vm0, $0xb8;
	[tilespmem:$0x10800] =	vst v63  }
0x14f: {  	v3 =	vld [tilespmem:s18+$0xFFFFFFD0];
	_ =	sdelay $0x4  }
0x150: {  	v60 =	vshll.u32 v3, $0x1  }
0x151: {  	v3 =	vand.u32 $0x7, v3;
	v4 =	vand.u32 $0xFFFFFFF0, v60  }
0x152: {  	v3 =	vor.u32 v3, v4  }
0x153: {  	v4 =	vperm.xlane v3, v0;
	_ =	sdelay $0x1  }
0x154: {  	v3 =	vperm.xlane v3, v2;
	v4 =	vadd.s32 v1, v4;
	_ =	sdelay $0x1  }
0x155: {  	v3 =	vadd.s32 v1, v3;
	_ =	sdelay $0x2  }
0x156: {  	[tilespmem:s8], [sflag:$0x2] =	stream.indirect_vreg.gather [hbm4b:s2+s3], $0x80, v4, vm0, $0xb8;
	[tilespmem:$0x10800] =	vst v63  }
0x157: {  	_ = 	snop  }
0x158: {  	[tilespmem:s4], [sflag:$0x2] =	stream.indirect_vreg.gather [hbm4b:s2+s3], $0x80, v3, vm0, $0xb8;
	[tilespmem:$0x10800] =	vst v63  }
0x159: {  	v3 =	vld [tilespmem:s18+$0xFFFFFFE0];
	_ =	sdelay $0x4  }
0x15a: {  	v61 =	vshll.u32 v3, $0x1  }
0x15b: {  	v3 =	vand.u32 $0x7, v3;
	v4 =	vand.u32 $0xFFFFFFF0, v61  }
0x15c: {  	v3 =	vor.u32 v3, v4  }
0x15d: {  	v4 =	vperm.xlane v3, v0;
	_ =	sdelay $0x1  }
0x15e: {  	v3 =	vperm.xlane v3, v2;
	v4 =	vadd.s32 v1, v4;
	_ =	sdelay $0x1  }
0x15f: {  	v3 =	vadd.s32 v1, v3;
	_ =	sdelay $0x2  }
0x160: {  	[tilespmem:s5], [sflag:$0x2] =	stream.indirect_vreg.gather [hbm4b:s2+s3], $0x80, v4, vm0, $0xb8;
	[tilespmem:$0x10800] =	vst v63  }
0x161: {  	_ = 	snop  }
0x162: {  	[tilespmem:s11], [sflag:$0x2] =	stream.indirect_vreg.gather [hbm4b:s2+s3], $0x80, v3, vm0, $0xb8;
	[tilespmem:$0x10800] =	vst v63  }
0x163: {  	v3 =	vld [tilespmem:s18+$0xFFFFFFF0];
	_ =	sdelay $0x4  }
0x164: {  	v62 =	vshll.u32 v3, $0x1  }
0x165: {  	v3 =	vand.u32 $0x7, v3;
	v4 =	vand.u32 $0xFFFFFFF0, v62  }
0x166: {  	v3 =	vor.u32 v3, v4  }
0x167: {  	v4 =	vperm.xlane v3, v0;
	_ =	sdelay $0x1  }
0x168: {  	v3 =	vperm.xlane v3, v2;
	v4 =	vadd.s32 v1, v4;
	_ =	sdelay $0x1  }
0x169: {  	v3 =	vadd.s32 v1, v3;
	_ =	sdelay $0x2  }
0x16a: {  	[tilespmem:s12], [sflag:$0x2] =	stream.indirect_vreg.gather [hbm4b:s2+s3], $0x80, v4, vm0, $0xb8;
	[tilespmem:$0x10800] =	vst v63  }
0x16b: {  	_ = 	snop  }
0x16c: {  	[tilespmem:s13], [sflag:$0x2] =	stream.indirect_vreg.gather [hbm4b:s2+s3], $0x80, v3, vm0, $0xb8;
	[tilespmem:$0x10800] =	vst v63  }
0x16d: {  	v3 =	vld [tilespmem:s18+$0x0];
	_ =	sdelay $0x4  }
0x16e: {  	v63 =	vshll.u32 v3, $0x1  }
0x16f: {  	v3 =	vand.u32 $0x7, v3;
	v4 =	vand.u32 $0xFFFFFFF0, v63  }
0x170: {  	v3 =	vor.u32 v3, v4  }
0x171: {  	v4 =	vperm.xlane v3, v0;
	_ =	sdelay $0x1  }
0x172: {  	v3 =	vperm.xlane v3, v2;
	v4 =	vadd.s32 v1, v4;
	_ =	sdelay $0x1  }
0x173: {  	v3 =	vadd.s32 v1, v3  }
.Ltmp4:
0x174: {  	_ = 	snop;
	(pc) =	sbr.rel .LBB2_2-.Ltmp4, $4  }
0x175: {  	_ = 	snop  }
0x176: {  	[tilespmem:s14], [sflag:$0x2] =	stream.indirect_vreg.gather [hbm4b:s2+s3], $0x80, v4, vm0, $0xb8;
	[tilespmem:$0x10800] =	vst v63  }
0x177: {  	s19 =	sadd.s32 $0x2000, s19;
	s18 =	sadd.s32 $0x100, s18  }
0x178: {  	[tilespmem:s15], [sflag:$0x2] =	stream.indirect_vreg.gather [hbm4b:s2+s3], $0x80, v3, vm0, $0xb8;
	[tilespmem:$0x10800] =	vst v63  }
.LBB2_7:
0x179: {  	_ =	sfence.sel $0x180000  }
0x17a: {  	[bflag:$0x0] =	sbarrier.arrive $0xFFFF  }
0x17b: {  	_ =	strace $0x90000056  }
0x17c: {  	s0 =	stileid.u32;
	[bflag:$0x2] =	sbarrier.arrive $0xFFFF  }
0x17d: {  	p0 =	sne.s32 s0, $0x0;
	s0 =	rddreg [dreg:$0x2]  }
0x17e: {  	s0 =	sadd.s32 @!p0 $0x100000, s0  }
0x17f: {  	[sflag:s0] =	ssyncadd.tile.s32 @!p0 $0x1;
	_ =	shalt  }
.Lfunc_end2:
_tile_overlayer_lowered:
.L_overlay_start_2:
0x180: {  	(tag) =	ssettag $0x2  }
0x181: {  	s0 =	rddreg [dreg:$0x0];
	s2 =	stileid.u32  }
0x182: {  	s1 =	rddreg [dreg:$0x1];
	p0 =	sne.s32 s2, $0x0  }
0x183: {  	s3 =	rddreg [dreg:$0x2];
	[bflag:$0x3] =	sbarrier.arrive $0xFFFF;
	s2 =	simm.s32 @!p0 $0x1C03  }
0x184: {  	[timem:s3], [sflag:s2] =	dma.local @!p0 [hbm:s0], s1  }
0x185: {  	s0 =	simm.s32 @!p0 $0x3  }
0x186: {  	_ =	swait.ge @!p0 [sflag:s0], s1  }
0x187: {  	s1 =	ssub.s32 @!p0 $0x0, s1;
	[sflag:s0] =	ssyncset.done @!p0 $0x0  }
0x188: {  	[sflag:s0] =	ssyncadd.s32 @!p0 s1  }
0x189: {  	[bflag:$0x3] =	sbarrier.arrive $0xFFFF  }
0x18a: {  	_ =	shalt  }

</sc_bundles>
